<compile_context>
chip_gen: v7x
topology: tpu7x:2x2x1
jax: 0.10.2.dev20260603
libtpu: 0.0.44.dev20260713+nightly
codegen_flags: <defaults>
</compile_context>

<pallas_src>
import dataclasses
import functools

import jax
import jax.numpy as jnp
from jax import lax
from jax.experimental import pallas as pl
from jax.experimental.pallas import tpu as pltpu
from jax.experimental.pallas import tpu_sc as plsc

N = 10000
NP = 10240
E = 320000
E_PAD = 327680
LBL = 4096
D1 = 128
D2 = 64
NC, NS, L = 2, 16, 16
NW = NC * NS
WE = 128
RPT = NP // NS
GW = 80


def _vmesh():
    return plsc.VectorSubcoreMesh(core_axis_name="c", subcore_axis_name="s")


def _no_layout_cp():
    cp = pltpu.CompilerParams()
    if "needs_layout_passes" in pltpu.CompilerParams.__dataclass_fields__:
        cp = dataclasses.replace(cp, needs_layout_passes=False)
    return cp


def _sc_pre(table, nid_pad, dst2w, ew2w, zrow):
    nwin = (E_PAD // NW) // WE
    ng_w = NP // NW
    ngw = ng_w // GW

    @functools.partial(
        pl.kernel,
        out_type=(jax.ShapeDtypeStruct((NP, D1), jnp.float32),
                  jax.ShapeDtypeStruct((NC, NP), jnp.float32)),
        mesh=_vmesh(),
        scratch_types=[
            pltpu.VMEM_SHARED((NP,), jnp.float32),
            pltpu.VMEM((GW, D1), jnp.float32),
            pltpu.VMEM((1, GW), jnp.int32),
            pltpu.VMEM((nwin, WE), jnp.int32),
            pltpu.VMEM((nwin, WE), jnp.float32),
            pltpu.SemaphoreType.DMA,
        ],
    )
    def k(table_hbm, nid_hbm, dst_hbm, ew_hbm, zrow_hbm, x_hbm, deg_hbm,
          deg_acc, rows, gbuf, dbuf, ebuf, dsem):
        c = lax.axis_index("c")
        s = lax.axis_index("s")
        w = c * NS + s

        pltpu.sync_copy(zrow_hbm, deg_acc.at[pl.ds(s * RPT, RPT)])
        pltpu.sync_copy(dst_hbm.at[pl.ds(w * nwin, nwin)], dbuf)
        pltpu.sync_copy(ew_hbm.at[pl.ds(w * nwin, nwin)], ebuf)
        plsc.subcore_barrier()

        @pl.loop(0, nwin)
        def _(j):
            pltpu.make_async_copy(ebuf.at[j], deg_acc.at[dbuf.at[j]],
                                  dsem).start(add=True)

        @pl.loop(0, ngw)
        def _(j):
            base = w * ng_w + j * GW
            pltpu.sync_copy(nid_hbm.at[pl.ds(base, GW)], gbuf.at[0])
            pltpu.sync_copy(table_hbm.at[gbuf.at[0]], rows)
            pltpu.sync_copy(rows, x_hbm.at[pl.ds(base, GW)])

        @pl.loop(0, nwin)
        def _(j):
            pltpu.make_async_copy(ebuf.at[j], deg_acc.at[dbuf.at[j]],
                                  dsem).wait()

        plsc.subcore_barrier()
        pltpu.sync_copy(deg_acc.at[pl.ds(s * RPT, RPT)],
                        deg_hbm.at[c, pl.ds(s * RPT, RPT)])

    return k(table, nid_pad, dst2w, ew2w, zrow)


WEA = 128
NWIN_A = (E_PAD // NW) // WEA
CWIN = 40
NW0, NW1 = 120, 40


def _sc_agg(hs, src2d, dst2d, ew2d, zblk, d_eff):

    @functools.partial(
        pl.kernel,
        out_type=jax.ShapeDtypeStruct((NC, NP, D1), jnp.float32),
        mesh=_vmesh(),
        compiler_params=_no_layout_cp(),
        scratch_types=[
            pltpu.VMEM_SHARED((NP, D1), jnp.float32),
            pltpu.VMEM((CWIN, WEA), jnp.int32),
            pltpu.VMEM((CWIN, WEA), jnp.int32),
            pltpu.VMEM((CWIN, WEA), jnp.float32),
            pltpu.VMEM((WEA, D1), jnp.float32),
            pltpu.VMEM((WEA, D1), jnp.float32),
            pltpu.SemaphoreType.DMA,
            pltpu.SemaphoreType.DMA,
            pltpu.SemaphoreType.DMA,
            pltpu.SemaphoreType.DMA,
        ],
    )
    def k(hs_hbm, src_hbm, dst_hbm, ew_hbm, zblk_hbm, out_hbm,
          acc, sbuf, dbuf, ebuf, in0, in1, g0, g1, s0, s1):
        c = lax.axis_index("c")
        s = lax.axis_index("s")
        w = c * NS + s

        def scale(buf, erow):
            @pl.loop(0, WEA, step=4)
            def _(i):
                for u in range(4):
                    iu = i + u
                    es = plsc.load_gather(
                        erow, [jnp.full((L,), iu, jnp.int32)])
                    for kk in range(d_eff // L):
                        sl = pl.ds(kk * L, L)
                        buf[iu, sl] = buf[iu, sl] * es

        q4 = RPT // 4
        for q in range(4):
            pltpu.make_async_copy(zblk_hbm.at[c, pl.ds(q * q4, q4)],
                                  acc.at[pl.ds(s * RPT + q * q4, q4)],
                                  s0).start()
        for q in range(4):
            pltpu.make_async_copy(zblk_hbm.at[c, pl.ds(q * q4, q4)],
                                  acc.at[pl.ds(s * RPT + q * q4, q4)],
                                  s0).wait()
        plsc.subcore_barrier()

        nch = jnp.where(c == 0, NW0 // CWIN, NW1 // CWIN)
        woff = jnp.where(c == 0, s * NW0, NS * NW0 + s * NW1)

        @pl.loop(0, nch)
        def _(ch):
            cbase = woff + ch * CWIN
            pltpu.sync_copy(src_hbm.at[pl.ds(cbase, CWIN)], sbuf)
            pltpu.sync_copy(dst_hbm.at[pl.ds(cbase, CWIN)], dbuf)
            pltpu.sync_copy(ew_hbm.at[pl.ds(cbase, CWIN)], ebuf)

            pltpu.make_async_copy(hs_hbm.at[sbuf.at[0]], in0, g0).start()

            @pl.loop(0, CWIN, step=2)
            def _(j):
                @pl.when(j > 0)
                def _():
                    pltpu.make_async_copy(in1, acc.at[dbuf.at[j - 1]],
                                          s1).wait()
                pltpu.make_async_copy(hs_hbm.at[sbuf.at[j + 1]], in1,
                                      g1).start()

                pltpu.make_async_copy(hs_hbm.at[sbuf.at[j]], in0, g0).wait()
                scale(in0, ebuf.at[j])
                pltpu.make_async_copy(in0, acc.at[dbuf.at[j]],
                                      s0).start(add=True)

                pltpu.make_async_copy(hs_hbm.at[sbuf.at[j + 1]], in1,
                                      g1).wait()
                scale(in1, ebuf.at[j + 1])

                pltpu.make_async_copy(in0, acc.at[dbuf.at[j]], s0).wait()

                @pl.when(j + 2 < CWIN)
                def _():
                    pltpu.make_async_copy(hs_hbm.at[sbuf.at[j + 2]], in0,
                                          g0).start()

                pltpu.make_async_copy(in1, acc.at[dbuf.at[j + 1]],
                                      s1).start(add=True)

            pltpu.make_async_copy(in1, acc.at[dbuf.at[CWIN - 1]], s1).wait()

        plsc.subcore_barrier()
        for q in range(4):
            pltpu.make_async_copy(acc.at[pl.ds(s * RPT + q * q4, q4)],
                                  out_hbm.at[c, pl.ds(s * RPT + q * q4, q4)],
                                  s0).start()
        for q in range(4):
            pltpu.make_async_copy(acc.at[pl.ds(s * RPT + q * q4, q4)],
                                  out_hbm.at[c, pl.ds(s * RPT + q * q4, q4)],
                                  s0).wait()

    return k(hs, src2d, dst2d, ew2d, zblk)


def _sc_decode(z, si, di):
    pw = LBL // NW

    @functools.partial(
        pl.kernel,
        out_type=(jax.ShapeDtypeStruct((LBL, D1), jnp.float32),
                  jax.ShapeDtypeStruct((LBL, D1), jnp.float32)),
        mesh=_vmesh(),
        scratch_types=[
            pltpu.VMEM((LBL // NW, D1), jnp.float32),
            pltpu.VMEM((1, LBL // NW), jnp.int32),
        ],
    )
    def k(z_hbm, si_hbm, di_hbm, zs_hbm, zd_hbm, rows, ibuf):
        c = lax.axis_index("c")
        s = lax.axis_index("s")
        base = (c * NS + s) * pw

        pltpu.sync_copy(si_hbm.at[pl.ds(base, pw)], ibuf.at[0])
        pltpu.sync_copy(z_hbm.at[ibuf.at[0]], rows)
        pltpu.sync_copy(rows, zs_hbm.at[pl.ds(base, pw)])

        pltpu.sync_copy(di_hbm.at[pl.ds(base, pw)], ibuf.at[0])
        pltpu.sync_copy(z_hbm.at[ibuf.at[0]], rows)
        pltpu.sync_copy(rows, zd_hbm.at[pl.ds(base, pw)])

    return k(z, si, di)


_BR = 512


def _dis_from(deg_ref):
    return lax.rsqrt(deg_ref[:, 0:1] + deg_ref[:, 1:2] + 1.0)


def _tc_scale_matmul(x, deg_t, w1):
    def body(x_ref, deg_ref, w_ref, o_ref):
        dis = _dis_from(deg_ref)
        h = jnp.dot(x_ref[...], w_ref[...], preferred_element_type=jnp.float32)
        o_ref[...] = h * dis

    return pl.pallas_call(
        body,
        grid=(NP // _BR,),
        in_specs=[pl.BlockSpec((_BR, D1), lambda i: (i, 0)),
                  pl.BlockSpec((_BR, NC), lambda i: (i, 0)),
                  pl.BlockSpec((D1, D1), lambda i: (0, 0))],
        out_specs=pl.BlockSpec((_BR, D1), lambda i: (i, 0)),
        out_shape=jax.ShapeDtypeStruct((NP, D1), jnp.float32),
    )(x, deg_t, w1)


def _tc_mid(agg1, hs1, deg_t, b1, w2):
    def body(agg_ref, hs_ref, deg_ref, b_ref, w_ref, o_ref):
        dis = _dis_from(deg_ref)
        tot = agg_ref[0] + agg_ref[1] + hs_ref[...]
        h = jnp.maximum(tot * dis + b_ref[...], 0.0)
        hs2 = jnp.dot(h, w_ref[...], preferred_element_type=jnp.float32) * dis
        o_ref[...] = jnp.concatenate(
            [hs2, jnp.zeros((_BR, D1 - D2), jnp.float32)], axis=1)

    return pl.pallas_call(
        body,
        grid=(NP // _BR,),
        in_specs=[pl.BlockSpec((NC, _BR, D1), lambda i: (0, i, 0)),
                  pl.BlockSpec((_BR, D1), lambda i: (i, 0)),
                  pl.BlockSpec((_BR, NC), lambda i: (i, 0)),
                  pl.BlockSpec((1, D1), lambda i: (0, 0)),
                  pl.BlockSpec((D1, D2), lambda i: (0, 0))],
        out_specs=pl.BlockSpec((_BR, D1), lambda i: (i, 0)),
        out_shape=jax.ShapeDtypeStruct((NP, D1), jnp.float32),
    )(agg1, hs1, deg_t, b1, w2)


def _tc_final(agg2, hs2, deg_t, b2):
    def body(agg_ref, hs_ref, deg_ref, b_ref, o_ref):
        dis = _dis_from(deg_ref)
        tot = agg_ref[0] + agg_ref[1] + hs_ref[...]
        o_ref[...] = tot * dis + b_ref[...]

    return pl.pallas_call(
        body,
        grid=(NP // _BR,),
        in_specs=[pl.BlockSpec((NC, _BR, D1), lambda i: (0, i, 0)),
                  pl.BlockSpec((_BR, D1), lambda i: (i, 0)),
                  pl.BlockSpec((_BR, NC), lambda i: (i, 0)),
                  pl.BlockSpec((1, D1), lambda i: (0, 0))],
        out_specs=pl.BlockSpec((_BR, D1), lambda i: (i, 0)),
        out_shape=jax.ShapeDtypeStruct((NP, D1), jnp.float32),
    )(agg2, hs2, deg_t, b2)


def _tc_dot(zs, zd):
    def body(a_ref, b_ref, o_ref):
        o_ref[...] = jnp.sum(a_ref[:, :D2] * b_ref[:, :D2], axis=1,
                             keepdims=True)

    return pl.pallas_call(
        body,
        grid=(LBL // 1024,),
        in_specs=[pl.BlockSpec((1024, D1), lambda i: (i, 0)),
                  pl.BlockSpec((1024, D1), lambda i: (i, 0))],
        out_specs=pl.BlockSpec((1024, 1), lambda i: (i, 0)),
        out_shape=jax.ShapeDtypeStruct((LBL, 1), jnp.float32),
    )(zs, zd)


def kernel(n_id, edge_index, edge_attr, edge_label_index, table, W1, b1, W2, b2):
    i32 = jnp.int32
    nid_pad = jnp.concatenate(
        [n_id.astype(i32), jnp.zeros((NP - N,), i32)])
    src_pad = jnp.concatenate(
        [edge_index[0].astype(i32), jnp.zeros((E_PAD - E,), i32)])
    dst_pad = jnp.concatenate(
        [edge_index[1].astype(i32), jnp.zeros((E_PAD - E,), i32)])
    ew_pad = jnp.concatenate(
        [edge_attr.astype(jnp.float32), jnp.zeros((E_PAD - E,), jnp.float32)])
    si = edge_label_index[0].astype(i32)
    di = edge_label_index[1].astype(i32)

    zrow = jnp.zeros((RPT,), jnp.float32)
    zblk1 = jnp.zeros((NC, RPT, D1), jnp.float32)
    b2p = jnp.concatenate([b2.astype(jnp.float32),
                           jnp.zeros((D1 - D2,), jnp.float32)]).reshape(1, D1)

    src2d = src_pad.reshape(E_PAD // WEA, WEA)
    dst2d = dst_pad.reshape(E_PAD // WEA, WEA)
    ew2d = ew_pad.reshape(E_PAD // WEA, WEA)

    x, deg2 = _sc_pre(table, nid_pad, dst_pad.reshape(E_PAD // WE, WE),
                      ew_pad.reshape(E_PAD // WE, WE), zrow)
    deg_t = deg2.T

    hs1 = _tc_scale_matmul(x, deg_t, W1)
    agg1 = _sc_agg(hs1, src2d, dst2d, ew2d, zblk1, D1)
    hs2 = _tc_mid(agg1, hs1, deg_t, b1.reshape(1, D1), W2)
    agg2 = _sc_agg(hs2, src2d, dst2d, ew2d, zblk1, D2)
    z = _tc_final(agg2, hs2, deg_t, b2p)

    zs, zd = _sc_decode(z, si, di)
    return _tc_dot(zs, zd).reshape(LBL)

# --- scband reference (transcript-rebuilt; emitter-appended) ---
"""Pipeline reference for scband-gcn-64338610094338 (READ-ONLY COPY).

The authoritative reference and input builder live on the scoring server;
editing this copy changes nothing except your own understanding.
"""

import jax, jax.numpy as jnp
import numpy as np

N_NODES = 10000
NUM_EMB = 100000
E = 320000
LBL = 4096
D_IN = 128
D_HID = 128
D_OUT = 64


def setup_inputs(seed: int = 0) -> dict:
    key = jax.random.key(seed)
    ks = jax.random.split(key, 9)
    n_id = jax.random.randint(ks[0], (N_NODES,), 0, NUM_EMB, dtype=jnp.int64 if jax.config.jax_enable_x64 else jnp.int32)
    edge_index = jax.random.randint(ks[1], (2, E), 0, N_NODES)
    edge_attr = jax.random.uniform(ks[2], (E,), dtype=jnp.float32)
    edge_label_index = jax.random.randint(ks[3], (2, LBL), 0, N_NODES)
    table = jax.random.normal(ks[4], (NUM_EMB, D_IN), dtype=jnp.float32)
    W1 = jax.random.normal(ks[5], (D_IN, D_HID), dtype=jnp.float32) * (1.0 / np.sqrt(D_IN))
    b1 = jnp.zeros((D_HID,), dtype=jnp.float32)
    W2 = jax.random.normal(ks[6], (D_HID, D_OUT), dtype=jnp.float32) * (1.0 / np.sqrt(D_HID))
    b2 = jnp.zeros((D_OUT,), dtype=jnp.float32)
    return {"n_id": n_id, "edge_index": edge_index, "edge_attr": edge_attr,
            "edge_label_index": edge_label_index, "table": table,
            "W1": W1, "b1": b1, "W2": W2, "b2": b2}


def gcn_conv(x, edge_index, edge_weight, W, b):
    # Faithful GCNConv: linear, add self-loops (weight 1), symmetric gcn_norm, scatter-add aggregate, bias.
    N = x.shape[0]
    src = edge_index[0]
    dst = edge_index[1]
    loop = jnp.arange(N, dtype=src.dtype)
    src = jnp.concatenate([src, loop])
    dst = jnp.concatenate([dst, loop])
    ew = jnp.concatenate([edge_weight, jnp.ones((N,), dtype=edge_weight.dtype)])
    deg = jnp.zeros((N,), dtype=ew.dtype).at[dst].add(ew)
    deg_inv_sqrt = jnp.where(deg > 0, jax.lax.rsqrt(jnp.maximum(deg, 1e-12)), 0.0)
    norm = deg_inv_sqrt[src] * ew * deg_inv_sqrt[dst]
    h = x @ W
    msg = h[src] * norm[:, None]
    out = jnp.zeros((N, W.shape[1]), dtype=h.dtype).at[dst].add(msg)
    return out + b


def reference(n_id, edge_index, edge_attr, edge_label_index, table, W1, b1, W2, b2):
    x = jnp.take(table, n_id, axis=0)
    h = jax.nn.relu(gcn_conv(x, edge_index, edge_attr, W1, b1))
    z = gcn_conv(h, edge_index, edge_attr, W2, b2)
    s = edge_label_index[0]
    d = edge_label_index[1]
    return jnp.sum(z[s] * z[d], axis=-1)

if __name__ == "__main__":
    import jax
    _d = setup_inputs()
    print(jax.jit(kernel)(*tuple(_d.values())))

</pallas_src>

<mosaic_0001>
#map = affine_map<(d0, d1) -> (0, 0)>
#map1 = affine_map<(d0, d1) -> (0, 0, 0)>
module attributes {stable_mosaic.version = 14 : i64} {
  func.func @k(%arg0: i32, %arg1: i32, %arg2: memref<10240x128xf32, #tpu.memory_space<hbm>>, %arg3: memref<2560x128xi32, #tpu.memory_space<hbm>>, %arg4: memref<2560x128xi32, #tpu.memory_space<hbm>>, %arg5: memref<2560x128xf32, #tpu.memory_space<hbm>>, %arg6: memref<2x640x128xf32, #tpu.memory_space<hbm>>, %arg7: memref<2x10240x128xf32, #tpu.memory_space<hbm>>, %arg8: memref<10240x128xf32, #tpu.memory_space<vmem_shared>>, %arg9: memref<40x128xi32, #tpu.memory_space<vmem>>, %arg10: memref<40x128xi32, #tpu.memory_space<vmem>>, %arg11: memref<40x128xf32, #tpu.memory_space<vmem>>, %arg12: memref<128x128xf32, #tpu.memory_space<vmem>>, %arg13: memref<128x128xf32, #tpu.memory_space<vmem>>, %arg14: memref<!tpu.dma_semaphore, #tpu.memory_space<semaphore_mem>>, %arg15: memref<!tpu.dma_semaphore, #tpu.memory_space<semaphore_mem>>, %arg16: memref<!tpu.dma_semaphore, #tpu.memory_space<semaphore_mem>>, %arg17: memref<!tpu.dma_semaphore, #tpu.memory_space<semaphore_mem>>) attributes {dimension_semantics = [#tpu.dimension_semantics<core_parallel>, #tpu.dimension_semantics<subcore_parallel>], iteration_bounds = array<i64: 2, 16>, scalar_prefetch = 0 : i64, scratch_operands = 10 : i64, tpu.core_type = #tpu.core_type<sc_vector_subcore>, window_params = [{transform_indices = #map}, {transform_indices = #map}, {transform_indices = #map}, {transform_indices = #map}, {transform_indices = #map1}, {transform_indices = #map1}]} {
    %mul3A = arith.constant 16 : i32
    %mul3A_0 = arith.muli %arg0, %mul3A : i32
    %add3A = arith.addi %mul3A_0, %arg1 : i32
    %mul3A_1 = arith.constant 640 : i32
    %mul3A_2 = arith.muli %arg1, %mul3A_1 : i32
    %add3A_3 = arith.constant 0 : i32
    %add3A_4 = arith.addi %mul3A_2, %add3A_3 : i32
    %dma_start3A = arith.constant 0 : i32
    %dma_start3A_5 = tpu.memref_slice %arg8[%add3A_4, %dma_start3A] : memref<10240x128xf32, #tpu.memory_space<vmem_shared>> -> memref<160x128xf32, #tpu.memory_space<vmem_shared>>
    %dma_start3A_6 = arith.constant 0 : i32
    %dma_start3A_7 = arith.constant 0 : i32
    %dma_start3A_8 = tpu.memref_slice %arg6[%arg0, %dma_start3A_6, %dma_start3A_7] : memref<2x640x128xf32, #tpu.memory_space<hbm>> -> memref<1x160x128xf32, #tpu.memory_space<hbm>>
    %dma_start3A_9 = tpu.memref_squeeze %dma_start3A_8 : memref<1x160x128xf32, #tpu.memory_space<hbm>> -> memref<160x128xf32, #tpu.memory_space<hbm>>
    tpu.enqueue_dma source(%dma_start3A_9 : memref<160x128xf32, #tpu.memory_space<hbm>>) target(%dma_start3A_5 : memref<160x128xf32, #tpu.memory_space<vmem_shared>>) target_semaphore(%arg16 : memref<!tpu.dma_semaphore, #tpu.memory_space<semaphore_mem>>)
    %mul3A_10 = arith.constant 640 : i32
    %mul3A_11 = arith.muli %arg1, %mul3A_10 : i32
    %add3A_12 = arith.constant 160 : i32
    %add3A_13 = arith.addi %mul3A_11, %add3A_12 : i32
    %dma_start3A_14 = arith.constant 0 : i32
    %dma_start3A_15 = tpu.memref_slice %arg8[%add3A_13, %dma_start3A_14] : memref<10240x128xf32, #tpu.memory_space<vmem_shared>> -> memref<160x128xf32, #tpu.memory_space<vmem_shared>>
    %dma_start3A_16 = arith.constant 160 : i32
    %dma_start3A_17 = arith.constant 0 : i32
    %dma_start3A_18 = tpu.memref_slice %arg6[%arg0, %dma_start3A_16, %dma_start3A_17] : memref<2x640x128xf32, #tpu.memory_space<hbm>> -> memref<1x160x128xf32, #tpu.memory_space<hbm>>
    %dma_start3A_19 = tpu.memref_squeeze %dma_start3A_18 : memref<1x160x128xf32, #tpu.memory_space<hbm>> -> memref<160x128xf32, #tpu.memory_space<hbm>>
    tpu.enqueue_dma source(%dma_start3A_19 : memref<160x128xf32, #tpu.memory_space<hbm>>) target(%dma_start3A_15 : memref<160x128xf32, #tpu.memory_space<vmem_shared>>) target_semaphore(%arg16 : memref<!tpu.dma_semaphore, #tpu.memory_space<semaphore_mem>>)
    %mul3A_20 = arith.constant 640 : i32
    %mul3A_21 = arith.muli %arg1, %mul3A_20 : i32
    %add3A_22 = arith.constant 320 : i32
    %add3A_23 = arith.addi %mul3A_21, %add3A_22 : i32
    %dma_start3A_24 = arith.constant 0 : i32
    %dma_start3A_25 = tpu.memref_slice %arg8[%add3A_23, %dma_start3A_24] : memref<10240x128xf32, #tpu.memory_space<vmem_shared>> -> memref<160x128xf32, #tpu.memory_space<vmem_shared>>
    %dma_start3A_26 = arith.constant 320 : i32
    %dma_start3A_27 = arith.constant 0 : i32
    %dma_start3A_28 = tpu.memref_slice %arg6[%arg0, %dma_start3A_26, %dma_start3A_27] : memref<2x640x128xf32, #tpu.memory_space<hbm>> -> memref<1x160x128xf32, #tpu.memory_space<hbm>>
    %dma_start3A_29 = tpu.memref_squeeze %dma_start3A_28 : memref<1x160x128xf32, #tpu.memory_space<hbm>> -> memref<160x128xf32, #tpu.memory_space<hbm>>
    tpu.enqueue_dma source(%dma_start3A_29 : memref<160x128xf32, #tpu.memory_space<hbm>>) target(%dma_start3A_25 : memref<160x128xf32, #tpu.memory_space<vmem_shared>>) target_semaphore(%arg16 : memref<!tpu.dma_semaphore, #tpu.memory_space<semaphore_mem>>)
    %mul3A_30 = arith.constant 640 : i32
    %mul3A_31 = arith.muli %arg1, %mul3A_30 : i32
    %add3A_32 = arith.constant 480 : i32
    %add3A_33 = arith.addi %mul3A_31, %add3A_32 : i32
    %dma_start3A_34 = arith.constant 0 : i32
    %dma_start3A_35 = tpu.memref_slice %arg8[%add3A_33, %dma_start3A_34] : memref<10240x128xf32, #tpu.memory_space<vmem_shared>> -> memref<160x128xf32, #tpu.memory_space<vmem_shared>>
    %dma_start3A_36 = arith.constant 480 : i32
    %dma_start3A_37 = arith.constant 0 : i32
    %dma_start3A_38 = tpu.memref_slice %arg6[%arg0, %dma_start3A_36, %dma_start3A_37] : memref<2x640x128xf32, #tpu.memory_space<hbm>> -> memref<1x160x128xf32, #tpu.memory_space<hbm>>
    %dma_start3A_39 = tpu.memref_squeeze %dma_start3A_38 : memref<1x160x128xf32, #tpu.memory_space<hbm>> -> memref<160x128xf32, #tpu.memory_space<hbm>>
    tpu.enqueue_dma source(%dma_start3A_39 : memref<160x128xf32, #tpu.memory_space<hbm>>) target(%dma_start3A_35 : memref<160x128xf32, #tpu.memory_space<vmem_shared>>) target_semaphore(%arg16 : memref<!tpu.dma_semaphore, #tpu.memory_space<semaphore_mem>>)
    %mul3A_40 = arith.constant 640 : i32
    %mul3A_41 = arith.muli %arg1, %mul3A_40 : i32
    %add3A_42 = arith.constant 0 : i32
    %add3A_43 = arith.addi %mul3A_41, %add3A_42 : i32
    %dma_wait3A = arith.constant 0 : i32
    %dma_wait3A_44 = tpu.memref_slice %arg8[%add3A_43, %dma_wait3A] : memref<10240x128xf32, #tpu.memory_space<vmem_shared>> -> memref<160x128xf32, #tpu.memory_space<vmem_shared>>
    %dma_wait3A_45 = arith.constant 0 : i32
    %dma_wait3A_46 = arith.constant 0 : i32
    %dma_wait3A_47 = tpu.memref_slice %arg6[%arg0, %dma_wait3A_45, %dma_wait3A_46] : memref<2x640x128xf32, #tpu.memory_space<hbm>> -> memref<1x160x128xf32, #tpu.memory_space<hbm>>
    %dma_wait3A_48 = tpu.memref_squeeze %dma_wait3A_47 : memref<1x160x128xf32, #tpu.memory_space<hbm>> -> memref<160x128xf32, #tpu.memory_space<hbm>>
    tpu.wait_dma2 semaphore(%arg16 : memref<!tpu.dma_semaphore, #tpu.memory_space<semaphore_mem>>) src(%dma_wait3A_48 : memref<160x128xf32, #tpu.memory_space<hbm>>) dst(%dma_wait3A_44 : memref<160x128xf32, #tpu.memory_space<vmem_shared>>)
    %mul3A_49 = arith.constant 640 : i32
    %mul3A_50 = arith.muli %arg1, %mul3A_49 : i32
    %add3A_51 = arith.constant 160 : i32
    %add3A_52 = arith.addi %mul3A_50, %add3A_51 : i32
    %dma_wait3A_53 = arith.constant 0 : i32
    %dma_wait3A_54 = tpu.memref_slice %arg8[%add3A_52, %dma_wait3A_53] : memref<10240x128xf32, #tpu.memory_space<vmem_shared>> -> memref<160x128xf32, #tpu.memory_space<vmem_shared>>
    %dma_wait3A_55 = arith.constant 160 : i32
    %dma_wait3A_56 = arith.constant 0 : i32
    %dma_wait3A_57 = tpu.memref_slice %arg6[%arg0, %dma_wait3A_55, %dma_wait3A_56] : memref<2x640x128xf32, #tpu.memory_space<hbm>> -> memref<1x160x128xf32, #tpu.memory_space<hbm>>
    %dma_wait3A_58 = tpu.memref_squeeze %dma_wait3A_57 : memref<1x160x128xf32, #tpu.memory_space<hbm>> -> memref<160x128xf32, #tpu.memory_space<hbm>>
    tpu.wait_dma2 semaphore(%arg16 : memref<!tpu.dma_semaphore, #tpu.memory_space<semaphore_mem>>) src(%dma_wait3A_58 : memref<160x128xf32, #tpu.memory_space<hbm>>) dst(%dma_wait3A_54 : memref<160x128xf32, #tpu.memory_space<vmem_shared>>)
    %mul3A_59 = arith.constant 640 : i32
    %mul3A_60 = arith.muli %arg1, %mul3A_59 : i32
    %add3A_61 = arith.constant 320 : i32
    %add3A_62 = arith.addi %mul3A_60, %add3A_61 : i32
    %dma_wait3A_63 = arith.constant 0 : i32
    %dma_wait3A_64 = tpu.memref_slice %arg8[%add3A_62, %dma_wait3A_63] : memref<10240x128xf32, #tpu.memory_space<vmem_shared>> -> memref<160x128xf32, #tpu.memory_space<vmem_shared>>
    %dma_wait3A_65 = arith.constant 320 : i32
    %dma_wait3A_66 = arith.constant 0 : i32
    %dma_wait3A_67 = tpu.memref_slice %arg6[%arg0, %dma_wait3A_65, %dma_wait3A_66] : memref<2x640x128xf32, #tpu.memory_space<hbm>> -> memref<1x160x128xf32, #tpu.memory_space<hbm>>
    %dma_wait3A_68 = tpu.memref_squeeze %dma_wait3A_67 : memref<1x160x128xf32, #tpu.memory_space<hbm>> -> memref<160x128xf32, #tpu.memory_space<hbm>>
    tpu.wait_dma2 semaphore(%arg16 : memref<!tpu.dma_semaphore, #tpu.memory_space<semaphore_mem>>) src(%dma_wait3A_68 : memref<160x128xf32, #tpu.memory_space<hbm>>) dst(%dma_wait3A_64 : memref<160x128xf32, #tpu.memory_space<vmem_shared>>)
    %mul3A_69 = arith.constant 640 : i32
    %mul3A_70 = arith.muli %arg1, %mul3A_69 : i32
    %add3A_71 = arith.constant 480 : i32
    %add3A_72 = arith.addi %mul3A_70, %add3A_71 : i32
    %dma_wait3A_73 = arith.constant 0 : i32
    %dma_wait3A_74 = tpu.memref_slice %arg8[%add3A_72, %dma_wait3A_73] : memref<10240x128xf32, #tpu.memory_space<vmem_shared>> -> memref<160x128xf32, #tpu.memory_space<vmem_shared>>
    %dma_wait3A_75 = arith.constant 480 : i32
    %dma_wait3A_76 = arith.constant 0 : i32
    %dma_wait3A_77 = tpu.memref_slice %arg6[%arg0, %dma_wait3A_75, %dma_wait3A_76] : memref<2x640x128xf32, #tpu.memory_space<hbm>> -> memref<1x160x128xf32, #tpu.memory_space<hbm>>
    %dma_wait3A_78 = tpu.memref_squeeze %dma_wait3A_77 : memref<1x160x128xf32, #tpu.memory_space<hbm>> -> memref<160x128xf32, #tpu.memory_space<hbm>>
    tpu.wait_dma2 semaphore(%arg16 : memref<!tpu.dma_semaphore, #tpu.memory_space<semaphore_mem>>) src(%dma_wait3A_78 : memref<160x128xf32, #tpu.memory_space<hbm>>) dst(%dma_wait3A_74 : memref<160x128xf32, #tpu.memory_space<vmem_shared>>)
    %barrier3A = arith.constant 0 : index
    tpu.barrier barrier_id(%barrier3A)
    %eq3A = arith.constant 0 : i32
    %eq3A_79 = arith.cmpi eq, %arg0, %eq3A : i32
    %jit3A = arith.constant 3 : i32
    %jit3A_80 = arith.constant 1 : i32
    %select_n3A = arith.select %eq3A_79, %jit3A, %jit3A_80 : i32
    %eq3A_81 = arith.constant 0 : i32
    %eq3A_82 = arith.cmpi eq, %arg0, %eq3A_81 : i32
    %mul3A_83 = arith.constant 120 : i32
    %mul3A_84 = arith.muli %arg1, %mul3A_83 : i32
    %mul3A_85 = arith.constant 40 : i32
    %mul3A_86 = arith.muli %arg1, %mul3A_85 : i32
    %add3A_87 = arith.constant 1920 : i32
    %add3A_88 = arith.addi %add3A_87, %mul3A_86 : i32
    %select_n3A_89 = arith.select %eq3A_82, %mul3A_84, %add3A_88 : i32
    %sub3A = arith.constant 0 : i32
    %sub3A_90 = arith.subi %select_n3A, %sub3A : i32
    %sub3A_91 = arith.constant 1 : i32
    %sub3A_92 = arith.constant 1 : i32
    %sub3A_93 = arith.subi %sub3A_91, %sub3A_92 : i32
    %add3A_94 = arith.addi %sub3A_90, %sub3A_93 : i32
    %div3A = arith.constant 1 : i32
    %div3A_95 = arith.divsi %add3A_94, %div3A : i32
    %while3A = arith.constant 1 : i32
    %while3A_96 = arith.constant 0 : i32
    %while3A_97 = arith.constant 0 : i32
    %while3A_98 = arith.subi %div3A_95, %while3A_97 : i32
    %while3A_99 = arith.addi %while3A_97, %while3A_98 : i32
    %while3A_100 = arith.constant 1 : i32
    %while3A_101 = arith.divsi %while3A_98, %while3A_100 : i32
    %while3A_102 = arith.muli %while3A_101, %while3A_100 : i32
    %while3A_103 = arith.addi %while3A_97, %while3A_102 : i32
    %while3A_104 = arith.constant 1 : i32
    scf.for %while3A_211 = %while3A_97 to %while3A_103 step %while3A_104  : i32 {
      %mul3A_212 = arith.muli %while3A_211, %while3A : i32
      %add3A_213 = arith.addi %while3A_96, %mul3A_212 : i32
      %mul3A_214 = arith.constant 40 : i32
      %mul3A_215 = arith.muli %add3A_213, %mul3A_214 : i32
      %add3A_216 = arith.addi %select_n3A_89, %mul3A_215 : i32
      "tpu.region"() ({
        %run_scoped3A = tpu.sem_alloc : memref<!tpu.dma_semaphore, #tpu.memory_space<semaphore_mem>>
        %dma_start3A_235 = arith.constant 0 : i32
        %dma_start3A_236 = tpu.memref_slice %arg3[%add3A_216, %dma_start3A_235] : memref<2560x128xi32, #tpu.memory_space<hbm>> -> memref<40x128xi32, #tpu.memory_space<hbm>>
        %dma_start3A_237 = arith.constant 0 : i32
        %dma_start3A_238 = tpu.memref_slice %arg3[%add3A_216, %dma_start3A_237] : memref<2560x128xi32, #tpu.memory_space<hbm>> -> memref<40x128xi32, #tpu.memory_space<hbm>>
        tpu.enqueue_dma source(%dma_start3A_238 : memref<40x128xi32, #tpu.memory_space<hbm>>) target(%arg9 : memref<40x128xi32, #tpu.memory_space<vmem>>) target_semaphore(%run_scoped3A : memref<!tpu.dma_semaphore, #tpu.memory_space<semaphore_mem>>)
        %dma_wait3A_239 = arith.constant 0 : i32
        %dma_wait3A_240 = tpu.memref_slice %arg3[%add3A_216, %dma_wait3A_239] : memref<2560x128xi32, #tpu.memory_space<hbm>> -> memref<40x128xi32, #tpu.memory_space<hbm>>
        %dma_wait3A_241 = arith.constant 0 : i32
        %dma_wait3A_242 = tpu.memref_slice %arg3[%add3A_216, %dma_wait3A_241] : memref<2560x128xi32, #tpu.memory_space<hbm>> -> memref<40x128xi32, #tpu.memory_space<hbm>>
        tpu.wait_dma2 semaphore(%run_scoped3A : memref<!tpu.dma_semaphore, #tpu.memory_space<semaphore_mem>>) src(%dma_wait3A_242 : memref<40x128xi32, #tpu.memory_space<hbm>>) dst(%arg9 : memref<40x128xi32, #tpu.memory_space<vmem>>)
        tpu.yield
      }) : () -> ()
      "tpu.region"() ({
        %run_scoped3A = tpu.sem_alloc : memref<!tpu.dma_semaphore, #tpu.memory_space<semaphore_mem>>
        %dma_start3A_235 = arith.constant 0 : i32
        %dma_start3A_236 = tpu.memref_slice %arg4[%add3A_216, %dma_start3A_235] : memref<2560x128xi32, #tpu.memory_space<hbm>> -> memref<40x128xi32, #tpu.memory_space<hbm>>
        %dma_start3A_237 = arith.constant 0 : i32
        %dma_start3A_238 = tpu.memref_slice %arg4[%add3A_216, %dma_start3A_237] : memref<2560x128xi32, #tpu.memory_space<hbm>> -> memref<40x128xi32, #tpu.memory_space<hbm>>
        tpu.enqueue_dma source(%dma_start3A_238 : memref<40x128xi32, #tpu.memory_space<hbm>>) target(%arg10 : memref<40x128xi32, #tpu.memory_space<vmem>>) target_semaphore(%run_scoped3A : memref<!tpu.dma_semaphore, #tpu.memory_space<semaphore_mem>>)
        %dma_wait3A_239 = arith.constant 0 : i32
        %dma_wait3A_240 = tpu.memref_slice %arg4[%add3A_216, %dma_wait3A_239] : memref<2560x128xi32, #tpu.memory_space<hbm>> -> memref<40x128xi32, #tpu.memory_space<hbm>>
        %dma_wait3A_241 = arith.constant 0 : i32
        %dma_wait3A_242 = tpu.memref_slice %arg4[%add3A_216, %dma_wait3A_241] : memref<2560x128xi32, #tpu.memory_space<hbm>> -> memref<40x128xi32, #tpu.memory_space<hbm>>
        tpu.wait_dma2 semaphore(%run_scoped3A : memref<!tpu.dma_semaphore, #tpu.memory_space<semaphore_mem>>) src(%dma_wait3A_242 : memref<40x128xi32, #tpu.memory_space<hbm>>) dst(%arg10 : memref<40x128xi32, #tpu.memory_space<vmem>>)
        tpu.yield
      }) : () -> ()
      "tpu.region"() ({
        %run_scoped3A = tpu.sem_alloc : memref<!tpu.dma_semaphore, #tpu.memory_space<semaphore_mem>>
        %dma_start3A_235 = arith.constant 0 : i32
        %dma_start3A_236 = tpu.memref_slice %arg5[%add3A_216, %dma_start3A_235] : memref<2560x128xf32, #tpu.memory_space<hbm>> -> memref<40x128xf32, #tpu.memory_space<hbm>>
        %dma_start3A_237 = arith.constant 0 : i32
        %dma_start3A_238 = tpu.memref_slice %arg5[%add3A_216, %dma_start3A_237] : memref<2560x128xf32, #tpu.memory_space<hbm>> -> memref<40x128xf32, #tpu.memory_space<hbm>>
        tpu.enqueue_dma source(%dma_start3A_238 : memref<40x128xf32, #tpu.memory_space<hbm>>) target(%arg11 : memref<40x128xf32, #tpu.memory_space<vmem>>) target_semaphore(%run_scoped3A : memref<!tpu.dma_semaphore, #tpu.memory_space<semaphore_mem>>)
        %dma_wait3A_239 = arith.constant 0 : i32
        %dma_wait3A_240 = tpu.memref_slice %arg5[%add3A_216, %dma_wait3A_239] : memref<2560x128xf32, #tpu.memory_space<hbm>> -> memref<40x128xf32, #tpu.memory_space<hbm>>
        %dma_wait3A_241 = arith.constant 0 : i32
        %dma_wait3A_242 = tpu.memref_slice %arg5[%add3A_216, %dma_wait3A_241] : memref<2560x128xf32, #tpu.memory_space<hbm>> -> memref<40x128xf32, #tpu.memory_space<hbm>>
        tpu.wait_dma2 semaphore(%run_scoped3A : memref<!tpu.dma_semaphore, #tpu.memory_space<semaphore_mem>>) src(%dma_wait3A_242 : memref<40x128xf32, #tpu.memory_space<hbm>>) dst(%arg11 : memref<40x128xf32, #tpu.memory_space<vmem>>)
        tpu.yield
      }) : () -> ()
      %dma_start3A_217 = arith.constant 0 : i32
      %dma_start3A_218 = arith.constant 0 : i32
      %dma_start3A_219 = tpu.memref_slice %arg9[%dma_start3A_217, %dma_start3A_218] : memref<40x128xi32, #tpu.memory_space<vmem>> -> memref<1x128xi32, #tpu.memory_space<vmem>>
      %dma_start3A_220 = tpu.memref_squeeze %dma_start3A_219 : memref<1x128xi32, #tpu.memory_space<vmem>> -> memref<128xi32, #tpu.memory_space<vmem>>
      %dma_start3A_221 = arith.constant 0 : i32
      %dma_start3A_222 = arith.constant 0 : i32
      %dma_start3A_223 = tpu.memref_slice %arg2[%dma_start3A_221, %dma_start3A_222] : memref<10240x128xf32, #tpu.memory_space<hbm>> -> memref<10240x128xf32, #tpu.memory_space<hbm>>
      tpu.enqueue_indirect_dma source(%dma_start3A_223 : memref<10240x128xf32, #tpu.memory_space<hbm>>) target(%arg12 : memref<128x128xf32, #tpu.memory_space<vmem>>) offsets(%dma_start3A_220 : memref<128xi32, #tpu.memory_space<vmem>>) semaphore(%arg14 : memref<!tpu.dma_semaphore, #tpu.memory_space<semaphore_mem>>)
      %scan3A = arith.constant 0 : i32
      %scan3A_224 = arith.constant 20 : i32
      %scan3A_225 = arith.addi %scan3A, %scan3A_224 : i32
      %scan3A_226 = arith.constant 1 : i32
      scf.for %scan3A_235 = %scan3A to %scan3A_225 step %scan3A_226  : i32 {
        %mul3A_236 = arith.constant 2 : i32
        %mul3A_237 = arith.muli %scan3A_235, %mul3A_236 : i32
        %add3A_238 = arith.constant 0 : i32
        %add3A_239 = arith.addi %add3A_238, %mul3A_237 : i32
        %gt3A = arith.constant 0 : i32
        %gt3A_240 = arith.cmpi sgt, %add3A_239, %gt3A : i32
        %convert_element_type3A = arith.extui %gt3A_240 : i1 to i32
        %cond3A = arith.constant 0 : i32
        %cond3A_241 = arith.cmpi ne, %convert_element_type3A, %cond3A : i32
        scf.if %cond3A_241 {
          %sub3A_302 = arith.constant 1 : i32
          %sub3A_303 = arith.subi %add3A_239, %sub3A_302 : i32
          %dma_wait3A_304 = arith.constant 0 : i32
          %dma_wait3A_305 = tpu.memref_slice %arg10[%sub3A_303, %dma_wait3A_304] : memref<40x128xi32, #tpu.memory_space<vmem>> -> memref<1x128xi32, #tpu.memory_space<vmem>>
          %dma_wait3A_306 = tpu.memref_squeeze %dma_wait3A_305 : memref<1x128xi32, #tpu.memory_space<vmem>> -> memref<128xi32, #tpu.memory_space<vmem>>
          %dma_wait3A_307 = arith.constant 0 : i32
          %dma_wait3A_308 = arith.constant 0 : i32
          %dma_wait3A_309 = tpu.memref_slice %arg8[%dma_wait3A_307, %dma_wait3A_308] : memref<10240x128xf32, #tpu.memory_space<vmem_shared>> -> memref<10240x128xf32, #tpu.memory_space<vmem_shared>>
          tpu.wait_indirect_dma semaphore(%arg17 : memref<!tpu.dma_semaphore, #tpu.memory_space<semaphore_mem>>) src(%arg13 : memref<128x128xf32, #tpu.memory_space<vmem>>) dst(%dma_wait3A_309 : memref<10240x128xf32, #tpu.memory_space<vmem_shared>>)
        } else {
        }
        %add3A_242 = arith.constant 1 : i32
        %add3A_243 = arith.addi %add3A_239, %add3A_242 : i32
        %dma_start3A_244 = arith.constant 0 : i32
        %dma_start3A_245 = tpu.memref_slice %arg9[%add3A_243, %dma_start3A_244] : memref<40x128xi32, #tpu.memory_space<vmem>> -> memref<1x128xi32, #tpu.memory_space<vmem>>
        %dma_start3A_246 = tpu.memref_squeeze %dma_start3A_245 : memref<1x128xi32, #tpu.memory_space<vmem>> -> memref<128xi32, #tpu.memory_space<vmem>>
        %dma_start3A_247 = arith.constant 0 : i32
        %dma_start3A_248 = arith.constant 0 : i32
        %dma_start3A_249 = tpu.memref_slice %arg2[%dma_start3A_247, %dma_start3A_248] : memref<10240x128xf32, #tpu.memory_space<hbm>> -> memref<10240x128xf32, #tpu.memory_space<hbm>>
        tpu.enqueue_indirect_dma source(%dma_start3A_249 : memref<10240x128xf32, #tpu.memory_space<hbm>>) target(%arg13 : memref<128x128xf32, #tpu.memory_space<vmem>>) offsets(%dma_start3A_246 : memref<128xi32, #tpu.memory_space<vmem>>) semaphore(%arg15 : memref<!tpu.dma_semaphore, #tpu.memory_space<semaphore_mem>>)
        %dma_wait3A_250 = arith.constant 0 : i32
        %dma_wait3A_251 = tpu.memref_slice %arg9[%add3A_239, %dma_wait3A_250] : memref<40x128xi32, #tpu.memory_space<vmem>> -> memref<1x128xi32, #tpu.memory_space<vmem>>
        %dma_wait3A_252 = tpu.memref_squeeze %dma_wait3A_251 : memref<1x128xi32, #tpu.memory_space<vmem>> -> memref<128xi32, #tpu.memory_space<vmem>>
        %dma_wait3A_253 = arith.constant 0 : i32
        %dma_wait3A_254 = arith.constant 0 : i32
        %dma_wait3A_255 = tpu.memref_slice %arg2[%dma_wait3A_253, %dma_wait3A_254] : memref<10240x128xf32, #tpu.memory_space<hbm>> -> memref<10240x128xf32, #tpu.memory_space<hbm>>
        tpu.wait_indirect_dma semaphore(%arg14 : memref<!tpu.dma_semaphore, #tpu.memory_space<semaphore_mem>>) src(%dma_wait3A_255 : memref<10240x128xf32, #tpu.memory_space<hbm>>) dst(%arg12 : memref<128x128xf32, #tpu.memory_space<vmem>>)
        %scan3A_256 = arith.constant 0 : i32
        %scan3A_257 = arith.constant 32 : i32
        %scan3A_258 = arith.addi %scan3A_256, %scan3A_257 : i32
        %scan3A_259 = arith.constant 1 : i32
        scf.for %scan3A_302 = %scan3A_256 to %scan3A_258 step %scan3A_259  : i32 {
          %mul3A_303 = arith.constant 4 : i32
          %mul3A_304 = arith.muli %scan3A_302, %mul3A_303 : i32
          %add3A_305 = arith.constant 0 : i32
          %add3A_306 = arith.addi %add3A_305, %mul3A_304 : i32
          %add3A_307 = arith.constant 0 : i32
          %add3A_308 = arith.addi %add3A_306, %add3A_307 : i32
          %broadcast_in_dim3A = vector.broadcast %add3A_308 : i32 to vector<16xi32>
          %gather3A = arith.constant 0 : i32
          %gather3A_309 = tpu.memref_slice %arg11[%add3A_239, %gather3A] : memref<40x128xf32, #tpu.memory_space<vmem>> -> memref<1x128xf32, #tpu.memory_space<vmem>>
          %gather3A_310 = tpu.memref_squeeze %gather3A_309 : memref<1x128xf32, #tpu.memory_space<vmem>> -> memref<128xf32, #tpu.memory_space<vmem>>
          %gather3A_311 = tpu.vector_load_idx %gather3A_310[%broadcast_in_dim3A] : memref<128xf32, #tpu.memory_space<vmem>>[vector<16xi32>], vector<16xf32>,
          %get3A = arith.index_cast %add3A_308 : i32 to index
          %get3A_312 = arith.constant 0 : index
          %get3A_313 = tpu.vector_load %arg12[%get3A, %get3A_312] {strides = array<i32>} : memref<128x128xf32, #tpu.memory_space<vmem>>, vector<16xf32>,
          %mul3A_314 = arith.mulf %get3A_313, %gather3A_311 : vector<16xf32>
          %swap3A = arith.index_cast %add3A_308 : i32 to index
          %swap3A_315 = arith.constant 0 : index
          %swap3A_316 = tpu.vector_load %arg12[%swap3A, %swap3A_315] {strides = array<i32>} : memref<128x128xf32, #tpu.memory_space<vmem>>, vector<16xf32>,
          tpu.vector_store %arg12[%swap3A, %swap3A_315], %mul3A_314 {strides = array<i32>} : memref<128x128xf32, #tpu.memory_space<vmem>>, vector<16xf32>,
          %get3A_317 = arith.index_cast %add3A_308 : i32 to index
          %get3A_318 = arith.constant 16 : index
          %get3A_319 = tpu.vector_load %arg12[%get3A_317, %get3A_318] {strides = array<i32>} : memref<128x128xf32, #tpu.memory_space<vmem>>, vector<16xf32>,
          %mul3A_320 = arith.mulf %get3A_319, %gather3A_311 : vector<16xf32>
          %swap3A_321 = arith.index_cast %add3A_308 : i32 to index
          %swap3A_322 = arith.constant 16 : index
          %swap3A_323 = tpu.vector_load %arg12[%swap3A_321, %swap3A_322] {strides = array<i32>} : memref<128x128xf32, #tpu.memory_space<vmem>>, vector<16xf32>,
          tpu.vector_store %arg12[%swap3A_321, %swap3A_322], %mul3A_320 {strides = array<i32>} : memref<128x128xf32, #tpu.memory_space<vmem>>, vector<16xf32>,
          %get3A_324 = arith.index_cast %add3A_308 : i32 to index
          %get3A_325 = arith.constant 32 : index
          %get3A_326 = tpu.vector_load %arg12[%get3A_324, %get3A_325] {strides = array<i32>} : memref<128x128xf32, #tpu.memory_space<vmem>>, vector<16xf32>,
          %mul3A_327 = arith.mulf %get3A_326, %gather3A_311 : vector<16xf32>
          %swap3A_328 = arith.index_cast %add3A_308 : i32 to index
          %swap3A_329 = arith.constant 32 : index
          %swap3A_330 = tpu.vector_load %arg12[%swap3A_328, %swap3A_329] {strides = array<i32>} : memref<128x128xf32, #tpu.memory_space<vmem>>, vector<16xf32>,
          tpu.vector_store %arg12[%swap3A_328, %swap3A_329], %mul3A_327 {strides = array<i32>} : memref<128x128xf32, #tpu.memory_space<vmem>>, vector<16xf32>,
          %get3A_331 = arith.index_cast %add3A_308 : i32 to index
          %get3A_332 = arith.constant 48 : index
          %get3A_333 = tpu.vector_load %arg12[%get3A_331, %get3A_332] {strides = array<i32>} : memref<128x128xf32, #tpu.memory_space<vmem>>, vector<16xf32>,
          %mul3A_334 = arith.mulf %get3A_333, %gather3A_311 : vector<16xf32>
          %swap3A_335 = arith.index_cast %add3A_308 : i32 to index
          %swap3A_336 = arith.constant 48 : index
          %swap3A_337 = tpu.vector_load %arg12[%swap3A_335, %swap3A_336] {strides = array<i32>} : memref<128x128xf32, #tpu.memory_space<vmem>>, vector<16xf32>,
          tpu.vector_store %arg12[%swap3A_335, %swap3A_336], %mul3A_334 {strides = array<i32>} : memref<128x128xf32, #tpu.memory_space<vmem>>, vector<16xf32>,
          %get3A_338 = arith.index_cast %add3A_308 : i32 to index
          %get3A_339 = arith.constant 64 : index
          %get3A_340 = tpu.vector_load %arg12[%get3A_338, %get3A_339] {strides = array<i32>} : memref<128x128xf32, #tpu.memory_space<vmem>>, vector<16xf32>,
          %mul3A_341 = arith.mulf %get3A_340, %gather3A_311 : vector<16xf32>
          %swap3A_342 = arith.index_cast %add3A_308 : i32 to index
          %swap3A_343 = arith.constant 64 : index
          %swap3A_344 = tpu.vector_load %arg12[%swap3A_342, %swap3A_343] {strides = array<i32>} : memref<128x128xf32, #tpu.memory_space<vmem>>, vector<16xf32>,
          tpu.vector_store %arg12[%swap3A_342, %swap3A_343], %mul3A_341 {strides = array<i32>} : memref<128x128xf32, #tpu.memory_space<vmem>>, vector<16xf32>,
          %get3A_345 = arith.index_cast %add3A_308 : i32 to index
          %get3A_346 = arith.constant 80 : index
          %get3A_347 = tpu.vector_load %arg12[%get3A_345, %get3A_346] {strides = array<i32>} : memref<128x128xf32, #tpu.memory_space<vmem>>, vector<16xf32>,
          %mul3A_348 = arith.mulf %get3A_347, %gather3A_311 : vector<16xf32>
          %swap3A_349 = arith.index_cast %add3A_308 : i32 to index
          %swap3A_350 = arith.constant 80 : index
          %swap3A_351 = tpu.vector_load %arg12[%swap3A_349, %swap3A_350] {strides = array<i32>} : memref<128x128xf32, #tpu.memory_space<vmem>>, vector<16xf32>,
          tpu.vector_store %arg12[%swap3A_349, %swap3A_350], %mul3A_348 {strides = array<i32>} : memref<128x128xf32, #tpu.memory_space<vmem>>, vector<16xf32>,
          %get3A_352 = arith.index_cast %add3A_308 : i32 to index
          %get3A_353 = arith.constant 96 : index
          %get3A_354 = tpu.vector_load %arg12[%get3A_352, %get3A_353] {strides = array<i32>} : memref<128x128xf32, #tpu.memory_space<vmem>>, vector<16xf32>,
          %mul3A_355 = arith.mulf %get3A_354, %gather3A_311 : vector<16xf32>
          %swap3A_356 = arith.index_cast %add3A_308 : i32 to index
          %swap3A_357 = arith.constant 96 : index
          %swap3A_358 = tpu.vector_load %arg12[%swap3A_356, %swap3A_357] {strides = array<i32>} : memref<128x128xf32, #tpu.memory_space<vmem>>, vector<16xf32>,
          tpu.vector_store %arg12[%swap3A_356, %swap3A_357], %mul3A_355 {strides = array<i32>} : memref<128x128xf32, #tpu.memory_space<vmem>>, vector<16xf32>,
          %get3A_359 = arith.index_cast %add3A_308 : i32 to index
          %get3A_360 = arith.constant 112 : index
          %get3A_361 = tpu.vector_load %arg12[%get3A_359, %get3A_360] {strides = array<i32>} : memref<128x128xf32, #tpu.memory_space<vmem>>, vector<16xf32>,
          %mul3A_362 = arith.mulf %get3A_361, %gather3A_311 : vector<16xf32>
          %swap3A_363 = arith.index_cast %add3A_308 : i32 to index
          %swap3A_364 = arith.constant 112 : index
          %swap3A_365 = tpu.vector_load %arg12[%swap3A_363, %swap3A_364] {strides = array<i32>} : memref<128x128xf32, #tpu.memory_space<vmem>>, vector<16xf32>,
          tpu.vector_store %arg12[%swap3A_363, %swap3A_364], %mul3A_362 {strides = array<i32>} : memref<128x128xf32, #tpu.memory_space<vmem>>, vector<16xf32>,
          %add3A_366 = arith.constant 1 : i32
          %add3A_367 = arith.addi %add3A_306, %add3A_366 : i32
          %broadcast_in_dim3A_368 = vector.broadcast %add3A_367 : i32 to vector<16xi32>
          %gather3A_369 = arith.constant 0 : i32
          %gather3A_370 = tpu.memref_slice %arg11[%add3A_239, %gather3A_369] : memref<40x128xf32, #tpu.memory_space<vmem>> -> memref<1x128xf32, #tpu.memory_space<vmem>>
          %gather3A_371 = tpu.memref_squeeze %gather3A_370 : memref<1x128xf32, #tpu.memory_space<vmem>> -> memref<128xf32, #tpu.memory_space<vmem>>
          %gather3A_372 = tpu.vector_load_idx %gather3A_371[%broadcast_in_dim3A_368] : memref<128xf32, #tpu.memory_space<vmem>>[vector<16xi32>], vector<16xf32>,
          %get3A_373 = arith.index_cast %add3A_367 : i32 to index
          %get3A_374 = arith.constant 0 : index
          %get3A_375 = tpu.vector_load %arg12[%get3A_373, %get3A_374] {strides = array<i32>} : memref<128x128xf32, #tpu.memory_space<vmem>>, vector<16xf32>,
          %mul3A_376 = arith.mulf %get3A_375, %gather3A_372 : vector<16xf32>
          %swap3A_377 = arith.index_cast %add3A_367 : i32 to index
          %swap3A_378 = arith.constant 0 : index
          %swap3A_379 = tpu.vector_load %arg12[%swap3A_377, %swap3A_378] {strides = array<i32>} : memref<128x128xf32, #tpu.memory_space<vmem>>, vector<16xf32>,
          tpu.vector_store %arg12[%swap3A_377, %swap3A_378], %mul3A_376 {strides = array<i32>} : memref<128x128xf32, #tpu.memory_space<vmem>>, vector<16xf32>,
          %get3A_380 = arith.index_cast %add3A_367 : i32 to index
          %get3A_381 = arith.constant 16 : index
          %get3A_382 = tpu.vector_load %arg12[%get3A_380, %get3A_381] {strides = array<i32>} : memref<128x128xf32, #tpu.memory_space<vmem>>, vector<16xf32>,
          %mul3A_383 = arith.mulf %get3A_382, %gather3A_372 : vector<16xf32>
          %swap3A_384 = arith.index_cast %add3A_367 : i32 to index
          %swap3A_385 = arith.constant 16 : index
          %swap3A_386 = tpu.vector_load %arg12[%swap3A_384, %swap3A_385] {strides = array<i32>} : memref<128x128xf32, #tpu.memory_space<vmem>>, vector<16xf32>,
          tpu.vector_store %arg12[%swap3A_384, %swap3A_385], %mul3A_383 {strides = array<i32>} : memref<128x128xf32, #tpu.memory_space<vmem>>, vector<16xf32>,
          %get3A_387 = arith.index_cast %add3A_367 : i32 to index
          %get3A_388 = arith.constant 32 : index
          %get3A_389 = tpu.vector_load %arg12[%get3A_387, %get3A_388] {strides = array<i32>} : memref<128x128xf32, #tpu.memory_space<vmem>>, vector<16xf32>,
          %mul3A_390 = arith.mulf %get3A_389, %gather3A_372 : vector<16xf32>
          %swap3A_391 = arith.index_cast %add3A_367 : i32 to index
          %swap3A_392 = arith.constant 32 : index
          %swap3A_393 = tpu.vector_load %arg12[%swap3A_391, %swap3A_392] {strides = array<i32>} : memref<128x128xf32, #tpu.memory_space<vmem>>, vector<16xf32>,
          tpu.vector_store %arg12[%swap3A_391, %swap3A_392], %mul3A_390 {strides = array<i32>} : memref<128x128xf32, #tpu.memory_space<vmem>>, vector<16xf32>,
          %get3A_394 = arith.index_cast %add3A_367 : i32 to index
          %get3A_395 = arith.constant 48 : index
          %get3A_396 = tpu.vector_load %arg12[%get3A_394, %get3A_395] {strides = array<i32>} : memref<128x128xf32, #tpu.memory_space<vmem>>, vector<16xf32>,
          %mul3A_397 = arith.mulf %get3A_396, %gather3A_372 : vector<16xf32>
          %swap3A_398 = arith.index_cast %add3A_367 : i32 to index
          %swap3A_399 = arith.constant 48 : index
          %swap3A_400 = tpu.vector_load %arg12[%swap3A_398, %swap3A_399] {strides = array<i32>} : memref<128x128xf32, #tpu.memory_space<vmem>>, vector<16xf32>,
          tpu.vector_store %arg12[%swap3A_398, %swap3A_399], %mul3A_397 {strides = array<i32>} : memref<128x128xf32, #tpu.memory_space<vmem>>, vector<16xf32>,
          %get3A_401 = arith.index_cast %add3A_367 : i32 to index
          %get3A_402 = arith.constant 64 : index
          %get3A_403 = tpu.vector_load %arg12[%get3A_401, %get3A_402] {strides = array<i32>} : memref<128x128xf32, #tpu.memory_space<vmem>>, vector<16xf32>,
          %mul3A_404 = arith.mulf %get3A_403, %gather3A_372 : vector<16xf32>
          %swap3A_405 = arith.index_cast %add3A_367 : i32 to index
          %swap3A_406 = arith.constant 64 : index
          %swap3A_407 = tpu.vector_load %arg12[%swap3A_405, %swap3A_406] {strides = array<i32>} : memref<128x128xf32, #tpu.memory_space<vmem>>, vector<16xf32>,
          tpu.vector_store %arg12[%swap3A_405, %swap3A_406], %mul3A_404 {strides = array<i32>} : memref<128x128xf32, #tpu.memory_space<vmem>>, vector<16xf32>,
          %get3A_408 = arith.index_cast %add3A_367 : i32 to index
          %get3A_409 = arith.constant 80 : index
          %get3A_410 = tpu.vector_load %arg12[%get3A_408, %get3A_409] {strides = array<i32>} : memref<128x128xf32, #tpu.memory_space<vmem>>, vector<16xf32>,
          %mul3A_411 = arith.mulf %get3A_410, %gather3A_372 : vector<16xf32>
          %swap3A_412 = arith.index_cast %add3A_367 : i32 to index
          %swap3A_413 = arith.constant 80 : index
          %swap3A_414 = tpu.vector_load %arg12[%swap3A_412, %swap3A_413] {strides = array<i32>} : memref<128x128xf32, #tpu.memory_space<vmem>>, vector<16xf32>,
          tpu.vector_store %arg12[%swap3A_412, %swap3A_413], %mul3A_411 {strides = array<i32>} : memref<128x128xf32, #tpu.memory_space<vmem>>, vector<16xf32>,
          %get3A_415 = arith.index_cast %add3A_367 : i32 to index
          %get3A_416 = arith.constant 96 : index
          %get3A_417 = tpu.vector_load %arg12[%get3A_415, %get3A_416] {strides = array<i32>} : memref<128x128xf32, #tpu.memory_space<vmem>>, vector<16xf32>,
          %mul3A_418 = arith.mulf %get3A_417, %gather3A_372 : vector<16xf32>
          %swap3A_419 = arith.index_cast %add3A_367 : i32 to index
          %swap3A_420 = arith.constant 96 : index
          %swap3A_421 = tpu.vector_load %arg12[%swap3A_419, %swap3A_420] {strides = array<i32>} : memref<128x128xf32, #tpu.memory_space<vmem>>, vector<16xf32>,
          tpu.vector_store %arg12[%swap3A_419, %swap3A_420], %mul3A_418 {strides = array<i32>} : memref<128x128xf32, #tpu.memory_space<vmem>>, vector<16xf32>,
          %get3A_422 = arith.index_cast %add3A_367 : i32 to index
          %get3A_423 = arith.constant 112 : index
          %get3A_424 = tpu.vector_load %arg12[%get3A_422, %get3A_423] {strides = array<i32>} : memref<128x128xf32, #tpu.memory_space<vmem>>, vector<16xf32>,
          %mul3A_425 = arith.mulf %get3A_424, %gather3A_372 : vector<16xf32>
          %swap3A_426 = arith.index_cast %add3A_367 : i32 to index
          %swap3A_427 = arith.constant 112 : index
          %swap3A_428 = tpu.vector_load %arg12[%swap3A_426, %swap3A_427] {strides = array<i32>} : memref<128x128xf32, #tpu.memory_space<vmem>>, vector<16xf32>,
          tpu.vector_store %arg12[%swap3A_426, %swap3A_427], %mul3A_425 {strides = array<i32>} : memref<128x128xf32, #tpu.memory_space<vmem>>, vector<16xf32>,
          %add3A_429 = arith.constant 2 : i32
          %add3A_430 = arith.addi %add3A_306, %add3A_429 : i32
          %broadcast_in_dim3A_431 = vector.broadcast %add3A_430 : i32 to vector<16xi32>
          %gather3A_432 = arith.constant 0 : i32
          %gather3A_433 = tpu.memref_slice %arg11[%add3A_239, %gather3A_432] : memref<40x128xf32, #tpu.memory_space<vmem>> -> memref<1x128xf32, #tpu.memory_space<vmem>>
          %gather3A_434 = tpu.memref_squeeze %gather3A_433 : memref<1x128xf32, #tpu.memory_space<vmem>> -> memref<128xf32, #tpu.memory_space<vmem>>
          %gather3A_435 = tpu.vector_load_idx %gather3A_434[%broadcast_in_dim3A_431] : memref<128xf32, #tpu.memory_space<vmem>>[vector<16xi32>], vector<16xf32>,
          %get3A_436 = arith.index_cast %add3A_430 : i32 to index
          %get3A_437 = arith.constant 0 : index
          %get3A_438 = tpu.vector_load %arg12[%get3A_436, %get3A_437] {strides = array<i32>} : memref<128x128xf32, #tpu.memory_space<vmem>>, vector<16xf32>,
          %mul3A_439 = arith.mulf %get3A_438, %gather3A_435 : vector<16xf32>
          %swap3A_440 = arith.index_cast %add3A_430 : i32 to index
          %swap3A_441 = arith.constant 0 : index
          %swap3A_442 = tpu.vector_load %arg12[%swap3A_440, %swap3A_441] {strides = array<i32>} : memref<128x128xf32, #tpu.memory_space<vmem>>, vector<16xf32>,
          tpu.vector_store %arg12[%swap3A_440, %swap3A_441], %mul3A_439 {strides = array<i32>} : memref<128x128xf32, #tpu.memory_space<vmem>>, vector<16xf32>,
          %get3A_443 = arith.index_cast %add3A_430 : i32 to index
          %get3A_444 = arith.constant 16 : index
          %get3A_445 = tpu.vector_load %arg12[%get3A_443, %get3A_444] {strides = array<i32>} : memref<128x128xf32, #tpu.memory_space<vmem>>, vector<16xf32>,
          %mul3A_446 = arith.mulf %get3A_445, %gather3A_435 : vector<16xf32>
          %swap3A_447 = arith.index_cast %add3A_430 : i32 to index
          %swap3A_448 = arith.constant 16 : index
          %swap3A_449 = tpu.vector_load %arg12[%swap3A_447, %swap3A_448] {strides = array<i32>} : memref<128x128xf32, #tpu.memory_space<vmem>>, vector<16xf32>,
          tpu.vector_store %arg12[%swap3A_447, %swap3A_448], %mul3A_446 {strides = array<i32>} : memref<128x128xf32, #tpu.memory_space<vmem>>, vector<16xf32>,
          %get3A_450 = arith.index_cast %add3A_430 : i32 to index
          %get3A_451 = arith.constant 32 : index
          %get3A_452 = tpu.vector_load %arg12[%get3A_450, %get3A_451] {strides = array<i32>} : memref<128x128xf32, #tpu.memory_space<vmem>>, vector<16xf32>,
          %mul3A_453 = arith.mulf %get3A_452, %gather3A_435 : vector<16xf32>
          %swap3A_454 = arith.index_cast %add3A_430 : i32 to index
          %swap3A_455 = arith.constant 32 : index
          %swap3A_456 = tpu.vector_load %arg12[%swap3A_454, %swap3A_455] {strides = array<i32>} : memref<128x128xf32, #tpu.memory_space<vmem>>, vector<16xf32>,
          tpu.vector_store %arg12[%swap3A_454, %swap3A_455], %mul3A_453 {strides = array<i32>} : memref<128x128xf32, #tpu.memory_space<vmem>>, vector<16xf32>,
          %get3A_457 = arith.index_cast %add3A_430 : i32 to index
          %get3A_458 = arith.constant 48 : index
          %get3A_459 = tpu.vector_load %arg12[%get3A_457, %get3A_458] {strides = array<i32>} : memref<128x128xf32, #tpu.memory_space<vmem>>, vector<16xf32>,
          %mul3A_460 = arith.mulf %get3A_459, %gather3A_435 : vector<16xf32>
          %swap3A_461 = arith.index_cast %add3A_430 : i32 to index
          %swap3A_462 = arith.constant 48 : index
          %swap3A_463 = tpu.vector_load %arg12[%swap3A_461, %swap3A_462] {strides = array<i32>} : memref<128x128xf32, #tpu.memory_space<vmem>>, vector<16xf32>,
          tpu.vector_store %arg12[%swap3A_461, %swap3A_462], %mul3A_460 {strides = array<i32>} : memref<128x128xf32, #tpu.memory_space<vmem>>, vector<16xf32>,
          %get3A_464 = arith.index_cast %add3A_430 : i32 to index
          %get3A_465 = arith.constant 64 : index
          %get3A_466 = tpu.vector_load %arg12[%get3A_464, %get3A_465] {strides = array<i32>} : memref<128x128xf32, #tpu.memory_space<vmem>>, vector<16xf32>,
          %mul3A_467 = arith.mulf %get3A_466, %gather3A_435 : vector<16xf32>
          %swap3A_468 = arith.index_cast %add3A_430 : i32 to index
          %swap3A_469 = arith.constant 64 : index
          %swap3A_470 = tpu.vector_load %arg12[%swap3A_468, %swap3A_469] {strides = array<i32>} : memref<128x128xf32, #tpu.memory_space<vmem>>, vector<16xf32>,
          tpu.vector_store %arg12[%swap3A_468, %swap3A_469], %mul3A_467 {strides = array<i32>} : memref<128x128xf32, #tpu.memory_space<vmem>>, vector<16xf32>,
          %get3A_471 = arith.index_cast %add3A_430 : i32 to index
          %get3A_472 = arith.constant 80 : index
          %get3A_473 = tpu.vector_load %arg12[%get3A_471, %get3A_472] {strides = array<i32>} : memref<128x128xf32, #tpu.memory_space<vmem>>, vector<16xf32>,
          %mul3A_474 = arith.mulf %get3A_473, %gather3A_435 : vector<16xf32>
          %swap3A_475 = arith.index_cast %add3A_430 : i32 to index
          %swap3A_476 = arith.constant 80 : index
          %swap3A_477 = tpu.vector_load %arg12[%swap3A_475, %swap3A_476] {strides = array<i32>} : memref<128x128xf32, #tpu.memory_space<vmem>>, vector<16xf32>,
          tpu.vector_store %arg12[%swap3A_475, %swap3A_476], %mul3A_474 {strides = array<i32>} : memref<128x128xf32, #tpu.memory_space<vmem>>, vector<16xf32>,
          %get3A_478 = arith.index_cast %add3A_430 : i32 to index
          %get3A_479 = arith.constant 96 : index
          %get3A_480 = tpu.vector_load %arg12[%get3A_478, %get3A_479] {strides = array<i32>} : memref<128x128xf32, #tpu.memory_space<vmem>>, vector<16xf32>,
          %mul3A_481 = arith.mulf %get3A_480, %gather3A_435 : vector<16xf32>
          %swap3A_482 = arith.index_cast %add3A_430 : i32 to index
          %swap3A_483 = arith.constant 96 : index
          %swap3A_484 = tpu.vector_load %arg12[%swap3A_482, %swap3A_483] {strides = array<i32>} : memref<128x128xf32, #tpu.memory_space<vmem>>, vector<16xf32>,
          tpu.vector_store %arg12[%swap3A_482, %swap3A_483], %mul3A_481 {strides = array<i32>} : memref<128x128xf32, #tpu.memory_space<vmem>>, vector<16xf32>,
          %get3A_485 = arith.index_cast %add3A_430 : i32 to index
          %get3A_486 = arith.constant 112 : index
          %get3A_487 = tpu.vector_load %arg12[%get3A_485, %get3A_486] {strides = array<i32>} : memref<128x128xf32, #tpu.memory_space<vmem>>, vector<16xf32>,
          %mul3A_488 = arith.mulf %get3A_487, %gather3A_435 : vector<16xf32>
          %swap3A_489 = arith.index_cast %add3A_430 : i32 to index
          %swap3A_490 = arith.constant 112 : index
          %swap3A_491 = tpu.vector_load %arg12[%swap3A_489, %swap3A_490] {strides = array<i32>} : memref<128x128xf32, #tpu.memory_space<vmem>>, vector<16xf32>,
          tpu.vector_store %arg12[%swap3A_489, %swap3A_490], %mul3A_488 {strides = array<i32>} : memref<128x128xf32, #tpu.memory_space<vmem>>, vector<16xf32>,
          %add3A_492 = arith.constant 3 : i32
          %add3A_493 = arith.addi %add3A_306, %add3A_492 : i32
          %broadcast_in_dim3A_494 = vector.broadcast %add3A_493 : i32 to vector<16xi32>
          %gather3A_495 = arith.constant 0 : i32
          %gather3A_496 = tpu.memref_slice %arg11[%add3A_239, %gather3A_495] : memref<40x128xf32, #tpu.memory_space<vmem>> -> memref<1x128xf32, #tpu.memory_space<vmem>>
          %gather3A_497 = tpu.memref_squeeze %gather3A_496 : memref<1x128xf32, #tpu.memory_space<vmem>> -> memref<128xf32, #tpu.memory_space<vmem>>
          %gather3A_498 = tpu.vector_load_idx %gather3A_497[%broadcast_in_dim3A_494] : memref<128xf32, #tpu.memory_space<vmem>>[vector<16xi32>], vector<16xf32>,
          %get3A_499 = arith.index_cast %add3A_493 : i32 to index
          %get3A_500 = arith.constant 0 : index
          %get3A_501 = tpu.vector_load %arg12[%get3A_499, %get3A_500] {strides = array<i32>} : memref<128x128xf32, #tpu.memory_space<vmem>>, vector<16xf32>,
          %mul3A_502 = arith.mulf %get3A_501, %gather3A_498 : vector<16xf32>
          %swap3A_503 = arith.index_cast %add3A_493 : i32 to index
          %swap3A_504 = arith.constant 0 : index
          %swap3A_505 = tpu.vector_load %arg12[%swap3A_503, %swap3A_504] {strides = array<i32>} : memref<128x128xf32, #tpu.memory_space<vmem>>, vector<16xf32>,
          tpu.vector_store %arg12[%swap3A_503, %swap3A_504], %mul3A_502 {strides = array<i32>} : memref<128x128xf32, #tpu.memory_space<vmem>>, vector<16xf32>,
          %get3A_506 = arith.index_cast %add3A_493 : i32 to index
          %get3A_507 = arith.constant 16 : index
          %get3A_508 = tpu.vector_load %arg12[%get3A_506, %get3A_507] {strides = array<i32>} : memref<128x128xf32, #tpu.memory_space<vmem>>, vector<16xf32>,
          %mul3A_509 = arith.mulf %get3A_508, %gather3A_498 : vector<16xf32>
          %swap3A_510 = arith.index_cast %add3A_493 : i32 to index
          %swap3A_511 = arith.constant 16 : index
          %swap3A_512 = tpu.vector_load %arg12[%swap3A_510, %swap3A_511] {strides = array<i32>} : memref<128x128xf32, #tpu.memory_space<vmem>>, vector<16xf32>,
          tpu.vector_store %arg12[%swap3A_510, %swap3A_511], %mul3A_509 {strides = array<i32>} : memref<128x128xf32, #tpu.memory_space<vmem>>, vector<16xf32>,
          %get3A_513 = arith.index_cast %add3A_493 : i32 to index
          %get3A_514 = arith.constant 32 : index
          %get3A_515 = tpu.vector_load %arg12[%get3A_513, %get3A_514] {strides = array<i32>} : memref<128x128xf32, #tpu.memory_space<vmem>>, vector<16xf32>,
          %mul3A_516 = arith.mulf %get3A_515, %gather3A_498 : vector<16xf32>
          %swap3A_517 = arith.index_cast %add3A_493 : i32 to index
          %swap3A_518 = arith.constant 32 : index
          %swap3A_519 = tpu.vector_load %arg12[%swap3A_517, %swap3A_518] {strides = array<i32>} : memref<128x128xf32, #tpu.memory_space<vmem>>, vector<16xf32>,
          tpu.vector_store %arg12[%swap3A_517, %swap3A_518], %mul3A_516 {strides = array<i32>} : memref<128x128xf32, #tpu.memory_space<vmem>>, vector<16xf32>,
          %get3A_520 = arith.index_cast %add3A_493 : i32 to index
          %get3A_521 = arith.constant 48 : index
          %get3A_522 = tpu.vector_load %arg12[%get3A_520, %get3A_521] {strides = array<i32>} : memref<128x128xf32, #tpu.memory_space<vmem>>, vector<16xf32>,
          %mul3A_523 = arith.mulf %get3A_522, %gather3A_498 : vector<16xf32>
          %swap3A_524 = arith.index_cast %add3A_493 : i32 to index
          %swap3A_525 = arith.constant 48 : index
          %swap3A_526 = tpu.vector_load %arg12[%swap3A_524, %swap3A_525] {strides = array<i32>} : memref<128x128xf32, #tpu.memory_space<vmem>>, vector<16xf32>,
          tpu.vector_store %arg12[%swap3A_524, %swap3A_525], %mul3A_523 {strides = array<i32>} : memref<128x128xf32, #tpu.memory_space<vmem>>, vector<16xf32>,
          %get3A_527 = arith.index_cast %add3A_493 : i32 to index
          %get3A_528 = arith.constant 64 : index
          %get3A_529 = tpu.vector_load %arg12[%get3A_527, %get3A_528] {strides = array<i32>} : memref<128x128xf32, #tpu.memory_space<vmem>>, vector<16xf32>,
          %mul3A_530 = arith.mulf %get3A_529, %gather3A_498 : vector<16xf32>
          %swap3A_531 = arith.index_cast %add3A_493 : i32 to index
          %swap3A_532 = arith.constant 64 : index
          %swap3A_533 = tpu.vector_load %arg12[%swap3A_531, %swap3A_532] {strides = array<i32>} : memref<128x128xf32, #tpu.memory_space<vmem>>, vector<16xf32>,
          tpu.vector_store %arg12[%swap3A_531, %swap3A_532], %mul3A_530 {strides = array<i32>} : memref<128x128xf32, #tpu.memory_space<vmem>>, vector<16xf32>,
          %get3A_534 = arith.index_cast %add3A_493 : i32 to index
          %get3A_535 = arith.constant 80 : index
          %get3A_536 = tpu.vector_load %arg12[%get3A_534, %get3A_535] {strides = array<i32>} : memref<128x128xf32, #tpu.memory_space<vmem>>, vector<16xf32>,
          %mul3A_537 = arith.mulf %get3A_536, %gather3A_498 : vector<16xf32>
          %swap3A_538 = arith.index_cast %add3A_493 : i32 to index
          %swap3A_539 = arith.constant 80 : index
          %swap3A_540 = tpu.vector_load %arg12[%swap3A_538, %swap3A_539] {strides = array<i32>} : memref<128x128xf32, #tpu.memory_space<vmem>>, vector<16xf32>,
          tpu.vector_store %arg12[%swap3A_538, %swap3A_539], %mul3A_537 {strides = array<i32>} : memref<128x128xf32, #tpu.memory_space<vmem>>, vector<16xf32>,
          %get3A_541 = arith.index_cast %add3A_493 : i32 to index
          %get3A_542 = arith.constant 96 : index
          %get3A_543 = tpu.vector_load %arg12[%get3A_541, %get3A_542] {strides = array<i32>} : memref<128x128xf32, #tpu.memory_space<vmem>>, vector<16xf32>,
          %mul3A_544 = arith.mulf %get3A_543, %gather3A_498 : vector<16xf32>
          %swap3A_545 = arith.index_cast %add3A_493 : i32 to index
          %swap3A_546 = arith.constant 96 : index
          %swap3A_547 = tpu.vector_load %arg12[%swap3A_545, %swap3A_546] {strides = array<i32>} : memref<128x128xf32, #tpu.memory_space<vmem>>, vector<16xf32>,
          tpu.vector_store %arg12[%swap3A_545, %swap3A_546], %mul3A_544 {strides = array<i32>} : memref<128x128xf32, #tpu.memory_space<vmem>>, vector<16xf32>,
          %get3A_548 = arith.index_cast %add3A_493 : i32 to index
          %get3A_549 = arith.constant 112 : index
          %get3A_550 = tpu.vector_load %arg12[%get3A_548, %get3A_549] {strides = array<i32>} : memref<128x128xf32, #tpu.memory_space<vmem>>, vector<16xf32>,
          %mul3A_551 = arith.mulf %get3A_550, %gather3A_498 : vector<16xf32>
          %swap3A_552 = arith.index_cast %add3A_493 : i32 to index
          %swap3A_553 = arith.constant 112 : index
          %swap3A_554 = tpu.vector_load %arg12[%swap3A_552, %swap3A_553] {strides = array<i32>} : memref<128x128xf32, #tpu.memory_space<vmem>>, vector<16xf32>,
          tpu.vector_store %arg12[%swap3A_552, %swap3A_553], %mul3A_551 {strides = array<i32>} : memref<128x128xf32, #tpu.memory_space<vmem>>, vector<16xf32>,
        }
        %scan3A_260 = arith.constant 32 : i32
        %dma_start3A_261 = arith.constant 0 : i32
        %dma_start3A_262 = tpu.memref_slice %arg10[%add3A_239, %dma_start3A_261] : memref<40x128xi32, #tpu.memory_space<vmem>> -> memref<1x128xi32, #tpu.memory_space<vmem>>
        %dma_start3A_263 = tpu.memref_squeeze %dma_start3A_262 : memref<1x128xi32, #tpu.memory_space<vmem>> -> memref<128xi32, #tpu.memory_space<vmem>>
        %dma_start3A_264 = arith.constant 0 : i32
        %dma_start3A_265 = arith.constant 0 : i32
        %dma_start3A_266 = tpu.memref_slice %arg8[%dma_start3A_264, %dma_start3A_265] : memref<10240x128xf32, #tpu.memory_space<vmem_shared>> -> memref<10240x128xf32, #tpu.memory_space<vmem_shared>>
        tpu.enqueue_indirect_dma source(%arg12 : memref<128x128xf32, #tpu.memory_space<vmem>>) target(%dma_start3A_266 : memref<10240x128xf32, #tpu.memory_space<vmem_shared>>) offsets(%dma_start3A_263 : memref<128xi32, #tpu.memory_space<vmem>>) semaphore(%arg16 : memref<!tpu.dma_semaphore, #tpu.memory_space<semaphore_mem>>) {add = true}
        %add3A_267 = arith.constant 1 : i32
        %add3A_268 = arith.addi %add3A_239, %add3A_267 : i32
        %dma_wait3A_269 = arith.constant 0 : i32
        %dma_wait3A_270 = tpu.memref_slice %arg9[%add3A_268, %dma_wait3A_269] : memref<40x128xi32, #tpu.memory_space<vmem>> -> memref<1x128xi32, #tpu.memory_space<vmem>>
        %dma_wait3A_271 = tpu.memref_squeeze %dma_wait3A_270 : memref<1x128xi32, #tpu.memory_space<vmem>> -> memref<128xi32, #tpu.memory_space<vmem>>
        %dma_wait3A_272 = arith.constant 0 : i32
        %dma_wait3A_273 = arith.constant 0 : i32
        %dma_wait3A_274 = tpu.memref_slice %arg2[%dma_wait3A_272, %dma_wait3A_273] : memref<10240x128xf32, #tpu.memory_space<hbm>> -> memref<10240x128xf32, #tpu.memory_space<hbm>>
        tpu.wait_indirect_dma semaphore(%arg15 : memref<!tpu.dma_semaphore, #tpu.memory_space<semaphore_mem>>) src(%dma_wait3A_274 : memref<10240x128xf32, #tpu.memory_space<hbm>>) dst(%arg13 : memref<128x128xf32, #tpu.memory_space<vmem>>)
        %add3A_275 = arith.constant 1 : i32
        %add3A_276 = arith.addi %add3A_239, %add3A_275 : i32
        %scan3A_277 = arith.constant 0 : i32
        %scan3A_278 = arith.constant 32 : i32
        %scan3A_279 = arith.addi %scan3A_277, %scan3A_278 : i32
        %scan3A_280 = arith.constant 1 : i32
        scf.for %scan3A_302 = %scan3A_277 to %scan3A_279 step %scan3A_280  : i32 {
          %mul3A_303 = arith.constant 4 : i32
          %mul3A_304 = arith.muli %scan3A_302, %mul3A_303 : i32
          %add3A_305 = arith.constant 0 : i32
          %add3A_306 = arith.addi %add3A_305, %mul3A_304 : i32
          %add3A_307 = arith.constant 0 : i32
          %add3A_308 = arith.addi %add3A_306, %add3A_307 : i32
          %broadcast_in_dim3A = vector.broadcast %add3A_308 : i32 to vector<16xi32>
          %gather3A = arith.constant 0 : i32
          %gather3A_309 = tpu.memref_slice %arg11[%add3A_276, %gather3A] : memref<40x128xf32, #tpu.memory_space<vmem>> -> memref<1x128xf32, #tpu.memory_space<vmem>>
          %gather3A_310 = tpu.memref_squeeze %gather3A_309 : memref<1x128xf32, #tpu.memory_space<vmem>> -> memref<128xf32, #tpu.memory_space<vmem>>
          %gather3A_311 = tpu.vector_load_idx %gather3A_310[%broadcast_in_dim3A] : memref<128xf32, #tpu.memory_space<vmem>>[vector<16xi32>], vector<16xf32>,
          %get3A = arith.index_cast %add3A_308 : i32 to index
          %get3A_312 = arith.constant 0 : index
          %get3A_313 = tpu.vector_load %arg13[%get3A, %get3A_312] {strides = array<i32>} : memref<128x128xf32, #tpu.memory_space<vmem>>, vector<16xf32>,
          %mul3A_314 = arith.mulf %get3A_313, %gather3A_311 : vector<16xf32>
          %swap3A = arith.index_cast %add3A_308 : i32 to index
          %swap3A_315 = arith.constant 0 : index
          %swap3A_316 = tpu.vector_load %arg13[%swap3A, %swap3A_315] {strides = array<i32>} : memref<128x128xf32, #tpu.memory_space<vmem>>, vector<16xf32>,
          tpu.vector_store %arg13[%swap3A, %swap3A_315], %mul3A_314 {strides = array<i32>} : memref<128x128xf32, #tpu.memory_space<vmem>>, vector<16xf32>,
          %get3A_317 = arith.index_cast %add3A_308 : i32 to index
          %get3A_318 = arith.constant 16 : index
          %get3A_319 = tpu.vector_load %arg13[%get3A_317, %get3A_318] {strides = array<i32>} : memref<128x128xf32, #tpu.memory_space<vmem>>, vector<16xf32>,
          %mul3A_320 = arith.mulf %get3A_319, %gather3A_311 : vector<16xf32>
          %swap3A_321 = arith.index_cast %add3A_308 : i32 to index
          %swap3A_322 = arith.constant 16 : index
          %swap3A_323 = tpu.vector_load %arg13[%swap3A_321, %swap3A_322] {strides = array<i32>} : memref<128x128xf32, #tpu.memory_space<vmem>>, vector<16xf32>,
          tpu.vector_store %arg13[%swap3A_321, %swap3A_322], %mul3A_320 {strides = array<i32>} : memref<128x128xf32, #tpu.memory_space<vmem>>, vector<16xf32>,
          %get3A_324 = arith.index_cast %add3A_308 : i32 to index
          %get3A_325 = arith.constant 32 : index
          %get3A_326 = tpu.vector_load %arg13[%get3A_324, %get3A_325] {strides = array<i32>} : memref<128x128xf32, #tpu.memory_space<vmem>>, vector<16xf32>,
          %mul3A_327 = arith.mulf %get3A_326, %gather3A_311 : vector<16xf32>
          %swap3A_328 = arith.index_cast %add3A_308 : i32 to index
          %swap3A_329 = arith.constant 32 : index
          %swap3A_330 = tpu.vector_load %arg13[%swap3A_328, %swap3A_329] {strides = array<i32>} : memref<128x128xf32, #tpu.memory_space<vmem>>, vector<16xf32>,
          tpu.vector_store %arg13[%swap3A_328, %swap3A_329], %mul3A_327 {strides = array<i32>} : memref<128x128xf32, #tpu.memory_space<vmem>>, vector<16xf32>,
          %get3A_331 = arith.index_cast %add3A_308 : i32 to index
          %get3A_332 = arith.constant 48 : index
          %get3A_333 = tpu.vector_load %arg13[%get3A_331, %get3A_332] {strides = array<i32>} : memref<128x128xf32, #tpu.memory_space<vmem>>, vector<16xf32>,
          %mul3A_334 = arith.mulf %get3A_333, %gather3A_311 : vector<16xf32>
          %swap3A_335 = arith.index_cast %add3A_308 : i32 to index
          %swap3A_336 = arith.constant 48 : index
          %swap3A_337 = tpu.vector_load %arg13[%swap3A_335, %swap3A_336] {strides = array<i32>} : memref<128x128xf32, #tpu.memory_space<vmem>>, vector<16xf32>,
          tpu.vector_store %arg13[%swap3A_335, %swap3A_336], %mul3A_334 {strides = array<i32>} : memref<128x128xf32, #tpu.memory_space<vmem>>, vector<16xf32>,
          %get3A_338 = arith.index_cast %add3A_308 : i32 to index
          %get3A_339 = arith.constant 64 : index
          %get3A_340 = tpu.vector_load %arg13[%get3A_338, %get3A_339] {strides = array<i32>} : memref<128x128xf32, #tpu.memory_space<vmem>>, vector<16xf32>,
          %mul3A_341 = arith.mulf %get3A_340, %gather3A_311 : vector<16xf32>
          %swap3A_342 = arith.index_cast %add3A_308 : i32 to index
          %swap3A_343 = arith.constant 64 : index
          %swap3A_344 = tpu.vector_load %arg13[%swap3A_342, %swap3A_343] {strides = array<i32>} : memref<128x128xf32, #tpu.memory_space<vmem>>, vector<16xf32>,
          tpu.vector_store %arg13[%swap3A_342, %swap3A_343], %mul3A_341 {strides = array<i32>} : memref<128x128xf32, #tpu.memory_space<vmem>>, vector<16xf32>,
          %get3A_345 = arith.index_cast %add3A_308 : i32 to index
          %get3A_346 = arith.constant 80 : index
          %get3A_347 = tpu.vector_load %arg13[%get3A_345, %get3A_346] {strides = array<i32>} : memref<128x128xf32, #tpu.memory_space<vmem>>, vector<16xf32>,
          %mul3A_348 = arith.mulf %get3A_347, %gather3A_311 : vector<16xf32>
          %swap3A_349 = arith.index_cast %add3A_308 : i32 to index
          %swap3A_350 = arith.constant 80 : index
          %swap3A_351 = tpu.vector_load %arg13[%swap3A_349, %swap3A_350] {strides = array<i32>} : memref<128x128xf32, #tpu.memory_space<vmem>>, vector<16xf32>,
          tpu.vector_store %arg13[%swap3A_349, %swap3A_350], %mul3A_348 {strides = array<i32>} : memref<128x128xf32, #tpu.memory_space<vmem>>, vector<16xf32>,
          %get3A_352 = arith.index_cast %add3A_308 : i32 to index
          %get3A_353 = arith.constant 96 : index
          %get3A_354 = tpu.vector_load %arg13[%get3A_352, %get3A_353] {strides = array<i32>} : memref<128x128xf32, #tpu.memory_space<vmem>>, vector<16xf32>,
          %mul3A_355 = arith.mulf %get3A_354, %gather3A_311 : vector<16xf32>
          %swap3A_356 = arith.index_cast %add3A_308 : i32 to index
          %swap3A_357 = arith.constant 96 : index
          %swap3A_358 = tpu.vector_load %arg13[%swap3A_356, %swap3A_357] {strides = array<i32>} : memref<128x128xf32, #tpu.memory_space<vmem>>, vector<16xf32>,
          tpu.vector_store %arg13[%swap3A_356, %swap3A_357], %mul3A_355 {strides = array<i32>} : memref<128x128xf32, #tpu.memory_space<vmem>>, vector<16xf32>,
          %get3A_359 = arith.index_cast %add3A_308 : i32 to index
          %get3A_360 = arith.constant 112 : index
          %get3A_361 = tpu.vector_load %arg13[%get3A_359, %get3A_360] {strides = array<i32>} : memref<128x128xf32, #tpu.memory_space<vmem>>, vector<16xf32>,
          %mul3A_362 = arith.mulf %get3A_361, %gather3A_311 : vector<16xf32>
          %swap3A_363 = arith.index_cast %add3A_308 : i32 to index
          %swap3A_364 = arith.constant 112 : index
          %swap3A_365 = tpu.vector_load %arg13[%swap3A_363, %swap3A_364] {strides = array<i32>} : memref<128x128xf32, #tpu.memory_space<vmem>>, vector<16xf32>,
          tpu.vector_store %arg13[%swap3A_363, %swap3A_364], %mul3A_362 {strides = array<i32>} : memref<128x128xf32, #tpu.memory_space<vmem>>, vector<16xf32>,
          %add3A_366 = arith.constant 1 : i32
          %add3A_367 = arith.addi %add3A_306, %add3A_366 : i32
          %broadcast_in_dim3A_368 = vector.broadcast %add3A_367 : i32 to vector<16xi32>
          %gather3A_369 = arith.constant 0 : i32
          %gather3A_370 = tpu.memref_slice %arg11[%add3A_276, %gather3A_369] : memref<40x128xf32, #tpu.memory_space<vmem>> -> memref<1x128xf32, #tpu.memory_space<vmem>>
          %gather3A_371 = tpu.memref_squeeze %gather3A_370 : memref<1x128xf32, #tpu.memory_space<vmem>> -> memref<128xf32, #tpu.memory_space<vmem>>
          %gather3A_372 = tpu.vector_load_idx %gather3A_371[%broadcast_in_dim3A_368] : memref<128xf32, #tpu.memory_space<vmem>>[vector<16xi32>], vector<16xf32>,
          %get3A_373 = arith.index_cast %add3A_367 : i32 to index
          %get3A_374 = arith.constant 0 : index
          %get3A_375 = tpu.vector_load %arg13[%get3A_373, %get3A_374] {strides = array<i32>} : memref<128x128xf32, #tpu.memory_space<vmem>>, vector<16xf32>,
          %mul3A_376 = arith.mulf %get3A_375, %gather3A_372 : vector<16xf32>
          %swap3A_377 = arith.index_cast %add3A_367 : i32 to index
          %swap3A_378 = arith.constant 0 : index
          %swap3A_379 = tpu.vector_load %arg13[%swap3A_377, %swap3A_378] {strides = array<i32>} : memref<128x128xf32, #tpu.memory_space<vmem>>, vector<16xf32>,
          tpu.vector_store %arg13[%swap3A_377, %swap3A_378], %mul3A_376 {strides = array<i32>} : memref<128x128xf32, #tpu.memory_space<vmem>>, vector<16xf32>,
          %get3A_380 = arith.index_cast %add3A_367 : i32 to index
          %get3A_381 = arith.constant 16 : index
          %get3A_382 = tpu.vector_load %arg13[%get3A_380, %get3A_381] {strides = array<i32>} : memref<128x128xf32, #tpu.memory_space<vmem>>, vector<16xf32>,
          %mul3A_383 = arith.mulf %get3A_382, %gather3A_372 : vector<16xf32>
          %swap3A_384 = arith.index_cast %add3A_367 : i32 to index
          %swap3A_385 = arith.constant 16 : index
          %swap3A_386 = tpu.vector_load %arg13[%swap3A_384, %swap3A_385] {strides = array<i32>} : memref<128x128xf32, #tpu.memory_space<vmem>>, vector<16xf32>,
          tpu.vector_store %arg13[%swap3A_384, %swap3A_385], %mul3A_383 {strides = array<i32>} : memref<128x128xf32, #tpu.memory_space<vmem>>, vector<16xf32>,
          %get3A_387 = arith.index_cast %add3A_367 : i32 to index
          %get3A_388 = arith.constant 32 : index
          %get3A_389 = tpu.vector_load %arg13[%get3A_387, %get3A_388] {strides = array<i32>} : memref<128x128xf32, #tpu.memory_space<vmem>>, vector<16xf32>,
          %mul3A_390 = arith.mulf %get3A_389, %gather3A_372 : vector<16xf32>
          %swap3A_391 = arith.index_cast %add3A_367 : i32 to index
          %swap3A_392 = arith.constant 32 : index
          %swap3A_393 = tpu.vector_load %arg13[%swap3A_391, %swap3A_392] {strides = array<i32>} : memref<128x128xf32, #tpu.memory_space<vmem>>, vector<16xf32>,
          tpu.vector_store %arg13[%swap3A_391, %swap3A_392], %mul3A_390 {strides = array<i32>} : memref<128x128xf32, #tpu.memory_space<vmem>>, vector<16xf32>,
          %get3A_394 = arith.index_cast %add3A_367 : i32 to index
          %get3A_395 = arith.constant 48 : index
          %get3A_396 = tpu.vector_load %arg13[%get3A_394, %get3A_395] {strides = array<i32>} : memref<128x128xf32, #tpu.memory_space<vmem>>, vector<16xf32>,
          %mul3A_397 = arith.mulf %get3A_396, %gather3A_372 : vector<16xf32>
          %swap3A_398 = arith.index_cast %add3A_367 : i32 to index
          %swap3A_399 = arith.constant 48 : index
          %swap3A_400 = tpu.vector_load %arg13[%swap3A_398, %swap3A_399] {strides = array<i32>} : memref<128x128xf32, #tpu.memory_space<vmem>>, vector<16xf32>,
          tpu.vector_store %arg13[%swap3A_398, %swap3A_399], %mul3A_397 {strides = array<i32>} : memref<128x128xf32, #tpu.memory_space<vmem>>, vector<16xf32>,
          %get3A_401 = arith.index_cast %add3A_367 : i32 to index
          %get3A_402 = arith.constant 64 : index
          %get3A_403 = tpu.vector_load %arg13[%get3A_401, %get3A_402] {strides = array<i32>} : memref<128x128xf32, #tpu.memory_space<vmem>>, vector<16xf32>,
          %mul3A_404 = arith.mulf %get3A_403, %gather3A_372 : vector<16xf32>
          %swap3A_405 = arith.index_cast %add3A_367 : i32 to index
          %swap3A_406 = arith.constant 64 : index
          %swap3A_407 = tpu.vector_load %arg13[%swap3A_405, %swap3A_406] {strides = array<i32>} : memref<128x128xf32, #tpu.memory_space<vmem>>, vector<16xf32>,
          tpu.vector_store %arg13[%swap3A_405, %swap3A_406], %mul3A_404 {strides = array<i32>} : memref<128x128xf32, #tpu.memory_space<vmem>>, vector<16xf32>,
          %get3A_408 = arith.index_cast %add3A_367 : i32 to index
          %get3A_409 = arith.constant 80 : index
          %get3A_410 = tpu.vector_load %arg13[%get3A_408, %get3A_409] {strides = array<i32>} : memref<128x128xf32, #tpu.memory_space<vmem>>, vector<16xf32>,
          %mul3A_411 = arith.mulf %get3A_410, %gather3A_372 : vector<16xf32>
          %swap3A_412 = arith.index_cast %add3A_367 : i32 to index
          %swap3A_413 = arith.constant 80 : index
          %swap3A_414 = tpu.vector_load %arg13[%swap3A_412, %swap3A_413] {strides = array<i32>} : memref<128x128xf32, #tpu.memory_space<vmem>>, vector<16xf32>,
          tpu.vector_store %arg13[%swap3A_412, %swap3A_413], %mul3A_411 {strides = array<i32>} : memref<128x128xf32, #tpu.memory_space<vmem>>, vector<16xf32>,
          %get3A_415 = arith.index_cast %add3A_367 : i32 to index
          %get3A_416 = arith.constant 96 : index
          %get3A_417 = tpu.vector_load %arg13[%get3A_415, %get3A_416] {strides = array<i32>} : memref<128x128xf32, #tpu.memory_space<vmem>>, vector<16xf32>,
          %mul3A_418 = arith.mulf %get3A_417, %gather3A_372 : vector<16xf32>
          %swap3A_419 = arith.index_cast %add3A_367 : i32 to index
          %swap3A_420 = arith.constant 96 : index
          %swap3A_421 = tpu.vector_load %arg13[%swap3A_419, %swap3A_420] {strides = array<i32>} : memref<128x128xf32, #tpu.memory_space<vmem>>, vector<16xf32>,
          tpu.vector_store %arg13[%swap3A_419, %swap3A_420], %mul3A_418 {strides = array<i32>} : memref<128x128xf32, #tpu.memory_space<vmem>>, vector<16xf32>,
          %get3A_422 = arith.index_cast %add3A_367 : i32 to index
          %get3A_423 = arith.constant 112 : index
          %get3A_424 = tpu.vector_load %arg13[%get3A_422, %get3A_423] {strides = array<i32>} : memref<128x128xf32, #tpu.memory_space<vmem>>, vector<16xf32>,
          %mul3A_425 = arith.mulf %get3A_424, %gather3A_372 : vector<16xf32>
          %swap3A_426 = arith.index_cast %add3A_367 : i32 to index
          %swap3A_427 = arith.constant 112 : index
          %swap3A_428 = tpu.vector_load %arg13[%swap3A_426, %swap3A_427] {strides = array<i32>} : memref<128x128xf32, #tpu.memory_space<vmem>>, vector<16xf32>,
          tpu.vector_store %arg13[%swap3A_426, %swap3A_427], %mul3A_425 {strides = array<i32>} : memref<128x128xf32, #tpu.memory_space<vmem>>, vector<16xf32>,
          %add3A_429 = arith.constant 2 : i32
          %add3A_430 = arith.addi %add3A_306, %add3A_429 : i32
          %broadcast_in_dim3A_431 = vector.broadcast %add3A_430 : i32 to vector<16xi32>
          %gather3A_432 = arith.constant 0 : i32
          %gather3A_433 = tpu.memref_slice %arg11[%add3A_276, %gather3A_432] : memref<40x128xf32, #tpu.memory_space<vmem>> -> memref<1x128xf32, #tpu.memory_space<vmem>>
          %gather3A_434 = tpu.memref_squeeze %gather3A_433 : memref<1x128xf32, #tpu.memory_space<vmem>> -> memref<128xf32, #tpu.memory_space<vmem>>
          %gather3A_435 = tpu.vector_load_idx %gather3A_434[%broadcast_in_dim3A_431] : memref<128xf32, #tpu.memory_space<vmem>>[vector<16xi32>], vector<16xf32>,
          %get3A_436 = arith.index_cast %add3A_430 : i32 to index
          %get3A_437 = arith.constant 0 : index
          %get3A_438 = tpu.vector_load %arg13[%get3A_436, %get3A_437] {strides = array<i32>} : memref<128x128xf32, #tpu.memory_space<vmem>>, vector<16xf32>,
          %mul3A_439 = arith.mulf %get3A_438, %gather3A_435 : vector<16xf32>
          %swap3A_440 = arith.index_cast %add3A_430 : i32 to index
          %swap3A_441 = arith.constant 0 : index
          %swap3A_442 = tpu.vector_load %arg13[%swap3A_440, %swap3A_441] {strides = array<i32>} : memref<128x128xf32, #tpu.memory_space<vmem>>, vector<16xf32>,
          tpu.vector_store %arg13[%swap3A_440, %swap3A_441], %mul3A_439 {strides = array<i32>} : memref<128x128xf32, #tpu.memory_space<vmem>>, vector<16xf32>,
          %get3A_443 = arith.index_cast %add3A_430 : i32 to index
          %get3A_444 = arith.constant 16 : index
          %get3A_445 = tpu.vector_load %arg13[%get3A_443, %get3A_444] {strides = array<i32>} : memref<128x128xf32, #tpu.memory_space<vmem>>, vector<16xf32>,
          %mul3A_446 = arith.mulf %get3A_445, %gather3A_435 : vector<16xf32>
          %swap3A_447 = arith.index_cast %add3A_430 : i32 to index
          %swap3A_448 = arith.constant 16 : index
          %swap3A_449 = tpu.vector_load %arg13[%swap3A_447, %swap3A_448] {strides = array<i32>} : memref<128x128xf32, #tpu.memory_space<vmem>>, vector<16xf32>,
          tpu.vector_store %arg13[%swap3A_447, %swap3A_448], %mul3A_446 {strides = array<i32>} : memref<128x128xf32, #tpu.memory_space<vmem>>, vector<16xf32>,
          %get3A_450 = arith.index_cast %add3A_430 : i32 to index
          %get3A_451 = arith.constant 32 : index
          %get3A_452 = tpu.vector_load %arg13[%get3A_450, %get3A_451] {strides = array<i32>} : memref<128x128xf32, #tpu.memory_space<vmem>>, vector<16xf32>,
          %mul3A_453 = arith.mulf %get3A_452, %gather3A_435 : vector<16xf32>
          %swap3A_454 = arith.index_cast %add3A_430 : i32 to index
          %swap3A_455 = arith.constant 32 : index
          %swap3A_456 = tpu.vector_load %arg13[%swap3A_454, %swap3A_455] {strides = array<i32>} : memref<128x128xf32, #tpu.memory_space<vmem>>, vector<16xf32>,
          tpu.vector_store %arg13[%swap3A_454, %swap3A_455], %mul3A_453 {strides = array<i32>} : memref<128x128xf32, #tpu.memory_space<vmem>>, vector<16xf32>,
          %get3A_457 = arith.index_cast %add3A_430 : i32 to index
          %get3A_458 = arith.constant 48 : index
          %get3A_459 = tpu.vector_load %arg13[%get3A_457, %get3A_458] {strides = array<i32>} : memref<128x128xf32, #tpu.memory_space<vmem>>, vector<16xf32>,
          %mul3A_460 = arith.mulf %get3A_459, %gather3A_435 : vector<16xf32>
          %swap3A_461 = arith.index_cast %add3A_430 : i32 to index
          %swap3A_462 = arith.constant 48 : index
          %swap3A_463 = tpu.vector_load %arg13[%swap3A_461, %swap3A_462] {strides = array<i32>} : memref<128x128xf32, #tpu.memory_space<vmem>>, vector<16xf32>,
          tpu.vector_store %arg13[%swap3A_461, %swap3A_462], %mul3A_460 {strides = array<i32>} : memref<128x128xf32, #tpu.memory_space<vmem>>, vector<16xf32>,
          %get3A_464 = arith.index_cast %add3A_430 : i32 to index
          %get3A_465 = arith.constant 64 : index
          %get3A_466 = tpu.vector_load %arg13[%get3A_464, %get3A_465] {strides = array<i32>} : memref<128x128xf32, #tpu.memory_space<vmem>>, vector<16xf32>,
          %mul3A_467 = arith.mulf %get3A_466, %gather3A_435 : vector<16xf32>
          %swap3A_468 = arith.index_cast %add3A_430 : i32 to index
          %swap3A_469 = arith.constant 64 : index
          %swap3A_470 = tpu.vector_load %arg13[%swap3A_468, %swap3A_469] {strides = array<i32>} : memref<128x128xf32, #tpu.memory_space<vmem>>, vector<16xf32>,
          tpu.vector_store %arg13[%swap3A_468, %swap3A_469], %mul3A_467 {strides = array<i32>} : memref<128x128xf32, #tpu.memory_space<vmem>>, vector<16xf32>,
          %get3A_471 = arith.index_cast %add3A_430 : i32 to index
          %get3A_472 = arith.constant 80 : index
          %get3A_473 = tpu.vector_load %arg13[%get3A_471, %get3A_472] {strides = array<i32>} : memref<128x128xf32, #tpu.memory_space<vmem>>, vector<16xf32>,
          %mul3A_474 = arith.mulf %get3A_473, %gather3A_435 : vector<16xf32>
          %swap3A_475 = arith.index_cast %add3A_430 : i32 to index
          %swap3A_476 = arith.constant 80 : index
          %swap3A_477 = tpu.vector_load %arg13[%swap3A_475, %swap3A_476] {strides = array<i32>} : memref<128x128xf32, #tpu.memory_space<vmem>>, vector<16xf32>,
          tpu.vector_store %arg13[%swap3A_475, %swap3A_476], %mul3A_474 {strides = array<i32>} : memref<128x128xf32, #tpu.memory_space<vmem>>, vector<16xf32>,
          %get3A_478 = arith.index_cast %add3A_430 : i32 to index
          %get3A_479 = arith.constant 96 : index
          %get3A_480 = tpu.vector_load %arg13[%get3A_478, %get3A_479] {strides = array<i32>} : memref<128x128xf32, #tpu.memory_space<vmem>>, vector<16xf32>,
          %mul3A_481 = arith.mulf %get3A_480, %gather3A_435 : vector<16xf32>
          %swap3A_482 = arith.index_cast %add3A_430 : i32 to index
          %swap3A_483 = arith.constant 96 : index
          %swap3A_484 = tpu.vector_load %arg13[%swap3A_482, %swap3A_483] {strides = array<i32>} : memref<128x128xf32, #tpu.memory_space<vmem>>, vector<16xf32>,
          tpu.vector_store %arg13[%swap3A_482, %swap3A_483], %mul3A_481 {strides = array<i32>} : memref<128x128xf32, #tpu.memory_space<vmem>>, vector<16xf32>,
          %get3A_485 = arith.index_cast %add3A_430 : i32 to index
          %get3A_486 = arith.constant 112 : index
          %get3A_487 = tpu.vector_load %arg13[%get3A_485, %get3A_486] {strides = array<i32>} : memref<128x128xf32, #tpu.memory_space<vmem>>, vector<16xf32>,
          %mul3A_488 = arith.mulf %get3A_487, %gather3A_435 : vector<16xf32>
          %swap3A_489 = arith.index_cast %add3A_430 : i32 to index
          %swap3A_490 = arith.constant 112 : index
          %swap3A_491 = tpu.vector_load %arg13[%swap3A_489, %swap3A_490] {strides = array<i32>} : memref<128x128xf32, #tpu.memory_space<vmem>>, vector<16xf32>,
          tpu.vector_store %arg13[%swap3A_489, %swap3A_490], %mul3A_488 {strides = array<i32>} : memref<128x128xf32, #tpu.memory_space<vmem>>, vector<16xf32>,
          %add3A_492 = arith.constant 3 : i32
          %add3A_493 = arith.addi %add3A_306, %add3A_492 : i32
          %broadcast_in_dim3A_494 = vector.broadcast %add3A_493 : i32 to vector<16xi32>
          %gather3A_495 = arith.constant 0 : i32
          %gather3A_496 = tpu.memref_slice %arg11[%add3A_276, %gather3A_495] : memref<40x128xf32, #tpu.memory_space<vmem>> -> memref<1x128xf32, #tpu.memory_space<vmem>>
          %gather3A_497 = tpu.memref_squeeze %gather3A_496 : memref<1x128xf32, #tpu.memory_space<vmem>> -> memref<128xf32, #tpu.memory_space<vmem>>
          %gather3A_498 = tpu.vector_load_idx %gather3A_497[%broadcast_in_dim3A_494] : memref<128xf32, #tpu.memory_space<vmem>>[vector<16xi32>], vector<16xf32>,
          %get3A_499 = arith.index_cast %add3A_493 : i32 to index
          %get3A_500 = arith.constant 0 : index
          %get3A_501 = tpu.vector_load %arg13[%get3A_499, %get3A_500] {strides = array<i32>} : memref<128x128xf32, #tpu.memory_space<vmem>>, vector<16xf32>,
          %mul3A_502 = arith.mulf %get3A_501, %gather3A_498 : vector<16xf32>
          %swap3A_503 = arith.index_cast %add3A_493 : i32 to index
          %swap3A_504 = arith.constant 0 : index
          %swap3A_505 = tpu.vector_load %arg13[%swap3A_503, %swap3A_504] {strides = array<i32>} : memref<128x128xf32, #tpu.memory_space<vmem>>, vector<16xf32>,
          tpu.vector_store %arg13[%swap3A_503, %swap3A_504], %mul3A_502 {strides = array<i32>} : memref<128x128xf32, #tpu.memory_space<vmem>>, vector<16xf32>,
          %get3A_506 = arith.index_cast %add3A_493 : i32 to index
          %get3A_507 = arith.constant 16 : index
          %get3A_508 = tpu.vector_load %arg13[%get3A_506, %get3A_507] {strides = array<i32>} : memref<128x128xf32, #tpu.memory_space<vmem>>, vector<16xf32>,
          %mul3A_509 = arith.mulf %get3A_508, %gather3A_498 : vector<16xf32>
          %swap3A_510 = arith.index_cast %add3A_493 : i32 to index
          %swap3A_511 = arith.constant 16 : index
          %swap3A_512 = tpu.vector_load %arg13[%swap3A_510, %swap3A_511] {strides = array<i32>} : memref<128x128xf32, #tpu.memory_space<vmem>>, vector<16xf32>,
          tpu.vector_store %arg13[%swap3A_510, %swap3A_511], %mul3A_509 {strides = array<i32>} : memref<128x128xf32, #tpu.memory_space<vmem>>, vector<16xf32>,
          %get3A_513 = arith.index_cast %add3A_493 : i32 to index
          %get3A_514 = arith.constant 32 : index
          %get3A_515 = tpu.vector_load %arg13[%get3A_513, %get3A_514] {strides = array<i32>} : memref<128x128xf32, #tpu.memory_space<vmem>>, vector<16xf32>,
          %mul3A_516 = arith.mulf %get3A_515, %gather3A_498 : vector<16xf32>
          %swap3A_517 = arith.index_cast %add3A_493 : i32 to index
          %swap3A_518 = arith.constant 32 : index
          %swap3A_519 = tpu.vector_load %arg13[%swap3A_517, %swap3A_518] {strides = array<i32>} : memref<128x128xf32, #tpu.memory_space<vmem>>, vector<16xf32>,
          tpu.vector_store %arg13[%swap3A_517, %swap3A_518], %mul3A_516 {strides = array<i32>} : memref<128x128xf32, #tpu.memory_space<vmem>>, vector<16xf32>,
          %get3A_520 = arith.index_cast %add3A_493 : i32 to index
          %get3A_521 = arith.constant 48 : index
          %get3A_522 = tpu.vector_load %arg13[%get3A_520, %get3A_521] {strides = array<i32>} : memref<128x128xf32, #tpu.memory_space<vmem>>, vector<16xf32>,
          %mul3A_523 = arith.mulf %get3A_522, %gather3A_498 : vector<16xf32>
          %swap3A_524 = arith.index_cast %add3A_493 : i32 to index
          %swap3A_525 = arith.constant 48 : index
          %swap3A_526 = tpu.vector_load %arg13[%swap3A_524, %swap3A_525] {strides = array<i32>} : memref<128x128xf32, #tpu.memory_space<vmem>>, vector<16xf32>,
          tpu.vector_store %arg13[%swap3A_524, %swap3A_525], %mul3A_523 {strides = array<i32>} : memref<128x128xf32, #tpu.memory_space<vmem>>, vector<16xf32>,
          %get3A_527 = arith.index_cast %add3A_493 : i32 to index
          %get3A_528 = arith.constant 64 : index
          %get3A_529 = tpu.vector_load %arg13[%get3A_527, %get3A_528] {strides = array<i32>} : memref<128x128xf32, #tpu.memory_space<vmem>>, vector<16xf32>,
          %mul3A_530 = arith.mulf %get3A_529, %gather3A_498 : vector<16xf32>
          %swap3A_531 = arith.index_cast %add3A_493 : i32 to index
          %swap3A_532 = arith.constant 64 : index
          %swap3A_533 = tpu.vector_load %arg13[%swap3A_531, %swap3A_532] {strides = array<i32>} : memref<128x128xf32, #tpu.memory_space<vmem>>, vector<16xf32>,
          tpu.vector_store %arg13[%swap3A_531, %swap3A_532], %mul3A_530 {strides = array<i32>} : memref<128x128xf32, #tpu.memory_space<vmem>>, vector<16xf32>,
          %get3A_534 = arith.index_cast %add3A_493 : i32 to index
          %get3A_535 = arith.constant 80 : index
          %get3A_536 = tpu.vector_load %arg13[%get3A_534, %get3A_535] {strides = array<i32>} : memref<128x128xf32, #tpu.memory_space<vmem>>, vector<16xf32>,
          %mul3A_537 = arith.mulf %get3A_536, %gather3A_498 : vector<16xf32>
          %swap3A_538 = arith.index_cast %add3A_493 : i32 to index
          %swap3A_539 = arith.constant 80 : index
          %swap3A_540 = tpu.vector_load %arg13[%swap3A_538, %swap3A_539] {strides = array<i32>} : memref<128x128xf32, #tpu.memory_space<vmem>>, vector<16xf32>,
          tpu.vector_store %arg13[%swap3A_538, %swap3A_539], %mul3A_537 {strides = array<i32>} : memref<128x128xf32, #tpu.memory_space<vmem>>, vector<16xf32>,
          %get3A_541 = arith.index_cast %add3A_493 : i32 to index
          %get3A_542 = arith.constant 96 : index
          %get3A_543 = tpu.vector_load %arg13[%get3A_541, %get3A_542] {strides = array<i32>} : memref<128x128xf32, #tpu.memory_space<vmem>>, vector<16xf32>,
          %mul3A_544 = arith.mulf %get3A_543, %gather3A_498 : vector<16xf32>
          %swap3A_545 = arith.index_cast %add3A_493 : i32 to index
          %swap3A_546 = arith.constant 96 : index
          %swap3A_547 = tpu.vector_load %arg13[%swap3A_545, %swap3A_546] {strides = array<i32>} : memref<128x128xf32, #tpu.memory_space<vmem>>, vector<16xf32>,
          tpu.vector_store %arg13[%swap3A_545, %swap3A_546], %mul3A_544 {strides = array<i32>} : memref<128x128xf32, #tpu.memory_space<vmem>>, vector<16xf32>,
          %get3A_548 = arith.index_cast %add3A_493 : i32 to index
          %get3A_549 = arith.constant 112 : index
          %get3A_550 = tpu.vector_load %arg13[%get3A_548, %get3A_549] {strides = array<i32>} : memref<128x128xf32, #tpu.memory_space<vmem>>, vector<16xf32>,
          %mul3A_551 = arith.mulf %get3A_550, %gather3A_498 : vector<16xf32>
          %swap3A_552 = arith.index_cast %add3A_493 : i32 to index
          %swap3A_553 = arith.constant 112 : index
          %swap3A_554 = tpu.vector_load %arg13[%swap3A_552, %swap3A_553] {strides = array<i32>} : memref<128x128xf32, #tpu.memory_space<vmem>>, vector<16xf32>,
          tpu.vector_store %arg13[%swap3A_552, %swap3A_553], %mul3A_551 {strides = array<i32>} : memref<128x128xf32, #tpu.memory_space<vmem>>, vector<16xf32>,
        }
        %scan3A_281 = arith.constant 32 : i32
        %dma_wait3A_282 = arith.constant 0 : i32
        %dma_wait3A_283 = tpu.memref_slice %arg10[%add3A_239, %dma_wait3A_282] : memref<40x128xi32, #tpu.memory_space<vmem>> -> memref<1x128xi32, #tpu.memory_space<vmem>>
        %dma_wait3A_284 = tpu.memref_squeeze %dma_wait3A_283 : memref<1x128xi32, #tpu.memory_space<vmem>> -> memref<128xi32, #tpu.memory_space<vmem>>
        %dma_wait3A_285 = arith.constant 0 : i32
        %dma_wait3A_286 = arith.constant 0 : i32
        %dma_wait3A_287 = tpu.memref_slice %arg8[%dma_wait3A_285, %dma_wait3A_286] : memref<10240x128xf32, #tpu.memory_space<vmem_shared>> -> memref<10240x128xf32, #tpu.memory_space<vmem_shared>>
        tpu.wait_indirect_dma semaphore(%arg16 : memref<!tpu.dma_semaphore, #tpu.memory_space<semaphore_mem>>) src(%arg12 : memref<128x128xf32, #tpu.memory_space<vmem>>) dst(%dma_wait3A_287 : memref<10240x128xf32, #tpu.memory_space<vmem_shared>>)
        %add3A_288 = arith.constant 2 : i32
        %add3A_289 = arith.addi %add3A_239, %add3A_288 : i32
        %lt3A = arith.constant 40 : i32
        %lt3A_290 = arith.cmpi slt, %add3A_289, %lt3A : i32
        %convert_element_type3A_291 = arith.extui %lt3A_290 : i1 to i32
        %cond3A_292 = arith.constant 0 : i32
        %cond3A_293 = arith.cmpi ne, %convert_element_type3A_291, %cond3A_292 : i32
        scf.if %cond3A_293 {
          %add3A_302 = arith.constant 2 : i32
          %add3A_303 = arith.addi %add3A_239, %add3A_302 : i32
          %dma_start3A_304 = arith.constant 0 : i32
          %dma_start3A_305 = tpu.memref_slice %arg9[%add3A_303, %dma_start3A_304] : memref<40x128xi32, #tpu.memory_space<vmem>> -> memref<1x128xi32, #tpu.memory_space<vmem>>
          %dma_start3A_306 = tpu.memref_squeeze %dma_start3A_305 : memref<1x128xi32, #tpu.memory_space<vmem>> -> memref<128xi32, #tpu.memory_space<vmem>>
          %dma_start3A_307 = arith.constant 0 : i32
          %dma_start3A_308 = arith.constant 0 : i32
          %dma_start3A_309 = tpu.memref_slice %arg2[%dma_start3A_307, %dma_start3A_308] : memref<10240x128xf32, #tpu.memory_space<hbm>> -> memref<10240x128xf32, #tpu.memory_space<hbm>>
          tpu.enqueue_indirect_dma source(%dma_start3A_309 : memref<10240x128xf32, #tpu.memory_space<hbm>>) target(%arg12 : memref<128x128xf32, #tpu.memory_space<vmem>>) offsets(%dma_start3A_306 : memref<128xi32, #tpu.memory_space<vmem>>) semaphore(%arg14 : memref<!tpu.dma_semaphore, #tpu.memory_space<semaphore_mem>>)
        } else {
        }
        %add3A_294 = arith.constant 1 : i32
        %add3A_295 = arith.addi %add3A_239, %add3A_294 : i32
        %dma_start3A_296 = arith.constant 0 : i32
        %dma_start3A_297 = tpu.memref_slice %arg10[%add3A_295, %dma_start3A_296] : memref<40x128xi32, #tpu.memory_space<vmem>> -> memref<1x128xi32, #tpu.memory_space<vmem>>
        %dma_start3A_298 = tpu.memref_squeeze %dma_start3A_297 : memref<1x128xi32, #tpu.memory_space<vmem>> -> memref<128xi32, #tpu.memory_space<vmem>>
        %dma_start3A_299 = arith.constant 0 : i32
        %dma_start3A_300 = arith.constant 0 : i32
        %dma_start3A_301 = tpu.memref_slice %arg8[%dma_start3A_299, %dma_start3A_300] : memref<10240x128xf32, #tpu.memory_space<vmem_shared>> -> memref<10240x128xf32, #tpu.memory_space<vmem_shared>>
        tpu.enqueue_indirect_dma source(%arg13 : memref<128x128xf32, #tpu.memory_space<vmem>>) target(%dma_start3A_301 : memref<10240x128xf32, #tpu.memory_space<vmem_shared>>) offsets(%dma_start3A_298 : memref<128xi32, #tpu.memory_space<vmem>>) semaphore(%arg17 : memref<!tpu.dma_semaphore, #tpu.memory_space<semaphore_mem>>) {add = true}
      }
      %scan3A_227 = arith.constant 20 : i32
      %dma_wait3A_228 = arith.constant 39 : i32
      %dma_wait3A_229 = arith.constant 0 : i32
      %dma_wait3A_230 = tpu.memref_slice %arg10[%dma_wait3A_228, %dma_wait3A_229] : memref<40x128xi32, #tpu.memory_space<vmem>> -> memref<1x128xi32, #tpu.memory_space<vmem>>
      %dma_wait3A_231 = tpu.memref_squeeze %dma_wait3A_230 : memref<1x128xi32, #tpu.memory_space<vmem>> -> memref<128xi32, #tpu.memory_space<vmem>>
      %dma_wait3A_232 = arith.constant 0 : i32
      %dma_wait3A_233 = arith.constant 0 : i32
      %dma_wait3A_234 = tpu.memref_slice %arg8[%dma_wait3A_232, %dma_wait3A_233] : memref<10240x128xf32, #tpu.memory_space<vmem_shared>> -> memref<10240x128xf32, #tpu.memory_space<vmem_shared>>
      tpu.wait_indirect_dma semaphore(%arg17 : memref<!tpu.dma_semaphore, #tpu.memory_space<semaphore_mem>>) src(%arg13 : memref<128x128xf32, #tpu.memory_space<vmem>>) dst(%dma_wait3A_234 : memref<10240x128xf32, #tpu.memory_space<vmem_shared>>)
    }
    %while3A_105 = arith.constant 1 : i32
    scf.for %while3A_211 = %while3A_103 to %while3A_99 step %while3A_105  : i32 {
      %mul3A_212 = arith.muli %while3A_211, %while3A : i32
      %add3A_213 = arith.addi %while3A_96, %mul3A_212 : i32
      %mul3A_214 = arith.constant 40 : i32
      %mul3A_215 = arith.muli %add3A_213, %mul3A_214 : i32
      %add3A_216 = arith.addi %select_n3A_89, %mul3A_215 : i32
      "tpu.region"() ({
        %run_scoped3A = tpu.sem_alloc : memref<!tpu.dma_semaphore, #tpu.memory_space<semaphore_mem>>
        %dma_start3A_235 = arith.constant 0 : i32
        %dma_start3A_236 = tpu.memref_slice %arg3[%add3A_216, %dma_start3A_235] : memref<2560x128xi32, #tpu.memory_space<hbm>> -> memref<40x128xi32, #tpu.memory_space<hbm>>
        %dma_start3A_237 = arith.constant 0 : i32
        %dma_start3A_238 = tpu.memref_slice %arg3[%add3A_216, %dma_start3A_237] : memref<2560x128xi32, #tpu.memory_space<hbm>> -> memref<40x128xi32, #tpu.memory_space<hbm>>
        tpu.enqueue_dma source(%dma_start3A_238 : memref<40x128xi32, #tpu.memory_space<hbm>>) target(%arg9 : memref<40x128xi32, #tpu.memory_space<vmem>>) target_semaphore(%run_scoped3A : memref<!tpu.dma_semaphore, #tpu.memory_space<semaphore_mem>>)
        %dma_wait3A_239 = arith.constant 0 : i32
        %dma_wait3A_240 = tpu.memref_slice %arg3[%add3A_216, %dma_wait3A_239] : memref<2560x128xi32, #tpu.memory_space<hbm>> -> memref<40x128xi32, #tpu.memory_space<hbm>>
        %dma_wait3A_241 = arith.constant 0 : i32
        %dma_wait3A_242 = tpu.memref_slice %arg3[%add3A_216, %dma_wait3A_241] : memref<2560x128xi32, #tpu.memory_space<hbm>> -> memref<40x128xi32, #tpu.memory_space<hbm>>
        tpu.wait_dma2 semaphore(%run_scoped3A : memref<!tpu.dma_semaphore, #tpu.memory_space<semaphore_mem>>) src(%dma_wait3A_242 : memref<40x128xi32, #tpu.memory_space<hbm>>) dst(%arg9 : memref<40x128xi32, #tpu.memory_space<vmem>>)
        tpu.yield
      }) : () -> ()
      "tpu.region"() ({
        %run_scoped3A = tpu.sem_alloc : memref<!tpu.dma_semaphore, #tpu.memory_space<semaphore_mem>>
        %dma_start3A_235 = arith.constant 0 : i32
        %dma_start3A_236 = tpu.memref_slice %arg4[%add3A_216, %dma_start3A_235] : memref<2560x128xi32, #tpu.memory_space<hbm>> -> memref<40x128xi32, #tpu.memory_space<hbm>>
        %dma_start3A_237 = arith.constant 0 : i32
        %dma_start3A_238 = tpu.memref_slice %arg4[%add3A_216, %dma_start3A_237] : memref<2560x128xi32, #tpu.memory_space<hbm>> -> memref<40x128xi32, #tpu.memory_space<hbm>>
        tpu.enqueue_dma source(%dma_start3A_238 : memref<40x128xi32, #tpu.memory_space<hbm>>) target(%arg10 : memref<40x128xi32, #tpu.memory_space<vmem>>) target_semaphore(%run_scoped3A : memref<!tpu.dma_semaphore, #tpu.memory_space<semaphore_mem>>)
        %dma_wait3A_239 = arith.constant 0 : i32
        %dma_wait3A_240 = tpu.memref_slice %arg4[%add3A_216, %dma_wait3A_239] : memref<2560x128xi32, #tpu.memory_space<hbm>> -> memref<40x128xi32, #tpu.memory_space<hbm>>
        %dma_wait3A_241 = arith.constant 0 : i32
        %dma_wait3A_242 = tpu.memref_slice %arg4[%add3A_216, %dma_wait3A_241] : memref<2560x128xi32, #tpu.memory_space<hbm>> -> memref<40x128xi32, #tpu.memory_space<hbm>>
        tpu.wait_dma2 semaphore(%run_scoped3A : memref<!tpu.dma_semaphore, #tpu.memory_space<semaphore_mem>>) src(%dma_wait3A_242 : memref<40x128xi32, #tpu.memory_space<hbm>>) dst(%arg10 : memref<40x128xi32, #tpu.memory_space<vmem>>)
        tpu.yield
      }) : () -> ()
      "tpu.region"() ({
        %run_scoped3A = tpu.sem_alloc : memref<!tpu.dma_semaphore, #tpu.memory_space<semaphore_mem>>
        %dma_start3A_235 = arith.constant 0 : i32
        %dma_start3A_236 = tpu.memref_slice %arg5[%add3A_216, %dma_start3A_235] : memref<2560x128xf32, #tpu.memory_space<hbm>> -> memref<40x128xf32, #tpu.memory_space<hbm>>
        %dma_start3A_237 = arith.constant 0 : i32
        %dma_start3A_238 = tpu.memref_slice %arg5[%add3A_216, %dma_start3A_237] : memref<2560x128xf32, #tpu.memory_space<hbm>> -> memref<40x128xf32, #tpu.memory_space<hbm>>
        tpu.enqueue_dma source(%dma_start3A_238 : memref<40x128xf32, #tpu.memory_space<hbm>>) target(%arg11 : memref<40x128xf32, #tpu.memory_space<vmem>>) target_semaphore(%run_scoped3A : memref<!tpu.dma_semaphore, #tpu.memory_space<semaphore_mem>>)
        %dma_wait3A_239 = arith.constant 0 : i32
        %dma_wait3A_240 = tpu.memref_slice %arg5[%add3A_216, %dma_wait3A_239] : memref<2560x128xf32, #tpu.memory_space<hbm>> -> memref<40x128xf32, #tpu.memory_space<hbm>>
        %dma_wait3A_241 = arith.constant 0 : i32
        %dma_wait3A_242 = tpu.memref_slice %arg5[%add3A_216, %dma_wait3A_241] : memref<2560x128xf32, #tpu.memory_space<hbm>> -> memref<40x128xf32, #tpu.memory_space<hbm>>
        tpu.wait_dma2 semaphore(%run_scoped3A : memref<!tpu.dma_semaphore, #tpu.memory_space<semaphore_mem>>) src(%dma_wait3A_242 : memref<40x128xf32, #tpu.memory_space<hbm>>) dst(%arg11 : memref<40x128xf32, #tpu.memory_space<vmem>>)
        tpu.yield
      }) : () -> ()
      %dma_start3A_217 = arith.constant 0 : i32
      %dma_start3A_218 = arith.constant 0 : i32
      %dma_start3A_219 = tpu.memref_slice %arg9[%dma_start3A_217, %dma_start3A_218] : memref<40x128xi32, #tpu.memory_space<vmem>> -> memref<1x128xi32, #tpu.memory_space<vmem>>
      %dma_start3A_220 = tpu.memref_squeeze %dma_start3A_219 : memref<1x128xi32, #tpu.memory_space<vmem>> -> memref<128xi32, #tpu.memory_space<vmem>>
      %dma_start3A_221 = arith.constant 0 : i32
      %dma_start3A_222 = arith.constant 0 : i32
      %dma_start3A_223 = tpu.memref_slice %arg2[%dma_start3A_221, %dma_start3A_222] : memref<10240x128xf32, #tpu.memory_space<hbm>> -> memref<10240x128xf32, #tpu.memory_space<hbm>>
      tpu.enqueue_indirect_dma source(%dma_start3A_223 : memref<10240x128xf32, #tpu.memory_space<hbm>>) target(%arg12 : memref<128x128xf32, #tpu.memory_space<vmem>>) offsets(%dma_start3A_220 : memref<128xi32, #tpu.memory_space<vmem>>) semaphore(%arg14 : memref<!tpu.dma_semaphore, #tpu.memory_space<semaphore_mem>>)
      %scan3A = arith.constant 0 : i32
      %scan3A_224 = arith.constant 20 : i32
      %scan3A_225 = arith.addi %scan3A, %scan3A_224 : i32
      %scan3A_226 = arith.constant 1 : i32
      scf.for %scan3A_235 = %scan3A to %scan3A_225 step %scan3A_226  : i32 {
        %mul3A_236 = arith.constant 2 : i32
        %mul3A_237 = arith.muli %scan3A_235, %mul3A_236 : i32
        %add3A_238 = arith.constant 0 : i32
        %add3A_239 = arith.addi %add3A_238, %mul3A_237 : i32
        %gt3A = arith.constant 0 : i32
        %gt3A_240 = arith.cmpi sgt, %add3A_239, %gt3A : i32
        %convert_element_type3A = arith.extui %gt3A_240 : i1 to i32
        %cond3A = arith.constant 0 : i32
        %cond3A_241 = arith.cmpi ne, %convert_element_type3A, %cond3A : i32
        scf.if %cond3A_241 {
          %sub3A_302 = arith.constant 1 : i32
          %sub3A_303 = arith.subi %add3A_239, %sub3A_302 : i32
          %dma_wait3A_304 = arith.constant 0 : i32
          %dma_wait3A_305 = tpu.memref_slice %arg10[%sub3A_303, %dma_wait3A_304] : memref<40x128xi32, #tpu.memory_space<vmem>> -> memref<1x128xi32, #tpu.memory_space<vmem>>
          %dma_wait3A_306 = tpu.memref_squeeze %dma_wait3A_305 : memref<1x128xi32, #tpu.memory_space<vmem>> -> memref<128xi32, #tpu.memory_space<vmem>>
          %dma_wait3A_307 = arith.constant 0 : i32
          %dma_wait3A_308 = arith.constant 0 : i32
          %dma_wait3A_309 = tpu.memref_slice %arg8[%dma_wait3A_307, %dma_wait3A_308] : memref<10240x128xf32, #tpu.memory_space<vmem_shared>> -> memref<10240x128xf32, #tpu.memory_space<vmem_shared>>
          tpu.wait_indirect_dma semaphore(%arg17 : memref<!tpu.dma_semaphore, #tpu.memory_space<semaphore_mem>>) src(%arg13 : memref<128x128xf32, #tpu.memory_space<vmem>>) dst(%dma_wait3A_309 : memref<10240x128xf32, #tpu.memory_space<vmem_shared>>)
        } else {
        }
        %add3A_242 = arith.constant 1 : i32
        %add3A_243 = arith.addi %add3A_239, %add3A_242 : i32
        %dma_start3A_244 = arith.constant 0 : i32
        %dma_start3A_245 = tpu.memref_slice %arg9[%add3A_243, %dma_start3A_244] : memref<40x128xi32, #tpu.memory_space<vmem>> -> memref<1x128xi32, #tpu.memory_space<vmem>>
        %dma_start3A_246 = tpu.memref_squeeze %dma_start3A_245 : memref<1x128xi32, #tpu.memory_space<vmem>> -> memref<128xi32, #tpu.memory_space<vmem>>
        %dma_start3A_247 = arith.constant 0 : i32
        %dma_start3A_248 = arith.constant 0 : i32
        %dma_start3A_249 = tpu.memref_slice %arg2[%dma_start3A_247, %dma_start3A_248] : memref<10240x128xf32, #tpu.memory_space<hbm>> -> memref<10240x128xf32, #tpu.memory_space<hbm>>
        tpu.enqueue_indirect_dma source(%dma_start3A_249 : memref<10240x128xf32, #tpu.memory_space<hbm>>) target(%arg13 : memref<128x128xf32, #tpu.memory_space<vmem>>) offsets(%dma_start3A_246 : memref<128xi32, #tpu.memory_space<vmem>>) semaphore(%arg15 : memref<!tpu.dma_semaphore, #tpu.memory_space<semaphore_mem>>)
        %dma_wait3A_250 = arith.constant 0 : i32
        %dma_wait3A_251 = tpu.memref_slice %arg9[%add3A_239, %dma_wait3A_250] : memref<40x128xi32, #tpu.memory_space<vmem>> -> memref<1x128xi32, #tpu.memory_space<vmem>>
        %dma_wait3A_252 = tpu.memref_squeeze %dma_wait3A_251 : memref<1x128xi32, #tpu.memory_space<vmem>> -> memref<128xi32, #tpu.memory_space<vmem>>
        %dma_wait3A_253 = arith.constant 0 : i32
        %dma_wait3A_254 = arith.constant 0 : i32
        %dma_wait3A_255 = tpu.memref_slice %arg2[%dma_wait3A_253, %dma_wait3A_254] : memref<10240x128xf32, #tpu.memory_space<hbm>> -> memref<10240x128xf32, #tpu.memory_space<hbm>>
        tpu.wait_indirect_dma semaphore(%arg14 : memref<!tpu.dma_semaphore, #tpu.memory_space<semaphore_mem>>) src(%dma_wait3A_255 : memref<10240x128xf32, #tpu.memory_space<hbm>>) dst(%arg12 : memref<128x128xf32, #tpu.memory_space<vmem>>)
        %scan3A_256 = arith.constant 0 : i32
        %scan3A_257 = arith.constant 32 : i32
        %scan3A_258 = arith.addi %scan3A_256, %scan3A_257 : i32
        %scan3A_259 = arith.constant 1 : i32
        scf.for %scan3A_302 = %scan3A_256 to %scan3A_258 step %scan3A_259  : i32 {
          %mul3A_303 = arith.constant 4 : i32
          %mul3A_304 = arith.muli %scan3A_302, %mul3A_303 : i32
          %add3A_305 = arith.constant 0 : i32
          %add3A_306 = arith.addi %add3A_305, %mul3A_304 : i32
          %add3A_307 = arith.constant 0 : i32
          %add3A_308 = arith.addi %add3A_306, %add3A_307 : i32
          %broadcast_in_dim3A = vector.broadcast %add3A_308 : i32 to vector<16xi32>
          %gather3A = arith.constant 0 : i32
          %gather3A_309 = tpu.memref_slice %arg11[%add3A_239, %gather3A] : memref<40x128xf32, #tpu.memory_space<vmem>> -> memref<1x128xf32, #tpu.memory_space<vmem>>
          %gather3A_310 = tpu.memref_squeeze %gather3A_309 : memref<1x128xf32, #tpu.memory_space<vmem>> -> memref<128xf32, #tpu.memory_space<vmem>>
          %gather3A_311 = tpu.vector_load_idx %gather3A_310[%broadcast_in_dim3A] : memref<128xf32, #tpu.memory_space<vmem>>[vector<16xi32>], vector<16xf32>,
          %get3A = arith.index_cast %add3A_308 : i32 to index
          %get3A_312 = arith.constant 0 : index
          %get3A_313 = tpu.vector_load %arg12[%get3A, %get3A_312] {strides = array<i32>} : memref<128x128xf32, #tpu.memory_space<vmem>>, vector<16xf32>,
          %mul3A_314 = arith.mulf %get3A_313, %gather3A_311 : vector<16xf32>
          %swap3A = arith.index_cast %add3A_308 : i32 to index
          %swap3A_315 = arith.constant 0 : index
          %swap3A_316 = tpu.vector_load %arg12[%swap3A, %swap3A_315] {strides = array<i32>} : memref<128x128xf32, #tpu.memory_space<vmem>>, vector<16xf32>,
          tpu.vector_store %arg12[%swap3A, %swap3A_315], %mul3A_314 {strides = array<i32>} : memref<128x128xf32, #tpu.memory_space<vmem>>, vector<16xf32>,
          %get3A_317 = arith.index_cast %add3A_308 : i32 to index
          %get3A_318 = arith.constant 16 : index
          %get3A_319 = tpu.vector_load %arg12[%get3A_317, %get3A_318] {strides = array<i32>} : memref<128x128xf32, #tpu.memory_space<vmem>>, vector<16xf32>,
          %mul3A_320 = arith.mulf %get3A_319, %gather3A_311 : vector<16xf32>
          %swap3A_321 = arith.index_cast %add3A_308 : i32 to index
          %swap3A_322 = arith.constant 16 : index
          %swap3A_323 = tpu.vector_load %arg12[%swap3A_321, %swap3A_322] {strides = array<i32>} : memref<128x128xf32, #tpu.memory_space<vmem>>, vector<16xf32>,
          tpu.vector_store %arg12[%swap3A_321, %swap3A_322], %mul3A_320 {strides = array<i32>} : memref<128x128xf32, #tpu.memory_space<vmem>>, vector<16xf32>,
          %get3A_324 = arith.index_cast %add3A_308 : i32 to index
          %get3A_325 = arith.constant 32 : index
          %get3A_326 = tpu.vector_load %arg12[%get3A_324, %get3A_325] {strides = array<i32>} : memref<128x128xf32, #tpu.memory_space<vmem>>, vector<16xf32>,
          %mul3A_327 = arith.mulf %get3A_326, %gather3A_311 : vector<16xf32>
          %swap3A_328 = arith.index_cast %add3A_308 : i32 to index
          %swap3A_329 = arith.constant 32 : index
          %swap3A_330 = tpu.vector_load %arg12[%swap3A_328, %swap3A_329] {strides = array<i32>} : memref<128x128xf32, #tpu.memory_space<vmem>>, vector<16xf32>,
          tpu.vector_store %arg12[%swap3A_328, %swap3A_329], %mul3A_327 {strides = array<i32>} : memref<128x128xf32, #tpu.memory_space<vmem>>, vector<16xf32>,
          %get3A_331 = arith.index_cast %add3A_308 : i32 to index
          %get3A_332 = arith.constant 48 : index
          %get3A_333 = tpu.vector_load %arg12[%get3A_331, %get3A_332] {strides = array<i32>} : memref<128x128xf32, #tpu.memory_space<vmem>>, vector<16xf32>,
          %mul3A_334 = arith.mulf %get3A_333, %gather3A_311 : vector<16xf32>
          %swap3A_335 = arith.index_cast %add3A_308 : i32 to index
          %swap3A_336 = arith.constant 48 : index
          %swap3A_337 = tpu.vector_load %arg12[%swap3A_335, %swap3A_336] {strides = array<i32>} : memref<128x128xf32, #tpu.memory_space<vmem>>, vector<16xf32>,
          tpu.vector_store %arg12[%swap3A_335, %swap3A_336], %mul3A_334 {strides = array<i32>} : memref<128x128xf32, #tpu.memory_space<vmem>>, vector<16xf32>,
          %get3A_338 = arith.index_cast %add3A_308 : i32 to index
          %get3A_339 = arith.constant 64 : index
          %get3A_340 = tpu.vector_load %arg12[%get3A_338, %get3A_339] {strides = array<i32>} : memref<128x128xf32, #tpu.memory_space<vmem>>, vector<16xf32>,
          %mul3A_341 = arith.mulf %get3A_340, %gather3A_311 : vector<16xf32>
          %swap3A_342 = arith.index_cast %add3A_308 : i32 to index
          %swap3A_343 = arith.constant 64 : index
          %swap3A_344 = tpu.vector_load %arg12[%swap3A_342, %swap3A_343] {strides = array<i32>} : memref<128x128xf32, #tpu.memory_space<vmem>>, vector<16xf32>,
          tpu.vector_store %arg12[%swap3A_342, %swap3A_343], %mul3A_341 {strides = array<i32>} : memref<128x128xf32, #tpu.memory_space<vmem>>, vector<16xf32>,
          %get3A_345 = arith.index_cast %add3A_308 : i32 to index
          %get3A_346 = arith.constant 80 : index
          %get3A_347 = tpu.vector_load %arg12[%get3A_345, %get3A_346] {strides = array<i32>} : memref<128x128xf32, #tpu.memory_space<vmem>>, vector<16xf32>,
          %mul3A_348 = arith.mulf %get3A_347, %gather3A_311 : vector<16xf32>
          %swap3A_349 = arith.index_cast %add3A_308 : i32 to index
          %swap3A_350 = arith.constant 80 : index
          %swap3A_351 = tpu.vector_load %arg12[%swap3A_349, %swap3A_350] {strides = array<i32>} : memref<128x128xf32, #tpu.memory_space<vmem>>, vector<16xf32>,
          tpu.vector_store %arg12[%swap3A_349, %swap3A_350], %mul3A_348 {strides = array<i32>} : memref<128x128xf32, #tpu.memory_space<vmem>>, vector<16xf32>,
          %get3A_352 = arith.index_cast %add3A_308 : i32 to index
          %get3A_353 = arith.constant 96 : index
          %get3A_354 = tpu.vector_load %arg12[%get3A_352, %get3A_353] {strides = array<i32>} : memref<128x128xf32, #tpu.memory_space<vmem>>, vector<16xf32>,
          %mul3A_355 = arith.mulf %get3A_354, %gather3A_311 : vector<16xf32>
          %swap3A_356 = arith.index_cast %add3A_308 : i32 to index
          %swap3A_357 = arith.constant 96 : index
          %swap3A_358 = tpu.vector_load %arg12[%swap3A_356, %swap3A_357] {strides = array<i32>} : memref<128x128xf32, #tpu.memory_space<vmem>>, vector<16xf32>,
          tpu.vector_store %arg12[%swap3A_356, %swap3A_357], %mul3A_355 {strides = array<i32>} : memref<128x128xf32, #tpu.memory_space<vmem>>, vector<16xf32>,
          %get3A_359 = arith.index_cast %add3A_308 : i32 to index
          %get3A_360 = arith.constant 112 : index
          %get3A_361 = tpu.vector_load %arg12[%get3A_359, %get3A_360] {strides = array<i32>} : memref<128x128xf32, #tpu.memory_space<vmem>>, vector<16xf32>,
          %mul3A_362 = arith.mulf %get3A_361, %gather3A_311 : vector<16xf32>
          %swap3A_363 = arith.index_cast %add3A_308 : i32 to index
          %swap3A_364 = arith.constant 112 : index
          %swap3A_365 = tpu.vector_load %arg12[%swap3A_363, %swap3A_364] {strides = array<i32>} : memref<128x128xf32, #tpu.memory_space<vmem>>, vector<16xf32>,
          tpu.vector_store %arg12[%swap3A_363, %swap3A_364], %mul3A_362 {strides = array<i32>} : memref<128x128xf32, #tpu.memory_space<vmem>>, vector<16xf32>,
          %add3A_366 = arith.constant 1 : i32
          %add3A_367 = arith.addi %add3A_306, %add3A_366 : i32
          %broadcast_in_dim3A_368 = vector.broadcast %add3A_367 : i32 to vector<16xi32>
          %gather3A_369 = arith.constant 0 : i32
          %gather3A_370 = tpu.memref_slice %arg11[%add3A_239, %gather3A_369] : memref<40x128xf32, #tpu.memory_space<vmem>> -> memref<1x128xf32, #tpu.memory_space<vmem>>
          %gather3A_371 = tpu.memref_squeeze %gather3A_370 : memref<1x128xf32, #tpu.memory_space<vmem>> -> memref<128xf32, #tpu.memory_space<vmem>>
          %gather3A_372 = tpu.vector_load_idx %gather3A_371[%broadcast_in_dim3A_368] : memref<128xf32, #tpu.memory_space<vmem>>[vector<16xi32>], vector<16xf32>,
          %get3A_373 = arith.index_cast %add3A_367 : i32 to index
          %get3A_374 = arith.constant 0 : index
          %get3A_375 = tpu.vector_load %arg12[%get3A_373, %get3A_374] {strides = array<i32>} : memref<128x128xf32, #tpu.memory_space<vmem>>, vector<16xf32>,
          %mul3A_376 = arith.mulf %get3A_375, %gather3A_372 : vector<16xf32>
          %swap3A_377 = arith.index_cast %add3A_367 : i32 to index
          %swap3A_378 = arith.constant 0 : index
          %swap3A_379 = tpu.vector_load %arg12[%swap3A_377, %swap3A_378] {strides = array<i32>} : memref<128x128xf32, #tpu.memory_space<vmem>>, vector<16xf32>,
          tpu.vector_store %arg12[%swap3A_377, %swap3A_378], %mul3A_376 {strides = array<i32>} : memref<128x128xf32, #tpu.memory_space<vmem>>, vector<16xf32>,
          %get3A_380 = arith.index_cast %add3A_367 : i32 to index
          %get3A_381 = arith.constant 16 : index
          %get3A_382 = tpu.vector_load %arg12[%get3A_380, %get3A_381] {strides = array<i32>} : memref<128x128xf32, #tpu.memory_space<vmem>>, vector<16xf32>,
          %mul3A_383 = arith.mulf %get3A_382, %gather3A_372 : vector<16xf32>
          %swap3A_384 = arith.index_cast %add3A_367 : i32 to index
          %swap3A_385 = arith.constant 16 : index
          %swap3A_386 = tpu.vector_load %arg12[%swap3A_384, %swap3A_385] {strides = array<i32>} : memref<128x128xf32, #tpu.memory_space<vmem>>, vector<16xf32>,
          tpu.vector_store %arg12[%swap3A_384, %swap3A_385], %mul3A_383 {strides = array<i32>} : memref<128x128xf32, #tpu.memory_space<vmem>>, vector<16xf32>,
          %get3A_387 = arith.index_cast %add3A_367 : i32 to index
          %get3A_388 = arith.constant 32 : index
          %get3A_389 = tpu.vector_load %arg12[%get3A_387, %get3A_388] {strides = array<i32>} : memref<128x128xf32, #tpu.memory_space<vmem>>, vector<16xf32>,
          %mul3A_390 = arith.mulf %get3A_389, %gather3A_372 : vector<16xf32>
          %swap3A_391 = arith.index_cast %add3A_367 : i32 to index
          %swap3A_392 = arith.constant 32 : index
          %swap3A_393 = tpu.vector_load %arg12[%swap3A_391, %swap3A_392] {strides = array<i32>} : memref<128x128xf32, #tpu.memory_space<vmem>>, vector<16xf32>,
          tpu.vector_store %arg12[%swap3A_391, %swap3A_392], %mul3A_390 {strides = array<i32>} : memref<128x128xf32, #tpu.memory_space<vmem>>, vector<16xf32>,
          %get3A_394 = arith.index_cast %add3A_367 : i32 to index
          %get3A_395 = arith.constant 48 : index
          %get3A_396 = tpu.vector_load %arg12[%get3A_394, %get3A_395] {strides = array<i32>} : memref<128x128xf32, #tpu.memory_space<vmem>>, vector<16xf32>,
          %mul3A_397 = arith.mulf %get3A_396, %gather3A_372 : vector<16xf32>
          %swap3A_398 = arith.index_cast %add3A_367 : i32 to index
          %swap3A_399 = arith.constant 48 : index
          %swap3A_400 = tpu.vector_load %arg12[%swap3A_398, %swap3A_399] {strides = array<i32>} : memref<128x128xf32, #tpu.memory_space<vmem>>, vector<16xf32>,
          tpu.vector_store %arg12[%swap3A_398, %swap3A_399], %mul3A_397 {strides = array<i32>} : memref<128x128xf32, #tpu.memory_space<vmem>>, vector<16xf32>,
          %get3A_401 = arith.index_cast %add3A_367 : i32 to index
          %get3A_402 = arith.constant 64 : index
          %get3A_403 = tpu.vector_load %arg12[%get3A_401, %get3A_402] {strides = array<i32>} : memref<128x128xf32, #tpu.memory_space<vmem>>, vector<16xf32>,
          %mul3A_404 = arith.mulf %get3A_403, %gather3A_372 : vector<16xf32>
          %swap3A_405 = arith.index_cast %add3A_367 : i32 to index
          %swap3A_406 = arith.constant 64 : index
          %swap3A_407 = tpu.vector_load %arg12[%swap3A_405, %swap3A_406] {strides = array<i32>} : memref<128x128xf32, #tpu.memory_space<vmem>>, vector<16xf32>,
          tpu.vector_store %arg12[%swap3A_405, %swap3A_406], %mul3A_404 {strides = array<i32>} : memref<128x128xf32, #tpu.memory_space<vmem>>, vector<16xf32>,
          %get3A_408 = arith.index_cast %add3A_367 : i32 to index
          %get3A_409 = arith.constant 80 : index
          %get3A_410 = tpu.vector_load %arg12[%get3A_408, %get3A_409] {strides = array<i32>} : memref<128x128xf32, #tpu.memory_space<vmem>>, vector<16xf32>,
          %mul3A_411 = arith.mulf %get3A_410, %gather3A_372 : vector<16xf32>
          %swap3A_412 = arith.index_cast %add3A_367 : i32 to index
          %swap3A_413 = arith.constant 80 : index
          %swap3A_414 = tpu.vector_load %arg12[%swap3A_412, %swap3A_413] {strides = array<i32>} : memref<128x128xf32, #tpu.memory_space<vmem>>, vector<16xf32>,
          tpu.vector_store %arg12[%swap3A_412, %swap3A_413], %mul3A_411 {strides = array<i32>} : memref<128x128xf32, #tpu.memory_space<vmem>>, vector<16xf32>,
          %get3A_415 = arith.index_cast %add3A_367 : i32 to index
          %get3A_416 = arith.constant 96 : index
          %get3A_417 = tpu.vector_load %arg12[%get3A_415, %get3A_416] {strides = array<i32>} : memref<128x128xf32, #tpu.memory_space<vmem>>, vector<16xf32>,
          %mul3A_418 = arith.mulf %get3A_417, %gather3A_372 : vector<16xf32>
          %swap3A_419 = arith.index_cast %add3A_367 : i32 to index
          %swap3A_420 = arith.constant 96 : index
          %swap3A_421 = tpu.vector_load %arg12[%swap3A_419, %swap3A_420] {strides = array<i32>} : memref<128x128xf32, #tpu.memory_space<vmem>>, vector<16xf32>,
          tpu.vector_store %arg12[%swap3A_419, %swap3A_420], %mul3A_418 {strides = array<i32>} : memref<128x128xf32, #tpu.memory_space<vmem>>, vector<16xf32>,
          %get3A_422 = arith.index_cast %add3A_367 : i32 to index
          %get3A_423 = arith.constant 112 : index
          %get3A_424 = tpu.vector_load %arg12[%get3A_422, %get3A_423] {strides = array<i32>} : memref<128x128xf32, #tpu.memory_space<vmem>>, vector<16xf32>,
          %mul3A_425 = arith.mulf %get3A_424, %gather3A_372 : vector<16xf32>
          %swap3A_426 = arith.index_cast %add3A_367 : i32 to index
          %swap3A_427 = arith.constant 112 : index
          %swap3A_428 = tpu.vector_load %arg12[%swap3A_426, %swap3A_427] {strides = array<i32>} : memref<128x128xf32, #tpu.memory_space<vmem>>, vector<16xf32>,
          tpu.vector_store %arg12[%swap3A_426, %swap3A_427], %mul3A_425 {strides = array<i32>} : memref<128x128xf32, #tpu.memory_space<vmem>>, vector<16xf32>,
          %add3A_429 = arith.constant 2 : i32
          %add3A_430 = arith.addi %add3A_306, %add3A_429 : i32
          %broadcast_in_dim3A_431 = vector.broadcast %add3A_430 : i32 to vector<16xi32>
          %gather3A_432 = arith.constant 0 : i32
          %gather3A_433 = tpu.memref_slice %arg11[%add3A_239, %gather3A_432] : memref<40x128xf32, #tpu.memory_space<vmem>> -> memref<1x128xf32, #tpu.memory_space<vmem>>
          %gather3A_434 = tpu.memref_squeeze %gather3A_433 : memref<1x128xf32, #tpu.memory_space<vmem>> -> memref<128xf32, #tpu.memory_space<vmem>>
          %gather3A_435 = tpu.vector_load_idx %gather3A_434[%broadcast_in_dim3A_431] : memref<128xf32, #tpu.memory_space<vmem>>[vector<16xi32>], vector<16xf32>,
          %get3A_436 = arith.index_cast %add3A_430 : i32 to index
          %get3A_437 = arith.constant 0 : index
          %get3A_438 = tpu.vector_load %arg12[%get3A_436, %get3A_437] {strides = array<i32>} : memref<128x128xf32, #tpu.memory_space<vmem>>, vector<16xf32>,
          %mul3A_439 = arith.mulf %get3A_438, %gather3A_435 : vector<16xf32>
          %swap3A_440 = arith.index_cast %add3A_430 : i32 to index
          %swap3A_441 = arith.constant 0 : index
          %swap3A_442 = tpu.vector_load %arg12[%swap3A_440, %swap3A_441] {strides = array<i32>} : memref<128x128xf32, #tpu.memory_space<vmem>>, vector<16xf32>,
          tpu.vector_store %arg12[%swap3A_440, %swap3A_441], %mul3A_439 {strides = array<i32>} : memref<128x128xf32, #tpu.memory_space<vmem>>, vector<16xf32>,
          %get3A_443 = arith.index_cast %add3A_430 : i32 to index
          %get3A_444 = arith.constant 16 : index
          %get3A_445 = tpu.vector_load %arg12[%get3A_443, %get3A_444] {strides = array<i32>} : memref<128x128xf32, #tpu.memory_space<vmem>>, vector<16xf32>,
          %mul3A_446 = arith.mulf %get3A_445, %gather3A_435 : vector<16xf32>
          %swap3A_447 = arith.index_cast %add3A_430 : i32 to index
          %swap3A_448 = arith.constant 16 : index
          %swap3A_449 = tpu.vector_load %arg12[%swap3A_447, %swap3A_448] {strides = array<i32>} : memref<128x128xf32, #tpu.memory_space<vmem>>, vector<16xf32>,
          tpu.vector_store %arg12[%swap3A_447, %swap3A_448], %mul3A_446 {strides = array<i32>} : memref<128x128xf32, #tpu.memory_space<vmem>>, vector<16xf32>,
          %get3A_450 = arith.index_cast %add3A_430 : i32 to index
          %get3A_451 = arith.constant 32 : index
          %get3A_452 = tpu.vector_load %arg12[%get3A_450, %get3A_451] {strides = array<i32>} : memref<128x128xf32, #tpu.memory_space<vmem>>, vector<16xf32>,
          %mul3A_453 = arith.mulf %get3A_452, %gather3A_435 : vector<16xf32>
          %swap3A_454 = arith.index_cast %add3A_430 : i32 to index
          %swap3A_455 = arith.constant 32 : index
          %swap3A_456 = tpu.vector_load %arg12[%swap3A_454, %swap3A_455] {strides = array<i32>} : memref<128x128xf32, #tpu.memory_space<vmem>>, vector<16xf32>,
          tpu.vector_store %arg12[%swap3A_454, %swap3A_455], %mul3A_453 {strides = array<i32>} : memref<128x128xf32, #tpu.memory_space<vmem>>, vector<16xf32>,
          %get3A_457 = arith.index_cast %add3A_430 : i32 to index
          %get3A_458 = arith.constant 48 : index
          %get3A_459 = tpu.vector_load %arg12[%get3A_457, %get3A_458] {strides = array<i32>} : memref<128x128xf32, #tpu.memory_space<vmem>>, vector<16xf32>,
          %mul3A_460 = arith.mulf %get3A_459, %gather3A_435 : vector<16xf32>
          %swap3A_461 = arith.index_cast %add3A_430 : i32 to index
          %swap3A_462 = arith.constant 48 : index
          %swap3A_463 = tpu.vector_load %arg12[%swap3A_461, %swap3A_462] {strides = array<i32>} : memref<128x128xf32, #tpu.memory_space<vmem>>, vector<16xf32>,
          tpu.vector_store %arg12[%swap3A_461, %swap3A_462], %mul3A_460 {strides = array<i32>} : memref<128x128xf32, #tpu.memory_space<vmem>>, vector<16xf32>,
          %get3A_464 = arith.index_cast %add3A_430 : i32 to index
          %get3A_465 = arith.constant 64 : index
          %get3A_466 = tpu.vector_load %arg12[%get3A_464, %get3A_465] {strides = array<i32>} : memref<128x128xf32, #tpu.memory_space<vmem>>, vector<16xf32>,
          %mul3A_467 = arith.mulf %get3A_466, %gather3A_435 : vector<16xf32>
          %swap3A_468 = arith.index_cast %add3A_430 : i32 to index
          %swap3A_469 = arith.constant 64 : index
          %swap3A_470 = tpu.vector_load %arg12[%swap3A_468, %swap3A_469] {strides = array<i32>} : memref<128x128xf32, #tpu.memory_space<vmem>>, vector<16xf32>,
          tpu.vector_store %arg12[%swap3A_468, %swap3A_469], %mul3A_467 {strides = array<i32>} : memref<128x128xf32, #tpu.memory_space<vmem>>, vector<16xf32>,
          %get3A_471 = arith.index_cast %add3A_430 : i32 to index
          %get3A_472 = arith.constant 80 : index
          %get3A_473 = tpu.vector_load %arg12[%get3A_471, %get3A_472] {strides = array<i32>} : memref<128x128xf32, #tpu.memory_space<vmem>>, vector<16xf32>,
          %mul3A_474 = arith.mulf %get3A_473, %gather3A_435 : vector<16xf32>
          %swap3A_475 = arith.index_cast %add3A_430 : i32 to index
          %swap3A_476 = arith.constant 80 : index
          %swap3A_477 = tpu.vector_load %arg12[%swap3A_475, %swap3A_476] {strides = array<i32>} : memref<128x128xf32, #tpu.memory_space<vmem>>, vector<16xf32>,
          tpu.vector_store %arg12[%swap3A_475, %swap3A_476], %mul3A_474 {strides = array<i32>} : memref<128x128xf32, #tpu.memory_space<vmem>>, vector<16xf32>,
          %get3A_478 = arith.index_cast %add3A_430 : i32 to index
          %get3A_479 = arith.constant 96 : index
          %get3A_480 = tpu.vector_load %arg12[%get3A_478, %get3A_479] {strides = array<i32>} : memref<128x128xf32, #tpu.memory_space<vmem>>, vector<16xf32>,
          %mul3A_481 = arith.mulf %get3A_480, %gather3A_435 : vector<16xf32>
          %swap3A_482 = arith.index_cast %add3A_430 : i32 to index
          %swap3A_483 = arith.constant 96 : index
          %swap3A_484 = tpu.vector_load %arg12[%swap3A_482, %swap3A_483] {strides = array<i32>} : memref<128x128xf32, #tpu.memory_space<vmem>>, vector<16xf32>,
          tpu.vector_store %arg12[%swap3A_482, %swap3A_483], %mul3A_481 {strides = array<i32>} : memref<128x128xf32, #tpu.memory_space<vmem>>, vector<16xf32>,
          %get3A_485 = arith.index_cast %add3A_430 : i32 to index
          %get3A_486 = arith.constant 112 : index
          %get3A_487 = tpu.vector_load %arg12[%get3A_485, %get3A_486] {strides = array<i32>} : memref<128x128xf32, #tpu.memory_space<vmem>>, vector<16xf32>,
          %mul3A_488 = arith.mulf %get3A_487, %gather3A_435 : vector<16xf32>
          %swap3A_489 = arith.index_cast %add3A_430 : i32 to index
          %swap3A_490 = arith.constant 112 : index
          %swap3A_491 = tpu.vector_load %arg12[%swap3A_489, %swap3A_490] {strides = array<i32>} : memref<128x128xf32, #tpu.memory_space<vmem>>, vector<16xf32>,
          tpu.vector_store %arg12[%swap3A_489, %swap3A_490], %mul3A_488 {strides = array<i32>} : memref<128x128xf32, #tpu.memory_space<vmem>>, vector<16xf32>,
          %add3A_492 = arith.constant 3 : i32
          %add3A_493 = arith.addi %add3A_306, %add3A_492 : i32
          %broadcast_in_dim3A_494 = vector.broadcast %add3A_493 : i32 to vector<16xi32>
          %gather3A_495 = arith.constant 0 : i32
          %gather3A_496 = tpu.memref_slice %arg11[%add3A_239, %gather3A_495] : memref<40x128xf32, #tpu.memory_space<vmem>> -> memref<1x128xf32, #tpu.memory_space<vmem>>
          %gather3A_497 = tpu.memref_squeeze %gather3A_496 : memref<1x128xf32, #tpu.memory_space<vmem>> -> memref<128xf32, #tpu.memory_space<vmem>>
          %gather3A_498 = tpu.vector_load_idx %gather3A_497[%broadcast_in_dim3A_494] : memref<128xf32, #tpu.memory_space<vmem>>[vector<16xi32>], vector<16xf32>,
          %get3A_499 = arith.index_cast %add3A_493 : i32 to index
          %get3A_500 = arith.constant 0 : index
          %get3A_501 = tpu.vector_load %arg12[%get3A_499, %get3A_500] {strides = array<i32>} : memref<128x128xf32, #tpu.memory_space<vmem>>, vector<16xf32>,
          %mul3A_502 = arith.mulf %get3A_501, %gather3A_498 : vector<16xf32>
          %swap3A_503 = arith.index_cast %add3A_493 : i32 to index
          %swap3A_504 = arith.constant 0 : index
          %swap3A_505 = tpu.vector_load %arg12[%swap3A_503, %swap3A_504] {strides = array<i32>} : memref<128x128xf32, #tpu.memory_space<vmem>>, vector<16xf32>,
          tpu.vector_store %arg12[%swap3A_503, %swap3A_504], %mul3A_502 {strides = array<i32>} : memref<128x128xf32, #tpu.memory_space<vmem>>, vector<16xf32>,
          %get3A_506 = arith.index_cast %add3A_493 : i32 to index
          %get3A_507 = arith.constant 16 : index
          %get3A_508 = tpu.vector_load %arg12[%get3A_506, %get3A_507] {strides = array<i32>} : memref<128x128xf32, #tpu.memory_space<vmem>>, vector<16xf32>,
          %mul3A_509 = arith.mulf %get3A_508, %gather3A_498 : vector<16xf32>
          %swap3A_510 = arith.index_cast %add3A_493 : i32 to index
          %swap3A_511 = arith.constant 16 : index
          %swap3A_512 = tpu.vector_load %arg12[%swap3A_510, %swap3A_511] {strides = array<i32>} : memref<128x128xf32, #tpu.memory_space<vmem>>, vector<16xf32>,
          tpu.vector_store %arg12[%swap3A_510, %swap3A_511], %mul3A_509 {strides = array<i32>} : memref<128x128xf32, #tpu.memory_space<vmem>>, vector<16xf32>,
          %get3A_513 = arith.index_cast %add3A_493 : i32 to index
          %get3A_514 = arith.constant 32 : index
          %get3A_515 = tpu.vector_load %arg12[%get3A_513, %get3A_514] {strides = array<i32>} : memref<128x128xf32, #tpu.memory_space<vmem>>, vector<16xf32>,
          %mul3A_516 = arith.mulf %get3A_515, %gather3A_498 : vector<16xf32>
          %swap3A_517 = arith.index_cast %add3A_493 : i32 to index
          %swap3A_518 = arith.constant 32 : index
          %swap3A_519 = tpu.vector_load %arg12[%swap3A_517, %swap3A_518] {strides = array<i32>} : memref<128x128xf32, #tpu.memory_space<vmem>>, vector<16xf32>,
          tpu.vector_store %arg12[%swap3A_517, %swap3A_518], %mul3A_516 {strides = array<i32>} : memref<128x128xf32, #tpu.memory_space<vmem>>, vector<16xf32>,
          %get3A_520 = arith.index_cast %add3A_493 : i32 to index
          %get3A_521 = arith.constant 48 : index
          %get3A_522 = tpu.vector_load %arg12[%get3A_520, %get3A_521] {strides = array<i32>} : memref<128x128xf32, #tpu.memory_space<vmem>>, vector<16xf32>,
          %mul3A_523 = arith.mulf %get3A_522, %gather3A_498 : vector<16xf32>
          %swap3A_524 = arith.index_cast %add3A_493 : i32 to index
          %swap3A_525 = arith.constant 48 : index
          %swap3A_526 = tpu.vector_load %arg12[%swap3A_524, %swap3A_525] {strides = array<i32>} : memref<128x128xf32, #tpu.memory_space<vmem>>, vector<16xf32>,
          tpu.vector_store %arg12[%swap3A_524, %swap3A_525], %mul3A_523 {strides = array<i32>} : memref<128x128xf32, #tpu.memory_space<vmem>>, vector<16xf32>,
          %get3A_527 = arith.index_cast %add3A_493 : i32 to index
          %get3A_528 = arith.constant 64 : index
          %get3A_529 = tpu.vector_load %arg12[%get3A_527, %get3A_528] {strides = array<i32>} : memref<128x128xf32, #tpu.memory_space<vmem>>, vector<16xf32>,
          %mul3A_530 = arith.mulf %get3A_529, %gather3A_498 : vector<16xf32>
          %swap3A_531 = arith.index_cast %add3A_493 : i32 to index
          %swap3A_532 = arith.constant 64 : index
          %swap3A_533 = tpu.vector_load %arg12[%swap3A_531, %swap3A_532] {strides = array<i32>} : memref<128x128xf32, #tpu.memory_space<vmem>>, vector<16xf32>,
          tpu.vector_store %arg12[%swap3A_531, %swap3A_532], %mul3A_530 {strides = array<i32>} : memref<128x128xf32, #tpu.memory_space<vmem>>, vector<16xf32>,
          %get3A_534 = arith.index_cast %add3A_493 : i32 to index
          %get3A_535 = arith.constant 80 : index
          %get3A_536 = tpu.vector_load %arg12[%get3A_534, %get3A_535] {strides = array<i32>} : memref<128x128xf32, #tpu.memory_space<vmem>>, vector<16xf32>,
          %mul3A_537 = arith.mulf %get3A_536, %gather3A_498 : vector<16xf32>
          %swap3A_538 = arith.index_cast %add3A_493 : i32 to index
          %swap3A_539 = arith.constant 80 : index
          %swap3A_540 = tpu.vector_load %arg12[%swap3A_538, %swap3A_539] {strides = array<i32>} : memref<128x128xf32, #tpu.memory_space<vmem>>, vector<16xf32>,
          tpu.vector_store %arg12[%swap3A_538, %swap3A_539], %mul3A_537 {strides = array<i32>} : memref<128x128xf32, #tpu.memory_space<vmem>>, vector<16xf32>,
          %get3A_541 = arith.index_cast %add3A_493 : i32 to index
          %get3A_542 = arith.constant 96 : index
          %get3A_543 = tpu.vector_load %arg12[%get3A_541, %get3A_542] {strides = array<i32>} : memref<128x128xf32, #tpu.memory_space<vmem>>, vector<16xf32>,
          %mul3A_544 = arith.mulf %get3A_543, %gather3A_498 : vector<16xf32>
          %swap3A_545 = arith.index_cast %add3A_493 : i32 to index
          %swap3A_546 = arith.constant 96 : index
          %swap3A_547 = tpu.vector_load %arg12[%swap3A_545, %swap3A_546] {strides = array<i32>} : memref<128x128xf32, #tpu.memory_space<vmem>>, vector<16xf32>,
          tpu.vector_store %arg12[%swap3A_545, %swap3A_546], %mul3A_544 {strides = array<i32>} : memref<128x128xf32, #tpu.memory_space<vmem>>, vector<16xf32>,
          %get3A_548 = arith.index_cast %add3A_493 : i32 to index
          %get3A_549 = arith.constant 112 : index
          %get3A_550 = tpu.vector_load %arg12[%get3A_548, %get3A_549] {strides = array<i32>} : memref<128x128xf32, #tpu.memory_space<vmem>>, vector<16xf32>,
          %mul3A_551 = arith.mulf %get3A_550, %gather3A_498 : vector<16xf32>
          %swap3A_552 = arith.index_cast %add3A_493 : i32 to index
          %swap3A_553 = arith.constant 112 : index
          %swap3A_554 = tpu.vector_load %arg12[%swap3A_552, %swap3A_553] {strides = array<i32>} : memref<128x128xf32, #tpu.memory_space<vmem>>, vector<16xf32>,
          tpu.vector_store %arg12[%swap3A_552, %swap3A_553], %mul3A_551 {strides = array<i32>} : memref<128x128xf32, #tpu.memory_space<vmem>>, vector<16xf32>,
        }
        %scan3A_260 = arith.constant 32 : i32
        %dma_start3A_261 = arith.constant 0 : i32
        %dma_start3A_262 = tpu.memref_slice %arg10[%add3A_239, %dma_start3A_261] : memref<40x128xi32, #tpu.memory_space<vmem>> -> memref<1x128xi32, #tpu.memory_space<vmem>>
        %dma_start3A_263 = tpu.memref_squeeze %dma_start3A_262 : memref<1x128xi32, #tpu.memory_space<vmem>> -> memref<128xi32, #tpu.memory_space<vmem>>
        %dma_start3A_264 = arith.constant 0 : i32
        %dma_start3A_265 = arith.constant 0 : i32
        %dma_start3A_266 = tpu.memref_slice %arg8[%dma_start3A_264, %dma_start3A_265] : memref<10240x128xf32, #tpu.memory_space<vmem_shared>> -> memref<10240x128xf32, #tpu.memory_space<vmem_shared>>
        tpu.enqueue_indirect_dma source(%arg12 : memref<128x128xf32, #tpu.memory_space<vmem>>) target(%dma_start3A_266 : memref<10240x128xf32, #tpu.memory_space<vmem_shared>>) offsets(%dma_start3A_263 : memref<128xi32, #tpu.memory_space<vmem>>) semaphore(%arg16 : memref<!tpu.dma_semaphore, #tpu.memory_space<semaphore_mem>>) {add = true}
        %add3A_267 = arith.constant 1 : i32
        %add3A_268 = arith.addi %add3A_239, %add3A_267 : i32
        %dma_wait3A_269 = arith.constant 0 : i32
        %dma_wait3A_270 = tpu.memref_slice %arg9[%add3A_268, %dma_wait3A_269] : memref<40x128xi32, #tpu.memory_space<vmem>> -> memref<1x128xi32, #tpu.memory_space<vmem>>
        %dma_wait3A_271 = tpu.memref_squeeze %dma_wait3A_270 : memref<1x128xi32, #tpu.memory_space<vmem>> -> memref<128xi32, #tpu.memory_space<vmem>>
        %dma_wait3A_272 = arith.constant 0 : i32
        %dma_wait3A_273 = arith.constant 0 : i32
        %dma_wait3A_274 = tpu.memref_slice %arg2[%dma_wait3A_272, %dma_wait3A_273] : memref<10240x128xf32, #tpu.memory_space<hbm>> -> memref<10240x128xf32, #tpu.memory_space<hbm>>
        tpu.wait_indirect_dma semaphore(%arg15 : memref<!tpu.dma_semaphore, #tpu.memory_space<semaphore_mem>>) src(%dma_wait3A_274 : memref<10240x128xf32, #tpu.memory_space<hbm>>) dst(%arg13 : memref<128x128xf32, #tpu.memory_space<vmem>>)
        %add3A_275 = arith.constant 1 : i32
        %add3A_276 = arith.addi %add3A_239, %add3A_275 : i32
        %scan3A_277 = arith.constant 0 : i32
        %scan3A_278 = arith.constant 32 : i32
        %scan3A_279 = arith.addi %scan3A_277, %scan3A_278 : i32
        %scan3A_280 = arith.constant 1 : i32
        scf.for %scan3A_302 = %scan3A_277 to %scan3A_279 step %scan3A_280  : i32 {
          %mul3A_303 = arith.constant 4 : i32
          %mul3A_304 = arith.muli %scan3A_302, %mul3A_303 : i32
          %add3A_305 = arith.constant 0 : i32
          %add3A_306 = arith.addi %add3A_305, %mul3A_304 : i32
          %add3A_307 = arith.constant 0 : i32
          %add3A_308 = arith.addi %add3A_306, %add3A_307 : i32
          %broadcast_in_dim3A = vector.broadcast %add3A_308 : i32 to vector<16xi32>
          %gather3A = arith.constant 0 : i32
          %gather3A_309 = tpu.memref_slice %arg11[%add3A_276, %gather3A] : memref<40x128xf32, #tpu.memory_space<vmem>> -> memref<1x128xf32, #tpu.memory_space<vmem>>
          %gather3A_310 = tpu.memref_squeeze %gather3A_309 : memref<1x128xf32, #tpu.memory_space<vmem>> -> memref<128xf32, #tpu.memory_space<vmem>>
          %gather3A_311 = tpu.vector_load_idx %gather3A_310[%broadcast_in_dim3A] : memref<128xf32, #tpu.memory_space<vmem>>[vector<16xi32>], vector<16xf32>,
          %get3A = arith.index_cast %add3A_308 : i32 to index
          %get3A_312 = arith.constant 0 : index
          %get3A_313 = tpu.vector_load %arg13[%get3A, %get3A_312] {strides = array<i32>} : memref<128x128xf32, #tpu.memory_space<vmem>>, vector<16xf32>,
          %mul3A_314 = arith.mulf %get3A_313, %gather3A_311 : vector<16xf32>
          %swap3A = arith.index_cast %add3A_308 : i32 to index
          %swap3A_315 = arith.constant 0 : index
          %swap3A_316 = tpu.vector_load %arg13[%swap3A, %swap3A_315] {strides = array<i32>} : memref<128x128xf32, #tpu.memory_space<vmem>>, vector<16xf32>,
          tpu.vector_store %arg13[%swap3A, %swap3A_315], %mul3A_314 {strides = array<i32>} : memref<128x128xf32, #tpu.memory_space<vmem>>, vector<16xf32>,
          %get3A_317 = arith.index_cast %add3A_308 : i32 to index
          %get3A_318 = arith.constant 16 : index
          %get3A_319 = tpu.vector_load %arg13[%get3A_317, %get3A_318] {strides = array<i32>} : memref<128x128xf32, #tpu.memory_space<vmem>>, vector<16xf32>,
          %mul3A_320 = arith.mulf %get3A_319, %gather3A_311 : vector<16xf32>
          %swap3A_321 = arith.index_cast %add3A_308 : i32 to index
          %swap3A_322 = arith.constant 16 : index
          %swap3A_323 = tpu.vector_load %arg13[%swap3A_321, %swap3A_322] {strides = array<i32>} : memref<128x128xf32, #tpu.memory_space<vmem>>, vector<16xf32>,
          tpu.vector_store %arg13[%swap3A_321, %swap3A_322], %mul3A_320 {strides = array<i32>} : memref<128x128xf32, #tpu.memory_space<vmem>>, vector<16xf32>,
          %get3A_324 = arith.index_cast %add3A_308 : i32 to index
          %get3A_325 = arith.constant 32 : index
          %get3A_326 = tpu.vector_load %arg13[%get3A_324, %get3A_325] {strides = array<i32>} : memref<128x128xf32, #tpu.memory_space<vmem>>, vector<16xf32>,
          %mul3A_327 = arith.mulf %get3A_326, %gather3A_311 : vector<16xf32>
          %swap3A_328 = arith.index_cast %add3A_308 : i32 to index
          %swap3A_329 = arith.constant 32 : index
          %swap3A_330 = tpu.vector_load %arg13[%swap3A_328, %swap3A_329] {strides = array<i32>} : memref<128x128xf32, #tpu.memory_space<vmem>>, vector<16xf32>,
          tpu.vector_store %arg13[%swap3A_328, %swap3A_329], %mul3A_327 {strides = array<i32>} : memref<128x128xf32, #tpu.memory_space<vmem>>, vector<16xf32>,
          %get3A_331 = arith.index_cast %add3A_308 : i32 to index
          %get3A_332 = arith.constant 48 : index
          %get3A_333 = tpu.vector_load %arg13[%get3A_331, %get3A_332] {strides = array<i32>} : memref<128x128xf32, #tpu.memory_space<vmem>>, vector<16xf32>,
          %mul3A_334 = arith.mulf %get3A_333, %gather3A_311 : vector<16xf32>
          %swap3A_335 = arith.index_cast %add3A_308 : i32 to index
          %swap3A_336 = arith.constant 48 : index
          %swap3A_337 = tpu.vector_load %arg13[%swap3A_335, %swap3A_336] {strides = array<i32>} : memref<128x128xf32, #tpu.memory_space<vmem>>, vector<16xf32>,
          tpu.vector_store %arg13[%swap3A_335, %swap3A_336], %mul3A_334 {strides = array<i32>} : memref<128x128xf32, #tpu.memory_space<vmem>>, vector<16xf32>,
          %get3A_338 = arith.index_cast %add3A_308 : i32 to index
          %get3A_339 = arith.constant 64 : index
          %get3A_340 = tpu.vector_load %arg13[%get3A_338, %get3A_339] {strides = array<i32>} : memref<128x128xf32, #tpu.memory_space<vmem>>, vector<16xf32>,
          %mul3A_341 = arith.mulf %get3A_340, %gather3A_311 : vector<16xf32>
          %swap3A_342 = arith.index_cast %add3A_308 : i32 to index
          %swap3A_343 = arith.constant 64 : index
          %swap3A_344 = tpu.vector_load %arg13[%swap3A_342, %swap3A_343] {strides = array<i32>} : memref<128x128xf32, #tpu.memory_space<vmem>>, vector<16xf32>,
          tpu.vector_store %arg13[%swap3A_342, %swap3A_343], %mul3A_341 {strides = array<i32>} : memref<128x128xf32, #tpu.memory_space<vmem>>, vector<16xf32>,
          %get3A_345 = arith.index_cast %add3A_308 : i32 to index
          %get3A_346 = arith.constant 80 : index
          %get3A_347 = tpu.vector_load %arg13[%get3A_345, %get3A_346] {strides = array<i32>} : memref<128x128xf32, #tpu.memory_space<vmem>>, vector<16xf32>,
          %mul3A_348 = arith.mulf %get3A_347, %gather3A_311 : vector<16xf32>
          %swap3A_349 = arith.index_cast %add3A_308 : i32 to index
          %swap3A_350 = arith.constant 80 : index
          %swap3A_351 = tpu.vector_load %arg13[%swap3A_349, %swap3A_350] {strides = array<i32>} : memref<128x128xf32, #tpu.memory_space<vmem>>, vector<16xf32>,
          tpu.vector_store %arg13[%swap3A_349, %swap3A_350], %mul3A_348 {strides = array<i32>} : memref<128x128xf32, #tpu.memory_space<vmem>>, vector<16xf32>,
          %get3A_352 = arith.index_cast %add3A_308 : i32 to index
          %get3A_353 = arith.constant 96 : index
          %get3A_354 = tpu.vector_load %arg13[%get3A_352, %get3A_353] {strides = array<i32>} : memref<128x128xf32, #tpu.memory_space<vmem>>, vector<16xf32>,
          %mul3A_355 = arith.mulf %get3A_354, %gather3A_311 : vector<16xf32>
          %swap3A_356 = arith.index_cast %add3A_308 : i32 to index
          %swap3A_357 = arith.constant 96 : index
          %swap3A_358 = tpu.vector_load %arg13[%swap3A_356, %swap3A_357] {strides = array<i32>} : memref<128x128xf32, #tpu.memory_space<vmem>>, vector<16xf32>,
          tpu.vector_store %arg13[%swap3A_356, %swap3A_357], %mul3A_355 {strides = array<i32>} : memref<128x128xf32, #tpu.memory_space<vmem>>, vector<16xf32>,
          %get3A_359 = arith.index_cast %add3A_308 : i32 to index
          %get3A_360 = arith.constant 112 : index
          %get3A_361 = tpu.vector_load %arg13[%get3A_359, %get3A_360] {strides = array<i32>} : memref<128x128xf32, #tpu.memory_space<vmem>>, vector<16xf32>,
          %mul3A_362 = arith.mulf %get3A_361, %gather3A_311 : vector<16xf32>
          %swap3A_363 = arith.index_cast %add3A_308 : i32 to index
          %swap3A_364 = arith.constant 112 : index
          %swap3A_365 = tpu.vector_load %arg13[%swap3A_363, %swap3A_364] {strides = array<i32>} : memref<128x128xf32, #tpu.memory_space<vmem>>, vector<16xf32>,
          tpu.vector_store %arg13[%swap3A_363, %swap3A_364], %mul3A_362 {strides = array<i32>} : memref<128x128xf32, #tpu.memory_space<vmem>>, vector<16xf32>,
          %add3A_366 = arith.constant 1 : i32
          %add3A_367 = arith.addi %add3A_306, %add3A_366 : i32
          %broadcast_in_dim3A_368 = vector.broadcast %add3A_367 : i32 to vector<16xi32>
          %gather3A_369 = arith.constant 0 : i32
          %gather3A_370 = tpu.memref_slice %arg11[%add3A_276, %gather3A_369] : memref<40x128xf32, #tpu.memory_space<vmem>> -> memref<1x128xf32, #tpu.memory_space<vmem>>
          %gather3A_371 = tpu.memref_squeeze %gather3A_370 : memref<1x128xf32, #tpu.memory_space<vmem>> -> memref<128xf32, #tpu.memory_space<vmem>>
          %gather3A_372 = tpu.vector_load_idx %gather3A_371[%broadcast_in_dim3A_368] : memref<128xf32, #tpu.memory_space<vmem>>[vector<16xi32>], vector<16xf32>,
          %get3A_373 = arith.index_cast %add3A_367 : i32 to index
          %get3A_374 = arith.constant 0 : index
          %get3A_375 = tpu.vector_load %arg13[%get3A_373, %get3A_374] {strides = array<i32>} : memref<128x128xf32, #tpu.memory_space<vmem>>, vector<16xf32>,
          %mul3A_376 = arith.mulf %get3A_375, %gather3A_372 : vector<16xf32>
          %swap3A_377 = arith.index_cast %add3A_367 : i32 to index
          %swap3A_378 = arith.constant 0 : index
          %swap3A_379 = tpu.vector_load %arg13[%swap3A_377, %swap3A_378] {strides = array<i32>} : memref<128x128xf32, #tpu.memory_space<vmem>>, vector<16xf32>,
          tpu.vector_store %arg13[%swap3A_377, %swap3A_378], %mul3A_376 {strides = array<i32>} : memref<128x128xf32, #tpu.memory_space<vmem>>, vector<16xf32>,
          %get3A_380 = arith.index_cast %add3A_367 : i32 to index
          %get3A_381 = arith.constant 16 : index
          %get3A_382 = tpu.vector_load %arg13[%get3A_380, %get3A_381] {strides = array<i32>} : memref<128x128xf32, #tpu.memory_space<vmem>>, vector<16xf32>,
          %mul3A_383 = arith.mulf %get3A_382, %gather3A_372 : vector<16xf32>
          %swap3A_384 = arith.index_cast %add3A_367 : i32 to index
          %swap3A_385 = arith.constant 16 : index
          %swap3A_386 = tpu.vector_load %arg13[%swap3A_384, %swap3A_385] {strides = array<i32>} : memref<128x128xf32, #tpu.memory_space<vmem>>, vector<16xf32>,
          tpu.vector_store %arg13[%swap3A_384, %swap3A_385], %mul3A_383 {strides = array<i32>} : memref<128x128xf32, #tpu.memory_space<vmem>>, vector<16xf32>,
          %get3A_387 = arith.index_cast %add3A_367 : i32 to index
          %get3A_388 = arith.constant 32 : index
          %get3A_389 = tpu.vector_load %arg13[%get3A_387, %get3A_388] {strides = array<i32>} : memref<128x128xf32, #tpu.memory_space<vmem>>, vector<16xf32>,
          %mul3A_390 = arith.mulf %get3A_389, %gather3A_372 : vector<16xf32>
          %swap3A_391 = arith.index_cast %add3A_367 : i32 to index
          %swap3A_392 = arith.constant 32 : index
          %swap3A_393 = tpu.vector_load %arg13[%swap3A_391, %swap3A_392] {strides = array<i32>} : memref<128x128xf32, #tpu.memory_space<vmem>>, vector<16xf32>,
          tpu.vector_store %arg13[%swap3A_391, %swap3A_392], %mul3A_390 {strides = array<i32>} : memref<128x128xf32, #tpu.memory_space<vmem>>, vector<16xf32>,
          %get3A_394 = arith.index_cast %add3A_367 : i32 to index
          %get3A_395 = arith.constant 48 : index
          %get3A_396 = tpu.vector_load %arg13[%get3A_394, %get3A_395] {strides = array<i32>} : memref<128x128xf32, #tpu.memory_space<vmem>>, vector<16xf32>,
          %mul3A_397 = arith.mulf %get3A_396, %gather3A_372 : vector<16xf32>
          %swap3A_398 = arith.index_cast %add3A_367 : i32 to index
          %swap3A_399 = arith.constant 48 : index
          %swap3A_400 = tpu.vector_load %arg13[%swap3A_398, %swap3A_399] {strides = array<i32>} : memref<128x128xf32, #tpu.memory_space<vmem>>, vector<16xf32>,
          tpu.vector_store %arg13[%swap3A_398, %swap3A_399], %mul3A_397 {strides = array<i32>} : memref<128x128xf32, #tpu.memory_space<vmem>>, vector<16xf32>,
          %get3A_401 = arith.index_cast %add3A_367 : i32 to index
          %get3A_402 = arith.constant 64 : index
          %get3A_403 = tpu.vector_load %arg13[%get3A_401, %get3A_402] {strides = array<i32>} : memref<128x128xf32, #tpu.memory_space<vmem>>, vector<16xf32>,
          %mul3A_404 = arith.mulf %get3A_403, %gather3A_372 : vector<16xf32>
          %swap3A_405 = arith.index_cast %add3A_367 : i32 to index
          %swap3A_406 = arith.constant 64 : index
          %swap3A_407 = tpu.vector_load %arg13[%swap3A_405, %swap3A_406] {strides = array<i32>} : memref<128x128xf32, #tpu.memory_space<vmem>>, vector<16xf32>,
          tpu.vector_store %arg13[%swap3A_405, %swap3A_406], %mul3A_404 {strides = array<i32>} : memref<128x128xf32, #tpu.memory_space<vmem>>, vector<16xf32>,
          %get3A_408 = arith.index_cast %add3A_367 : i32 to index
          %get3A_409 = arith.constant 80 : index
          %get3A_410 = tpu.vector_load %arg13[%get3A_408, %get3A_409] {strides = array<i32>} : memref<128x128xf32, #tpu.memory_space<vmem>>, vector<16xf32>,
          %mul3A_411 = arith.mulf %get3A_410, %gather3A_372 : vector<16xf32>
          %swap3A_412 = arith.index_cast %add3A_367 : i32 to index
          %swap3A_413 = arith.constant 80 : index
          %swap3A_414 = tpu.vector_load %arg13[%swap3A_412, %swap3A_413] {strides = array<i32>} : memref<128x128xf32, #tpu.memory_space<vmem>>, vector<16xf32>,
          tpu.vector_store %arg13[%swap3A_412, %swap3A_413], %mul3A_411 {strides = array<i32>} : memref<128x128xf32, #tpu.memory_space<vmem>>, vector<16xf32>,
          %get3A_415 = arith.index_cast %add3A_367 : i32 to index
          %get3A_416 = arith.constant 96 : index
          %get3A_417 = tpu.vector_load %arg13[%get3A_415, %get3A_416] {strides = array<i32>} : memref<128x128xf32, #tpu.memory_space<vmem>>, vector<16xf32>,
          %mul3A_418 = arith.mulf %get3A_417, %gather3A_372 : vector<16xf32>
          %swap3A_419 = arith.index_cast %add3A_367 : i32 to index
          %swap3A_420 = arith.constant 96 : index
          %swap3A_421 = tpu.vector_load %arg13[%swap3A_419, %swap3A_420] {strides = array<i32>} : memref<128x128xf32, #tpu.memory_space<vmem>>, vector<16xf32>,
          tpu.vector_store %arg13[%swap3A_419, %swap3A_420], %mul3A_418 {strides = array<i32>} : memref<128x128xf32, #tpu.memory_space<vmem>>, vector<16xf32>,
          %get3A_422 = arith.index_cast %add3A_367 : i32 to index
          %get3A_423 = arith.constant 112 : index
          %get3A_424 = tpu.vector_load %arg13[%get3A_422, %get3A_423] {strides = array<i32>} : memref<128x128xf32, #tpu.memory_space<vmem>>, vector<16xf32>,
          %mul3A_425 = arith.mulf %get3A_424, %gather3A_372 : vector<16xf32>
          %swap3A_426 = arith.index_cast %add3A_367 : i32 to index
          %swap3A_427 = arith.constant 112 : index
          %swap3A_428 = tpu.vector_load %arg13[%swap3A_426, %swap3A_427] {strides = array<i32>} : memref<128x128xf32, #tpu.memory_space<vmem>>, vector<16xf32>,
          tpu.vector_store %arg13[%swap3A_426, %swap3A_427], %mul3A_425 {strides = array<i32>} : memref<128x128xf32, #tpu.memory_space<vmem>>, vector<16xf32>,
          %add3A_429 = arith.constant 2 : i32
          %add3A_430 = arith.addi %add3A_306, %add3A_429 : i32
          %broadcast_in_dim3A_431 = vector.broadcast %add3A_430 : i32 to vector<16xi32>
          %gather3A_432 = arith.constant 0 : i32
          %gather3A_433 = tpu.memref_slice %arg11[%add3A_276, %gather3A_432] : memref<40x128xf32, #tpu.memory_space<vmem>> -> memref<1x128xf32, #tpu.memory_space<vmem>>
          %gather3A_434 = tpu.memref_squeeze %gather3A_433 : memref<1x128xf32, #tpu.memory_space<vmem>> -> memref<128xf32, #tpu.memory_space<vmem>>
          %gather3A_435 = tpu.vector_load_idx %gather3A_434[%broadcast_in_dim3A_431] : memref<128xf32, #tpu.memory_space<vmem>>[vector<16xi32>], vector<16xf32>,
          %get3A_436 = arith.index_cast %add3A_430 : i32 to index
          %get3A_437 = arith.constant 0 : index
          %get3A_438 = tpu.vector_load %arg13[%get3A_436, %get3A_437] {strides = array<i32>} : memref<128x128xf32, #tpu.memory_space<vmem>>, vector<16xf32>,
          %mul3A_439 = arith.mulf %get3A_438, %gather3A_435 : vector<16xf32>
          %swap3A_440 = arith.index_cast %add3A_430 : i32 to index
          %swap3A_441 = arith.constant 0 : index
          %swap3A_442 = tpu.vector_load %arg13[%swap3A_440, %swap3A_441] {strides = array<i32>} : memref<128x128xf32, #tpu.memory_space<vmem>>, vector<16xf32>,
          tpu.vector_store %arg13[%swap3A_440, %swap3A_441], %mul3A_439 {strides = array<i32>} : memref<128x128xf32, #tpu.memory_space<vmem>>, vector<16xf32>,
          %get3A_443 = arith.index_cast %add3A_430 : i32 to index
          %get3A_444 = arith.constant 16 : index
          %get3A_445 = tpu.vector_load %arg13[%get3A_443, %get3A_444] {strides = array<i32>} : memref<128x128xf32, #tpu.memory_space<vmem>>, vector<16xf32>,
          %mul3A_446 = arith.mulf %get3A_445, %gather3A_435 : vector<16xf32>
          %swap3A_447 = arith.index_cast %add3A_430 : i32 to index
          %swap3A_448 = arith.constant 16 : index
          %swap3A_449 = tpu.vector_load %arg13[%swap3A_447, %swap3A_448] {strides = array<i32>} : memref<128x128xf32, #tpu.memory_space<vmem>>, vector<16xf32>,
          tpu.vector_store %arg13[%swap3A_447, %swap3A_448], %mul3A_446 {strides = array<i32>} : memref<128x128xf32, #tpu.memory_space<vmem>>, vector<16xf32>,
          %get3A_450 = arith.index_cast %add3A_430 : i32 to index
          %get3A_451 = arith.constant 32 : index
          %get3A_452 = tpu.vector_load %arg13[%get3A_450, %get3A_451] {strides = array<i32>} : memref<128x128xf32, #tpu.memory_space<vmem>>, vector<16xf32>,
          %mul3A_453 = arith.mulf %get3A_452, %gather3A_435 : vector<16xf32>
          %swap3A_454 = arith.index_cast %add3A_430 : i32 to index
          %swap3A_455 = arith.constant 32 : index
          %swap3A_456 = tpu.vector_load %arg13[%swap3A_454, %swap3A_455] {strides = array<i32>} : memref<128x128xf32, #tpu.memory_space<vmem>>, vector<16xf32>,
          tpu.vector_store %arg13[%swap3A_454, %swap3A_455], %mul3A_453 {strides = array<i32>} : memref<128x128xf32, #tpu.memory_space<vmem>>, vector<16xf32>,
          %get3A_457 = arith.index_cast %add3A_430 : i32 to index
          %get3A_458 = arith.constant 48 : index
          %get3A_459 = tpu.vector_load %arg13[%get3A_457, %get3A_458] {strides = array<i32>} : memref<128x128xf32, #tpu.memory_space<vmem>>, vector<16xf32>,
          %mul3A_460 = arith.mulf %get3A_459, %gather3A_435 : vector<16xf32>
          %swap3A_461 = arith.index_cast %add3A_430 : i32 to index
          %swap3A_462 = arith.constant 48 : index
          %swap3A_463 = tpu.vector_load %arg13[%swap3A_461, %swap3A_462] {strides = array<i32>} : memref<128x128xf32, #tpu.memory_space<vmem>>, vector<16xf32>,
          tpu.vector_store %arg13[%swap3A_461, %swap3A_462], %mul3A_460 {strides = array<i32>} : memref<128x128xf32, #tpu.memory_space<vmem>>, vector<16xf32>,
          %get3A_464 = arith.index_cast %add3A_430 : i32 to index
          %get3A_465 = arith.constant 64 : index
          %get3A_466 = tpu.vector_load %arg13[%get3A_464, %get3A_465] {strides = array<i32>} : memref<128x128xf32, #tpu.memory_space<vmem>>, vector<16xf32>,
          %mul3A_467 = arith.mulf %get3A_466, %gather3A_435 : vector<16xf32>
          %swap3A_468 = arith.index_cast %add3A_430 : i32 to index
          %swap3A_469 = arith.constant 64 : index
          %swap3A_470 = tpu.vector_load %arg13[%swap3A_468, %swap3A_469] {strides = array<i32>} : memref<128x128xf32, #tpu.memory_space<vmem>>, vector<16xf32>,
          tpu.vector_store %arg13[%swap3A_468, %swap3A_469], %mul3A_467 {strides = array<i32>} : memref<128x128xf32, #tpu.memory_space<vmem>>, vector<16xf32>,
          %get3A_471 = arith.index_cast %add3A_430 : i32 to index
          %get3A_472 = arith.constant 80 : index
          %get3A_473 = tpu.vector_load %arg13[%get3A_471, %get3A_472] {strides = array<i32>} : memref<128x128xf32, #tpu.memory_space<vmem>>, vector<16xf32>,
          %mul3A_474 = arith.mulf %get3A_473, %gather3A_435 : vector<16xf32>
          %swap3A_475 = arith.index_cast %add3A_430 : i32 to index
          %swap3A_476 = arith.constant 80 : index
          %swap3A_477 = tpu.vector_load %arg13[%swap3A_475, %swap3A_476] {strides = array<i32>} : memref<128x128xf32, #tpu.memory_space<vmem>>, vector<16xf32>,
          tpu.vector_store %arg13[%swap3A_475, %swap3A_476], %mul3A_474 {strides = array<i32>} : memref<128x128xf32, #tpu.memory_space<vmem>>, vector<16xf32>,
          %get3A_478 = arith.index_cast %add3A_430 : i32 to index
          %get3A_479 = arith.constant 96 : index
          %get3A_480 = tpu.vector_load %arg13[%get3A_478, %get3A_479] {strides = array<i32>} : memref<128x128xf32, #tpu.memory_space<vmem>>, vector<16xf32>,
          %mul3A_481 = arith.mulf %get3A_480, %gather3A_435 : vector<16xf32>
          %swap3A_482 = arith.index_cast %add3A_430 : i32 to index
          %swap3A_483 = arith.constant 96 : index
          %swap3A_484 = tpu.vector_load %arg13[%swap3A_482, %swap3A_483] {strides = array<i32>} : memref<128x128xf32, #tpu.memory_space<vmem>>, vector<16xf32>,
          tpu.vector_store %arg13[%swap3A_482, %swap3A_483], %mul3A_481 {strides = array<i32>} : memref<128x128xf32, #tpu.memory_space<vmem>>, vector<16xf32>,
          %get3A_485 = arith.index_cast %add3A_430 : i32 to index
          %get3A_486 = arith.constant 112 : index
          %get3A_487 = tpu.vector_load %arg13[%get3A_485, %get3A_486] {strides = array<i32>} : memref<128x128xf32, #tpu.memory_space<vmem>>, vector<16xf32>,
          %mul3A_488 = arith.mulf %get3A_487, %gather3A_435 : vector<16xf32>
          %swap3A_489 = arith.index_cast %add3A_430 : i32 to index
          %swap3A_490 = arith.constant 112 : index
          %swap3A_491 = tpu.vector_load %arg13[%swap3A_489, %swap3A_490] {strides = array<i32>} : memref<128x128xf32, #tpu.memory_space<vmem>>, vector<16xf32>,
          tpu.vector_store %arg13[%swap3A_489, %swap3A_490], %mul3A_488 {strides = array<i32>} : memref<128x128xf32, #tpu.memory_space<vmem>>, vector<16xf32>,
          %add3A_492 = arith.constant 3 : i32
          %add3A_493 = arith.addi %add3A_306, %add3A_492 : i32
          %broadcast_in_dim3A_494 = vector.broadcast %add3A_493 : i32 to vector<16xi32>
          %gather3A_495 = arith.constant 0 : i32
          %gather3A_496 = tpu.memref_slice %arg11[%add3A_276, %gather3A_495] : memref<40x128xf32, #tpu.memory_space<vmem>> -> memref<1x128xf32, #tpu.memory_space<vmem>>
          %gather3A_497 = tpu.memref_squeeze %gather3A_496 : memref<1x128xf32, #tpu.memory_space<vmem>> -> memref<128xf32, #tpu.memory_space<vmem>>
          %gather3A_498 = tpu.vector_load_idx %gather3A_497[%broadcast_in_dim3A_494] : memref<128xf32, #tpu.memory_space<vmem>>[vector<16xi32>], vector<16xf32>,
          %get3A_499 = arith.index_cast %add3A_493 : i32 to index
          %get3A_500 = arith.constant 0 : index
          %get3A_501 = tpu.vector_load %arg13[%get3A_499, %get3A_500] {strides = array<i32>} : memref<128x128xf32, #tpu.memory_space<vmem>>, vector<16xf32>,
          %mul3A_502 = arith.mulf %get3A_501, %gather3A_498 : vector<16xf32>
          %swap3A_503 = arith.index_cast %add3A_493 : i32 to index
          %swap3A_504 = arith.constant 0 : index
          %swap3A_505 = tpu.vector_load %arg13[%swap3A_503, %swap3A_504] {strides = array<i32>} : memref<128x128xf32, #tpu.memory_space<vmem>>, vector<16xf32>,
          tpu.vector_store %arg13[%swap3A_503, %swap3A_504], %mul3A_502 {strides = array<i32>} : memref<128x128xf32, #tpu.memory_space<vmem>>, vector<16xf32>,
          %get3A_506 = arith.index_cast %add3A_493 : i32 to index
          %get3A_507 = arith.constant 16 : index
          %get3A_508 = tpu.vector_load %arg13[%get3A_506, %get3A_507] {strides = array<i32>} : memref<128x128xf32, #tpu.memory_space<vmem>>, vector<16xf32>,
          %mul3A_509 = arith.mulf %get3A_508, %gather3A_498 : vector<16xf32>
          %swap3A_510 = arith.index_cast %add3A_493 : i32 to index
          %swap3A_511 = arith.constant 16 : index
          %swap3A_512 = tpu.vector_load %arg13[%swap3A_510, %swap3A_511] {strides = array<i32>} : memref<128x128xf32, #tpu.memory_space<vmem>>, vector<16xf32>,
          tpu.vector_store %arg13[%swap3A_510, %swap3A_511], %mul3A_509 {strides = array<i32>} : memref<128x128xf32, #tpu.memory_space<vmem>>, vector<16xf32>,
          %get3A_513 = arith.index_cast %add3A_493 : i32 to index
          %get3A_514 = arith.constant 32 : index
          %get3A_515 = tpu.vector_load %arg13[%get3A_513, %get3A_514] {strides = array<i32>} : memref<128x128xf32, #tpu.memory_space<vmem>>, vector<16xf32>,
          %mul3A_516 = arith.mulf %get3A_515, %gather3A_498 : vector<16xf32>
          %swap3A_517 = arith.index_cast %add3A_493 : i32 to index
          %swap3A_518 = arith.constant 32 : index
          %swap3A_519 = tpu.vector_load %arg13[%swap3A_517, %swap3A_518] {strides = array<i32>} : memref<128x128xf32, #tpu.memory_space<vmem>>, vector<16xf32>,
          tpu.vector_store %arg13[%swap3A_517, %swap3A_518], %mul3A_516 {strides = array<i32>} : memref<128x128xf32, #tpu.memory_space<vmem>>, vector<16xf32>,
          %get3A_520 = arith.index_cast %add3A_493 : i32 to index
          %get3A_521 = arith.constant 48 : index
          %get3A_522 = tpu.vector_load %arg13[%get3A_520, %get3A_521] {strides = array<i32>} : memref<128x128xf32, #tpu.memory_space<vmem>>, vector<16xf32>,
          %mul3A_523 = arith.mulf %get3A_522, %gather3A_498 : vector<16xf32>
          %swap3A_524 = arith.index_cast %add3A_493 : i32 to index
          %swap3A_525 = arith.constant 48 : index
          %swap3A_526 = tpu.vector_load %arg13[%swap3A_524, %swap3A_525] {strides = array<i32>} : memref<128x128xf32, #tpu.memory_space<vmem>>, vector<16xf32>,
          tpu.vector_store %arg13[%swap3A_524, %swap3A_525], %mul3A_523 {strides = array<i32>} : memref<128x128xf32, #tpu.memory_space<vmem>>, vector<16xf32>,
          %get3A_527 = arith.index_cast %add3A_493 : i32 to index
          %get3A_528 = arith.constant 64 : index
          %get3A_529 = tpu.vector_load %arg13[%get3A_527, %get3A_528] {strides = array<i32>} : memref<128x128xf32, #tpu.memory_space<vmem>>, vector<16xf32>,
          %mul3A_530 = arith.mulf %get3A_529, %gather3A_498 : vector<16xf32>
          %swap3A_531 = arith.index_cast %add3A_493 : i32 to index
          %swap3A_532 = arith.constant 64 : index
          %swap3A_533 = tpu.vector_load %arg13[%swap3A_531, %swap3A_532] {strides = array<i32>} : memref<128x128xf32, #tpu.memory_space<vmem>>, vector<16xf32>,
          tpu.vector_store %arg13[%swap3A_531, %swap3A_532], %mul3A_530 {strides = array<i32>} : memref<128x128xf32, #tpu.memory_space<vmem>>, vector<16xf32>,
          %get3A_534 = arith.index_cast %add3A_493 : i32 to index
          %get3A_535 = arith.constant 80 : index
          %get3A_536 = tpu.vector_load %arg13[%get3A_534, %get3A_535] {strides = array<i32>} : memref<128x128xf32, #tpu.memory_space<vmem>>, vector<16xf32>,
          %mul3A_537 = arith.mulf %get3A_536, %gather3A_498 : vector<16xf32>
          %swap3A_538 = arith.index_cast %add3A_493 : i32 to index
          %swap3A_539 = arith.constant 80 : index
          %swap3A_540 = tpu.vector_load %arg13[%swap3A_538, %swap3A_539] {strides = array<i32>} : memref<128x128xf32, #tpu.memory_space<vmem>>, vector<16xf32>,
          tpu.vector_store %arg13[%swap3A_538, %swap3A_539], %mul3A_537 {strides = array<i32>} : memref<128x128xf32, #tpu.memory_space<vmem>>, vector<16xf32>,
          %get3A_541 = arith.index_cast %add3A_493 : i32 to index
          %get3A_542 = arith.constant 96 : index
          %get3A_543 = tpu.vector_load %arg13[%get3A_541, %get3A_542] {strides = array<i32>} : memref<128x128xf32, #tpu.memory_space<vmem>>, vector<16xf32>,
          %mul3A_544 = arith.mulf %get3A_543, %gather3A_498 : vector<16xf32>
          %swap3A_545 = arith.index_cast %add3A_493 : i32 to index
          %swap3A_546 = arith.constant 96 : index
          %swap3A_547 = tpu.vector_load %arg13[%swap3A_545, %swap3A_546] {strides = array<i32>} : memref<128x128xf32, #tpu.memory_space<vmem>>, vector<16xf32>,
          tpu.vector_store %arg13[%swap3A_545, %swap3A_546], %mul3A_544 {strides = array<i32>} : memref<128x128xf32, #tpu.memory_space<vmem>>, vector<16xf32>,
          %get3A_548 = arith.index_cast %add3A_493 : i32 to index
          %get3A_549 = arith.constant 112 : index
          %get3A_550 = tpu.vector_load %arg13[%get3A_548, %get3A_549] {strides = array<i32>} : memref<128x128xf32, #tpu.memory_space<vmem>>, vector<16xf32>,
          %mul3A_551 = arith.mulf %get3A_550, %gather3A_498 : vector<16xf32>
          %swap3A_552 = arith.index_cast %add3A_493 : i32 to index
          %swap3A_553 = arith.constant 112 : index
          %swap3A_554 = tpu.vector_load %arg13[%swap3A_552, %swap3A_553] {strides = array<i32>} : memref<128x128xf32, #tpu.memory_space<vmem>>, vector<16xf32>,
          tpu.vector_store %arg13[%swap3A_552, %swap3A_553], %mul3A_551 {strides = array<i32>} : memref<128x128xf32, #tpu.memory_space<vmem>>, vector<16xf32>,
        }
        %scan3A_281 = arith.constant 32 : i32
        %dma_wait3A_282 = arith.constant 0 : i32
        %dma_wait3A_283 = tpu.memref_slice %arg10[%add3A_239, %dma_wait3A_282] : memref<40x128xi32, #tpu.memory_space<vmem>> -> memref<1x128xi32, #tpu.memory_space<vmem>>
        %dma_wait3A_284 = tpu.memref_squeeze %dma_wait3A_283 : memref<1x128xi32, #tpu.memory_space<vmem>> -> memref<128xi32, #tpu.memory_space<vmem>>
        %dma_wait3A_285 = arith.constant 0 : i32
        %dma_wait3A_286 = arith.constant 0 : i32
        %dma_wait3A_287 = tpu.memref_slice %arg8[%dma_wait3A_285, %dma_wait3A_286] : memref<10240x128xf32, #tpu.memory_space<vmem_shared>> -> memref<10240x128xf32, #tpu.memory_space<vmem_shared>>
        tpu.wait_indirect_dma semaphore(%arg16 : memref<!tpu.dma_semaphore, #tpu.memory_space<semaphore_mem>>) src(%arg12 : memref<128x128xf32, #tpu.memory_space<vmem>>) dst(%dma_wait3A_287 : memref<10240x128xf32, #tpu.memory_space<vmem_shared>>)
        %add3A_288 = arith.constant 2 : i32
        %add3A_289 = arith.addi %add3A_239, %add3A_288 : i32
        %lt3A = arith.constant 40 : i32
        %lt3A_290 = arith.cmpi slt, %add3A_289, %lt3A : i32
        %convert_element_type3A_291 = arith.extui %lt3A_290 : i1 to i32
        %cond3A_292 = arith.constant 0 : i32
        %cond3A_293 = arith.cmpi ne, %convert_element_type3A_291, %cond3A_292 : i32
        scf.if %cond3A_293 {
          %add3A_302 = arith.constant 2 : i32
          %add3A_303 = arith.addi %add3A_239, %add3A_302 : i32
          %dma_start3A_304 = arith.constant 0 : i32
          %dma_start3A_305 = tpu.memref_slice %arg9[%add3A_303, %dma_start3A_304] : memref<40x128xi32, #tpu.memory_space<vmem>> -> memref<1x128xi32, #tpu.memory_space<vmem>>
          %dma_start3A_306 = tpu.memref_squeeze %dma_start3A_305 : memref<1x128xi32, #tpu.memory_space<vmem>> -> memref<128xi32, #tpu.memory_space<vmem>>
          %dma_start3A_307 = arith.constant 0 : i32
          %dma_start3A_308 = arith.constant 0 : i32
          %dma_start3A_309 = tpu.memref_slice %arg2[%dma_start3A_307, %dma_start3A_308] : memref<10240x128xf32, #tpu.memory_space<hbm>> -> memref<10240x128xf32, #tpu.memory_space<hbm>>
          tpu.enqueue_indirect_dma source(%dma_start3A_309 : memref<10240x128xf32, #tpu.memory_space<hbm>>) target(%arg12 : memref<128x128xf32, #tpu.memory_space<vmem>>) offsets(%dma_start3A_306 : memref<128xi32, #tpu.memory_space<vmem>>) semaphore(%arg14 : memref<!tpu.dma_semaphore, #tpu.memory_space<semaphore_mem>>)
        } else {
        }
        %add3A_294 = arith.constant 1 : i32
        %add3A_295 = arith.addi %add3A_239, %add3A_294 : i32
        %dma_start3A_296 = arith.constant 0 : i32
        %dma_start3A_297 = tpu.memref_slice %arg10[%add3A_295, %dma_start3A_296] : memref<40x128xi32, #tpu.memory_space<vmem>> -> memref<1x128xi32, #tpu.memory_space<vmem>>
        %dma_start3A_298 = tpu.memref_squeeze %dma_start3A_297 : memref<1x128xi32, #tpu.memory_space<vmem>> -> memref<128xi32, #tpu.memory_space<vmem>>
        %dma_start3A_299 = arith.constant 0 : i32
        %dma_start3A_300 = arith.constant 0 : i32
        %dma_start3A_301 = tpu.memref_slice %arg8[%dma_start3A_299, %dma_start3A_300] : memref<10240x128xf32, #tpu.memory_space<vmem_shared>> -> memref<10240x128xf32, #tpu.memory_space<vmem_shared>>
        tpu.enqueue_indirect_dma source(%arg13 : memref<128x128xf32, #tpu.memory_space<vmem>>) target(%dma_start3A_301 : memref<10240x128xf32, #tpu.memory_space<vmem_shared>>) offsets(%dma_start3A_298 : memref<128xi32, #tpu.memory_space<vmem>>) semaphore(%arg17 : memref<!tpu.dma_semaphore, #tpu.memory_space<semaphore_mem>>) {add = true}
      }
      %scan3A_227 = arith.constant 20 : i32
      %dma_wait3A_228 = arith.constant 39 : i32
      %dma_wait3A_229 = arith.constant 0 : i32
      %dma_wait3A_230 = tpu.memref_slice %arg10[%dma_wait3A_228, %dma_wait3A_229] : memref<40x128xi32, #tpu.memory_space<vmem>> -> memref<1x128xi32, #tpu.memory_space<vmem>>
      %dma_wait3A_231 = tpu.memref_squeeze %dma_wait3A_230 : memref<1x128xi32, #tpu.memory_space<vmem>> -> memref<128xi32, #tpu.memory_space<vmem>>
      %dma_wait3A_232 = arith.constant 0 : i32
      %dma_wait3A_233 = arith.constant 0 : i32
      %dma_wait3A_234 = tpu.memref_slice %arg8[%dma_wait3A_232, %dma_wait3A_233] : memref<10240x128xf32, #tpu.memory_space<vmem_shared>> -> memref<10240x128xf32, #tpu.memory_space<vmem_shared>>
      tpu.wait_indirect_dma semaphore(%arg17 : memref<!tpu.dma_semaphore, #tpu.memory_space<semaphore_mem>>) src(%arg13 : memref<128x128xf32, #tpu.memory_space<vmem>>) dst(%dma_wait3A_234 : memref<10240x128xf32, #tpu.memory_space<vmem_shared>>)
    }
    %barrier3A_106 = arith.constant 0 : index
    tpu.barrier barrier_id(%barrier3A_106)
    %mul3A_107 = arith.constant 640 : i32
    %mul3A_108 = arith.muli %arg1, %mul3A_107 : i32
    %add3A_109 = arith.constant 0 : i32
    %add3A_110 = arith.addi %mul3A_108, %add3A_109 : i32
    %mul3A_111 = arith.constant 640 : i32
    %mul3A_112 = arith.muli %arg1, %mul3A_111 : i32
    %add3A_113 = arith.constant 0 : i32
    %add3A_114 = arith.addi %mul3A_112, %add3A_113 : i32
    %dma_start3A_115 = arith.constant 0 : i32
    %dma_start3A_116 = tpu.memref_slice %arg7[%arg0, %add3A_114, %dma_start3A_115] : memref<2x10240x128xf32, #tpu.memory_space<hbm>> -> memref<1x160x128xf32, #tpu.memory_space<hbm>>
    %dma_start3A_117 = tpu.memref_squeeze %dma_start3A_116 : memref<1x160x128xf32, #tpu.memory_space<hbm>> -> memref<160x128xf32, #tpu.memory_space<hbm>>
    %dma_start3A_118 = arith.constant 0 : i32
    %dma_start3A_119 = tpu.memref_slice %arg8[%add3A_110, %dma_start3A_118] : memref<10240x128xf32, #tpu.memory_space<vmem_shared>> -> memref<160x128xf32, #tpu.memory_space<vmem_shared>>
    tpu.enqueue_dma source(%dma_start3A_119 : memref<160x128xf32, #tpu.memory_space<vmem_shared>>) target(%dma_start3A_117 : memref<160x128xf32, #tpu.memory_space<hbm>>) target_semaphore(%arg16 : memref<!tpu.dma_semaphore, #tpu.memory_space<semaphore_mem>>)
    %mul3A_120 = arith.constant 640 : i32
    %mul3A_121 = arith.muli %arg1, %mul3A_120 : i32
    %add3A_122 = arith.constant 160 : i32
    %add3A_123 = arith.addi %mul3A_121, %add3A_122 : i32
    %mul3A_124 = arith.constant 640 : i32
    %mul3A_125 = arith.muli %arg1, %mul3A_124 : i32
    %add3A_126 = arith.constant 160 : i32
    %add3A_127 = arith.addi %mul3A_125, %add3A_126 : i32
    %dma_start3A_128 = arith.constant 0 : i32
    %dma_start3A_129 = tpu.memref_slice %arg7[%arg0, %add3A_127, %dma_start3A_128] : memref<2x10240x128xf32, #tpu.memory_space<hbm>> -> memref<1x160x128xf32, #tpu.memory_space<hbm>>
    %dma_start3A_130 = tpu.memref_squeeze %dma_start3A_129 : memref<1x160x128xf32, #tpu.memory_space<hbm>> -> memref<160x128xf32, #tpu.memory_space<hbm>>
    %dma_start3A_131 = arith.constant 0 : i32
    %dma_start3A_132 = tpu.memref_slice %arg8[%add3A_123, %dma_start3A_131] : memref<10240x128xf32, #tpu.memory_space<vmem_shared>> -> memref<160x128xf32, #tpu.memory_space<vmem_shared>>
    tpu.enqueue_dma source(%dma_start3A_132 : memref<160x128xf32, #tpu.memory_space<vmem_shared>>) target(%dma_start3A_130 : memref<160x128xf32, #tpu.memory_space<hbm>>) target_semaphore(%arg16 : memref<!tpu.dma_semaphore, #tpu.memory_space<semaphore_mem>>)
    %mul3A_133 = arith.constant 640 : i32
    %mul3A_134 = arith.muli %arg1, %mul3A_133 : i32
    %add3A_135 = arith.constant 320 : i32
    %add3A_136 = arith.addi %mul3A_134, %add3A_135 : i32
    %mul3A_137 = arith.constant 640 : i32
    %mul3A_138 = arith.muli %arg1, %mul3A_137 : i32
    %add3A_139 = arith.constant 320 : i32
    %add3A_140 = arith.addi %mul3A_138, %add3A_139 : i32
    %dma_start3A_141 = arith.constant 0 : i32
    %dma_start3A_142 = tpu.memref_slice %arg7[%arg0, %add3A_140, %dma_start3A_141] : memref<2x10240x128xf32, #tpu.memory_space<hbm>> -> memref<1x160x128xf32, #tpu.memory_space<hbm>>
    %dma_start3A_143 = tpu.memref_squeeze %dma_start3A_142 : memref<1x160x128xf32, #tpu.memory_space<hbm>> -> memref<160x128xf32, #tpu.memory_space<hbm>>
    %dma_start3A_144 = arith.constant 0 : i32
    %dma_start3A_145 = tpu.memref_slice %arg8[%add3A_136, %dma_start3A_144] : memref<10240x128xf32, #tpu.memory_space<vmem_shared>> -> memref<160x128xf32, #tpu.memory_space<vmem_shared>>
    tpu.enqueue_dma source(%dma_start3A_145 : memref<160x128xf32, #tpu.memory_space<vmem_shared>>) target(%dma_start3A_143 : memref<160x128xf32, #tpu.memory_space<hbm>>) target_semaphore(%arg16 : memref<!tpu.dma_semaphore, #tpu.memory_space<semaphore_mem>>)
    %mul3A_146 = arith.constant 640 : i32
    %mul3A_147 = arith.muli %arg1, %mul3A_146 : i32
    %add3A_148 = arith.constant 480 : i32
    %add3A_149 = arith.addi %mul3A_147, %add3A_148 : i32
    %mul3A_150 = arith.constant 640 : i32
    %mul3A_151 = arith.muli %arg1, %mul3A_150 : i32
    %add3A_152 = arith.constant 480 : i32
    %add3A_153 = arith.addi %mul3A_151, %add3A_152 : i32
    %dma_start3A_154 = arith.constant 0 : i32
    %dma_start3A_155 = tpu.memref_slice %arg7[%arg0, %add3A_153, %dma_start3A_154] : memref<2x10240x128xf32, #tpu.memory_space<hbm>> -> memref<1x160x128xf32, #tpu.memory_space<hbm>>
    %dma_start3A_156 = tpu.memref_squeeze %dma_start3A_155 : memref<1x160x128xf32, #tpu.memory_space<hbm>> -> memref<160x128xf32, #tpu.memory_space<hbm>>
    %dma_start3A_157 = arith.constant 0 : i32
    %dma_start3A_158 = tpu.memref_slice %arg8[%add3A_149, %dma_start3A_157] : memref<10240x128xf32, #tpu.memory_space<vmem_shared>> -> memref<160x128xf32, #tpu.memory_space<vmem_shared>>
    tpu.enqueue_dma source(%dma_start3A_158 : memref<160x128xf32, #tpu.memory_space<vmem_shared>>) target(%dma_start3A_156 : memref<160x128xf32, #tpu.memory_space<hbm>>) target_semaphore(%arg16 : memref<!tpu.dma_semaphore, #tpu.memory_space<semaphore_mem>>)
    %mul3A_159 = arith.constant 640 : i32
    %mul3A_160 = arith.muli %arg1, %mul3A_159 : i32
    %add3A_161 = arith.constant 0 : i32
    %add3A_162 = arith.addi %mul3A_160, %add3A_161 : i32
    %mul3A_163 = arith.constant 640 : i32
    %mul3A_164 = arith.muli %arg1, %mul3A_163 : i32
    %add3A_165 = arith.constant 0 : i32
    %add3A_166 = arith.addi %mul3A_164, %add3A_165 : i32
    %dma_wait3A_167 = arith.constant 0 : i32
    %dma_wait3A_168 = tpu.memref_slice %arg7[%arg0, %add3A_166, %dma_wait3A_167] : memref<2x10240x128xf32, #tpu.memory_space<hbm>> -> memref<1x160x128xf32, #tpu.memory_space<hbm>>
    %dma_wait3A_169 = tpu.memref_squeeze %dma_wait3A_168 : memref<1x160x128xf32, #tpu.memory_space<hbm>> -> memref<160x128xf32, #tpu.memory_space<hbm>>
    %dma_wait3A_170 = arith.constant 0 : i32
    %dma_wait3A_171 = tpu.memref_slice %arg8[%add3A_162, %dma_wait3A_170] : memref<10240x128xf32, #tpu.memory_space<vmem_shared>> -> memref<160x128xf32, #tpu.memory_space<vmem_shared>>
    tpu.wait_dma2 semaphore(%arg16 : memref<!tpu.dma_semaphore, #tpu.memory_space<semaphore_mem>>) src(%dma_wait3A_171 : memref<160x128xf32, #tpu.memory_space<vmem_shared>>) dst(%dma_wait3A_169 : memref<160x128xf32, #tpu.memory_space<hbm>>)
    %mul3A_172 = arith.constant 640 : i32
    %mul3A_173 = arith.muli %arg1, %mul3A_172 : i32
    %add3A_174 = arith.constant 160 : i32
    %add3A_175 = arith.addi %mul3A_173, %add3A_174 : i32
    %mul3A_176 = arith.constant 640 : i32
    %mul3A_177 = arith.muli %arg1, %mul3A_176 : i32
    %add3A_178 = arith.constant 160 : i32
    %add3A_179 = arith.addi %mul3A_177, %add3A_178 : i32
    %dma_wait3A_180 = arith.constant 0 : i32
    %dma_wait3A_181 = tpu.memref_slice %arg7[%arg0, %add3A_179, %dma_wait3A_180] : memref<2x10240x128xf32, #tpu.memory_space<hbm>> -> memref<1x160x128xf32, #tpu.memory_space<hbm>>
    %dma_wait3A_182 = tpu.memref_squeeze %dma_wait3A_181 : memref<1x160x128xf32, #tpu.memory_space<hbm>> -> memref<160x128xf32, #tpu.memory_space<hbm>>
    %dma_wait3A_183 = arith.constant 0 : i32
    %dma_wait3A_184 = tpu.memref_slice %arg8[%add3A_175, %dma_wait3A_183] : memref<10240x128xf32, #tpu.memory_space<vmem_shared>> -> memref<160x128xf32, #tpu.memory_space<vmem_shared>>
    tpu.wait_dma2 semaphore(%arg16 : memref<!tpu.dma_semaphore, #tpu.memory_space<semaphore_mem>>) src(%dma_wait3A_184 : memref<160x128xf32, #tpu.memory_space<vmem_shared>>) dst(%dma_wait3A_182 : memref<160x128xf32, #tpu.memory_space<hbm>>)
    %mul3A_185 = arith.constant 640 : i32
    %mul3A_186 = arith.muli %arg1, %mul3A_185 : i32
    %add3A_187 = arith.constant 320 : i32
    %add3A_188 = arith.addi %mul3A_186, %add3A_187 : i32
    %mul3A_189 = arith.constant 640 : i32
    %mul3A_190 = arith.muli %arg1, %mul3A_189 : i32
    %add3A_191 = arith.constant 320 : i32
    %add3A_192 = arith.addi %mul3A_190, %add3A_191 : i32
    %dma_wait3A_193 = arith.constant 0 : i32
    %dma_wait3A_194 = tpu.memref_slice %arg7[%arg0, %add3A_192, %dma_wait3A_193] : memref<2x10240x128xf32, #tpu.memory_space<hbm>> -> memref<1x160x128xf32, #tpu.memory_space<hbm>>
    %dma_wait3A_195 = tpu.memref_squeeze %dma_wait3A_194 : memref<1x160x128xf32, #tpu.memory_space<hbm>> -> memref<160x128xf32, #tpu.memory_space<hbm>>
    %dma_wait3A_196 = arith.constant 0 : i32
    %dma_wait3A_197 = tpu.memref_slice %arg8[%add3A_188, %dma_wait3A_196] : memref<10240x128xf32, #tpu.memory_space<vmem_shared>> -> memref<160x128xf32, #tpu.memory_space<vmem_shared>>
    tpu.wait_dma2 semaphore(%arg16 : memref<!tpu.dma_semaphore, #tpu.memory_space<semaphore_mem>>) src(%dma_wait3A_197 : memref<160x128xf32, #tpu.memory_space<vmem_shared>>) dst(%dma_wait3A_195 : memref<160x128xf32, #tpu.memory_space<hbm>>)
    %mul3A_198 = arith.constant 640 : i32
    %mul3A_199 = arith.muli %arg1, %mul3A_198 : i32
    %add3A_200 = arith.constant 480 : i32
    %add3A_201 = arith.addi %mul3A_199, %add3A_200 : i32
    %mul3A_202 = arith.constant 640 : i32
    %mul3A_203 = arith.muli %arg1, %mul3A_202 : i32
    %add3A_204 = arith.constant 480 : i32
    %add3A_205 = arith.addi %mul3A_203, %add3A_204 : i32
    %dma_wait3A_206 = arith.constant 0 : i32
    %dma_wait3A_207 = tpu.memref_slice %arg7[%arg0, %add3A_205, %dma_wait3A_206] : memref<2x10240x128xf32, #tpu.memory_space<hbm>> -> memref<1x160x128xf32, #tpu.memory_space<hbm>>
    %dma_wait3A_208 = tpu.memref_squeeze %dma_wait3A_207 : memref<1x160x128xf32, #tpu.memory_space<hbm>> -> memref<160x128xf32, #tpu.memory_space<hbm>>
    %dma_wait3A_209 = arith.constant 0 : i32
    %dma_wait3A_210 = tpu.memref_slice %arg8[%add3A_201, %dma_wait3A_209] : memref<10240x128xf32, #tpu.memory_space<vmem_shared>> -> memref<160x128xf32, #tpu.memory_space<vmem_shared>>
    tpu.wait_dma2 semaphore(%arg16 : memref<!tpu.dma_semaphore, #tpu.memory_space<semaphore_mem>>) src(%dma_wait3A_210 : memref<160x128xf32, #tpu.memory_space<vmem_shared>>) dst(%dma_wait3A_208 : memref<160x128xf32, #tpu.memory_space<hbm>>)
    return
  }
}

#map = affine_map<(d0, d1) -> (0, 0)>
#map1 = affine_map<(d0, d1) -> (0, 0, 0)>
module attributes {stable_mosaic.version = 14 : i64} {
  func.func @k(%arg0: i32, %arg1: i32, %arg2: memref<10240x128xf32, #tpu.memory_space<hbm>>, %arg3: memref<2560x128xi32, #tpu.memory_space<hbm>>, %arg4: memref<2560x128xi32, #tpu.memory_space<hbm>>, %arg5: memref<2560x128xf32, #tpu.memory_space<hbm>>, %arg6: memref<2x640x128xf32, #tpu.memory_space<hbm>>, %arg7: memref<2x10240x128xf32, #tpu.memory_space<hbm>>, %arg8: memref<10240x128xf32, #tpu.memory_space<vmem_shared>>, %arg9: memref<40x128xi32, #tpu.memory_space<vmem>>, %arg10: memref<40x128xi32, #tpu.memory_space<vmem>>, %arg11: memref<40x128xf32, #tpu.memory_space<vmem>>, %arg12: memref<128x128xf32, #tpu.memory_space<vmem>>, %arg13: memref<128x128xf32, #tpu.memory_space<vmem>>, %arg14: memref<!tpu.dma_semaphore, #tpu.memory_space<semaphore_mem>>, %arg15: memref<!tpu.dma_semaphore, #tpu.memory_space<semaphore_mem>>, %arg16: memref<!tpu.dma_semaphore, #tpu.memory_space<semaphore_mem>>, %arg17: memref<!tpu.dma_semaphore, #tpu.memory_space<semaphore_mem>>) attributes {dimension_semantics = [#tpu.dimension_semantics<core_parallel>, #tpu.dimension_semantics<subcore_parallel>], iteration_bounds = array<i64: 2, 16>, scalar_prefetch = 0 : i64, scratch_operands = 10 : i64, tpu.core_type = #tpu.core_type<sc_vector_subcore>, window_params = [{transform_indices = #map}, {transform_indices = #map}, {transform_indices = #map}, {transform_indices = #map}, {transform_indices = #map1}, {transform_indices = #map1}]} {
    %mul3A = arith.constant 16 : i32
    %mul3A_0 = arith.muli %arg0, %mul3A : i32
    %add3A = arith.addi %mul3A_0, %arg1 : i32
    %mul3A_1 = arith.constant 640 : i32
    %mul3A_2 = arith.muli %arg1, %mul3A_1 : i32
    %add3A_3 = arith.constant 0 : i32
    %add3A_4 = arith.addi %mul3A_2, %add3A_3 : i32
    %dma_start3A = arith.constant 0 : i32
    %dma_start3A_5 = tpu.memref_slice %arg8[%add3A_4, %dma_start3A] : memref<10240x128xf32, #tpu.memory_space<vmem_shared>> -> memref<160x128xf32, #tpu.memory_space<vmem_shared>>
    %dma_start3A_6 = arith.constant 0 : i32
    %dma_start3A_7 = arith.constant 0 : i32
    %dma_start3A_8 = tpu.memref_slice %arg6[%arg0, %dma_start3A_6, %dma_start3A_7] : memref<2x640x128xf32, #tpu.memory_space<hbm>> -> memref<1x160x128xf32, #tpu.memory_space<hbm>>
    %dma_start3A_9 = tpu.memref_squeeze %dma_start3A_8 : memref<1x160x128xf32, #tpu.memory_space<hbm>> -> memref<160x128xf32, #tpu.memory_space<hbm>>
    tpu.enqueue_dma source(%dma_start3A_9 : memref<160x128xf32, #tpu.memory_space<hbm>>) target(%dma_start3A_5 : memref<160x128xf32, #tpu.memory_space<vmem_shared>>) target_semaphore(%arg16 : memref<!tpu.dma_semaphore, #tpu.memory_space<semaphore_mem>>)
    %mul3A_10 = arith.constant 640 : i32
    %mul3A_11 = arith.muli %arg1, %mul3A_10 : i32
    %add3A_12 = arith.constant 160 : i32
    %add3A_13 = arith.addi %mul3A_11, %add3A_12 : i32
    %dma_start3A_14 = arith.constant 0 : i32
    %dma_start3A_15 = tpu.memref_slice %arg8[%add3A_13, %dma_start3A_14] : memref<10240x128xf32, #tpu.memory_space<vmem_shared>> -> memref<160x128xf32, #tpu.memory_space<vmem_shared>>
    %dma_start3A_16 = arith.constant 160 : i32
    %dma_start3A_17 = arith.constant 0 : i32
    %dma_start3A_18 = tpu.memref_slice %arg6[%arg0, %dma_start3A_16, %dma_start3A_17] : memref<2x640x128xf32, #tpu.memory_space<hbm>> -> memref<1x160x128xf32, #tpu.memory_space<hbm>>
    %dma_start3A_19 = tpu.memref_squeeze %dma_start3A_18 : memref<1x160x128xf32, #tpu.memory_space<hbm>> -> memref<160x128xf32, #tpu.memory_space<hbm>>
    tpu.enqueue_dma source(%dma_start3A_19 : memref<160x128xf32, #tpu.memory_space<hbm>>) target(%dma_start3A_15 : memref<160x128xf32, #tpu.memory_space<vmem_shared>>) target_semaphore(%arg16 : memref<!tpu.dma_semaphore, #tpu.memory_space<semaphore_mem>>)
    %mul3A_20 = arith.constant 640 : i32
    %mul3A_21 = arith.muli %arg1, %mul3A_20 : i32
    %add3A_22 = arith.constant 320 : i32
    %add3A_23 = arith.addi %mul3A_21, %add3A_22 : i32
    %dma_start3A_24 = arith.constant 0 : i32
    %dma_start3A_25 = tpu.memref_slice %arg8[%add3A_23, %dma_start3A_24] : memref<10240x128xf32, #tpu.memory_space<vmem_shared>> -> memref<160x128xf32, #tpu.memory_space<vmem_shared>>
    %dma_start3A_26 = arith.constant 320 : i32
    %dma_start3A_27 = arith.constant 0 : i32
    %dma_start3A_28 = tpu.memref_slice %arg6[%arg0, %dma_start3A_26, %dma_start3A_27] : memref<2x640x128xf32, #tpu.memory_space<hbm>> -> memref<1x160x128xf32, #tpu.memory_space<hbm>>
    %dma_start3A_29 = tpu.memref_squeeze %dma_start3A_28 : memref<1x160x128xf32, #tpu.memory_space<hbm>> -> memref<160x128xf32, #tpu.memory_space<hbm>>
    tpu.enqueue_dma source(%dma_start3A_29 : memref<160x128xf32, #tpu.memory_space<hbm>>) target(%dma_start3A_25 : memref<160x128xf32, #tpu.memory_space<vmem_shared>>) target_semaphore(%arg16 : memref<!tpu.dma_semaphore, #tpu.memory_space<semaphore_mem>>)
    %mul3A_30 = arith.constant 640 : i32
    %mul3A_31 = arith.muli %arg1, %mul3A_30 : i32
    %add3A_32 = arith.constant 480 : i32
    %add3A_33 = arith.addi %mul3A_31, %add3A_32 : i32
    %dma_start3A_34 = arith.constant 0 : i32
    %dma_start3A_35 = tpu.memref_slice %arg8[%add3A_33, %dma_start3A_34] : memref<10240x128xf32, #tpu.memory_space<vmem_shared>> -> memref<160x128xf32, #tpu.memory_space<vmem_shared>>
    %dma_start3A_36 = arith.constant 480 : i32
    %dma_start3A_37 = arith.constant 0 : i32
    %dma_start3A_38 = tpu.memref_slice %arg6[%arg0, %dma_start3A_36, %dma_start3A_37] : memref<2x640x128xf32, #tpu.memory_space<hbm>> -> memref<1x160x128xf32, #tpu.memory_space<hbm>>
    %dma_start3A_39 = tpu.memref_squeeze %dma_start3A_38 : memref<1x160x128xf32, #tpu.memory_space<hbm>> -> memref<160x128xf32, #tpu.memory_space<hbm>>
    tpu.enqueue_dma source(%dma_start3A_39 : memref<160x128xf32, #tpu.memory_space<hbm>>) target(%dma_start3A_35 : memref<160x128xf32, #tpu.memory_space<vmem_shared>>) target_semaphore(%arg16 : memref<!tpu.dma_semaphore, #tpu.memory_space<semaphore_mem>>)
    %mul3A_40 = arith.constant 640 : i32
    %mul3A_41 = arith.muli %arg1, %mul3A_40 : i32
    %add3A_42 = arith.constant 0 : i32
    %add3A_43 = arith.addi %mul3A_41, %add3A_42 : i32
    %dma_wait3A = arith.constant 0 : i32
    %dma_wait3A_44 = tpu.memref_slice %arg8[%add3A_43, %dma_wait3A] : memref<10240x128xf32, #tpu.memory_space<vmem_shared>> -> memref<160x128xf32, #tpu.memory_space<vmem_shared>>
    %dma_wait3A_45 = arith.constant 0 : i32
    %dma_wait3A_46 = arith.constant 0 : i32
    %dma_wait3A_47 = tpu.memref_slice %arg6[%arg0, %dma_wait3A_45, %dma_wait3A_46] : memref<2x640x128xf32, #tpu.memory_space<hbm>> -> memref<1x160x128xf32, #tpu.memory_space<hbm>>
    %dma_wait3A_48 = tpu.memref_squeeze %dma_wait3A_47 : memref<1x160x128xf32, #tpu.memory_space<hbm>> -> memref<160x128xf32, #tpu.memory_space<hbm>>
    tpu.wait_dma2 semaphore(%arg16 : memref<!tpu.dma_semaphore, #tpu.memory_space<semaphore_mem>>) src(%dma_wait3A_48 : memref<160x128xf32, #tpu.memory_space<hbm>>) dst(%dma_wait3A_44 : memref<160x128xf32, #tpu.memory_space<vmem_shared>>)
    %mul3A_49 = arith.constant 640 : i32
    %mul3A_50 = arith.muli %arg1, %mul3A_49 : i32
    %add3A_51 = arith.constant 160 : i32
    %add3A_52 = arith.addi %mul3A_50, %add3A_51 : i32
    %dma_wait3A_53 = arith.constant 0 : i32
    %dma_wait3A_54 = tpu.memref_slice %arg8[%add3A_52, %dma_wait3A_53] : memref<10240x128xf32, #tpu.memory_space<vmem_shared>> -> memref<160x128xf32, #tpu.memory_space<vmem_shared>>
    %dma_wait3A_55 = arith.constant 160 : i32
    %dma_wait3A_56 = arith.constant 0 : i32
    %dma_wait3A_57 = tpu.memref_slice %arg6[%arg0, %dma_wait3A_55, %dma_wait3A_56] : memref<2x640x128xf32, #tpu.memory_space<hbm>> -> memref<1x160x128xf32, #tpu.memory_space<hbm>>
    %dma_wait3A_58 = tpu.memref_squeeze %dma_wait3A_57 : memref<1x160x128xf32, #tpu.memory_space<hbm>> -> memref<160x128xf32, #tpu.memory_space<hbm>>
    tpu.wait_dma2 semaphore(%arg16 : memref<!tpu.dma_semaphore, #tpu.memory_space<semaphore_mem>>) src(%dma_wait3A_58 : memref<160x128xf32, #tpu.memory_space<hbm>>) dst(%dma_wait3A_54 : memref<160x128xf32, #tpu.memory_space<vmem_shared>>)
    %mul3A_59 = arith.constant 640 : i32
    %mul3A_60 = arith.muli %arg1, %mul3A_59 : i32
    %add3A_61 = arith.constant 320 : i32
    %add3A_62 = arith.addi %mul3A_60, %add3A_61 : i32
    %dma_wait3A_63 = arith.constant 0 : i32
    %dma_wait3A_64 = tpu.memref_slice %arg8[%add3A_62, %dma_wait3A_63] : memref<10240x128xf32, #tpu.memory_space<vmem_shared>> -> memref<160x128xf32, #tpu.memory_space<vmem_shared>>
    %dma_wait3A_65 = arith.constant 320 : i32
    %dma_wait3A_66 = arith.constant 0 : i32
    %dma_wait3A_67 = tpu.memref_slice %arg6[%arg0, %dma_wait3A_65, %dma_wait3A_66] : memref<2x640x128xf32, #tpu.memory_space<hbm>> -> memref<1x160x128xf32, #tpu.memory_space<hbm>>
    %dma_wait3A_68 = tpu.memref_squeeze %dma_wait3A_67 : memref<1x160x128xf32, #tpu.memory_space<hbm>> -> memref<160x128xf32, #tpu.memory_space<hbm>>
    tpu.wait_dma2 semaphore(%arg16 : memref<!tpu.dma_semaphore, #tpu.memory_space<semaphore_mem>>) src(%dma_wait3A_68 : memref<160x128xf32, #tpu.memory_space<hbm>>) dst(%dma_wait3A_64 : memref<160x128xf32, #tpu.memory_space<vmem_shared>>)
    %mul3A_69 = arith.constant 640 : i32
    %mul3A_70 = arith.muli %arg1, %mul3A_69 : i32
    %add3A_71 = arith.constant 480 : i32
    %add3A_72 = arith.addi %mul3A_70, %add3A_71 : i32
    %dma_wait3A_73 = arith.constant 0 : i32
    %dma_wait3A_74 = tpu.memref_slice %arg8[%add3A_72, %dma_wait3A_73] : memref<10240x128xf32, #tpu.memory_space<vmem_shared>> -> memref<160x128xf32, #tpu.memory_space<vmem_shared>>
    %dma_wait3A_75 = arith.constant 480 : i32
    %dma_wait3A_76 = arith.constant 0 : i32
    %dma_wait3A_77 = tpu.memref_slice %arg6[%arg0, %dma_wait3A_75, %dma_wait3A_76] : memref<2x640x128xf32, #tpu.memory_space<hbm>> -> memref<1x160x128xf32, #tpu.memory_space<hbm>>
    %dma_wait3A_78 = tpu.memref_squeeze %dma_wait3A_77 : memref<1x160x128xf32, #tpu.memory_space<hbm>> -> memref<160x128xf32, #tpu.memory_space<hbm>>
    tpu.wait_dma2 semaphore(%arg16 : memref<!tpu.dma_semaphore, #tpu.memory_space<semaphore_mem>>) src(%dma_wait3A_78 : memref<160x128xf32, #tpu.memory_space<hbm>>) dst(%dma_wait3A_74 : memref<160x128xf32, #tpu.memory_space<vmem_shared>>)
    %barrier3A = arith.constant 0 : index
    tpu.barrier barrier_id(%barrier3A)
    %eq3A = arith.constant 0 : i32
    %eq3A_79 = arith.cmpi eq, %arg0, %eq3A : i32
    %jit3A = arith.constant 3 : i32
    %jit3A_80 = arith.constant 1 : i32
    %select_n3A = arith.select %eq3A_79, %jit3A, %jit3A_80 : i32
    %eq3A_81 = arith.constant 0 : i32
    %eq3A_82 = arith.cmpi eq, %arg0, %eq3A_81 : i32
    %mul3A_83 = arith.constant 120 : i32
    %mul3A_84 = arith.muli %arg1, %mul3A_83 : i32
    %mul3A_85 = arith.constant 40 : i32
    %mul3A_86 = arith.muli %arg1, %mul3A_85 : i32
    %add3A_87 = arith.constant 1920 : i32
    %add3A_88 = arith.addi %add3A_87, %mul3A_86 : i32
    %select_n3A_89 = arith.select %eq3A_82, %mul3A_84, %add3A_88 : i32
    %sub3A = arith.constant 0 : i32
    %sub3A_90 = arith.subi %select_n3A, %sub3A : i32
    %sub3A_91 = arith.constant 1 : i32
    %sub3A_92 = arith.constant 1 : i32
    %sub3A_93 = arith.subi %sub3A_91, %sub3A_92 : i32
    %add3A_94 = arith.addi %sub3A_90, %sub3A_93 : i32
    %div3A = arith.constant 1 : i32
    %div3A_95 = arith.divsi %add3A_94, %div3A : i32
    %while3A = arith.constant 1 : i32
    %while3A_96 = arith.constant 0 : i32
    %while3A_97 = arith.constant 0 : i32
    %while3A_98 = arith.subi %div3A_95, %while3A_97 : i32
    %while3A_99 = arith.addi %while3A_97, %while3A_98 : i32
    %while3A_100 = arith.constant 1 : i32
    %while3A_101 = arith.divsi %while3A_98, %while3A_100 : i32
    %while3A_102 = arith.muli %while3A_101, %while3A_100 : i32
    %while3A_103 = arith.addi %while3A_97, %while3A_102 : i32
    %while3A_104 = arith.constant 1 : i32
    scf.for %while3A_211 = %while3A_97 to %while3A_103 step %while3A_104  : i32 {
      %mul3A_212 = arith.muli %while3A_211, %while3A : i32
      %add3A_213 = arith.addi %while3A_96, %mul3A_212 : i32
      %mul3A_214 = arith.constant 40 : i32
      %mul3A_215 = arith.muli %add3A_213, %mul3A_214 : i32
      %add3A_216 = arith.addi %select_n3A_89, %mul3A_215 : i32
      "tpu.region"() ({
        %run_scoped3A = tpu.sem_alloc : memref<!tpu.dma_semaphore, #tpu.memory_space<semaphore_mem>>
        %dma_start3A_235 = arith.constant 0 : i32
        %dma_start3A_236 = tpu.memref_slice %arg3[%add3A_216, %dma_start3A_235] : memref<2560x128xi32, #tpu.memory_space<hbm>> -> memref<40x128xi32, #tpu.memory_space<hbm>>
        %dma_start3A_237 = arith.constant 0 : i32
        %dma_start3A_238 = tpu.memref_slice %arg3[%add3A_216, %dma_start3A_237] : memref<2560x128xi32, #tpu.memory_space<hbm>> -> memref<40x128xi32, #tpu.memory_space<hbm>>
        tpu.enqueue_dma source(%dma_start3A_238 : memref<40x128xi32, #tpu.memory_space<hbm>>) target(%arg9 : memref<40x128xi32, #tpu.memory_space<vmem>>) target_semaphore(%run_scoped3A : memref<!tpu.dma_semaphore, #tpu.memory_space<semaphore_mem>>)
        %dma_wait3A_239 = arith.constant 0 : i32
        %dma_wait3A_240 = tpu.memref_slice %arg3[%add3A_216, %dma_wait3A_239] : memref<2560x128xi32, #tpu.memory_space<hbm>> -> memref<40x128xi32, #tpu.memory_space<hbm>>
        %dma_wait3A_241 = arith.constant 0 : i32
        %dma_wait3A_242 = tpu.memref_slice %arg3[%add3A_216, %dma_wait3A_241] : memref<2560x128xi32, #tpu.memory_space<hbm>> -> memref<40x128xi32, #tpu.memory_space<hbm>>
        tpu.wait_dma2 semaphore(%run_scoped3A : memref<!tpu.dma_semaphore, #tpu.memory_space<semaphore_mem>>) src(%dma_wait3A_242 : memref<40x128xi32, #tpu.memory_space<hbm>>) dst(%arg9 : memref<40x128xi32, #tpu.memory_space<vmem>>)
        tpu.yield
      }) : () -> ()
      "tpu.region"() ({
        %run_scoped3A = tpu.sem_alloc : memref<!tpu.dma_semaphore, #tpu.memory_space<semaphore_mem>>
        %dma_start3A_235 = arith.constant 0 : i32
        %dma_start3A_236 = tpu.memref_slice %arg4[%add3A_216, %dma_start3A_235] : memref<2560x128xi32, #tpu.memory_space<hbm>> -> memref<40x128xi32, #tpu.memory_space<hbm>>
        %dma_start3A_237 = arith.constant 0 : i32
        %dma_start3A_238 = tpu.memref_slice %arg4[%add3A_216, %dma_start3A_237] : memref<2560x128xi32, #tpu.memory_space<hbm>> -> memref<40x128xi32, #tpu.memory_space<hbm>>
        tpu.enqueue_dma source(%dma_start3A_238 : memref<40x128xi32, #tpu.memory_space<hbm>>) target(%arg10 : memref<40x128xi32, #tpu.memory_space<vmem>>) target_semaphore(%run_scoped3A : memref<!tpu.dma_semaphore, #tpu.memory_space<semaphore_mem>>)
        %dma_wait3A_239 = arith.constant 0 : i32
        %dma_wait3A_240 = tpu.memref_slice %arg4[%add3A_216, %dma_wait3A_239] : memref<2560x128xi32, #tpu.memory_space<hbm>> -> memref<40x128xi32, #tpu.memory_space<hbm>>
        %dma_wait3A_241 = arith.constant 0 : i32
        %dma_wait3A_242 = tpu.memref_slice %arg4[%add3A_216, %dma_wait3A_241] : memref<2560x128xi32, #tpu.memory_space<hbm>> -> memref<40x128xi32, #tpu.memory_space<hbm>>
        tpu.wait_dma2 semaphore(%run_scoped3A : memref<!tpu.dma_semaphore, #tpu.memory_space<semaphore_mem>>) src(%dma_wait3A_242 : memref<40x128xi32, #tpu.memory_space<hbm>>) dst(%arg10 : memref<40x128xi32, #tpu.memory_space<vmem>>)
        tpu.yield
      }) : () -> ()
      "tpu.region"() ({
        %run_scoped3A = tpu.sem_alloc : memref<!tpu.dma_semaphore, #tpu.memory_space<semaphore_mem>>
        %dma_start3A_235 = arith.constant 0 : i32
        %dma_start3A_236 = tpu.memref_slice %arg5[%add3A_216, %dma_start3A_235] : memref<2560x128xf32, #tpu.memory_space<hbm>> -> memref<40x128xf32, #tpu.memory_space<hbm>>
        %dma_start3A_237 = arith.constant 0 : i32
        %dma_start3A_238 = tpu.memref_slice %arg5[%add3A_216, %dma_start3A_237] : memref<2560x128xf32, #tpu.memory_space<hbm>> -> memref<40x128xf32, #tpu.memory_space<hbm>>
        tpu.enqueue_dma source(%dma_start3A_238 : memref<40x128xf32, #tpu.memory_space<hbm>>) target(%arg11 : memref<40x128xf32, #tpu.memory_space<vmem>>) target_semaphore(%run_scoped3A : memref<!tpu.dma_semaphore, #tpu.memory_space<semaphore_mem>>)
        %dma_wait3A_239 = arith.constant 0 : i32
        %dma_wait3A_240 = tpu.memref_slice %arg5[%add3A_216, %dma_wait3A_239] : memref<2560x128xf32, #tpu.memory_space<hbm>> -> memref<40x128xf32, #tpu.memory_space<hbm>>
        %dma_wait3A_241 = arith.constant 0 : i32
        %dma_wait3A_242 = tpu.memref_slice %arg5[%add3A_216, %dma_wait3A_241] : memref<2560x128xf32, #tpu.memory_space<hbm>> -> memref<40x128xf32, #tpu.memory_space<hbm>>
        tpu.wait_dma2 semaphore(%run_scoped3A : memref<!tpu.dma_semaphore, #tpu.memory_space<semaphore_mem>>) src(%dma_wait3A_242 : memref<40x128xf32, #tpu.memory_space<hbm>>) dst(%arg11 : memref<40x128xf32, #tpu.memory_space<vmem>>)
        tpu.yield
      }) : () -> ()
      %dma_start3A_217 = arith.constant 0 : i32
      %dma_start3A_218 = arith.constant 0 : i32
      %dma_start3A_219 = tpu.memref_slice %arg9[%dma_start3A_217, %dma_start3A_218] : memref<40x128xi32, #tpu.memory_space<vmem>> -> memref<1x128xi32, #tpu.memory_space<vmem>>
      %dma_start3A_220 = tpu.memref_squeeze %dma_start3A_219 : memref<1x128xi32, #tpu.memory_space<vmem>> -> memref<128xi32, #tpu.memory_space<vmem>>
      %dma_start3A_221 = arith.constant 0 : i32
      %dma_start3A_222 = arith.constant 0 : i32
      %dma_start3A_223 = tpu.memref_slice %arg2[%dma_start3A_221, %dma_start3A_222] : memref<10240x128xf32, #tpu.memory_space<hbm>> -> memref<10240x128xf32, #tpu.memory_space<hbm>>
      tpu.enqueue_indirect_dma source(%dma_start3A_223 : memref<10240x128xf32, #tpu.memory_space<hbm>>) target(%arg12 : memref<128x128xf32, #tpu.memory_space<vmem>>) offsets(%dma_start3A_220 : memref<128xi32, #tpu.memory_space<vmem>>) semaphore(%arg14 : memref<!tpu.dma_semaphore, #tpu.memory_space<semaphore_mem>>)
      %scan3A = arith.constant 0 : i32
      %scan3A_224 = arith.constant 20 : i32
      %scan3A_225 = arith.addi %scan3A, %scan3A_224 : i32
      %scan3A_226 = arith.constant 1 : i32
      scf.for %scan3A_235 = %scan3A to %scan3A_225 step %scan3A_226  : i32 {
        %mul3A_236 = arith.constant 2 : i32
        %mul3A_237 = arith.muli %scan3A_235, %mul3A_236 : i32
        %add3A_238 = arith.constant 0 : i32
        %add3A_239 = arith.addi %add3A_238, %mul3A_237 : i32
        %gt3A = arith.constant 0 : i32
        %gt3A_240 = arith.cmpi sgt, %add3A_239, %gt3A : i32
        %convert_element_type3A = arith.extui %gt3A_240 : i1 to i32
        %cond3A = arith.constant 0 : i32
        %cond3A_241 = arith.cmpi ne, %convert_element_type3A, %cond3A : i32
        scf.if %cond3A_241 {
          %sub3A_302 = arith.constant 1 : i32
          %sub3A_303 = arith.subi %add3A_239, %sub3A_302 : i32
          %dma_wait3A_304 = arith.constant 0 : i32
          %dma_wait3A_305 = tpu.memref_slice %arg10[%sub3A_303, %dma_wait3A_304] : memref<40x128xi32, #tpu.memory_space<vmem>> -> memref<1x128xi32, #tpu.memory_space<vmem>>
          %dma_wait3A_306 = tpu.memref_squeeze %dma_wait3A_305 : memref<1x128xi32, #tpu.memory_space<vmem>> -> memref<128xi32, #tpu.memory_space<vmem>>
          %dma_wait3A_307 = arith.constant 0 : i32
          %dma_wait3A_308 = arith.constant 0 : i32
          %dma_wait3A_309 = tpu.memref_slice %arg8[%dma_wait3A_307, %dma_wait3A_308] : memref<10240x128xf32, #tpu.memory_space<vmem_shared>> -> memref<10240x128xf32, #tpu.memory_space<vmem_shared>>
          tpu.wait_indirect_dma semaphore(%arg17 : memref<!tpu.dma_semaphore, #tpu.memory_space<semaphore_mem>>) src(%arg13 : memref<128x128xf32, #tpu.memory_space<vmem>>) dst(%dma_wait3A_309 : memref<10240x128xf32, #tpu.memory_space<vmem_shared>>)
        } else {
        }
        %add3A_242 = arith.constant 1 : i32
        %add3A_243 = arith.addi %add3A_239, %add3A_242 : i32
        %dma_start3A_244 = arith.constant 0 : i32
        %dma_start3A_245 = tpu.memref_slice %arg9[%add3A_243, %dma_start3A_244] : memref<40x128xi32, #tpu.memory_space<vmem>> -> memref<1x128xi32, #tpu.memory_space<vmem>>
        %dma_start3A_246 = tpu.memref_squeeze %dma_start3A_245 : memref<1x128xi32, #tpu.memory_space<vmem>> -> memref<128xi32, #tpu.memory_space<vmem>>
        %dma_start3A_247 = arith.constant 0 : i32
        %dma_start3A_248 = arith.constant 0 : i32
        %dma_start3A_249 = tpu.memref_slice %arg2[%dma_start3A_247, %dma_start3A_248] : memref<10240x128xf32, #tpu.memory_space<hbm>> -> memref<10240x128xf32, #tpu.memory_space<hbm>>
        tpu.enqueue_indirect_dma source(%dma_start3A_249 : memref<10240x128xf32, #tpu.memory_space<hbm>>) target(%arg13 : memref<128x128xf32, #tpu.memory_space<vmem>>) offsets(%dma_start3A_246 : memref<128xi32, #tpu.memory_space<vmem>>) semaphore(%arg15 : memref<!tpu.dma_semaphore, #tpu.memory_space<semaphore_mem>>)
        %dma_wait3A_250 = arith.constant 0 : i32
        %dma_wait3A_251 = tpu.memref_slice %arg9[%add3A_239, %dma_wait3A_250] : memref<40x128xi32, #tpu.memory_space<vmem>> -> memref<1x128xi32, #tpu.memory_space<vmem>>
        %dma_wait3A_252 = tpu.memref_squeeze %dma_wait3A_251 : memref<1x128xi32, #tpu.memory_space<vmem>> -> memref<128xi32, #tpu.memory_space<vmem>>
        %dma_wait3A_253 = arith.constant 0 : i32
        %dma_wait3A_254 = arith.constant 0 : i32
        %dma_wait3A_255 = tpu.memref_slice %arg2[%dma_wait3A_253, %dma_wait3A_254] : memref<10240x128xf32, #tpu.memory_space<hbm>> -> memref<10240x128xf32, #tpu.memory_space<hbm>>
        tpu.wait_indirect_dma semaphore(%arg14 : memref<!tpu.dma_semaphore, #tpu.memory_space<semaphore_mem>>) src(%dma_wait3A_255 : memref<10240x128xf32, #tpu.memory_space<hbm>>) dst(%arg12 : memref<128x128xf32, #tpu.memory_space<vmem>>)
        %scan3A_256 = arith.constant 0 : i32
        %scan3A_257 = arith.constant 32 : i32
        %scan3A_258 = arith.addi %scan3A_256, %scan3A_257 : i32
        %scan3A_259 = arith.constant 1 : i32
        scf.for %scan3A_302 = %scan3A_256 to %scan3A_258 step %scan3A_259  : i32 {
          %mul3A_303 = arith.constant 4 : i32
          %mul3A_304 = arith.muli %scan3A_302, %mul3A_303 : i32
          %add3A_305 = arith.constant 0 : i32
          %add3A_306 = arith.addi %add3A_305, %mul3A_304 : i32
          %add3A_307 = arith.constant 0 : i32
          %add3A_308 = arith.addi %add3A_306, %add3A_307 : i32
          %broadcast_in_dim3A = vector.broadcast %add3A_308 : i32 to vector<16xi32>
          %gather3A = arith.constant 0 : i32
          %gather3A_309 = tpu.memref_slice %arg11[%add3A_239, %gather3A] : memref<40x128xf32, #tpu.memory_space<vmem>> -> memref<1x128xf32, #tpu.memory_space<vmem>>
          %gather3A_310 = tpu.memref_squeeze %gather3A_309 : memref<1x128xf32, #tpu.memory_space<vmem>> -> memref<128xf32, #tpu.memory_space<vmem>>
          %gather3A_311 = tpu.vector_load_idx %gather3A_310[%broadcast_in_dim3A] : memref<128xf32, #tpu.memory_space<vmem>>[vector<16xi32>], vector<16xf32>,
          %get3A = arith.index_cast %add3A_308 : i32 to index
          %get3A_312 = arith.constant 0 : index
          %get3A_313 = tpu.vector_load %arg12[%get3A, %get3A_312] {strides = array<i32>} : memref<128x128xf32, #tpu.memory_space<vmem>>, vector<16xf32>,
          %mul3A_314 = arith.mulf %get3A_313, %gather3A_311 : vector<16xf32>
          %swap3A = arith.index_cast %add3A_308 : i32 to index
          %swap3A_315 = arith.constant 0 : index
          %swap3A_316 = tpu.vector_load %arg12[%swap3A, %swap3A_315] {strides = array<i32>} : memref<128x128xf32, #tpu.memory_space<vmem>>, vector<16xf32>,
          tpu.vector_store %arg12[%swap3A, %swap3A_315], %mul3A_314 {strides = array<i32>} : memref<128x128xf32, #tpu.memory_space<vmem>>, vector<16xf32>,
          %get3A_317 = arith.index_cast %add3A_308 : i32 to index
          %get3A_318 = arith.constant 16 : index
          %get3A_319 = tpu.vector_load %arg12[%get3A_317, %get3A_318] {strides = array<i32>} : memref<128x128xf32, #tpu.memory_space<vmem>>, vector<16xf32>,
          %mul3A_320 = arith.mulf %get3A_319, %gather3A_311 : vector<16xf32>
          %swap3A_321 = arith.index_cast %add3A_308 : i32 to index
          %swap3A_322 = arith.constant 16 : index
          %swap3A_323 = tpu.vector_load %arg12[%swap3A_321, %swap3A_322] {strides = array<i32>} : memref<128x128xf32, #tpu.memory_space<vmem>>, vector<16xf32>,
          tpu.vector_store %arg12[%swap3A_321, %swap3A_322], %mul3A_320 {strides = array<i32>} : memref<128x128xf32, #tpu.memory_space<vmem>>, vector<16xf32>,
          %get3A_324 = arith.index_cast %add3A_308 : i32 to index
          %get3A_325 = arith.constant 32 : index
          %get3A_326 = tpu.vector_load %arg12[%get3A_324, %get3A_325] {strides = array<i32>} : memref<128x128xf32, #tpu.memory_space<vmem>>, vector<16xf32>,
          %mul3A_327 = arith.mulf %get3A_326, %gather3A_311 : vector<16xf32>
          %swap3A_328 = arith.index_cast %add3A_308 : i32 to index
          %swap3A_329 = arith.constant 32 : index
          %swap3A_330 = tpu.vector_load %arg12[%swap3A_328, %swap3A_329] {strides = array<i32>} : memref<128x128xf32, #tpu.memory_space<vmem>>, vector<16xf32>,
          tpu.vector_store %arg12[%swap3A_328, %swap3A_329], %mul3A_327 {strides = array<i32>} : memref<128x128xf32, #tpu.memory_space<vmem>>, vector<16xf32>,
          %get3A_331 = arith.index_cast %add3A_308 : i32 to index
          %get3A_332 = arith.constant 48 : index
          %get3A_333 = tpu.vector_load %arg12[%get3A_331, %get3A_332] {strides = array<i32>} : memref<128x128xf32, #tpu.memory_space<vmem>>, vector<16xf32>,
          %mul3A_334 = arith.mulf %get3A_333, %gather3A_311 : vector<16xf32>
          %swap3A_335 = arith.index_cast %add3A_308 : i32 to index
          %swap3A_336 = arith.constant 48 : index
          %swap3A_337 = tpu.vector_load %arg12[%swap3A_335, %swap3A_336] {strides = array<i32>} : memref<128x128xf32, #tpu.memory_space<vmem>>, vector<16xf32>,
          tpu.vector_store %arg12[%swap3A_335, %swap3A_336], %mul3A_334 {strides = array<i32>} : memref<128x128xf32, #tpu.memory_space<vmem>>, vector<16xf32>,
          %add3A_338 = arith.constant 1 : i32
          %add3A_339 = arith.addi %add3A_306, %add3A_338 : i32
          %broadcast_in_dim3A_340 = vector.broadcast %add3A_339 : i32 to vector<16xi32>
          %gather3A_341 = arith.constant 0 : i32
          %gather3A_342 = tpu.memref_slice %arg11[%add3A_239, %gather3A_341] : memref<40x128xf32, #tpu.memory_space<vmem>> -> memref<1x128xf32, #tpu.memory_space<vmem>>
          %gather3A_343 = tpu.memref_squeeze %gather3A_342 : memref<1x128xf32, #tpu.memory_space<vmem>> -> memref<128xf32, #tpu.memory_space<vmem>>
          %gather3A_344 = tpu.vector_load_idx %gather3A_343[%broadcast_in_dim3A_340] : memref<128xf32, #tpu.memory_space<vmem>>[vector<16xi32>], vector<16xf32>,
          %get3A_345 = arith.index_cast %add3A_339 : i32 to index
          %get3A_346 = arith.constant 0 : index
          %get3A_347 = tpu.vector_load %arg12[%get3A_345, %get3A_346] {strides = array<i32>} : memref<128x128xf32, #tpu.memory_space<vmem>>, vector<16xf32>,
          %mul3A_348 = arith.mulf %get3A_347, %gather3A_344 : vector<16xf32>
          %swap3A_349 = arith.index_cast %add3A_339 : i32 to index
          %swap3A_350 = arith.constant 0 : index
          %swap3A_351 = tpu.vector_load %arg12[%swap3A_349, %swap3A_350] {strides = array<i32>} : memref<128x128xf32, #tpu.memory_space<vmem>>, vector<16xf32>,
          tpu.vector_store %arg12[%swap3A_349, %swap3A_350], %mul3A_348 {strides = array<i32>} : memref<128x128xf32, #tpu.memory_space<vmem>>, vector<16xf32>,
          %get3A_352 = arith.index_cast %add3A_339 : i32 to index
          %get3A_353 = arith.constant 16 : index
          %get3A_354 = tpu.vector_load %arg12[%get3A_352, %get3A_353] {strides = array<i32>} : memref<128x128xf32, #tpu.memory_space<vmem>>, vector<16xf32>,
          %mul3A_355 = arith.mulf %get3A_354, %gather3A_344 : vector<16xf32>
          %swap3A_356 = arith.index_cast %add3A_339 : i32 to index
          %swap3A_357 = arith.constant 16 : index
          %swap3A_358 = tpu.vector_load %arg12[%swap3A_356, %swap3A_357] {strides = array<i32>} : memref<128x128xf32, #tpu.memory_space<vmem>>, vector<16xf32>,
          tpu.vector_store %arg12[%swap3A_356, %swap3A_357], %mul3A_355 {strides = array<i32>} : memref<128x128xf32, #tpu.memory_space<vmem>>, vector<16xf32>,
          %get3A_359 = arith.index_cast %add3A_339 : i32 to index
          %get3A_360 = arith.constant 32 : index
          %get3A_361 = tpu.vector_load %arg12[%get3A_359, %get3A_360] {strides = array<i32>} : memref<128x128xf32, #tpu.memory_space<vmem>>, vector<16xf32>,
          %mul3A_362 = arith.mulf %get3A_361, %gather3A_344 : vector<16xf32>
          %swap3A_363 = arith.index_cast %add3A_339 : i32 to index
          %swap3A_364 = arith.constant 32 : index
          %swap3A_365 = tpu.vector_load %arg12[%swap3A_363, %swap3A_364] {strides = array<i32>} : memref<128x128xf32, #tpu.memory_space<vmem>>, vector<16xf32>,
          tpu.vector_store %arg12[%swap3A_363, %swap3A_364], %mul3A_362 {strides = array<i32>} : memref<128x128xf32, #tpu.memory_space<vmem>>, vector<16xf32>,
          %get3A_366 = arith.index_cast %add3A_339 : i32 to index
          %get3A_367 = arith.constant 48 : index
          %get3A_368 = tpu.vector_load %arg12[%get3A_366, %get3A_367] {strides = array<i32>} : memref<128x128xf32, #tpu.memory_space<vmem>>, vector<16xf32>,
          %mul3A_369 = arith.mulf %get3A_368, %gather3A_344 : vector<16xf32>
          %swap3A_370 = arith.index_cast %add3A_339 : i32 to index
          %swap3A_371 = arith.constant 48 : index
          %swap3A_372 = tpu.vector_load %arg12[%swap3A_370, %swap3A_371] {strides = array<i32>} : memref<128x128xf32, #tpu.memory_space<vmem>>, vector<16xf32>,
          tpu.vector_store %arg12[%swap3A_370, %swap3A_371], %mul3A_369 {strides = array<i32>} : memref<128x128xf32, #tpu.memory_space<vmem>>, vector<16xf32>,
          %add3A_373 = arith.constant 2 : i32
          %add3A_374 = arith.addi %add3A_306, %add3A_373 : i32
          %broadcast_in_dim3A_375 = vector.broadcast %add3A_374 : i32 to vector<16xi32>
          %gather3A_376 = arith.constant 0 : i32
          %gather3A_377 = tpu.memref_slice %arg11[%add3A_239, %gather3A_376] : memref<40x128xf32, #tpu.memory_space<vmem>> -> memref<1x128xf32, #tpu.memory_space<vmem>>
          %gather3A_378 = tpu.memref_squeeze %gather3A_377 : memref<1x128xf32, #tpu.memory_space<vmem>> -> memref<128xf32, #tpu.memory_space<vmem>>
          %gather3A_379 = tpu.vector_load_idx %gather3A_378[%broadcast_in_dim3A_375] : memref<128xf32, #tpu.memory_space<vmem>>[vector<16xi32>], vector<16xf32>,
          %get3A_380 = arith.index_cast %add3A_374 : i32 to index
          %get3A_381 = arith.constant 0 : index
          %get3A_382 = tpu.vector_load %arg12[%get3A_380, %get3A_381] {strides = array<i32>} : memref<128x128xf32, #tpu.memory_space<vmem>>, vector<16xf32>,
          %mul3A_383 = arith.mulf %get3A_382, %gather3A_379 : vector<16xf32>
          %swap3A_384 = arith.index_cast %add3A_374 : i32 to index
          %swap3A_385 = arith.constant 0 : index
          %swap3A_386 = tpu.vector_load %arg12[%swap3A_384, %swap3A_385] {strides = array<i32>} : memref<128x128xf32, #tpu.memory_space<vmem>>, vector<16xf32>,
          tpu.vector_store %arg12[%swap3A_384, %swap3A_385], %mul3A_383 {strides = array<i32>} : memref<128x128xf32, #tpu.memory_space<vmem>>, vector<16xf32>,
          %get3A_387 = arith.index_cast %add3A_374 : i32 to index
          %get3A_388 = arith.constant 16 : index
          %get3A_389 = tpu.vector_load %arg12[%get3A_387, %get3A_388] {strides = array<i32>} : memref<128x128xf32, #tpu.memory_space<vmem>>, vector<16xf32>,
          %mul3A_390 = arith.mulf %get3A_389, %gather3A_379 : vector<16xf32>
          %swap3A_391 = arith.index_cast %add3A_374 : i32 to index
          %swap3A_392 = arith.constant 16 : index
          %swap3A_393 = tpu.vector_load %arg12[%swap3A_391, %swap3A_392] {strides = array<i32>} : memref<128x128xf32, #tpu.memory_space<vmem>>, vector<16xf32>,
          tpu.vector_store %arg12[%swap3A_391, %swap3A_392], %mul3A_390 {strides = array<i32>} : memref<128x128xf32, #tpu.memory_space<vmem>>, vector<16xf32>,
          %get3A_394 = arith.index_cast %add3A_374 : i32 to index
          %get3A_395 = arith.constant 32 : index
          %get3A_396 = tpu.vector_load %arg12[%get3A_394, %get3A_395] {strides = array<i32>} : memref<128x128xf32, #tpu.memory_space<vmem>>, vector<16xf32>,
          %mul3A_397 = arith.mulf %get3A_396, %gather3A_379 : vector<16xf32>
          %swap3A_398 = arith.index_cast %add3A_374 : i32 to index
          %swap3A_399 = arith.constant 32 : index
          %swap3A_400 = tpu.vector_load %arg12[%swap3A_398, %swap3A_399] {strides = array<i32>} : memref<128x128xf32, #tpu.memory_space<vmem>>, vector<16xf32>,
          tpu.vector_store %arg12[%swap3A_398, %swap3A_399], %mul3A_397 {strides = array<i32>} : memref<128x128xf32, #tpu.memory_space<vmem>>, vector<16xf32>,
          %get3A_401 = arith.index_cast %add3A_374 : i32 to index
          %get3A_402 = arith.constant 48 : index
          %get3A_403 = tpu.vector_load %arg12[%get3A_401, %get3A_402] {strides = array<i32>} : memref<128x128xf32, #tpu.memory_space<vmem>>, vector<16xf32>,
          %mul3A_404 = arith.mulf %get3A_403, %gather3A_379 : vector<16xf32>
          %swap3A_405 = arith.index_cast %add3A_374 : i32 to index
          %swap3A_406 = arith.constant 48 : index
          %swap3A_407 = tpu.vector_load %arg12[%swap3A_405, %swap3A_406] {strides = array<i32>} : memref<128x128xf32, #tpu.memory_space<vmem>>, vector<16xf32>,
          tpu.vector_store %arg12[%swap3A_405, %swap3A_406], %mul3A_404 {strides = array<i32>} : memref<128x128xf32, #tpu.memory_space<vmem>>, vector<16xf32>,
          %add3A_408 = arith.constant 3 : i32
          %add3A_409 = arith.addi %add3A_306, %add3A_408 : i32
          %broadcast_in_dim3A_410 = vector.broadcast %add3A_409 : i32 to vector<16xi32>
          %gather3A_411 = arith.constant 0 : i32
          %gather3A_412 = tpu.memref_slice %arg11[%add3A_239, %gather3A_411] : memref<40x128xf32, #tpu.memory_space<vmem>> -> memref<1x128xf32, #tpu.memory_space<vmem>>
          %gather3A_413 = tpu.memref_squeeze %gather3A_412 : memref<1x128xf32, #tpu.memory_space<vmem>> -> memref<128xf32, #tpu.memory_space<vmem>>
          %gather3A_414 = tpu.vector_load_idx %gather3A_413[%broadcast_in_dim3A_410] : memref<128xf32, #tpu.memory_space<vmem>>[vector<16xi32>], vector<16xf32>,
          %get3A_415 = arith.index_cast %add3A_409 : i32 to index
          %get3A_416 = arith.constant 0 : index
          %get3A_417 = tpu.vector_load %arg12[%get3A_415, %get3A_416] {strides = array<i32>} : memref<128x128xf32, #tpu.memory_space<vmem>>, vector<16xf32>,
          %mul3A_418 = arith.mulf %get3A_417, %gather3A_414 : vector<16xf32>
          %swap3A_419 = arith.index_cast %add3A_409 : i32 to index
          %swap3A_420 = arith.constant 0 : index
          %swap3A_421 = tpu.vector_load %arg12[%swap3A_419, %swap3A_420] {strides = array<i32>} : memref<128x128xf32, #tpu.memory_space<vmem>>, vector<16xf32>,
          tpu.vector_store %arg12[%swap3A_419, %swap3A_420], %mul3A_418 {strides = array<i32>} : memref<128x128xf32, #tpu.memory_space<vmem>>, vector<16xf32>,
          %get3A_422 = arith.index_cast %add3A_409 : i32 to index
          %get3A_423 = arith.constant 16 : index
          %get3A_424 = tpu.vector_load %arg12[%get3A_422, %get3A_423] {strides = array<i32>} : memref<128x128xf32, #tpu.memory_space<vmem>>, vector<16xf32>,
          %mul3A_425 = arith.mulf %get3A_424, %gather3A_414 : vector<16xf32>
          %swap3A_426 = arith.index_cast %add3A_409 : i32 to index
          %swap3A_427 = arith.constant 16 : index
          %swap3A_428 = tpu.vector_load %arg12[%swap3A_426, %swap3A_427] {strides = array<i32>} : memref<128x128xf32, #tpu.memory_space<vmem>>, vector<16xf32>,
          tpu.vector_store %arg12[%swap3A_426, %swap3A_427], %mul3A_425 {strides = array<i32>} : memref<128x128xf32, #tpu.memory_space<vmem>>, vector<16xf32>,
          %get3A_429 = arith.index_cast %add3A_409 : i32 to index
          %get3A_430 = arith.constant 32 : index
          %get3A_431 = tpu.vector_load %arg12[%get3A_429, %get3A_430] {strides = array<i32>} : memref<128x128xf32, #tpu.memory_space<vmem>>, vector<16xf32>,
          %mul3A_432 = arith.mulf %get3A_431, %gather3A_414 : vector<16xf32>
          %swap3A_433 = arith.index_cast %add3A_409 : i32 to index
          %swap3A_434 = arith.constant 32 : index
          %swap3A_435 = tpu.vector_load %arg12[%swap3A_433, %swap3A_434] {strides = array<i32>} : memref<128x128xf32, #tpu.memory_space<vmem>>, vector<16xf32>,
          tpu.vector_store %arg12[%swap3A_433, %swap3A_434], %mul3A_432 {strides = array<i32>} : memref<128x128xf32, #tpu.memory_space<vmem>>, vector<16xf32>,
          %get3A_436 = arith.index_cast %add3A_409 : i32 to index
          %get3A_437 = arith.constant 48 : index
          %get3A_438 = tpu.vector_load %arg12[%get3A_436, %get3A_437] {strides = array<i32>} : memref<128x128xf32, #tpu.memory_space<vmem>>, vector<16xf32>,
          %mul3A_439 = arith.mulf %get3A_438, %gather3A_414 : vector<16xf32>
          %swap3A_440 = arith.index_cast %add3A_409 : i32 to index
          %swap3A_441 = arith.constant 48 : index
          %swap3A_442 = tpu.vector_load %arg12[%swap3A_440, %swap3A_441] {strides = array<i32>} : memref<128x128xf32, #tpu.memory_space<vmem>>, vector<16xf32>,
          tpu.vector_store %arg12[%swap3A_440, %swap3A_441], %mul3A_439 {strides = array<i32>} : memref<128x128xf32, #tpu.memory_space<vmem>>, vector<16xf32>,
        }
        %scan3A_260 = arith.constant 32 : i32
        %dma_start3A_261 = arith.constant 0 : i32
        %dma_start3A_262 = tpu.memref_slice %arg10[%add3A_239, %dma_start3A_261] : memref<40x128xi32, #tpu.memory_space<vmem>> -> memref<1x128xi32, #tpu.memory_space<vmem>>
        %dma_start3A_263 = tpu.memref_squeeze %dma_start3A_262 : memref<1x128xi32, #tpu.memory_space<vmem>> -> memref<128xi32, #tpu.memory_space<vmem>>
        %dma_start3A_264 = arith.constant 0 : i32
        %dma_start3A_265 = arith.constant 0 : i32
        %dma_start3A_266 = tpu.memref_slice %arg8[%dma_start3A_264, %dma_start3A_265] : memref<10240x128xf32, #tpu.memory_space<vmem_shared>> -> memref<10240x128xf32, #tpu.memory_space<vmem_shared>>
        tpu.enqueue_indirect_dma source(%arg12 : memref<128x128xf32, #tpu.memory_space<vmem>>) target(%dma_start3A_266 : memref<10240x128xf32, #tpu.memory_space<vmem_shared>>) offsets(%dma_start3A_263 : memref<128xi32, #tpu.memory_space<vmem>>) semaphore(%arg16 : memref<!tpu.dma_semaphore, #tpu.memory_space<semaphore_mem>>) {add = true}
        %add3A_267 = arith.constant 1 : i32
        %add3A_268 = arith.addi %add3A_239, %add3A_267 : i32
        %dma_wait3A_269 = arith.constant 0 : i32
        %dma_wait3A_270 = tpu.memref_slice %arg9[%add3A_268, %dma_wait3A_269] : memref<40x128xi32, #tpu.memory_space<vmem>> -> memref<1x128xi32, #tpu.memory_space<vmem>>
        %dma_wait3A_271 = tpu.memref_squeeze %dma_wait3A_270 : memref<1x128xi32, #tpu.memory_space<vmem>> -> memref<128xi32, #tpu.memory_space<vmem>>
        %dma_wait3A_272 = arith.constant 0 : i32
        %dma_wait3A_273 = arith.constant 0 : i32
        %dma_wait3A_274 = tpu.memref_slice %arg2[%dma_wait3A_272, %dma_wait3A_273] : memref<10240x128xf32, #tpu.memory_space<hbm>> -> memref<10240x128xf32, #tpu.memory_space<hbm>>
        tpu.wait_indirect_dma semaphore(%arg15 : memref<!tpu.dma_semaphore, #tpu.memory_space<semaphore_mem>>) src(%dma_wait3A_274 : memref<10240x128xf32, #tpu.memory_space<hbm>>) dst(%arg13 : memref<128x128xf32, #tpu.memory_space<vmem>>)
        %add3A_275 = arith.constant 1 : i32
        %add3A_276 = arith.addi %add3A_239, %add3A_275 : i32
        %scan3A_277 = arith.constant 0 : i32
        %scan3A_278 = arith.constant 32 : i32
        %scan3A_279 = arith.addi %scan3A_277, %scan3A_278 : i32
        %scan3A_280 = arith.constant 1 : i32
        scf.for %scan3A_302 = %scan3A_277 to %scan3A_279 step %scan3A_280  : i32 {
          %mul3A_303 = arith.constant 4 : i32
          %mul3A_304 = arith.muli %scan3A_302, %mul3A_303 : i32
          %add3A_305 = arith.constant 0 : i32
          %add3A_306 = arith.addi %add3A_305, %mul3A_304 : i32
          %add3A_307 = arith.constant 0 : i32
          %add3A_308 = arith.addi %add3A_306, %add3A_307 : i32
          %broadcast_in_dim3A = vector.broadcast %add3A_308 : i32 to vector<16xi32>
          %gather3A = arith.constant 0 : i32
          %gather3A_309 = tpu.memref_slice %arg11[%add3A_276, %gather3A] : memref<40x128xf32, #tpu.memory_space<vmem>> -> memref<1x128xf32, #tpu.memory_space<vmem>>
          %gather3A_310 = tpu.memref_squeeze %gather3A_309 : memref<1x128xf32, #tpu.memory_space<vmem>> -> memref<128xf32, #tpu.memory_space<vmem>>
          %gather3A_311 = tpu.vector_load_idx %gather3A_310[%broadcast_in_dim3A] : memref<128xf32, #tpu.memory_space<vmem>>[vector<16xi32>], vector<16xf32>,
          %get3A = arith.index_cast %add3A_308 : i32 to index
          %get3A_312 = arith.constant 0 : index
          %get3A_313 = tpu.vector_load %arg13[%get3A, %get3A_312] {strides = array<i32>} : memref<128x128xf32, #tpu.memory_space<vmem>>, vector<16xf32>,
          %mul3A_314 = arith.mulf %get3A_313, %gather3A_311 : vector<16xf32>
          %swap3A = arith.index_cast %add3A_308 : i32 to index
          %swap3A_315 = arith.constant 0 : index
          %swap3A_316 = tpu.vector_load %arg13[%swap3A, %swap3A_315] {strides = array<i32>} : memref<128x128xf32, #tpu.memory_space<vmem>>, vector<16xf32>,
          tpu.vector_store %arg13[%swap3A, %swap3A_315], %mul3A_314 {strides = array<i32>} : memref<128x128xf32, #tpu.memory_space<vmem>>, vector<16xf32>,
          %get3A_317 = arith.index_cast %add3A_308 : i32 to index
          %get3A_318 = arith.constant 16 : index
          %get3A_319 = tpu.vector_load %arg13[%get3A_317, %get3A_318] {strides = array<i32>} : memref<128x128xf32, #tpu.memory_space<vmem>>, vector<16xf32>,
          %mul3A_320 = arith.mulf %get3A_319, %gather3A_311 : vector<16xf32>
          %swap3A_321 = arith.index_cast %add3A_308 : i32 to index
          %swap3A_322 = arith.constant 16 : index
          %swap3A_323 = tpu.vector_load %arg13[%swap3A_321, %swap3A_322] {strides = array<i32>} : memref<128x128xf32, #tpu.memory_space<vmem>>, vector<16xf32>,
          tpu.vector_store %arg13[%swap3A_321, %swap3A_322], %mul3A_320 {strides = array<i32>} : memref<128x128xf32, #tpu.memory_space<vmem>>, vector<16xf32>,
          %get3A_324 = arith.index_cast %add3A_308 : i32 to index
          %get3A_325 = arith.constant 32 : index
          %get3A_326 = tpu.vector_load %arg13[%get3A_324, %get3A_325] {strides = array<i32>} : memref<128x128xf32, #tpu.memory_space<vmem>>, vector<16xf32>,
          %mul3A_327 = arith.mulf %get3A_326, %gather3A_311 : vector<16xf32>
          %swap3A_328 = arith.index_cast %add3A_308 : i32 to index
          %swap3A_329 = arith.constant 32 : index
          %swap3A_330 = tpu.vector_load %arg13[%swap3A_328, %swap3A_329] {strides = array<i32>} : memref<128x128xf32, #tpu.memory_space<vmem>>, vector<16xf32>,
          tpu.vector_store %arg13[%swap3A_328, %swap3A_329], %mul3A_327 {strides = array<i32>} : memref<128x128xf32, #tpu.memory_space<vmem>>, vector<16xf32>,
          %get3A_331 = arith.index_cast %add3A_308 : i32 to index
          %get3A_332 = arith.constant 48 : index
          %get3A_333 = tpu.vector_load %arg13[%get3A_331, %get3A_332] {strides = array<i32>} : memref<128x128xf32, #tpu.memory_space<vmem>>, vector<16xf32>,
          %mul3A_334 = arith.mulf %get3A_333, %gather3A_311 : vector<16xf32>
          %swap3A_335 = arith.index_cast %add3A_308 : i32 to index
          %swap3A_336 = arith.constant 48 : index
          %swap3A_337 = tpu.vector_load %arg13[%swap3A_335, %swap3A_336] {strides = array<i32>} : memref<128x128xf32, #tpu.memory_space<vmem>>, vector<16xf32>,
          tpu.vector_store %arg13[%swap3A_335, %swap3A_336], %mul3A_334 {strides = array<i32>} : memref<128x128xf32, #tpu.memory_space<vmem>>, vector<16xf32>,
          %add3A_338 = arith.constant 1 : i32
          %add3A_339 = arith.addi %add3A_306, %add3A_338 : i32
          %broadcast_in_dim3A_340 = vector.broadcast %add3A_339 : i32 to vector<16xi32>
          %gather3A_341 = arith.constant 0 : i32
          %gather3A_342 = tpu.memref_slice %arg11[%add3A_276, %gather3A_341] : memref<40x128xf32, #tpu.memory_space<vmem>> -> memref<1x128xf32, #tpu.memory_space<vmem>>
          %gather3A_343 = tpu.memref_squeeze %gather3A_342 : memref<1x128xf32, #tpu.memory_space<vmem>> -> memref<128xf32, #tpu.memory_space<vmem>>
          %gather3A_344 = tpu.vector_load_idx %gather3A_343[%broadcast_in_dim3A_340] : memref<128xf32, #tpu.memory_space<vmem>>[vector<16xi32>], vector<16xf32>,
          %get3A_345 = arith.index_cast %add3A_339 : i32 to index
          %get3A_346 = arith.constant 0 : index
          %get3A_347 = tpu.vector_load %arg13[%get3A_345, %get3A_346] {strides = array<i32>} : memref<128x128xf32, #tpu.memory_space<vmem>>, vector<16xf32>,
          %mul3A_348 = arith.mulf %get3A_347, %gather3A_344 : vector<16xf32>
          %swap3A_349 = arith.index_cast %add3A_339 : i32 to index
          %swap3A_350 = arith.constant 0 : index
          %swap3A_351 = tpu.vector_load %arg13[%swap3A_349, %swap3A_350] {strides = array<i32>} : memref<128x128xf32, #tpu.memory_space<vmem>>, vector<16xf32>,
          tpu.vector_store %arg13[%swap3A_349, %swap3A_350], %mul3A_348 {strides = array<i32>} : memref<128x128xf32, #tpu.memory_space<vmem>>, vector<16xf32>,
          %get3A_352 = arith.index_cast %add3A_339 : i32 to index
          %get3A_353 = arith.constant 16 : index
          %get3A_354 = tpu.vector_load %arg13[%get3A_352, %get3A_353] {strides = array<i32>} : memref<128x128xf32, #tpu.memory_space<vmem>>, vector<16xf32>,
          %mul3A_355 = arith.mulf %get3A_354, %gather3A_344 : vector<16xf32>
          %swap3A_356 = arith.index_cast %add3A_339 : i32 to index
          %swap3A_357 = arith.constant 16 : index
          %swap3A_358 = tpu.vector_load %arg13[%swap3A_356, %swap3A_357] {strides = array<i32>} : memref<128x128xf32, #tpu.memory_space<vmem>>, vector<16xf32>,
          tpu.vector_store %arg13[%swap3A_356, %swap3A_357], %mul3A_355 {strides = array<i32>} : memref<128x128xf32, #tpu.memory_space<vmem>>, vector<16xf32>,
          %get3A_359 = arith.index_cast %add3A_339 : i32 to index
          %get3A_360 = arith.constant 32 : index
          %get3A_361 = tpu.vector_load %arg13[%get3A_359, %get3A_360] {strides = array<i32>} : memref<128x128xf32, #tpu.memory_space<vmem>>, vector<16xf32>,
          %mul3A_362 = arith.mulf %get3A_361, %gather3A_344 : vector<16xf32>
          %swap3A_363 = arith.index_cast %add3A_339 : i32 to index
          %swap3A_364 = arith.constant 32 : index
          %swap3A_365 = tpu.vector_load %arg13[%swap3A_363, %swap3A_364] {strides = array<i32>} : memref<128x128xf32, #tpu.memory_space<vmem>>, vector<16xf32>,
          tpu.vector_store %arg13[%swap3A_363, %swap3A_364], %mul3A_362 {strides = array<i32>} : memref<128x128xf32, #tpu.memory_space<vmem>>, vector<16xf32>,
          %get3A_366 = arith.index_cast %add3A_339 : i32 to index
          %get3A_367 = arith.constant 48 : index
          %get3A_368 = tpu.vector_load %arg13[%get3A_366, %get3A_367] {strides = array<i32>} : memref<128x128xf32, #tpu.memory_space<vmem>>, vector<16xf32>,
          %mul3A_369 = arith.mulf %get3A_368, %gather3A_344 : vector<16xf32>
          %swap3A_370 = arith.index_cast %add3A_339 : i32 to index
          %swap3A_371 = arith.constant 48 : index
          %swap3A_372 = tpu.vector_load %arg13[%swap3A_370, %swap3A_371] {strides = array<i32>} : memref<128x128xf32, #tpu.memory_space<vmem>>, vector<16xf32>,
          tpu.vector_store %arg13[%swap3A_370, %swap3A_371], %mul3A_369 {strides = array<i32>} : memref<128x128xf32, #tpu.memory_space<vmem>>, vector<16xf32>,
          %add3A_373 = arith.constant 2 : i32
          %add3A_374 = arith.addi %add3A_306, %add3A_373 : i32
          %broadcast_in_dim3A_375 = vector.broadcast %add3A_374 : i32 to vector<16xi32>
          %gather3A_376 = arith.constant 0 : i32
          %gather3A_377 = tpu.memref_slice %arg11[%add3A_276, %gather3A_376] : memref<40x128xf32, #tpu.memory_space<vmem>> -> memref<1x128xf32, #tpu.memory_space<vmem>>
          %gather3A_378 = tpu.memref_squeeze %gather3A_377 : memref<1x128xf32, #tpu.memory_space<vmem>> -> memref<128xf32, #tpu.memory_space<vmem>>
          %gather3A_379 = tpu.vector_load_idx %gather3A_378[%broadcast_in_dim3A_375] : memref<128xf32, #tpu.memory_space<vmem>>[vector<16xi32>], vector<16xf32>,
          %get3A_380 = arith.index_cast %add3A_374 : i32 to index
          %get3A_381 = arith.constant 0 : index
          %get3A_382 = tpu.vector_load %arg13[%get3A_380, %get3A_381] {strides = array<i32>} : memref<128x128xf32, #tpu.memory_space<vmem>>, vector<16xf32>,
          %mul3A_383 = arith.mulf %get3A_382, %gather3A_379 : vector<16xf32>
          %swap3A_384 = arith.index_cast %add3A_374 : i32 to index
          %swap3A_385 = arith.constant 0 : index
          %swap3A_386 = tpu.vector_load %arg13[%swap3A_384, %swap3A_385] {strides = array<i32>} : memref<128x128xf32, #tpu.memory_space<vmem>>, vector<16xf32>,
          tpu.vector_store %arg13[%swap3A_384, %swap3A_385], %mul3A_383 {strides = array<i32>} : memref<128x128xf32, #tpu.memory_space<vmem>>, vector<16xf32>,
          %get3A_387 = arith.index_cast %add3A_374 : i32 to index
          %get3A_388 = arith.constant 16 : index
          %get3A_389 = tpu.vector_load %arg13[%get3A_387, %get3A_388] {strides = array<i32>} : memref<128x128xf32, #tpu.memory_space<vmem>>, vector<16xf32>,
          %mul3A_390 = arith.mulf %get3A_389, %gather3A_379 : vector<16xf32>
          %swap3A_391 = arith.index_cast %add3A_374 : i32 to index
          %swap3A_392 = arith.constant 16 : index
          %swap3A_393 = tpu.vector_load %arg13[%swap3A_391, %swap3A_392] {strides = array<i32>} : memref<128x128xf32, #tpu.memory_space<vmem>>, vector<16xf32>,
          tpu.vector_store %arg13[%swap3A_391, %swap3A_392], %mul3A_390 {strides = array<i32>} : memref<128x128xf32, #tpu.memory_space<vmem>>, vector<16xf32>,
          %get3A_394 = arith.index_cast %add3A_374 : i32 to index
          %get3A_395 = arith.constant 32 : index
          %get3A_396 = tpu.vector_load %arg13[%get3A_394, %get3A_395] {strides = array<i32>} : memref<128x128xf32, #tpu.memory_space<vmem>>, vector<16xf32>,
          %mul3A_397 = arith.mulf %get3A_396, %gather3A_379 : vector<16xf32>
          %swap3A_398 = arith.index_cast %add3A_374 : i32 to index
          %swap3A_399 = arith.constant 32 : index
          %swap3A_400 = tpu.vector_load %arg13[%swap3A_398, %swap3A_399] {strides = array<i32>} : memref<128x128xf32, #tpu.memory_space<vmem>>, vector<16xf32>,
          tpu.vector_store %arg13[%swap3A_398, %swap3A_399], %mul3A_397 {strides = array<i32>} : memref<128x128xf32, #tpu.memory_space<vmem>>, vector<16xf32>,
          %get3A_401 = arith.index_cast %add3A_374 : i32 to index
          %get3A_402 = arith.constant 48 : index
          %get3A_403 = tpu.vector_load %arg13[%get3A_401, %get3A_402] {strides = array<i32>} : memref<128x128xf32, #tpu.memory_space<vmem>>, vector<16xf32>,
          %mul3A_404 = arith.mulf %get3A_403, %gather3A_379 : vector<16xf32>
          %swap3A_405 = arith.index_cast %add3A_374 : i32 to index
          %swap3A_406 = arith.constant 48 : index
          %swap3A_407 = tpu.vector_load %arg13[%swap3A_405, %swap3A_406] {strides = array<i32>} : memref<128x128xf32, #tpu.memory_space<vmem>>, vector<16xf32>,
          tpu.vector_store %arg13[%swap3A_405, %swap3A_406], %mul3A_404 {strides = array<i32>} : memref<128x128xf32, #tpu.memory_space<vmem>>, vector<16xf32>,
          %add3A_408 = arith.constant 3 : i32
          %add3A_409 = arith.addi %add3A_306, %add3A_408 : i32
          %broadcast_in_dim3A_410 = vector.broadcast %add3A_409 : i32 to vector<16xi32>
          %gather3A_411 = arith.constant 0 : i32
          %gather3A_412 = tpu.memref_slice %arg11[%add3A_276, %gather3A_411] : memref<40x128xf32, #tpu.memory_space<vmem>> -> memref<1x128xf32, #tpu.memory_space<vmem>>
          %gather3A_413 = tpu.memref_squeeze %gather3A_412 : memref<1x128xf32, #tpu.memory_space<vmem>> -> memref<128xf32, #tpu.memory_space<vmem>>
          %gather3A_414 = tpu.vector_load_idx %gather3A_413[%broadcast_in_dim3A_410] : memref<128xf32, #tpu.memory_space<vmem>>[vector<16xi32>], vector<16xf32>,
          %get3A_415 = arith.index_cast %add3A_409 : i32 to index
          %get3A_416 = arith.constant 0 : index
          %get3A_417 = tpu.vector_load %arg13[%get3A_415, %get3A_416] {strides = array<i32>} : memref<128x128xf32, #tpu.memory_space<vmem>>, vector<16xf32>,
          %mul3A_418 = arith.mulf %get3A_417, %gather3A_414 : vector<16xf32>
          %swap3A_419 = arith.index_cast %add3A_409 : i32 to index
          %swap3A_420 = arith.constant 0 : index
          %swap3A_421 = tpu.vector_load %arg13[%swap3A_419, %swap3A_420] {strides = array<i32>} : memref<128x128xf32, #tpu.memory_space<vmem>>, vector<16xf32>,
          tpu.vector_store %arg13[%swap3A_419, %swap3A_420], %mul3A_418 {strides = array<i32>} : memref<128x128xf32, #tpu.memory_space<vmem>>, vector<16xf32>,
          %get3A_422 = arith.index_cast %add3A_409 : i32 to index
          %get3A_423 = arith.constant 16 : index
          %get3A_424 = tpu.vector_load %arg13[%get3A_422, %get3A_423] {strides = array<i32>} : memref<128x128xf32, #tpu.memory_space<vmem>>, vector<16xf32>,
          %mul3A_425 = arith.mulf %get3A_424, %gather3A_414 : vector<16xf32>
          %swap3A_426 = arith.index_cast %add3A_409 : i32 to index
          %swap3A_427 = arith.constant 16 : index
          %swap3A_428 = tpu.vector_load %arg13[%swap3A_426, %swap3A_427] {strides = array<i32>} : memref<128x128xf32, #tpu.memory_space<vmem>>, vector<16xf32>,
          tpu.vector_store %arg13[%swap3A_426, %swap3A_427], %mul3A_425 {strides = array<i32>} : memref<128x128xf32, #tpu.memory_space<vmem>>, vector<16xf32>,
          %get3A_429 = arith.index_cast %add3A_409 : i32 to index
          %get3A_430 = arith.constant 32 : index
          %get3A_431 = tpu.vector_load %arg13[%get3A_429, %get3A_430] {strides = array<i32>} : memref<128x128xf32, #tpu.memory_space<vmem>>, vector<16xf32>,
          %mul3A_432 = arith.mulf %get3A_431, %gather3A_414 : vector<16xf32>
          %swap3A_433 = arith.index_cast %add3A_409 : i32 to index
          %swap3A_434 = arith.constant 32 : index
          %swap3A_435 = tpu.vector_load %arg13[%swap3A_433, %swap3A_434] {strides = array<i32>} : memref<128x128xf32, #tpu.memory_space<vmem>>, vector<16xf32>,
          tpu.vector_store %arg13[%swap3A_433, %swap3A_434], %mul3A_432 {strides = array<i32>} : memref<128x128xf32, #tpu.memory_space<vmem>>, vector<16xf32>,
          %get3A_436 = arith.index_cast %add3A_409 : i32 to index
          %get3A_437 = arith.constant 48 : index
          %get3A_438 = tpu.vector_load %arg13[%get3A_436, %get3A_437] {strides = array<i32>} : memref<128x128xf32, #tpu.memory_space<vmem>>, vector<16xf32>,
          %mul3A_439 = arith.mulf %get3A_438, %gather3A_414 : vector<16xf32>
          %swap3A_440 = arith.index_cast %add3A_409 : i32 to index
          %swap3A_441 = arith.constant 48 : index
          %swap3A_442 = tpu.vector_load %arg13[%swap3A_440, %swap3A_441] {strides = array<i32>} : memref<128x128xf32, #tpu.memory_space<vmem>>, vector<16xf32>,
          tpu.vector_store %arg13[%swap3A_440, %swap3A_441], %mul3A_439 {strides = array<i32>} : memref<128x128xf32, #tpu.memory_space<vmem>>, vector<16xf32>,
        }
        %scan3A_281 = arith.constant 32 : i32
        %dma_wait3A_282 = arith.constant 0 : i32
        %dma_wait3A_283 = tpu.memref_slice %arg10[%add3A_239, %dma_wait3A_282] : memref<40x128xi32, #tpu.memory_space<vmem>> -> memref<1x128xi32, #tpu.memory_space<vmem>>
        %dma_wait3A_284 = tpu.memref_squeeze %dma_wait3A_283 : memref<1x128xi32, #tpu.memory_space<vmem>> -> memref<128xi32, #tpu.memory_space<vmem>>
        %dma_wait3A_285 = arith.constant 0 : i32
        %dma_wait3A_286 = arith.constant 0 : i32
        %dma_wait3A_287 = tpu.memref_slice %arg8[%dma_wait3A_285, %dma_wait3A_286] : memref<10240x128xf32, #tpu.memory_space<vmem_shared>> -> memref<10240x128xf32, #tpu.memory_space<vmem_shared>>
        tpu.wait_indirect_dma semaphore(%arg16 : memref<!tpu.dma_semaphore, #tpu.memory_space<semaphore_mem>>) src(%arg12 : memref<128x128xf32, #tpu.memory_space<vmem>>) dst(%dma_wait3A_287 : memref<10240x128xf32, #tpu.memory_space<vmem_shared>>)
        %add3A_288 = arith.constant 2 : i32
        %add3A_289 = arith.addi %add3A_239, %add3A_288 : i32
        %lt3A = arith.constant 40 : i32
        %lt3A_290 = arith.cmpi slt, %add3A_289, %lt3A : i32
        %convert_element_type3A_291 = arith.extui %lt3A_290 : i1 to i32
        %cond3A_292 = arith.constant 0 : i32
        %cond3A_293 = arith.cmpi ne, %convert_element_type3A_291, %cond3A_292 : i32
        scf.if %cond3A_293 {
          %add3A_302 = arith.constant 2 : i32
          %add3A_303 = arith.addi %add3A_239, %add3A_302 : i32
          %dma_start3A_304 = arith.constant 0 : i32
          %dma_start3A_305 = tpu.memref_slice %arg9[%add3A_303, %dma_start3A_304] : memref<40x128xi32, #tpu.memory_space<vmem>> -> memref<1x128xi32, #tpu.memory_space<vmem>>
          %dma_start3A_306 = tpu.memref_squeeze %dma_start3A_305 : memref<1x128xi32, #tpu.memory_space<vmem>> -> memref<128xi32, #tpu.memory_space<vmem>>
          %dma_start3A_307 = arith.constant 0 : i32
          %dma_start3A_308 = arith.constant 0 : i32
          %dma_start3A_309 = tpu.memref_slice %arg2[%dma_start3A_307, %dma_start3A_308] : memref<10240x128xf32, #tpu.memory_space<hbm>> -> memref<10240x128xf32, #tpu.memory_space<hbm>>
          tpu.enqueue_indirect_dma source(%dma_start3A_309 : memref<10240x128xf32, #tpu.memory_space<hbm>>) target(%arg12 : memref<128x128xf32, #tpu.memory_space<vmem>>) offsets(%dma_start3A_306 : memref<128xi32, #tpu.memory_space<vmem>>) semaphore(%arg14 : memref<!tpu.dma_semaphore, #tpu.memory_space<semaphore_mem>>)
        } else {
        }
        %add3A_294 = arith.constant 1 : i32
        %add3A_295 = arith.addi %add3A_239, %add3A_294 : i32
        %dma_start3A_296 = arith.constant 0 : i32
        %dma_start3A_297 = tpu.memref_slice %arg10[%add3A_295, %dma_start3A_296] : memref<40x128xi32, #tpu.memory_space<vmem>> -> memref<1x128xi32, #tpu.memory_space<vmem>>
        %dma_start3A_298 = tpu.memref_squeeze %dma_start3A_297 : memref<1x128xi32, #tpu.memory_space<vmem>> -> memref<128xi32, #tpu.memory_space<vmem>>
        %dma_start3A_299 = arith.constant 0 : i32
        %dma_start3A_300 = arith.constant 0 : i32
        %dma_start3A_301 = tpu.memref_slice %arg8[%dma_start3A_299, %dma_start3A_300] : memref<10240x128xf32, #tpu.memory_space<vmem_shared>> -> memref<10240x128xf32, #tpu.memory_space<vmem_shared>>
        tpu.enqueue_indirect_dma source(%arg13 : memref<128x128xf32, #tpu.memory_space<vmem>>) target(%dma_start3A_301 : memref<10240x128xf32, #tpu.memory_space<vmem_shared>>) offsets(%dma_start3A_298 : memref<128xi32, #tpu.memory_space<vmem>>) semaphore(%arg17 : memref<!tpu.dma_semaphore, #tpu.memory_space<semaphore_mem>>) {add = true}
      }
      %scan3A_227 = arith.constant 20 : i32
      %dma_wait3A_228 = arith.constant 39 : i32
      %dma_wait3A_229 = arith.constant 0 : i32
      %dma_wait3A_230 = tpu.memref_slice %arg10[%dma_wait3A_228, %dma_wait3A_229] : memref<40x128xi32, #tpu.memory_space<vmem>> -> memref<1x128xi32, #tpu.memory_space<vmem>>
      %dma_wait3A_231 = tpu.memref_squeeze %dma_wait3A_230 : memref<1x128xi32, #tpu.memory_space<vmem>> -> memref<128xi32, #tpu.memory_space<vmem>>
      %dma_wait3A_232 = arith.constant 0 : i32
      %dma_wait3A_233 = arith.constant 0 : i32
      %dma_wait3A_234 = tpu.memref_slice %arg8[%dma_wait3A_232, %dma_wait3A_233] : memref<10240x128xf32, #tpu.memory_space<vmem_shared>> -> memref<10240x128xf32, #tpu.memory_space<vmem_shared>>
      tpu.wait_indirect_dma semaphore(%arg17 : memref<!tpu.dma_semaphore, #tpu.memory_space<semaphore_mem>>) src(%arg13 : memref<128x128xf32, #tpu.memory_space<vmem>>) dst(%dma_wait3A_234 : memref<10240x128xf32, #tpu.memory_space<vmem_shared>>)
    }
    %while3A_105 = arith.constant 1 : i32
    scf.for %while3A_211 = %while3A_103 to %while3A_99 step %while3A_105  : i32 {
      %mul3A_212 = arith.muli %while3A_211, %while3A : i32
      %add3A_213 = arith.addi %while3A_96, %mul3A_212 : i32
      %mul3A_214 = arith.constant 40 : i32
      %mul3A_215 = arith.muli %add3A_213, %mul3A_214 : i32
      %add3A_216 = arith.addi %select_n3A_89, %mul3A_215 : i32
      "tpu.region"() ({
        %run_scoped3A = tpu.sem_alloc : memref<!tpu.dma_semaphore, #tpu.memory_space<semaphore_mem>>
        %dma_start3A_235 = arith.constant 0 : i32
        %dma_start3A_236 = tpu.memref_slice %arg3[%add3A_216, %dma_start3A_235] : memref<2560x128xi32, #tpu.memory_space<hbm>> -> memref<40x128xi32, #tpu.memory_space<hbm>>
        %dma_start3A_237 = arith.constant 0 : i32
        %dma_start3A_238 = tpu.memref_slice %arg3[%add3A_216, %dma_start3A_237] : memref<2560x128xi32, #tpu.memory_space<hbm>> -> memref<40x128xi32, #tpu.memory_space<hbm>>
        tpu.enqueue_dma source(%dma_start3A_238 : memref<40x128xi32, #tpu.memory_space<hbm>>) target(%arg9 : memref<40x128xi32, #tpu.memory_space<vmem>>) target_semaphore(%run_scoped3A : memref<!tpu.dma_semaphore, #tpu.memory_space<semaphore_mem>>)
        %dma_wait3A_239 = arith.constant 0 : i32
        %dma_wait3A_240 = tpu.memref_slice %arg3[%add3A_216, %dma_wait3A_239] : memref<2560x128xi32, #tpu.memory_space<hbm>> -> memref<40x128xi32, #tpu.memory_space<hbm>>
        %dma_wait3A_241 = arith.constant 0 : i32
        %dma_wait3A_242 = tpu.memref_slice %arg3[%add3A_216, %dma_wait3A_241] : memref<2560x128xi32, #tpu.memory_space<hbm>> -> memref<40x128xi32, #tpu.memory_space<hbm>>
        tpu.wait_dma2 semaphore(%run_scoped3A : memref<!tpu.dma_semaphore, #tpu.memory_space<semaphore_mem>>) src(%dma_wait3A_242 : memref<40x128xi32, #tpu.memory_space<hbm>>) dst(%arg9 : memref<40x128xi32, #tpu.memory_space<vmem>>)
        tpu.yield
      }) : () -> ()
      "tpu.region"() ({
        %run_scoped3A = tpu.sem_alloc : memref<!tpu.dma_semaphore, #tpu.memory_space<semaphore_mem>>
        %dma_start3A_235 = arith.constant 0 : i32
        %dma_start3A_236 = tpu.memref_slice %arg4[%add3A_216, %dma_start3A_235] : memref<2560x128xi32, #tpu.memory_space<hbm>> -> memref<40x128xi32, #tpu.memory_space<hbm>>
        %dma_start3A_237 = arith.constant 0 : i32
        %dma_start3A_238 = tpu.memref_slice %arg4[%add3A_216, %dma_start3A_237] : memref<2560x128xi32, #tpu.memory_space<hbm>> -> memref<40x128xi32, #tpu.memory_space<hbm>>
        tpu.enqueue_dma source(%dma_start3A_238 : memref<40x128xi32, #tpu.memory_space<hbm>>) target(%arg10 : memref<40x128xi32, #tpu.memory_space<vmem>>) target_semaphore(%run_scoped3A : memref<!tpu.dma_semaphore, #tpu.memory_space<semaphore_mem>>)
        %dma_wait3A_239 = arith.constant 0 : i32
        %dma_wait3A_240 = tpu.memref_slice %arg4[%add3A_216, %dma_wait3A_239] : memref<2560x128xi32, #tpu.memory_space<hbm>> -> memref<40x128xi32, #tpu.memory_space<hbm>>
        %dma_wait3A_241 = arith.constant 0 : i32
        %dma_wait3A_242 = tpu.memref_slice %arg4[%add3A_216, %dma_wait3A_241] : memref<2560x128xi32, #tpu.memory_space<hbm>> -> memref<40x128xi32, #tpu.memory_space<hbm>>
        tpu.wait_dma2 semaphore(%run_scoped3A : memref<!tpu.dma_semaphore, #tpu.memory_space<semaphore_mem>>) src(%dma_wait3A_242 : memref<40x128xi32, #tpu.memory_space<hbm>>) dst(%arg10 : memref<40x128xi32, #tpu.memory_space<vmem>>)
        tpu.yield
      }) : () -> ()
      "tpu.region"() ({
        %run_scoped3A = tpu.sem_alloc : memref<!tpu.dma_semaphore, #tpu.memory_space<semaphore_mem>>
        %dma_start3A_235 = arith.constant 0 : i32
        %dma_start3A_236 = tpu.memref_slice %arg5[%add3A_216, %dma_start3A_235] : memref<2560x128xf32, #tpu.memory_space<hbm>> -> memref<40x128xf32, #tpu.memory_space<hbm>>
        %dma_start3A_237 = arith.constant 0 : i32
        %dma_start3A_238 = tpu.memref_slice %arg5[%add3A_216, %dma_start3A_237] : memref<2560x128xf32, #tpu.memory_space<hbm>> -> memref<40x128xf32, #tpu.memory_space<hbm>>
        tpu.enqueue_dma source(%dma_start3A_238 : memref<40x128xf32, #tpu.memory_space<hbm>>) target(%arg11 : memref<40x128xf32, #tpu.memory_space<vmem>>) target_semaphore(%run_scoped3A : memref<!tpu.dma_semaphore, #tpu.memory_space<semaphore_mem>>)
        %dma_wait3A_239 = arith.constant 0 : i32
        %dma_wait3A_240 = tpu.memref_slice %arg5[%add3A_216, %dma_wait3A_239] : memref<2560x128xf32, #tpu.memory_space<hbm>> -> memref<40x128xf32, #tpu.memory_space<hbm>>
        %dma_wait3A_241 = arith.constant 0 : i32
        %dma_wait3A_242 = tpu.memref_slice %arg5[%add3A_216, %dma_wait3A_241] : memref<2560x128xf32, #tpu.memory_space<hbm>> -> memref<40x128xf32, #tpu.memory_space<hbm>>
        tpu.wait_dma2 semaphore(%run_scoped3A : memref<!tpu.dma_semaphore, #tpu.memory_space<semaphore_mem>>) src(%dma_wait3A_242 : memref<40x128xf32, #tpu.memory_space<hbm>>) dst(%arg11 : memref<40x128xf32, #tpu.memory_space<vmem>>)
        tpu.yield
      }) : () -> ()
      %dma_start3A_217 = arith.constant 0 : i32
      %dma_start3A_218 = arith.constant 0 : i32
      %dma_start3A_219 = tpu.memref_slice %arg9[%dma_start3A_217, %dma_start3A_218] : memref<40x128xi32, #tpu.memory_space<vmem>> -> memref<1x128xi32, #tpu.memory_space<vmem>>
      %dma_start3A_220 = tpu.memref_squeeze %dma_start3A_219 : memref<1x128xi32, #tpu.memory_space<vmem>> -> memref<128xi32, #tpu.memory_space<vmem>>
      %dma_start3A_221 = arith.constant 0 : i32
      %dma_start3A_222 = arith.constant 0 : i32
      %dma_start3A_223 = tpu.memref_slice %arg2[%dma_start3A_221, %dma_start3A_222] : memref<10240x128xf32, #tpu.memory_space<hbm>> -> memref<10240x128xf32, #tpu.memory_space<hbm>>
      tpu.enqueue_indirect_dma source(%dma_start3A_223 : memref<10240x128xf32, #tpu.memory_space<hbm>>) target(%arg12 : memref<128x128xf32, #tpu.memory_space<vmem>>) offsets(%dma_start3A_220 : memref<128xi32, #tpu.memory_space<vmem>>) semaphore(%arg14 : memref<!tpu.dma_semaphore, #tpu.memory_space<semaphore_mem>>)
      %scan3A = arith.constant 0 : i32
      %scan3A_224 = arith.constant 20 : i32
      %scan3A_225 = arith.addi %scan3A, %scan3A_224 : i32
      %scan3A_226 = arith.constant 1 : i32
      scf.for %scan3A_235 = %scan3A to %scan3A_225 step %scan3A_226  : i32 {
        %mul3A_236 = arith.constant 2 : i32
        %mul3A_237 = arith.muli %scan3A_235, %mul3A_236 : i32
        %add3A_238 = arith.constant 0 : i32
        %add3A_239 = arith.addi %add3A_238, %mul3A_237 : i32
        %gt3A = arith.constant 0 : i32
        %gt3A_240 = arith.cmpi sgt, %add3A_239, %gt3A : i32
        %convert_element_type3A = arith.extui %gt3A_240 : i1 to i32
        %cond3A = arith.constant 0 : i32
        %cond3A_241 = arith.cmpi ne, %convert_element_type3A, %cond3A : i32
        scf.if %cond3A_241 {
          %sub3A_302 = arith.constant 1 : i32
          %sub3A_303 = arith.subi %add3A_239, %sub3A_302 : i32
          %dma_wait3A_304 = arith.constant 0 : i32
          %dma_wait3A_305 = tpu.memref_slice %arg10[%sub3A_303, %dma_wait3A_304] : memref<40x128xi32, #tpu.memory_space<vmem>> -> memref<1x128xi32, #tpu.memory_space<vmem>>
          %dma_wait3A_306 = tpu.memref_squeeze %dma_wait3A_305 : memref<1x128xi32, #tpu.memory_space<vmem>> -> memref<128xi32, #tpu.memory_space<vmem>>
          %dma_wait3A_307 = arith.constant 0 : i32
          %dma_wait3A_308 = arith.constant 0 : i32
          %dma_wait3A_309 = tpu.memref_slice %arg8[%dma_wait3A_307, %dma_wait3A_308] : memref<10240x128xf32, #tpu.memory_space<vmem_shared>> -> memref<10240x128xf32, #tpu.memory_space<vmem_shared>>
          tpu.wait_indirect_dma semaphore(%arg17 : memref<!tpu.dma_semaphore, #tpu.memory_space<semaphore_mem>>) src(%arg13 : memref<128x128xf32, #tpu.memory_space<vmem>>) dst(%dma_wait3A_309 : memref<10240x128xf32, #tpu.memory_space<vmem_shared>>)
        } else {
        }
        %add3A_242 = arith.constant 1 : i32
        %add3A_243 = arith.addi %add3A_239, %add3A_242 : i32
        %dma_start3A_244 = arith.constant 0 : i32
        %dma_start3A_245 = tpu.memref_slice %arg9[%add3A_243, %dma_start3A_244] : memref<40x128xi32, #tpu.memory_space<vmem>> -> memref<1x128xi32, #tpu.memory_space<vmem>>
        %dma_start3A_246 = tpu.memref_squeeze %dma_start3A_245 : memref<1x128xi32, #tpu.memory_space<vmem>> -> memref<128xi32, #tpu.memory_space<vmem>>
        %dma_start3A_247 = arith.constant 0 : i32
        %dma_start3A_248 = arith.constant 0 : i32
        %dma_start3A_249 = tpu.memref_slice %arg2[%dma_start3A_247, %dma_start3A_248] : memref<10240x128xf32, #tpu.memory_space<hbm>> -> memref<10240x128xf32, #tpu.memory_space<hbm>>
        tpu.enqueue_indirect_dma source(%dma_start3A_249 : memref<10240x128xf32, #tpu.memory_space<hbm>>) target(%arg13 : memref<128x128xf32, #tpu.memory_space<vmem>>) offsets(%dma_start3A_246 : memref<128xi32, #tpu.memory_space<vmem>>) semaphore(%arg15 : memref<!tpu.dma_semaphore, #tpu.memory_space<semaphore_mem>>)
        %dma_wait3A_250 = arith.constant 0 : i32
        %dma_wait3A_251 = tpu.memref_slice %arg9[%add3A_239, %dma_wait3A_250] : memref<40x128xi32, #tpu.memory_space<vmem>> -> memref<1x128xi32, #tpu.memory_space<vmem>>
        %dma_wait3A_252 = tpu.memref_squeeze %dma_wait3A_251 : memref<1x128xi32, #tpu.memory_space<vmem>> -> memref<128xi32, #tpu.memory_space<vmem>>
        %dma_wait3A_253 = arith.constant 0 : i32
        %dma_wait3A_254 = arith.constant 0 : i32
        %dma_wait3A_255 = tpu.memref_slice %arg2[%dma_wait3A_253, %dma_wait3A_254] : memref<10240x128xf32, #tpu.memory_space<hbm>> -> memref<10240x128xf32, #tpu.memory_space<hbm>>
        tpu.wait_indirect_dma semaphore(%arg14 : memref<!tpu.dma_semaphore, #tpu.memory_space<semaphore_mem>>) src(%dma_wait3A_255 : memref<10240x128xf32, #tpu.memory_space<hbm>>) dst(%arg12 : memref<128x128xf32, #tpu.memory_space<vmem>>)
        %scan3A_256 = arith.constant 0 : i32
        %scan3A_257 = arith.constant 32 : i32
        %scan3A_258 = arith.addi %scan3A_256, %scan3A_257 : i32
        %scan3A_259 = arith.constant 1 : i32
        scf.for %scan3A_302 = %scan3A_256 to %scan3A_258 step %scan3A_259  : i32 {
          %mul3A_303 = arith.constant 4 : i32
          %mul3A_304 = arith.muli %scan3A_302, %mul3A_303 : i32
          %add3A_305 = arith.constant 0 : i32
          %add3A_306 = arith.addi %add3A_305, %mul3A_304 : i32
          %add3A_307 = arith.constant 0 : i32
          %add3A_308 = arith.addi %add3A_306, %add3A_307 : i32
          %broadcast_in_dim3A = vector.broadcast %add3A_308 : i32 to vector<16xi32>
          %gather3A = arith.constant 0 : i32
          %gather3A_309 = tpu.memref_slice %arg11[%add3A_239, %gather3A] : memref<40x128xf32, #tpu.memory_space<vmem>> -> memref<1x128xf32, #tpu.memory_space<vmem>>
          %gather3A_310 = tpu.memref_squeeze %gather3A_309 : memref<1x128xf32, #tpu.memory_space<vmem>> -> memref<128xf32, #tpu.memory_space<vmem>>
          %gather3A_311 = tpu.vector_load_idx %gather3A_310[%broadcast_in_dim3A] : memref<128xf32, #tpu.memory_space<vmem>>[vector<16xi32>], vector<16xf32>,
          %get3A = arith.index_cast %add3A_308 : i32 to index
          %get3A_312 = arith.constant 0 : index
          %get3A_313 = tpu.vector_load %arg12[%get3A, %get3A_312] {strides = array<i32>} : memref<128x128xf32, #tpu.memory_space<vmem>>, vector<16xf32>,
          %mul3A_314 = arith.mulf %get3A_313, %gather3A_311 : vector<16xf32>
          %swap3A = arith.index_cast %add3A_308 : i32 to index
          %swap3A_315 = arith.constant 0 : index
          %swap3A_316 = tpu.vector_load %arg12[%swap3A, %swap3A_315] {strides = array<i32>} : memref<128x128xf32, #tpu.memory_space<vmem>>, vector<16xf32>,
          tpu.vector_store %arg12[%swap3A, %swap3A_315], %mul3A_314 {strides = array<i32>} : memref<128x128xf32, #tpu.memory_space<vmem>>, vector<16xf32>,
          %get3A_317 = arith.index_cast %add3A_308 : i32 to index
          %get3A_318 = arith.constant 16 : index
          %get3A_319 = tpu.vector_load %arg12[%get3A_317, %get3A_318] {strides = array<i32>} : memref<128x128xf32, #tpu.memory_space<vmem>>, vector<16xf32>,
          %mul3A_320 = arith.mulf %get3A_319, %gather3A_311 : vector<16xf32>
          %swap3A_321 = arith.index_cast %add3A_308 : i32 to index
          %swap3A_322 = arith.constant 16 : index
          %swap3A_323 = tpu.vector_load %arg12[%swap3A_321, %swap3A_322] {strides = array<i32>} : memref<128x128xf32, #tpu.memory_space<vmem>>, vector<16xf32>,
          tpu.vector_store %arg12[%swap3A_321, %swap3A_322], %mul3A_320 {strides = array<i32>} : memref<128x128xf32, #tpu.memory_space<vmem>>, vector<16xf32>,
          %get3A_324 = arith.index_cast %add3A_308 : i32 to index
          %get3A_325 = arith.constant 32 : index
          %get3A_326 = tpu.vector_load %arg12[%get3A_324, %get3A_325] {strides = array<i32>} : memref<128x128xf32, #tpu.memory_space<vmem>>, vector<16xf32>,
          %mul3A_327 = arith.mulf %get3A_326, %gather3A_311 : vector<16xf32>
          %swap3A_328 = arith.index_cast %add3A_308 : i32 to index
          %swap3A_329 = arith.constant 32 : index
          %swap3A_330 = tpu.vector_load %arg12[%swap3A_328, %swap3A_329] {strides = array<i32>} : memref<128x128xf32, #tpu.memory_space<vmem>>, vector<16xf32>,
          tpu.vector_store %arg12[%swap3A_328, %swap3A_329], %mul3A_327 {strides = array<i32>} : memref<128x128xf32, #tpu.memory_space<vmem>>, vector<16xf32>,
          %get3A_331 = arith.index_cast %add3A_308 : i32 to index
          %get3A_332 = arith.constant 48 : index
          %get3A_333 = tpu.vector_load %arg12[%get3A_331, %get3A_332] {strides = array<i32>} : memref<128x128xf32, #tpu.memory_space<vmem>>, vector<16xf32>,
          %mul3A_334 = arith.mulf %get3A_333, %gather3A_311 : vector<16xf32>
          %swap3A_335 = arith.index_cast %add3A_308 : i32 to index
          %swap3A_336 = arith.constant 48 : index
          %swap3A_337 = tpu.vector_load %arg12[%swap3A_335, %swap3A_336] {strides = array<i32>} : memref<128x128xf32, #tpu.memory_space<vmem>>, vector<16xf32>,
          tpu.vector_store %arg12[%swap3A_335, %swap3A_336], %mul3A_334 {strides = array<i32>} : memref<128x128xf32, #tpu.memory_space<vmem>>, vector<16xf32>,
          %add3A_338 = arith.constant 1 : i32
          %add3A_339 = arith.addi %add3A_306, %add3A_338 : i32
          %broadcast_in_dim3A_340 = vector.broadcast %add3A_339 : i32 to vector<16xi32>
          %gather3A_341 = arith.constant 0 : i32
          %gather3A_342 = tpu.memref_slice %arg11[%add3A_239, %gather3A_341] : memref<40x128xf32, #tpu.memory_space<vmem>> -> memref<1x128xf32, #tpu.memory_space<vmem>>
          %gather3A_343 = tpu.memref_squeeze %gather3A_342 : memref<1x128xf32, #tpu.memory_space<vmem>> -> memref<128xf32, #tpu.memory_space<vmem>>
          %gather3A_344 = tpu.vector_load_idx %gather3A_343[%broadcast_in_dim3A_340] : memref<128xf32, #tpu.memory_space<vmem>>[vector<16xi32>], vector<16xf32>,
          %get3A_345 = arith.index_cast %add3A_339 : i32 to index
          %get3A_346 = arith.constant 0 : index
          %get3A_347 = tpu.vector_load %arg12[%get3A_345, %get3A_346] {strides = array<i32>} : memref<128x128xf32, #tpu.memory_space<vmem>>, vector<16xf32>,
          %mul3A_348 = arith.mulf %get3A_347, %gather3A_344 : vector<16xf32>
          %swap3A_349 = arith.index_cast %add3A_339 : i32 to index
          %swap3A_350 = arith.constant 0 : index
          %swap3A_351 = tpu.vector_load %arg12[%swap3A_349, %swap3A_350] {strides = array<i32>} : memref<128x128xf32, #tpu.memory_space<vmem>>, vector<16xf32>,
          tpu.vector_store %arg12[%swap3A_349, %swap3A_350], %mul3A_348 {strides = array<i32>} : memref<128x128xf32, #tpu.memory_space<vmem>>, vector<16xf32>,
          %get3A_352 = arith.index_cast %add3A_339 : i32 to index
          %get3A_353 = arith.constant 16 : index
          %get3A_354 = tpu.vector_load %arg12[%get3A_352, %get3A_353] {strides = array<i32>} : memref<128x128xf32, #tpu.memory_space<vmem>>, vector<16xf32>,
          %mul3A_355 = arith.mulf %get3A_354, %gather3A_344 : vector<16xf32>
          %swap3A_356 = arith.index_cast %add3A_339 : i32 to index
          %swap3A_357 = arith.constant 16 : index
          %swap3A_358 = tpu.vector_load %arg12[%swap3A_356, %swap3A_357] {strides = array<i32>} : memref<128x128xf32, #tpu.memory_space<vmem>>, vector<16xf32>,
          tpu.vector_store %arg12[%swap3A_356, %swap3A_357], %mul3A_355 {strides = array<i32>} : memref<128x128xf32, #tpu.memory_space<vmem>>, vector<16xf32>,
          %get3A_359 = arith.index_cast %add3A_339 : i32 to index
          %get3A_360 = arith.constant 32 : index
          %get3A_361 = tpu.vector_load %arg12[%get3A_359, %get3A_360] {strides = array<i32>} : memref<128x128xf32, #tpu.memory_space<vmem>>, vector<16xf32>,
          %mul3A_362 = arith.mulf %get3A_361, %gather3A_344 : vector<16xf32>
          %swap3A_363 = arith.index_cast %add3A_339 : i32 to index
          %swap3A_364 = arith.constant 32 : index
          %swap3A_365 = tpu.vector_load %arg12[%swap3A_363, %swap3A_364] {strides = array<i32>} : memref<128x128xf32, #tpu.memory_space<vmem>>, vector<16xf32>,
          tpu.vector_store %arg12[%swap3A_363, %swap3A_364], %mul3A_362 {strides = array<i32>} : memref<128x128xf32, #tpu.memory_space<vmem>>, vector<16xf32>,
          %get3A_366 = arith.index_cast %add3A_339 : i32 to index
          %get3A_367 = arith.constant 48 : index
          %get3A_368 = tpu.vector_load %arg12[%get3A_366, %get3A_367] {strides = array<i32>} : memref<128x128xf32, #tpu.memory_space<vmem>>, vector<16xf32>,
          %mul3A_369 = arith.mulf %get3A_368, %gather3A_344 : vector<16xf32>
          %swap3A_370 = arith.index_cast %add3A_339 : i32 to index
          %swap3A_371 = arith.constant 48 : index
          %swap3A_372 = tpu.vector_load %arg12[%swap3A_370, %swap3A_371] {strides = array<i32>} : memref<128x128xf32, #tpu.memory_space<vmem>>, vector<16xf32>,
          tpu.vector_store %arg12[%swap3A_370, %swap3A_371], %mul3A_369 {strides = array<i32>} : memref<128x128xf32, #tpu.memory_space<vmem>>, vector<16xf32>,
          %add3A_373 = arith.constant 2 : i32
          %add3A_374 = arith.addi %add3A_306, %add3A_373 : i32
          %broadcast_in_dim3A_375 = vector.broadcast %add3A_374 : i32 to vector<16xi32>
          %gather3A_376 = arith.constant 0 : i32
          %gather3A_377 = tpu.memref_slice %arg11[%add3A_239, %gather3A_376] : memref<40x128xf32, #tpu.memory_space<vmem>> -> memref<1x128xf32, #tpu.memory_space<vmem>>
          %gather3A_378 = tpu.memref_squeeze %gather3A_377 : memref<1x128xf32, #tpu.memory_space<vmem>> -> memref<128xf32, #tpu.memory_space<vmem>>
          %gather3A_379 = tpu.vector_load_idx %gather3A_378[%broadcast_in_dim3A_375] : memref<128xf32, #tpu.memory_space<vmem>>[vector<16xi32>], vector<16xf32>,
          %get3A_380 = arith.index_cast %add3A_374 : i32 to index
          %get3A_381 = arith.constant 0 : index
          %get3A_382 = tpu.vector_load %arg12[%get3A_380, %get3A_381] {strides = array<i32>} : memref<128x128xf32, #tpu.memory_space<vmem>>, vector<16xf32>,
          %mul3A_383 = arith.mulf %get3A_382, %gather3A_379 : vector<16xf32>
          %swap3A_384 = arith.index_cast %add3A_374 : i32 to index
          %swap3A_385 = arith.constant 0 : index
          %swap3A_386 = tpu.vector_load %arg12[%swap3A_384, %swap3A_385] {strides = array<i32>} : memref<128x128xf32, #tpu.memory_space<vmem>>, vector<16xf32>,
          tpu.vector_store %arg12[%swap3A_384, %swap3A_385], %mul3A_383 {strides = array<i32>} : memref<128x128xf32, #tpu.memory_space<vmem>>, vector<16xf32>,
          %get3A_387 = arith.index_cast %add3A_374 : i32 to index
          %get3A_388 = arith.constant 16 : index
          %get3A_389 = tpu.vector_load %arg12[%get3A_387, %get3A_388] {strides = array<i32>} : memref<128x128xf32, #tpu.memory_space<vmem>>, vector<16xf32>,
          %mul3A_390 = arith.mulf %get3A_389, %gather3A_379 : vector<16xf32>
          %swap3A_391 = arith.index_cast %add3A_374 : i32 to index
          %swap3A_392 = arith.constant 16 : index
          %swap3A_393 = tpu.vector_load %arg12[%swap3A_391, %swap3A_392] {strides = array<i32>} : memref<128x128xf32, #tpu.memory_space<vmem>>, vector<16xf32>,
          tpu.vector_store %arg12[%swap3A_391, %swap3A_392], %mul3A_390 {strides = array<i32>} : memref<128x128xf32, #tpu.memory_space<vmem>>, vector<16xf32>,
          %get3A_394 = arith.index_cast %add3A_374 : i32 to index
          %get3A_395 = arith.constant 32 : index
          %get3A_396 = tpu.vector_load %arg12[%get3A_394, %get3A_395] {strides = array<i32>} : memref<128x128xf32, #tpu.memory_space<vmem>>, vector<16xf32>,
          %mul3A_397 = arith.mulf %get3A_396, %gather3A_379 : vector<16xf32>
          %swap3A_398 = arith.index_cast %add3A_374 : i32 to index
          %swap3A_399 = arith.constant 32 : index
          %swap3A_400 = tpu.vector_load %arg12[%swap3A_398, %swap3A_399] {strides = array<i32>} : memref<128x128xf32, #tpu.memory_space<vmem>>, vector<16xf32>,
          tpu.vector_store %arg12[%swap3A_398, %swap3A_399], %mul3A_397 {strides = array<i32>} : memref<128x128xf32, #tpu.memory_space<vmem>>, vector<16xf32>,
          %get3A_401 = arith.index_cast %add3A_374 : i32 to index
          %get3A_402 = arith.constant 48 : index
          %get3A_403 = tpu.vector_load %arg12[%get3A_401, %get3A_402] {strides = array<i32>} : memref<128x128xf32, #tpu.memory_space<vmem>>, vector<16xf32>,
          %mul3A_404 = arith.mulf %get3A_403, %gather3A_379 : vector<16xf32>
          %swap3A_405 = arith.index_cast %add3A_374 : i32 to index
          %swap3A_406 = arith.constant 48 : index
          %swap3A_407 = tpu.vector_load %arg12[%swap3A_405, %swap3A_406] {strides = array<i32>} : memref<128x128xf32, #tpu.memory_space<vmem>>, vector<16xf32>,
          tpu.vector_store %arg12[%swap3A_405, %swap3A_406], %mul3A_404 {strides = array<i32>} : memref<128x128xf32, #tpu.memory_space<vmem>>, vector<16xf32>,
          %add3A_408 = arith.constant 3 : i32
          %add3A_409 = arith.addi %add3A_306, %add3A_408 : i32
          %broadcast_in_dim3A_410 = vector.broadcast %add3A_409 : i32 to vector<16xi32>
          %gather3A_411 = arith.constant 0 : i32
          %gather3A_412 = tpu.memref_slice %arg11[%add3A_239, %gather3A_411] : memref<40x128xf32, #tpu.memory_space<vmem>> -> memref<1x128xf32, #tpu.memory_space<vmem>>
          %gather3A_413 = tpu.memref_squeeze %gather3A_412 : memref<1x128xf32, #tpu.memory_space<vmem>> -> memref<128xf32, #tpu.memory_space<vmem>>
          %gather3A_414 = tpu.vector_load_idx %gather3A_413[%broadcast_in_dim3A_410] : memref<128xf32, #tpu.memory_space<vmem>>[vector<16xi32>], vector<16xf32>,
          %get3A_415 = arith.index_cast %add3A_409 : i32 to index
          %get3A_416 = arith.constant 0 : index
          %get3A_417 = tpu.vector_load %arg12[%get3A_415, %get3A_416] {strides = array<i32>} : memref<128x128xf32, #tpu.memory_space<vmem>>, vector<16xf32>,
          %mul3A_418 = arith.mulf %get3A_417, %gather3A_414 : vector<16xf32>
          %swap3A_419 = arith.index_cast %add3A_409 : i32 to index
          %swap3A_420 = arith.constant 0 : index
          %swap3A_421 = tpu.vector_load %arg12[%swap3A_419, %swap3A_420] {strides = array<i32>} : memref<128x128xf32, #tpu.memory_space<vmem>>, vector<16xf32>,
          tpu.vector_store %arg12[%swap3A_419, %swap3A_420], %mul3A_418 {strides = array<i32>} : memref<128x128xf32, #tpu.memory_space<vmem>>, vector<16xf32>,
          %get3A_422 = arith.index_cast %add3A_409 : i32 to index
          %get3A_423 = arith.constant 16 : index
          %get3A_424 = tpu.vector_load %arg12[%get3A_422, %get3A_423] {strides = array<i32>} : memref<128x128xf32, #tpu.memory_space<vmem>>, vector<16xf32>,
          %mul3A_425 = arith.mulf %get3A_424, %gather3A_414 : vector<16xf32>
          %swap3A_426 = arith.index_cast %add3A_409 : i32 to index
          %swap3A_427 = arith.constant 16 : index
          %swap3A_428 = tpu.vector_load %arg12[%swap3A_426, %swap3A_427] {strides = array<i32>} : memref<128x128xf32, #tpu.memory_space<vmem>>, vector<16xf32>,
          tpu.vector_store %arg12[%swap3A_426, %swap3A_427], %mul3A_425 {strides = array<i32>} : memref<128x128xf32, #tpu.memory_space<vmem>>, vector<16xf32>,
          %get3A_429 = arith.index_cast %add3A_409 : i32 to index
          %get3A_430 = arith.constant 32 : index
          %get3A_431 = tpu.vector_load %arg12[%get3A_429, %get3A_430] {strides = array<i32>} : memref<128x128xf32, #tpu.memory_space<vmem>>, vector<16xf32>,
          %mul3A_432 = arith.mulf %get3A_431, %gather3A_414 : vector<16xf32>
          %swap3A_433 = arith.index_cast %add3A_409 : i32 to index
          %swap3A_434 = arith.constant 32 : index
          %swap3A_435 = tpu.vector_load %arg12[%swap3A_433, %swap3A_434] {strides = array<i32>} : memref<128x128xf32, #tpu.memory_space<vmem>>, vector<16xf32>,
          tpu.vector_store %arg12[%swap3A_433, %swap3A_434], %mul3A_432 {strides = array<i32>} : memref<128x128xf32, #tpu.memory_space<vmem>>, vector<16xf32>,
          %get3A_436 = arith.index_cast %add3A_409 : i32 to index
          %get3A_437 = arith.constant 48 : index
          %get3A_438 = tpu.vector_load %arg12[%get3A_436, %get3A_437] {strides = array<i32>} : memref<128x128xf32, #tpu.memory_space<vmem>>, vector<16xf32>,
          %mul3A_439 = arith.mulf %get3A_438, %gather3A_414 : vector<16xf32>
          %swap3A_440 = arith.index_cast %add3A_409 : i32 to index
          %swap3A_441 = arith.constant 48 : index
          %swap3A_442 = tpu.vector_load %arg12[%swap3A_440, %swap3A_441] {strides = array<i32>} : memref<128x128xf32, #tpu.memory_space<vmem>>, vector<16xf32>,
          tpu.vector_store %arg12[%swap3A_440, %swap3A_441], %mul3A_439 {strides = array<i32>} : memref<128x128xf32, #tpu.memory_space<vmem>>, vector<16xf32>,
        }
        %scan3A_260 = arith.constant 32 : i32
        %dma_start3A_261 = arith.constant 0 : i32
        %dma_start3A_262 = tpu.memref_slice %arg10[%add3A_239, %dma_start3A_261] : memref<40x128xi32, #tpu.memory_space<vmem>> -> memref<1x128xi32, #tpu.memory_space<vmem>>
        %dma_start3A_263 = tpu.memref_squeeze %dma_start3A_262 : memref<1x128xi32, #tpu.memory_space<vmem>> -> memref<128xi32, #tpu.memory_space<vmem>>
        %dma_start3A_264 = arith.constant 0 : i32
        %dma_start3A_265 = arith.constant 0 : i32
        %dma_start3A_266 = tpu.memref_slice %arg8[%dma_start3A_264, %dma_start3A_265] : memref<10240x128xf32, #tpu.memory_space<vmem_shared>> -> memref<10240x128xf32, #tpu.memory_space<vmem_shared>>
        tpu.enqueue_indirect_dma source(%arg12 : memref<128x128xf32, #tpu.memory_space<vmem>>) target(%dma_start3A_266 : memref<10240x128xf32, #tpu.memory_space<vmem_shared>>) offsets(%dma_start3A_263 : memref<128xi32, #tpu.memory_space<vmem>>) semaphore(%arg16 : memref<!tpu.dma_semaphore, #tpu.memory_space<semaphore_mem>>) {add = true}
        %add3A_267 = arith.constant 1 : i32
        %add3A_268 = arith.addi %add3A_239, %add3A_267 : i32
        %dma_wait3A_269 = arith.constant 0 : i32
        %dma_wait3A_270 = tpu.memref_slice %arg9[%add3A_268, %dma_wait3A_269] : memref<40x128xi32, #tpu.memory_space<vmem>> -> memref<1x128xi32, #tpu.memory_space<vmem>>
        %dma_wait3A_271 = tpu.memref_squeeze %dma_wait3A_270 : memref<1x128xi32, #tpu.memory_space<vmem>> -> memref<128xi32, #tpu.memory_space<vmem>>
        %dma_wait3A_272 = arith.constant 0 : i32
        %dma_wait3A_273 = arith.constant 0 : i32
        %dma_wait3A_274 = tpu.memref_slice %arg2[%dma_wait3A_272, %dma_wait3A_273] : memref<10240x128xf32, #tpu.memory_space<hbm>> -> memref<10240x128xf32, #tpu.memory_space<hbm>>
        tpu.wait_indirect_dma semaphore(%arg15 : memref<!tpu.dma_semaphore, #tpu.memory_space<semaphore_mem>>) src(%dma_wait3A_274 : memref<10240x128xf32, #tpu.memory_space<hbm>>) dst(%arg13 : memref<128x128xf32, #tpu.memory_space<vmem>>)
        %add3A_275 = arith.constant 1 : i32
        %add3A_276 = arith.addi %add3A_239, %add3A_275 : i32
        %scan3A_277 = arith.constant 0 : i32
        %scan3A_278 = arith.constant 32 : i32
        %scan3A_279 = arith.addi %scan3A_277, %scan3A_278 : i32
        %scan3A_280 = arith.constant 1 : i32
        scf.for %scan3A_302 = %scan3A_277 to %scan3A_279 step %scan3A_280  : i32 {
          %mul3A_303 = arith.constant 4 : i32
          %mul3A_304 = arith.muli %scan3A_302, %mul3A_303 : i32
          %add3A_305 = arith.constant 0 : i32
          %add3A_306 = arith.addi %add3A_305, %mul3A_304 : i32
          %add3A_307 = arith.constant 0 : i32
          %add3A_308 = arith.addi %add3A_306, %add3A_307 : i32
          %broadcast_in_dim3A = vector.broadcast %add3A_308 : i32 to vector<16xi32>
          %gather3A = arith.constant 0 : i32
          %gather3A_309 = tpu.memref_slice %arg11[%add3A_276, %gather3A] : memref<40x128xf32, #tpu.memory_space<vmem>> -> memref<1x128xf32, #tpu.memory_space<vmem>>
          %gather3A_310 = tpu.memref_squeeze %gather3A_309 : memref<1x128xf32, #tpu.memory_space<vmem>> -> memref<128xf32, #tpu.memory_space<vmem>>
          %gather3A_311 = tpu.vector_load_idx %gather3A_310[%broadcast_in_dim3A] : memref<128xf32, #tpu.memory_space<vmem>>[vector<16xi32>], vector<16xf32>,
          %get3A = arith.index_cast %add3A_308 : i32 to index
          %get3A_312 = arith.constant 0 : index
          %get3A_313 = tpu.vector_load %arg13[%get3A, %get3A_312] {strides = array<i32>} : memref<128x128xf32, #tpu.memory_space<vmem>>, vector<16xf32>,
          %mul3A_314 = arith.mulf %get3A_313, %gather3A_311 : vector<16xf32>
          %swap3A = arith.index_cast %add3A_308 : i32 to index
          %swap3A_315 = arith.constant 0 : index
          %swap3A_316 = tpu.vector_load %arg13[%swap3A, %swap3A_315] {strides = array<i32>} : memref<128x128xf32, #tpu.memory_space<vmem>>, vector<16xf32>,
          tpu.vector_store %arg13[%swap3A, %swap3A_315], %mul3A_314 {strides = array<i32>} : memref<128x128xf32, #tpu.memory_space<vmem>>, vector<16xf32>,
          %get3A_317 = arith.index_cast %add3A_308 : i32 to index
          %get3A_318 = arith.constant 16 : index
          %get3A_319 = tpu.vector_load %arg13[%get3A_317, %get3A_318] {strides = array<i32>} : memref<128x128xf32, #tpu.memory_space<vmem>>, vector<16xf32>,
          %mul3A_320 = arith.mulf %get3A_319, %gather3A_311 : vector<16xf32>
          %swap3A_321 = arith.index_cast %add3A_308 : i32 to index
          %swap3A_322 = arith.constant 16 : index
          %swap3A_323 = tpu.vector_load %arg13[%swap3A_321, %swap3A_322] {strides = array<i32>} : memref<128x128xf32, #tpu.memory_space<vmem>>, vector<16xf32>,
          tpu.vector_store %arg13[%swap3A_321, %swap3A_322], %mul3A_320 {strides = array<i32>} : memref<128x128xf32, #tpu.memory_space<vmem>>, vector<16xf32>,
          %get3A_324 = arith.index_cast %add3A_308 : i32 to index
          %get3A_325 = arith.constant 32 : index
          %get3A_326 = tpu.vector_load %arg13[%get3A_324, %get3A_325] {strides = array<i32>} : memref<128x128xf32, #tpu.memory_space<vmem>>, vector<16xf32>,
          %mul3A_327 = arith.mulf %get3A_326, %gather3A_311 : vector<16xf32>
          %swap3A_328 = arith.index_cast %add3A_308 : i32 to index
          %swap3A_329 = arith.constant 32 : index
          %swap3A_330 = tpu.vector_load %arg13[%swap3A_328, %swap3A_329] {strides = array<i32>} : memref<128x128xf32, #tpu.memory_space<vmem>>, vector<16xf32>,
          tpu.vector_store %arg13[%swap3A_328, %swap3A_329], %mul3A_327 {strides = array<i32>} : memref<128x128xf32, #tpu.memory_space<vmem>>, vector<16xf32>,
          %get3A_331 = arith.index_cast %add3A_308 : i32 to index
          %get3A_332 = arith.constant 48 : index
          %get3A_333 = tpu.vector_load %arg13[%get3A_331, %get3A_332] {strides = array<i32>} : memref<128x128xf32, #tpu.memory_space<vmem>>, vector<16xf32>,
          %mul3A_334 = arith.mulf %get3A_333, %gather3A_311 : vector<16xf32>
          %swap3A_335 = arith.index_cast %add3A_308 : i32 to index
          %swap3A_336 = arith.constant 48 : index
          %swap3A_337 = tpu.vector_load %arg13[%swap3A_335, %swap3A_336] {strides = array<i32>} : memref<128x128xf32, #tpu.memory_space<vmem>>, vector<16xf32>,
          tpu.vector_store %arg13[%swap3A_335, %swap3A_336], %mul3A_334 {strides = array<i32>} : memref<128x128xf32, #tpu.memory_space<vmem>>, vector<16xf32>,
          %add3A_338 = arith.constant 1 : i32
          %add3A_339 = arith.addi %add3A_306, %add3A_338 : i32
          %broadcast_in_dim3A_340 = vector.broadcast %add3A_339 : i32 to vector<16xi32>
          %gather3A_341 = arith.constant 0 : i32
          %gather3A_342 = tpu.memref_slice %arg11[%add3A_276, %gather3A_341] : memref<40x128xf32, #tpu.memory_space<vmem>> -> memref<1x128xf32, #tpu.memory_space<vmem>>
          %gather3A_343 = tpu.memref_squeeze %gather3A_342 : memref<1x128xf32, #tpu.memory_space<vmem>> -> memref<128xf32, #tpu.memory_space<vmem>>
          %gather3A_344 = tpu.vector_load_idx %gather3A_343[%broadcast_in_dim3A_340] : memref<128xf32, #tpu.memory_space<vmem>>[vector<16xi32>], vector<16xf32>,
          %get3A_345 = arith.index_cast %add3A_339 : i32 to index
          %get3A_346 = arith.constant 0 : index
          %get3A_347 = tpu.vector_load %arg13[%get3A_345, %get3A_346] {strides = array<i32>} : memref<128x128xf32, #tpu.memory_space<vmem>>, vector<16xf32>,
          %mul3A_348 = arith.mulf %get3A_347, %gather3A_344 : vector<16xf32>
          %swap3A_349 = arith.index_cast %add3A_339 : i32 to index
          %swap3A_350 = arith.constant 0 : index
          %swap3A_351 = tpu.vector_load %arg13[%swap3A_349, %swap3A_350] {strides = array<i32>} : memref<128x128xf32, #tpu.memory_space<vmem>>, vector<16xf32>,
          tpu.vector_store %arg13[%swap3A_349, %swap3A_350], %mul3A_348 {strides = array<i32>} : memref<128x128xf32, #tpu.memory_space<vmem>>, vector<16xf32>,
          %get3A_352 = arith.index_cast %add3A_339 : i32 to index
          %get3A_353 = arith.constant 16 : index
          %get3A_354 = tpu.vector_load %arg13[%get3A_352, %get3A_353] {strides = array<i32>} : memref<128x128xf32, #tpu.memory_space<vmem>>, vector<16xf32>,
          %mul3A_355 = arith.mulf %get3A_354, %gather3A_344 : vector<16xf32>
          %swap3A_356 = arith.index_cast %add3A_339 : i32 to index
          %swap3A_357 = arith.constant 16 : index
          %swap3A_358 = tpu.vector_load %arg13[%swap3A_356, %swap3A_357] {strides = array<i32>} : memref<128x128xf32, #tpu.memory_space<vmem>>, vector<16xf32>,
          tpu.vector_store %arg13[%swap3A_356, %swap3A_357], %mul3A_355 {strides = array<i32>} : memref<128x128xf32, #tpu.memory_space<vmem>>, vector<16xf32>,
          %get3A_359 = arith.index_cast %add3A_339 : i32 to index
          %get3A_360 = arith.constant 32 : index
          %get3A_361 = tpu.vector_load %arg13[%get3A_359, %get3A_360] {strides = array<i32>} : memref<128x128xf32, #tpu.memory_space<vmem>>, vector<16xf32>,
          %mul3A_362 = arith.mulf %get3A_361, %gather3A_344 : vector<16xf32>
          %swap3A_363 = arith.index_cast %add3A_339 : i32 to index
          %swap3A_364 = arith.constant 32 : index
          %swap3A_365 = tpu.vector_load %arg13[%swap3A_363, %swap3A_364] {strides = array<i32>} : memref<128x128xf32, #tpu.memory_space<vmem>>, vector<16xf32>,
          tpu.vector_store %arg13[%swap3A_363, %swap3A_364], %mul3A_362 {strides = array<i32>} : memref<128x128xf32, #tpu.memory_space<vmem>>, vector<16xf32>,
          %get3A_366 = arith.index_cast %add3A_339 : i32 to index
          %get3A_367 = arith.constant 48 : index
          %get3A_368 = tpu.vector_load %arg13[%get3A_366, %get3A_367] {strides = array<i32>} : memref<128x128xf32, #tpu.memory_space<vmem>>, vector<16xf32>,
          %mul3A_369 = arith.mulf %get3A_368, %gather3A_344 : vector<16xf32>
          %swap3A_370 = arith.index_cast %add3A_339 : i32 to index
          %swap3A_371 = arith.constant 48 : index
          %swap3A_372 = tpu.vector_load %arg13[%swap3A_370, %swap3A_371] {strides = array<i32>} : memref<128x128xf32, #tpu.memory_space<vmem>>, vector<16xf32>,
          tpu.vector_store %arg13[%swap3A_370, %swap3A_371], %mul3A_369 {strides = array<i32>} : memref<128x128xf32, #tpu.memory_space<vmem>>, vector<16xf32>,
          %add3A_373 = arith.constant 2 : i32
          %add3A_374 = arith.addi %add3A_306, %add3A_373 : i32
          %broadcast_in_dim3A_375 = vector.broadcast %add3A_374 : i32 to vector<16xi32>
          %gather3A_376 = arith.constant 0 : i32
          %gather3A_377 = tpu.memref_slice %arg11[%add3A_276, %gather3A_376] : memref<40x128xf32, #tpu.memory_space<vmem>> -> memref<1x128xf32, #tpu.memory_space<vmem>>
          %gather3A_378 = tpu.memref_squeeze %gather3A_377 : memref<1x128xf32, #tpu.memory_space<vmem>> -> memref<128xf32, #tpu.memory_space<vmem>>
          %gather3A_379 = tpu.vector_load_idx %gather3A_378[%broadcast_in_dim3A_375] : memref<128xf32, #tpu.memory_space<vmem>>[vector<16xi32>], vector<16xf32>,
          %get3A_380 = arith.index_cast %add3A_374 : i32 to index
          %get3A_381 = arith.constant 0 : index
          %get3A_382 = tpu.vector_load %arg13[%get3A_380, %get3A_381] {strides = array<i32>} : memref<128x128xf32, #tpu.memory_space<vmem>>, vector<16xf32>,
          %mul3A_383 = arith.mulf %get3A_382, %gather3A_379 : vector<16xf32>
          %swap3A_384 = arith.index_cast %add3A_374 : i32 to index
          %swap3A_385 = arith.constant 0 : index
          %swap3A_386 = tpu.vector_load %arg13[%swap3A_384, %swap3A_385] {strides = array<i32>} : memref<128x128xf32, #tpu.memory_space<vmem>>, vector<16xf32>,
          tpu.vector_store %arg13[%swap3A_384, %swap3A_385], %mul3A_383 {strides = array<i32>} : memref<128x128xf32, #tpu.memory_space<vmem>>, vector<16xf32>,
          %get3A_387 = arith.index_cast %add3A_374 : i32 to index
          %get3A_388 = arith.constant 16 : index
          %get3A_389 = tpu.vector_load %arg13[%get3A_387, %get3A_388] {strides = array<i32>} : memref<128x128xf32, #tpu.memory_space<vmem>>, vector<16xf32>,
          %mul3A_390 = arith.mulf %get3A_389, %gather3A_379 : vector<16xf32>
          %swap3A_391 = arith.index_cast %add3A_374 : i32 to index
          %swap3A_392 = arith.constant 16 : index
          %swap3A_393 = tpu.vector_load %arg13[%swap3A_391, %swap3A_392] {strides = array<i32>} : memref<128x128xf32, #tpu.memory_space<vmem>>, vector<16xf32>,
          tpu.vector_store %arg13[%swap3A_391, %swap3A_392], %mul3A_390 {strides = array<i32>} : memref<128x128xf32, #tpu.memory_space<vmem>>, vector<16xf32>,
          %get3A_394 = arith.index_cast %add3A_374 : i32 to index
          %get3A_395 = arith.constant 32 : index
          %get3A_396 = tpu.vector_load %arg13[%get3A_394, %get3A_395] {strides = array<i32>} : memref<128x128xf32, #tpu.memory_space<vmem>>, vector<16xf32>,
          %mul3A_397 = arith.mulf %get3A_396, %gather3A_379 : vector<16xf32>
          %swap3A_398 = arith.index_cast %add3A_374 : i32 to index
          %swap3A_399 = arith.constant 32 : index
          %swap3A_400 = tpu.vector_load %arg13[%swap3A_398, %swap3A_399] {strides = array<i32>} : memref<128x128xf32, #tpu.memory_space<vmem>>, vector<16xf32>,
          tpu.vector_store %arg13[%swap3A_398, %swap3A_399], %mul3A_397 {strides = array<i32>} : memref<128x128xf32, #tpu.memory_space<vmem>>, vector<16xf32>,
          %get3A_401 = arith.index_cast %add3A_374 : i32 to index
          %get3A_402 = arith.constant 48 : index
          %get3A_403 = tpu.vector_load %arg13[%get3A_401, %get3A_402] {strides = array<i32>} : memref<128x128xf32, #tpu.memory_space<vmem>>, vector<16xf32>,
          %mul3A_404 = arith.mulf %get3A_403, %gather3A_379 : vector<16xf32>
          %swap3A_405 = arith.index_cast %add3A_374 : i32 to index
          %swap3A_406 = arith.constant 48 : index
          %swap3A_407 = tpu.vector_load %arg13[%swap3A_405, %swap3A_406] {strides = array<i32>} : memref<128x128xf32, #tpu.memory_space<vmem>>, vector<16xf32>,
          tpu.vector_store %arg13[%swap3A_405, %swap3A_406], %mul3A_404 {strides = array<i32>} : memref<128x128xf32, #tpu.memory_space<vmem>>, vector<16xf32>,
          %add3A_408 = arith.constant 3 : i32
          %add3A_409 = arith.addi %add3A_306, %add3A_408 : i32
          %broadcast_in_dim3A_410 = vector.broadcast %add3A_409 : i32 to vector<16xi32>
          %gather3A_411 = arith.constant 0 : i32
          %gather3A_412 = tpu.memref_slice %arg11[%add3A_276, %gather3A_411] : memref<40x128xf32, #tpu.memory_space<vmem>> -> memref<1x128xf32, #tpu.memory_space<vmem>>
          %gather3A_413 = tpu.memref_squeeze %gather3A_412 : memref<1x128xf32, #tpu.memory_space<vmem>> -> memref<128xf32, #tpu.memory_space<vmem>>
          %gather3A_414 = tpu.vector_load_idx %gather3A_413[%broadcast_in_dim3A_410] : memref<128xf32, #tpu.memory_space<vmem>>[vector<16xi32>], vector<16xf32>,
          %get3A_415 = arith.index_cast %add3A_409 : i32 to index
          %get3A_416 = arith.constant 0 : index
          %get3A_417 = tpu.vector_load %arg13[%get3A_415, %get3A_416] {strides = array<i32>} : memref<128x128xf32, #tpu.memory_space<vmem>>, vector<16xf32>,
          %mul3A_418 = arith.mulf %get3A_417, %gather3A_414 : vector<16xf32>
          %swap3A_419 = arith.index_cast %add3A_409 : i32 to index
          %swap3A_420 = arith.constant 0 : index
          %swap3A_421 = tpu.vector_load %arg13[%swap3A_419, %swap3A_420] {strides = array<i32>} : memref<128x128xf32, #tpu.memory_space<vmem>>, vector<16xf32>,
          tpu.vector_store %arg13[%swap3A_419, %swap3A_420], %mul3A_418 {strides = array<i32>} : memref<128x128xf32, #tpu.memory_space<vmem>>, vector<16xf32>,
          %get3A_422 = arith.index_cast %add3A_409 : i32 to index
          %get3A_423 = arith.constant 16 : index
          %get3A_424 = tpu.vector_load %arg13[%get3A_422, %get3A_423] {strides = array<i32>} : memref<128x128xf32, #tpu.memory_space<vmem>>, vector<16xf32>,
          %mul3A_425 = arith.mulf %get3A_424, %gather3A_414 : vector<16xf32>
          %swap3A_426 = arith.index_cast %add3A_409 : i32 to index
          %swap3A_427 = arith.constant 16 : index
          %swap3A_428 = tpu.vector_load %arg13[%swap3A_426, %swap3A_427] {strides = array<i32>} : memref<128x128xf32, #tpu.memory_space<vmem>>, vector<16xf32>,
          tpu.vector_store %arg13[%swap3A_426, %swap3A_427], %mul3A_425 {strides = array<i32>} : memref<128x128xf32, #tpu.memory_space<vmem>>, vector<16xf32>,
          %get3A_429 = arith.index_cast %add3A_409 : i32 to index
          %get3A_430 = arith.constant 32 : index
          %get3A_431 = tpu.vector_load %arg13[%get3A_429, %get3A_430] {strides = array<i32>} : memref<128x128xf32, #tpu.memory_space<vmem>>, vector<16xf32>,
          %mul3A_432 = arith.mulf %get3A_431, %gather3A_414 : vector<16xf32>
          %swap3A_433 = arith.index_cast %add3A_409 : i32 to index
          %swap3A_434 = arith.constant 32 : index
          %swap3A_435 = tpu.vector_load %arg13[%swap3A_433, %swap3A_434] {strides = array<i32>} : memref<128x128xf32, #tpu.memory_space<vmem>>, vector<16xf32>,
          tpu.vector_store %arg13[%swap3A_433, %swap3A_434], %mul3A_432 {strides = array<i32>} : memref<128x128xf32, #tpu.memory_space<vmem>>, vector<16xf32>,
          %get3A_436 = arith.index_cast %add3A_409 : i32 to index
          %get3A_437 = arith.constant 48 : index
          %get3A_438 = tpu.vector_load %arg13[%get3A_436, %get3A_437] {strides = array<i32>} : memref<128x128xf32, #tpu.memory_space<vmem>>, vector<16xf32>,
          %mul3A_439 = arith.mulf %get3A_438, %gather3A_414 : vector<16xf32>
          %swap3A_440 = arith.index_cast %add3A_409 : i32 to index
          %swap3A_441 = arith.constant 48 : index
          %swap3A_442 = tpu.vector_load %arg13[%swap3A_440, %swap3A_441] {strides = array<i32>} : memref<128x128xf32, #tpu.memory_space<vmem>>, vector<16xf32>,
          tpu.vector_store %arg13[%swap3A_440, %swap3A_441], %mul3A_439 {strides = array<i32>} : memref<128x128xf32, #tpu.memory_space<vmem>>, vector<16xf32>,
        }
        %scan3A_281 = arith.constant 32 : i32
        %dma_wait3A_282 = arith.constant 0 : i32
        %dma_wait3A_283 = tpu.memref_slice %arg10[%add3A_239, %dma_wait3A_282] : memref<40x128xi32, #tpu.memory_space<vmem>> -> memref<1x128xi32, #tpu.memory_space<vmem>>
        %dma_wait3A_284 = tpu.memref_squeeze %dma_wait3A_283 : memref<1x128xi32, #tpu.memory_space<vmem>> -> memref<128xi32, #tpu.memory_space<vmem>>
        %dma_wait3A_285 = arith.constant 0 : i32
        %dma_wait3A_286 = arith.constant 0 : i32
        %dma_wait3A_287 = tpu.memref_slice %arg8[%dma_wait3A_285, %dma_wait3A_286] : memref<10240x128xf32, #tpu.memory_space<vmem_shared>> -> memref<10240x128xf32, #tpu.memory_space<vmem_shared>>
        tpu.wait_indirect_dma semaphore(%arg16 : memref<!tpu.dma_semaphore, #tpu.memory_space<semaphore_mem>>) src(%arg12 : memref<128x128xf32, #tpu.memory_space<vmem>>) dst(%dma_wait3A_287 : memref<10240x128xf32, #tpu.memory_space<vmem_shared>>)
        %add3A_288 = arith.constant 2 : i32
        %add3A_289 = arith.addi %add3A_239, %add3A_288 : i32
        %lt3A = arith.constant 40 : i32
        %lt3A_290 = arith.cmpi slt, %add3A_289, %lt3A : i32
        %convert_element_type3A_291 = arith.extui %lt3A_290 : i1 to i32
        %cond3A_292 = arith.constant 0 : i32
        %cond3A_293 = arith.cmpi ne, %convert_element_type3A_291, %cond3A_292 : i32
        scf.if %cond3A_293 {
          %add3A_302 = arith.constant 2 : i32
          %add3A_303 = arith.addi %add3A_239, %add3A_302 : i32
          %dma_start3A_304 = arith.constant 0 : i32
          %dma_start3A_305 = tpu.memref_slice %arg9[%add3A_303, %dma_start3A_304] : memref<40x128xi32, #tpu.memory_space<vmem>> -> memref<1x128xi32, #tpu.memory_space<vmem>>
          %dma_start3A_306 = tpu.memref_squeeze %dma_start3A_305 : memref<1x128xi32, #tpu.memory_space<vmem>> -> memref<128xi32, #tpu.memory_space<vmem>>
          %dma_start3A_307 = arith.constant 0 : i32
          %dma_start3A_308 = arith.constant 0 : i32
          %dma_start3A_309 = tpu.memref_slice %arg2[%dma_start3A_307, %dma_start3A_308] : memref<10240x128xf32, #tpu.memory_space<hbm>> -> memref<10240x128xf32, #tpu.memory_space<hbm>>
          tpu.enqueue_indirect_dma source(%dma_start3A_309 : memref<10240x128xf32, #tpu.memory_space<hbm>>) target(%arg12 : memref<128x128xf32, #tpu.memory_space<vmem>>) offsets(%dma_start3A_306 : memref<128xi32, #tpu.memory_space<vmem>>) semaphore(%arg14 : memref<!tpu.dma_semaphore, #tpu.memory_space<semaphore_mem>>)
        } else {
        }
        %add3A_294 = arith.constant 1 : i32
        %add3A_295 = arith.addi %add3A_239, %add3A_294 : i32
        %dma_start3A_296 = arith.constant 0 : i32
        %dma_start3A_297 = tpu.memref_slice %arg10[%add3A_295, %dma_start3A_296] : memref<40x128xi32, #tpu.memory_space<vmem>> -> memref<1x128xi32, #tpu.memory_space<vmem>>
        %dma_start3A_298 = tpu.memref_squeeze %dma_start3A_297 : memref<1x128xi32, #tpu.memory_space<vmem>> -> memref<128xi32, #tpu.memory_space<vmem>>
        %dma_start3A_299 = arith.constant 0 : i32
        %dma_start3A_300 = arith.constant 0 : i32
        %dma_start3A_301 = tpu.memref_slice %arg8[%dma_start3A_299, %dma_start3A_300] : memref<10240x128xf32, #tpu.memory_space<vmem_shared>> -> memref<10240x128xf32, #tpu.memory_space<vmem_shared>>
        tpu.enqueue_indirect_dma source(%arg13 : memref<128x128xf32, #tpu.memory_space<vmem>>) target(%dma_start3A_301 : memref<10240x128xf32, #tpu.memory_space<vmem_shared>>) offsets(%dma_start3A_298 : memref<128xi32, #tpu.memory_space<vmem>>) semaphore(%arg17 : memref<!tpu.dma_semaphore, #tpu.memory_space<semaphore_mem>>) {add = true}
      }
      %scan3A_227 = arith.constant 20 : i32
      %dma_wait3A_228 = arith.constant 39 : i32
      %dma_wait3A_229 = arith.constant 0 : i32
      %dma_wait3A_230 = tpu.memref_slice %arg10[%dma_wait3A_228, %dma_wait3A_229] : memref<40x128xi32, #tpu.memory_space<vmem>> -> memref<1x128xi32, #tpu.memory_space<vmem>>
      %dma_wait3A_231 = tpu.memref_squeeze %dma_wait3A_230 : memref<1x128xi32, #tpu.memory_space<vmem>> -> memref<128xi32, #tpu.memory_space<vmem>>
      %dma_wait3A_232 = arith.constant 0 : i32
      %dma_wait3A_233 = arith.constant 0 : i32
      %dma_wait3A_234 = tpu.memref_slice %arg8[%dma_wait3A_232, %dma_wait3A_233] : memref<10240x128xf32, #tpu.memory_space<vmem_shared>> -> memref<10240x128xf32, #tpu.memory_space<vmem_shared>>
      tpu.wait_indirect_dma semaphore(%arg17 : memref<!tpu.dma_semaphore, #tpu.memory_space<semaphore_mem>>) src(%arg13 : memref<128x128xf32, #tpu.memory_space<vmem>>) dst(%dma_wait3A_234 : memref<10240x128xf32, #tpu.memory_space<vmem_shared>>)
    }
    %barrier3A_106 = arith.constant 0 : index
    tpu.barrier barrier_id(%barrier3A_106)
    %mul3A_107 = arith.constant 640 : i32
    %mul3A_108 = arith.muli %arg1, %mul3A_107 : i32
    %add3A_109 = arith.constant 0 : i32
    %add3A_110 = arith.addi %mul3A_108, %add3A_109 : i32
    %mul3A_111 = arith.constant 640 : i32
    %mul3A_112 = arith.muli %arg1, %mul3A_111 : i32
    %add3A_113 = arith.constant 0 : i32
    %add3A_114 = arith.addi %mul3A_112, %add3A_113 : i32
    %dma_start3A_115 = arith.constant 0 : i32
    %dma_start3A_116 = tpu.memref_slice %arg7[%arg0, %add3A_114, %dma_start3A_115] : memref<2x10240x128xf32, #tpu.memory_space<hbm>> -> memref<1x160x128xf32, #tpu.memory_space<hbm>>
    %dma_start3A_117 = tpu.memref_squeeze %dma_start3A_116 : memref<1x160x128xf32, #tpu.memory_space<hbm>> -> memref<160x128xf32, #tpu.memory_space<hbm>>
    %dma_start3A_118 = arith.constant 0 : i32
    %dma_start3A_119 = tpu.memref_slice %arg8[%add3A_110, %dma_start3A_118] : memref<10240x128xf32, #tpu.memory_space<vmem_shared>> -> memref<160x128xf32, #tpu.memory_space<vmem_shared>>
    tpu.enqueue_dma source(%dma_start3A_119 : memref<160x128xf32, #tpu.memory_space<vmem_shared>>) target(%dma_start3A_117 : memref<160x128xf32, #tpu.memory_space<hbm>>) target_semaphore(%arg16 : memref<!tpu.dma_semaphore, #tpu.memory_space<semaphore_mem>>)
    %mul3A_120 = arith.constant 640 : i32
    %mul3A_121 = arith.muli %arg1, %mul3A_120 : i32
    %add3A_122 = arith.constant 160 : i32
    %add3A_123 = arith.addi %mul3A_121, %add3A_122 : i32
    %mul3A_124 = arith.constant 640 : i32
    %mul3A_125 = arith.muli %arg1, %mul3A_124 : i32
    %add3A_126 = arith.constant 160 : i32
    %add3A_127 = arith.addi %mul3A_125, %add3A_126 : i32
    %dma_start3A_128 = arith.constant 0 : i32
    %dma_start3A_129 = tpu.memref_slice %arg7[%arg0, %add3A_127, %dma_start3A_128] : memref<2x10240x128xf32, #tpu.memory_space<hbm>> -> memref<1x160x128xf32, #tpu.memory_space<hbm>>
    %dma_start3A_130 = tpu.memref_squeeze %dma_start3A_129 : memref<1x160x128xf32, #tpu.memory_space<hbm>> -> memref<160x128xf32, #tpu.memory_space<hbm>>
    %dma_start3A_131 = arith.constant 0 : i32
    %dma_start3A_132 = tpu.memref_slice %arg8[%add3A_123, %dma_start3A_131] : memref<10240x128xf32, #tpu.memory_space<vmem_shared>> -> memref<160x128xf32, #tpu.memory_space<vmem_shared>>
    tpu.enqueue_dma source(%dma_start3A_132 : memref<160x128xf32, #tpu.memory_space<vmem_shared>>) target(%dma_start3A_130 : memref<160x128xf32, #tpu.memory_space<hbm>>) target_semaphore(%arg16 : memref<!tpu.dma_semaphore, #tpu.memory_space<semaphore_mem>>)
    %mul3A_133 = arith.constant 640 : i32
    %mul3A_134 = arith.muli %arg1, %mul3A_133 : i32
    %add3A_135 = arith.constant 320 : i32
    %add3A_136 = arith.addi %mul3A_134, %add3A_135 : i32
    %mul3A_137 = arith.constant 640 : i32
    %mul3A_138 = arith.muli %arg1, %mul3A_137 : i32
    %add3A_139 = arith.constant 320 : i32
    %add3A_140 = arith.addi %mul3A_138, %add3A_139 : i32
    %dma_start3A_141 = arith.constant 0 : i32
    %dma_start3A_142 = tpu.memref_slice %arg7[%arg0, %add3A_140, %dma_start3A_141] : memref<2x10240x128xf32, #tpu.memory_space<hbm>> -> memref<1x160x128xf32, #tpu.memory_space<hbm>>
    %dma_start3A_143 = tpu.memref_squeeze %dma_start3A_142 : memref<1x160x128xf32, #tpu.memory_space<hbm>> -> memref<160x128xf32, #tpu.memory_space<hbm>>
    %dma_start3A_144 = arith.constant 0 : i32
    %dma_start3A_145 = tpu.memref_slice %arg8[%add3A_136, %dma_start3A_144] : memref<10240x128xf32, #tpu.memory_space<vmem_shared>> -> memref<160x128xf32, #tpu.memory_space<vmem_shared>>
    tpu.enqueue_dma source(%dma_start3A_145 : memref<160x128xf32, #tpu.memory_space<vmem_shared>>) target(%dma_start3A_143 : memref<160x128xf32, #tpu.memory_space<hbm>>) target_semaphore(%arg16 : memref<!tpu.dma_semaphore, #tpu.memory_space<semaphore_mem>>)
    %mul3A_146 = arith.constant 640 : i32
    %mul3A_147 = arith.muli %arg1, %mul3A_146 : i32
    %add3A_148 = arith.constant 480 : i32
    %add3A_149 = arith.addi %mul3A_147, %add3A_148 : i32
    %mul3A_150 = arith.constant 640 : i32
    %mul3A_151 = arith.muli %arg1, %mul3A_150 : i32
    %add3A_152 = arith.constant 480 : i32
    %add3A_153 = arith.addi %mul3A_151, %add3A_152 : i32
    %dma_start3A_154 = arith.constant 0 : i32
    %dma_start3A_155 = tpu.memref_slice %arg7[%arg0, %add3A_153, %dma_start3A_154] : memref<2x10240x128xf32, #tpu.memory_space<hbm>> -> memref<1x160x128xf32, #tpu.memory_space<hbm>>
    %dma_start3A_156 = tpu.memref_squeeze %dma_start3A_155 : memref<1x160x128xf32, #tpu.memory_space<hbm>> -> memref<160x128xf32, #tpu.memory_space<hbm>>
    %dma_start3A_157 = arith.constant 0 : i32
    %dma_start3A_158 = tpu.memref_slice %arg8[%add3A_149, %dma_start3A_157] : memref<10240x128xf32, #tpu.memory_space<vmem_shared>> -> memref<160x128xf32, #tpu.memory_space<vmem_shared>>
    tpu.enqueue_dma source(%dma_start3A_158 : memref<160x128xf32, #tpu.memory_space<vmem_shared>>) target(%dma_start3A_156 : memref<160x128xf32, #tpu.memory_space<hbm>>) target_semaphore(%arg16 : memref<!tpu.dma_semaphore, #tpu.memory_space<semaphore_mem>>)
    %mul3A_159 = arith.constant 640 : i32
    %mul3A_160 = arith.muli %arg1, %mul3A_159 : i32
    %add3A_161 = arith.constant 0 : i32
    %add3A_162 = arith.addi %mul3A_160, %add3A_161 : i32
    %mul3A_163 = arith.constant 640 : i32
    %mul3A_164 = arith.muli %arg1, %mul3A_163 : i32
    %add3A_165 = arith.constant 0 : i32
    %add3A_166 = arith.addi %mul3A_164, %add3A_165 : i32
    %dma_wait3A_167 = arith.constant 0 : i32
    %dma_wait3A_168 = tpu.memref_slice %arg7[%arg0, %add3A_166, %dma_wait3A_167] : memref<2x10240x128xf32, #tpu.memory_space<hbm>> -> memref<1x160x128xf32, #tpu.memory_space<hbm>>
    %dma_wait3A_169 = tpu.memref_squeeze %dma_wait3A_168 : memref<1x160x128xf32, #tpu.memory_space<hbm>> -> memref<160x128xf32, #tpu.memory_space<hbm>>
    %dma_wait3A_170 = arith.constant 0 : i32
    %dma_wait3A_171 = tpu.memref_slice %arg8[%add3A_162, %dma_wait3A_170] : memref<10240x128xf32, #tpu.memory_space<vmem_shared>> -> memref<160x128xf32, #tpu.memory_space<vmem_shared>>
    tpu.wait_dma2 semaphore(%arg16 : memref<!tpu.dma_semaphore, #tpu.memory_space<semaphore_mem>>) src(%dma_wait3A_171 : memref<160x128xf32, #tpu.memory_space<vmem_shared>>) dst(%dma_wait3A_169 : memref<160x128xf32, #tpu.memory_space<hbm>>)
    %mul3A_172 = arith.constant 640 : i32
    %mul3A_173 = arith.muli %arg1, %mul3A_172 : i32
    %add3A_174 = arith.constant 160 : i32
    %add3A_175 = arith.addi %mul3A_173, %add3A_174 : i32
    %mul3A_176 = arith.constant 640 : i32
    %mul3A_177 = arith.muli %arg1, %mul3A_176 : i32
    %add3A_178 = arith.constant 160 : i32
    %add3A_179 = arith.addi %mul3A_177, %add3A_178 : i32
    %dma_wait3A_180 = arith.constant 0 : i32
    %dma_wait3A_181 = tpu.memref_slice %arg7[%arg0, %add3A_179, %dma_wait3A_180] : memref<2x10240x128xf32, #tpu.memory_space<hbm>> -> memref<1x160x128xf32, #tpu.memory_space<hbm>>
    %dma_wait3A_182 = tpu.memref_squeeze %dma_wait3A_181 : memref<1x160x128xf32, #tpu.memory_space<hbm>> -> memref<160x128xf32, #tpu.memory_space<hbm>>
    %dma_wait3A_183 = arith.constant 0 : i32
    %dma_wait3A_184 = tpu.memref_slice %arg8[%add3A_175, %dma_wait3A_183] : memref<10240x128xf32, #tpu.memory_space<vmem_shared>> -> memref<160x128xf32, #tpu.memory_space<vmem_shared>>
    tpu.wait_dma2 semaphore(%arg16 : memref<!tpu.dma_semaphore, #tpu.memory_space<semaphore_mem>>) src(%dma_wait3A_184 : memref<160x128xf32, #tpu.memory_space<vmem_shared>>) dst(%dma_wait3A_182 : memref<160x128xf32, #tpu.memory_space<hbm>>)
    %mul3A_185 = arith.constant 640 : i32
    %mul3A_186 = arith.muli %arg1, %mul3A_185 : i32
    %add3A_187 = arith.constant 320 : i32
    %add3A_188 = arith.addi %mul3A_186, %add3A_187 : i32
    %mul3A_189 = arith.constant 640 : i32
    %mul3A_190 = arith.muli %arg1, %mul3A_189 : i32
    %add3A_191 = arith.constant 320 : i32
    %add3A_192 = arith.addi %mul3A_190, %add3A_191 : i32
    %dma_wait3A_193 = arith.constant 0 : i32
    %dma_wait3A_194 = tpu.memref_slice %arg7[%arg0, %add3A_192, %dma_wait3A_193] : memref<2x10240x128xf32, #tpu.memory_space<hbm>> -> memref<1x160x128xf32, #tpu.memory_space<hbm>>
    %dma_wait3A_195 = tpu.memref_squeeze %dma_wait3A_194 : memref<1x160x128xf32, #tpu.memory_space<hbm>> -> memref<160x128xf32, #tpu.memory_space<hbm>>
    %dma_wait3A_196 = arith.constant 0 : i32
    %dma_wait3A_197 = tpu.memref_slice %arg8[%add3A_188, %dma_wait3A_196] : memref<10240x128xf32, #tpu.memory_space<vmem_shared>> -> memref<160x128xf32, #tpu.memory_space<vmem_shared>>
    tpu.wait_dma2 semaphore(%arg16 : memref<!tpu.dma_semaphore, #tpu.memory_space<semaphore_mem>>) src(%dma_wait3A_197 : memref<160x128xf32, #tpu.memory_space<vmem_shared>>) dst(%dma_wait3A_195 : memref<160x128xf32, #tpu.memory_space<hbm>>)
    %mul3A_198 = arith.constant 640 : i32
    %mul3A_199 = arith.muli %arg1, %mul3A_198 : i32
    %add3A_200 = arith.constant 480 : i32
    %add3A_201 = arith.addi %mul3A_199, %add3A_200 : i32
    %mul3A_202 = arith.constant 640 : i32
    %mul3A_203 = arith.muli %arg1, %mul3A_202 : i32
    %add3A_204 = arith.constant 480 : i32
    %add3A_205 = arith.addi %mul3A_203, %add3A_204 : i32
    %dma_wait3A_206 = arith.constant 0 : i32
    %dma_wait3A_207 = tpu.memref_slice %arg7[%arg0, %add3A_205, %dma_wait3A_206] : memref<2x10240x128xf32, #tpu.memory_space<hbm>> -> memref<1x160x128xf32, #tpu.memory_space<hbm>>
    %dma_wait3A_208 = tpu.memref_squeeze %dma_wait3A_207 : memref<1x160x128xf32, #tpu.memory_space<hbm>> -> memref<160x128xf32, #tpu.memory_space<hbm>>
    %dma_wait3A_209 = arith.constant 0 : i32
    %dma_wait3A_210 = tpu.memref_slice %arg8[%add3A_201, %dma_wait3A_209] : memref<10240x128xf32, #tpu.memory_space<vmem_shared>> -> memref<160x128xf32, #tpu.memory_space<vmem_shared>>
    tpu.wait_dma2 semaphore(%arg16 : memref<!tpu.dma_semaphore, #tpu.memory_space<semaphore_mem>>) src(%dma_wait3A_210 : memref<160x128xf32, #tpu.memory_space<vmem_shared>>) dst(%dma_wait3A_208 : memref<160x128xf32, #tpu.memory_space<hbm>>)
    return
  }
}

#map = affine_map<(d0, d1) -> (0, 0)>
#map1 = affine_map<(d0, d1) -> (0)>
module attributes {stable_mosaic.version = 14 : i64} {
  func.func @k(%arg0: i32, %arg1: i32, %arg2: memref<10240x128xf32, #tpu.memory_space<hbm>>, %arg3: memref<4096xi32, #tpu.memory_space<hbm>>, %arg4: memref<4096xi32, #tpu.memory_space<hbm>>, %arg5: memref<4096x128xf32, #tpu.memory_space<hbm>>, %arg6: memref<4096x128xf32, #tpu.memory_space<hbm>>, %arg7: memref<128x128xf32, #tpu.memory_space<vmem>>, %arg8: memref<1x128xi32, #tpu.memory_space<vmem>>) attributes {dimension_semantics = [#tpu.dimension_semantics<core_parallel>, #tpu.dimension_semantics<subcore_parallel>], iteration_bounds = array<i64: 2, 16>, scalar_prefetch = 0 : i64, scratch_operands = 2 : i64, tpu.core_type = #tpu.core_type<sc_vector_subcore>, window_params = [{transform_indices = #map}, {transform_indices = #map1}, {transform_indices = #map1}, {transform_indices = #map}, {transform_indices = #map}]} {
    %mul3A = arith.constant 16 : i32
    %mul3A_0 = arith.muli %arg0, %mul3A : i32
    %add3A = arith.addi %mul3A_0, %arg1 : i32
    %mul3A_1 = arith.constant 128 : i32
    %mul3A_2 = arith.muli %add3A, %mul3A_1 : i32
    %run_scoped3A = arith.constant 0 : i32
    "tpu.region"() ({
      %run_scoped3A_6 = tpu.sem_alloc : memref<!tpu.dma_semaphore, #tpu.memory_space<semaphore_mem>>
      %dma_start3A = arith.constant 0 : i32
      %dma_start3A_7 = tpu.memref_slice %arg8[%run_scoped3A, %dma_start3A] : memref<1x128xi32, #tpu.memory_space<vmem>> -> memref<1x128xi32, #tpu.memory_space<vmem>>
      %dma_start3A_8 = tpu.memref_squeeze %dma_start3A_7 : memref<1x128xi32, #tpu.memory_space<vmem>> -> memref<128xi32, #tpu.memory_space<vmem>>
      %dma_start3A_9 = tpu.memref_slice %arg3[%mul3A_2] : memref<4096xi32, #tpu.memory_space<hbm>> -> memref<128xi32, #tpu.memory_space<hbm>>
      %dma_start3A_10 = arith.constant 0 : i32
      %dma_start3A_11 = tpu.memref_slice %arg8[%run_scoped3A, %dma_start3A_10] : memref<1x128xi32, #tpu.memory_space<vmem>> -> memref<1x128xi32, #tpu.memory_space<vmem>>
      %dma_start3A_12 = tpu.memref_squeeze %dma_start3A_11 : memref<1x128xi32, #tpu.memory_space<vmem>> -> memref<128xi32, #tpu.memory_space<vmem>>
      %dma_start3A_13 = tpu.memref_slice %arg3[%mul3A_2] : memref<4096xi32, #tpu.memory_space<hbm>> -> memref<128xi32, #tpu.memory_space<hbm>>
      tpu.enqueue_dma source(%dma_start3A_13 : memref<128xi32, #tpu.memory_space<hbm>>) target(%dma_start3A_12 : memref<128xi32, #tpu.memory_space<vmem>>) target_semaphore(%run_scoped3A_6 : memref<!tpu.dma_semaphore, #tpu.memory_space<semaphore_mem>>)
      %dma_wait3A = arith.constant 0 : i32
      %dma_wait3A_14 = tpu.memref_slice %arg8[%run_scoped3A, %dma_wait3A] : memref<1x128xi32, #tpu.memory_space<vmem>> -> memref<1x128xi32, #tpu.memory_space<vmem>>
      %dma_wait3A_15 = tpu.memref_squeeze %dma_wait3A_14 : memref<1x128xi32, #tpu.memory_space<vmem>> -> memref<128xi32, #tpu.memory_space<vmem>>
      %dma_wait3A_16 = tpu.memref_slice %arg3[%mul3A_2] : memref<4096xi32, #tpu.memory_space<hbm>> -> memref<128xi32, #tpu.memory_space<hbm>>
      %dma_wait3A_17 = arith.constant 0 : i32
      %dma_wait3A_18 = tpu.memref_slice %arg8[%run_scoped3A, %dma_wait3A_17] : memref<1x128xi32, #tpu.memory_space<vmem>> -> memref<1x128xi32, #tpu.memory_space<vmem>>
      %dma_wait3A_19 = tpu.memref_squeeze %dma_wait3A_18 : memref<1x128xi32, #tpu.memory_space<vmem>> -> memref<128xi32, #tpu.memory_space<vmem>>
      %dma_wait3A_20 = tpu.memref_slice %arg3[%mul3A_2] : memref<4096xi32, #tpu.memory_space<hbm>> -> memref<128xi32, #tpu.memory_space<hbm>>
      tpu.wait_dma2 semaphore(%run_scoped3A_6 : memref<!tpu.dma_semaphore, #tpu.memory_space<semaphore_mem>>) src(%dma_wait3A_20 : memref<128xi32, #tpu.memory_space<hbm>>) dst(%dma_wait3A_19 : memref<128xi32, #tpu.memory_space<vmem>>)
      tpu.yield
    }) : () -> ()
    %run_scoped3A_3 = arith.constant 0 : i32
    "tpu.region"() ({
      %run_scoped3A_6 = tpu.sem_alloc : memref<!tpu.dma_semaphore, #tpu.memory_space<semaphore_mem>>
      %dma_start3A = arith.constant 0 : i32
      %dma_start3A_7 = tpu.memref_slice %arg8[%run_scoped3A_3, %dma_start3A] : memref<1x128xi32, #tpu.memory_space<vmem>> -> memref<1x128xi32, #tpu.memory_space<vmem>>
      %dma_start3A_8 = tpu.memref_squeeze %dma_start3A_7 : memref<1x128xi32, #tpu.memory_space<vmem>> -> memref<128xi32, #tpu.memory_space<vmem>>
      %dma_start3A_9 = arith.constant 0 : i32
      %dma_start3A_10 = arith.constant 0 : i32
      %dma_start3A_11 = tpu.memref_slice %arg2[%dma_start3A_9, %dma_start3A_10] : memref<10240x128xf32, #tpu.memory_space<hbm>> -> memref<10240x128xf32, #tpu.memory_space<hbm>>
      tpu.enqueue_indirect_dma source(%dma_start3A_11 : memref<10240x128xf32, #tpu.memory_space<hbm>>) target(%arg7 : memref<128x128xf32, #tpu.memory_space<vmem>>) offsets(%dma_start3A_8 : memref<128xi32, #tpu.memory_space<vmem>>) semaphore(%run_scoped3A_6 : memref<!tpu.dma_semaphore, #tpu.memory_space<semaphore_mem>>)
      %dma_wait3A = arith.constant 0 : i32
      %dma_wait3A_12 = tpu.memref_slice %arg8[%run_scoped3A_3, %dma_wait3A] : memref<1x128xi32, #tpu.memory_space<vmem>> -> memref<1x128xi32, #tpu.memory_space<vmem>>
      %dma_wait3A_13 = tpu.memref_squeeze %dma_wait3A_12 : memref<1x128xi32, #tpu.memory_space<vmem>> -> memref<128xi32, #tpu.memory_space<vmem>>
      %dma_wait3A_14 = arith.constant 0 : i32
      %dma_wait3A_15 = arith.constant 0 : i32
      %dma_wait3A_16 = tpu.memref_slice %arg2[%dma_wait3A_14, %dma_wait3A_15] : memref<10240x128xf32, #tpu.memory_space<hbm>> -> memref<10240x128xf32, #tpu.memory_space<hbm>>
      tpu.wait_indirect_dma semaphore(%run_scoped3A_6 : memref<!tpu.dma_semaphore, #tpu.memory_space<semaphore_mem>>) src(%dma_wait3A_16 : memref<10240x128xf32, #tpu.memory_space<hbm>>) dst(%arg7 : memref<128x128xf32, #tpu.memory_space<vmem>>)
      tpu.yield
    }) : () -> ()
    "tpu.region"() ({
      %run_scoped3A_6 = tpu.sem_alloc : memref<!tpu.dma_semaphore, #tpu.memory_space<semaphore_mem>>
      %dma_start3A = arith.constant 0 : i32
      %dma_start3A_7 = tpu.memref_slice %arg5[%mul3A_2, %dma_start3A] : memref<4096x128xf32, #tpu.memory_space<hbm>> -> memref<128x128xf32, #tpu.memory_space<hbm>>
      %dma_start3A_8 = arith.constant 0 : i32
      %dma_start3A_9 = tpu.memref_slice %arg5[%mul3A_2, %dma_start3A_8] : memref<4096x128xf32, #tpu.memory_space<hbm>> -> memref<128x128xf32, #tpu.memory_space<hbm>>
      tpu.enqueue_dma source(%arg7 : memref<128x128xf32, #tpu.memory_space<vmem>>) target(%dma_start3A_9 : memref<128x128xf32, #tpu.memory_space<hbm>>) target_semaphore(%run_scoped3A_6 : memref<!tpu.dma_semaphore, #tpu.memory_space<semaphore_mem>>)
      %dma_wait3A = arith.constant 0 : i32
      %dma_wait3A_10 = tpu.memref_slice %arg5[%mul3A_2, %dma_wait3A] : memref<4096x128xf32, #tpu.memory_space<hbm>> -> memref<128x128xf32, #tpu.memory_space<hbm>>
      %dma_wait3A_11 = arith.constant 0 : i32
      %dma_wait3A_12 = tpu.memref_slice %arg5[%mul3A_2, %dma_wait3A_11] : memref<4096x128xf32, #tpu.memory_space<hbm>> -> memref<128x128xf32, #tpu.memory_space<hbm>>
      tpu.wait_dma2 semaphore(%run_scoped3A_6 : memref<!tpu.dma_semaphore, #tpu.memory_space<semaphore_mem>>) src(%arg7 : memref<128x128xf32, #tpu.memory_space<vmem>>) dst(%dma_wait3A_12 : memref<128x128xf32, #tpu.memory_space<hbm>>)
      tpu.yield
    }) : () -> ()
    %run_scoped3A_4 = arith.constant 0 : i32
    "tpu.region"() ({
      %run_scoped3A_6 = tpu.sem_alloc : memref<!tpu.dma_semaphore, #tpu.memory_space<semaphore_mem>>
      %dma_start3A = arith.constant 0 : i32
      %dma_start3A_7 = tpu.memref_slice %arg8[%run_scoped3A_4, %dma_start3A] : memref<1x128xi32, #tpu.memory_space<vmem>> -> memref<1x128xi32, #tpu.memory_space<vmem>>
      %dma_start3A_8 = tpu.memref_squeeze %dma_start3A_7 : memref<1x128xi32, #tpu.memory_space<vmem>> -> memref<128xi32, #tpu.memory_space<vmem>>
      %dma_start3A_9 = tpu.memref_slice %arg4[%mul3A_2] : memref<4096xi32, #tpu.memory_space<hbm>> -> memref<128xi32, #tpu.memory_space<hbm>>
      %dma_start3A_10 = arith.constant 0 : i32
      %dma_start3A_11 = tpu.memref_slice %arg8[%run_scoped3A_4, %dma_start3A_10] : memref<1x128xi32, #tpu.memory_space<vmem>> -> memref<1x128xi32, #tpu.memory_space<vmem>>
      %dma_start3A_12 = tpu.memref_squeeze %dma_start3A_11 : memref<1x128xi32, #tpu.memory_space<vmem>> -> memref<128xi32, #tpu.memory_space<vmem>>
      %dma_start3A_13 = tpu.memref_slice %arg4[%mul3A_2] : memref<4096xi32, #tpu.memory_space<hbm>> -> memref<128xi32, #tpu.memory_space<hbm>>
      tpu.enqueue_dma source(%dma_start3A_13 : memref<128xi32, #tpu.memory_space<hbm>>) target(%dma_start3A_12 : memref<128xi32, #tpu.memory_space<vmem>>) target_semaphore(%run_scoped3A_6 : memref<!tpu.dma_semaphore, #tpu.memory_space<semaphore_mem>>)
      %dma_wait3A = arith.constant 0 : i32
      %dma_wait3A_14 = tpu.memref_slice %arg8[%run_scoped3A_4, %dma_wait3A] : memref<1x128xi32, #tpu.memory_space<vmem>> -> memref<1x128xi32, #tpu.memory_space<vmem>>
      %dma_wait3A_15 = tpu.memref_squeeze %dma_wait3A_14 : memref<1x128xi32, #tpu.memory_space<vmem>> -> memref<128xi32, #tpu.memory_space<vmem>>
      %dma_wait3A_16 = tpu.memref_slice %arg4[%mul3A_2] : memref<4096xi32, #tpu.memory_space<hbm>> -> memref<128xi32, #tpu.memory_space<hbm>>
      %dma_wait3A_17 = arith.constant 0 : i32
      %dma_wait3A_18 = tpu.memref_slice %arg8[%run_scoped3A_4, %dma_wait3A_17] : memref<1x128xi32, #tpu.memory_space<vmem>> -> memref<1x128xi32, #tpu.memory_space<vmem>>
      %dma_wait3A_19 = tpu.memref_squeeze %dma_wait3A_18 : memref<1x128xi32, #tpu.memory_space<vmem>> -> memref<128xi32, #tpu.memory_space<vmem>>
      %dma_wait3A_20 = tpu.memref_slice %arg4[%mul3A_2] : memref<4096xi32, #tpu.memory_space<hbm>> -> memref<128xi32, #tpu.memory_space<hbm>>
      tpu.wait_dma2 semaphore(%run_scoped3A_6 : memref<!tpu.dma_semaphore, #tpu.memory_space<semaphore_mem>>) src(%dma_wait3A_20 : memref<128xi32, #tpu.memory_space<hbm>>) dst(%dma_wait3A_19 : memref<128xi32, #tpu.memory_space<vmem>>)
      tpu.yield
    }) : () -> ()
    %run_scoped3A_5 = arith.constant 0 : i32
    "tpu.region"() ({
      %run_scoped3A_6 = tpu.sem_alloc : memref<!tpu.dma_semaphore, #tpu.memory_space<semaphore_mem>>
      %dma_start3A = arith.constant 0 : i32
      %dma_start3A_7 = tpu.memref_slice %arg8[%run_scoped3A_5, %dma_start3A] : memref<1x128xi32, #tpu.memory_space<vmem>> -> memref<1x128xi32, #tpu.memory_space<vmem>>
      %dma_start3A_8 = tpu.memref_squeeze %dma_start3A_7 : memref<1x128xi32, #tpu.memory_space<vmem>> -> memref<128xi32, #tpu.memory_space<vmem>>
      %dma_start3A_9 = arith.constant 0 : i32
      %dma_start3A_10 = arith.constant 0 : i32
      %dma_start3A_11 = tpu.memref_slice %arg2[%dma_start3A_9, %dma_start3A_10] : memref<10240x128xf32, #tpu.memory_space<hbm>> -> memref<10240x128xf32, #tpu.memory_space<hbm>>
      tpu.enqueue_indirect_dma source(%dma_start3A_11 : memref<10240x128xf32, #tpu.memory_space<hbm>>) target(%arg7 : memref<128x128xf32, #tpu.memory_space<vmem>>) offsets(%dma_start3A_8 : memref<128xi32, #tpu.memory_space<vmem>>) semaphore(%run_scoped3A_6 : memref<!tpu.dma_semaphore, #tpu.memory_space<semaphore_mem>>)
      %dma_wait3A = arith.constant 0 : i32
      %dma_wait3A_12 = tpu.memref_slice %arg8[%run_scoped3A_5, %dma_wait3A] : memref<1x128xi32, #tpu.memory_space<vmem>> -> memref<1x128xi32, #tpu.memory_space<vmem>>
      %dma_wait3A_13 = tpu.memref_squeeze %dma_wait3A_12 : memref<1x128xi32, #tpu.memory_space<vmem>> -> memref<128xi32, #tpu.memory_space<vmem>>
      %dma_wait3A_14 = arith.constant 0 : i32
      %dma_wait3A_15 = arith.constant 0 : i32
      %dma_wait3A_16 = tpu.memref_slice %arg2[%dma_wait3A_14, %dma_wait3A_15] : memref<10240x128xf32, #tpu.memory_space<hbm>> -> memref<10240x128xf32, #tpu.memory_space<hbm>>
      tpu.wait_indirect_dma semaphore(%run_scoped3A_6 : memref<!tpu.dma_semaphore, #tpu.memory_space<semaphore_mem>>) src(%dma_wait3A_16 : memref<10240x128xf32, #tpu.memory_space<hbm>>) dst(%arg7 : memref<128x128xf32, #tpu.memory_space<vmem>>)
      tpu.yield
    }) : () -> ()
    "tpu.region"() ({
      %run_scoped3A_6 = tpu.sem_alloc : memref<!tpu.dma_semaphore, #tpu.memory_space<semaphore_mem>>
      %dma_start3A = arith.constant 0 : i32
      %dma_start3A_7 = tpu.memref_slice %arg6[%mul3A_2, %dma_start3A] : memref<4096x128xf32, #tpu.memory_space<hbm>> -> memref<128x128xf32, #tpu.memory_space<hbm>>
      %dma_start3A_8 = arith.constant 0 : i32
      %dma_start3A_9 = tpu.memref_slice %arg6[%mul3A_2, %dma_start3A_8] : memref<4096x128xf32, #tpu.memory_space<hbm>> -> memref<128x128xf32, #tpu.memory_space<hbm>>
      tpu.enqueue_dma source(%arg7 : memref<128x128xf32, #tpu.memory_space<vmem>>) target(%dma_start3A_9 : memref<128x128xf32, #tpu.memory_space<hbm>>) target_semaphore(%run_scoped3A_6 : memref<!tpu.dma_semaphore, #tpu.memory_space<semaphore_mem>>)
      %dma_wait3A = arith.constant 0 : i32
      %dma_wait3A_10 = tpu.memref_slice %arg6[%mul3A_2, %dma_wait3A] : memref<4096x128xf32, #tpu.memory_space<hbm>> -> memref<128x128xf32, #tpu.memory_space<hbm>>
      %dma_wait3A_11 = arith.constant 0 : i32
      %dma_wait3A_12 = tpu.memref_slice %arg6[%mul3A_2, %dma_wait3A_11] : memref<4096x128xf32, #tpu.memory_space<hbm>> -> memref<128x128xf32, #tpu.memory_space<hbm>>
      tpu.wait_dma2 semaphore(%run_scoped3A_6 : memref<!tpu.dma_semaphore, #tpu.memory_space<semaphore_mem>>) src(%arg7 : memref<128x128xf32, #tpu.memory_space<vmem>>) dst(%dma_wait3A_12 : memref<128x128xf32, #tpu.memory_space<hbm>>)
      tpu.yield
    }) : () -> ()
    return
  }
}

#map = affine_map<(d0, d1) -> (0, 0)>
#map1 = affine_map<(d0, d1) -> (0)>
module attributes {stable_mosaic.version = 14 : i64} {
  func.func @k(%arg0: i32, %arg1: i32, %arg2: memref<100000x128xf32, #tpu.memory_space<hbm>>, %arg3: memref<10240xi32, #tpu.memory_space<hbm>>, %arg4: memref<2560x128xi32, #tpu.memory_space<hbm>>, %arg5: memref<2560x128xf32, #tpu.memory_space<hbm>>, %arg6: memref<640xf32, #tpu.memory_space<hbm>>, %arg7: memref<10240x128xf32, #tpu.memory_space<hbm>>, %arg8: memref<2x10240xf32, #tpu.memory_space<hbm>>, %arg9: memref<10240xf32, #tpu.memory_space<vmem_shared>>, %arg10: memref<80x128xf32, #tpu.memory_space<vmem>>, %arg11: memref<1x80xi32, #tpu.memory_space<vmem>>, %arg12: memref<80x128xi32, #tpu.memory_space<vmem>>, %arg13: memref<80x128xf32, #tpu.memory_space<vmem>>, %arg14: memref<!tpu.dma_semaphore, #tpu.memory_space<semaphore_mem>>) attributes {dimension_semantics = [#tpu.dimension_semantics<core_parallel>, #tpu.dimension_semantics<subcore_parallel>], iteration_bounds = array<i64: 2, 16>, scalar_prefetch = 0 : i64, scratch_operands = 6 : i64, tpu.core_type = #tpu.core_type<sc_vector_subcore>, window_params = [{transform_indices = #map}, {transform_indices = #map1}, {transform_indices = #map}, {transform_indices = #map}, {transform_indices = #map1}, {transform_indices = #map}, {transform_indices = #map}]} {
    %mul3A = arith.constant 16 : i32
    %mul3A_0 = arith.muli %arg0, %mul3A : i32
    %add3A = arith.addi %mul3A_0, %arg1 : i32
    %mul3A_1 = arith.constant 640 : i32
    %mul3A_2 = arith.muli %arg1, %mul3A_1 : i32
    "tpu.region"() ({
      %run_scoped3A = tpu.sem_alloc : memref<!tpu.dma_semaphore, #tpu.memory_space<semaphore_mem>>
      %dma_start3A = tpu.memref_slice %arg9[%mul3A_2] : memref<10240xf32, #tpu.memory_space<vmem_shared>> -> memref<640xf32, #tpu.memory_space<vmem_shared>>
      tpu.enqueue_dma source(%arg6 : memref<640xf32, #tpu.memory_space<hbm>>) target(%dma_start3A : memref<640xf32, #tpu.memory_space<vmem_shared>>) target_semaphore(%run_scoped3A : memref<!tpu.dma_semaphore, #tpu.memory_space<semaphore_mem>>)
      %dma_wait3A = tpu.memref_slice %arg9[%mul3A_2] : memref<10240xf32, #tpu.memory_space<vmem_shared>> -> memref<640xf32, #tpu.memory_space<vmem_shared>>
      tpu.wait_dma2 semaphore(%run_scoped3A : memref<!tpu.dma_semaphore, #tpu.memory_space<semaphore_mem>>) src(%arg6 : memref<640xf32, #tpu.memory_space<hbm>>) dst(%dma_wait3A : memref<640xf32, #tpu.memory_space<vmem_shared>>)
      tpu.yield
    }) : () -> ()
    %mul3A_3 = arith.constant 80 : i32
    %mul3A_4 = arith.muli %add3A, %mul3A_3 : i32
    "tpu.region"() ({
      %run_scoped3A = tpu.sem_alloc : memref<!tpu.dma_semaphore, #tpu.memory_space<semaphore_mem>>
      %dma_start3A = arith.constant 0 : i32
      %dma_start3A_26 = tpu.memref_slice %arg4[%mul3A_4, %dma_start3A] : memref<2560x128xi32, #tpu.memory_space<hbm>> -> memref<80x128xi32, #tpu.memory_space<hbm>>
      %dma_start3A_27 = arith.constant 0 : i32
      %dma_start3A_28 = tpu.memref_slice %arg4[%mul3A_4, %dma_start3A_27] : memref<2560x128xi32, #tpu.memory_space<hbm>> -> memref<80x128xi32, #tpu.memory_space<hbm>>
      tpu.enqueue_dma source(%dma_start3A_28 : memref<80x128xi32, #tpu.memory_space<hbm>>) target(%arg12 : memref<80x128xi32, #tpu.memory_space<vmem>>) target_semaphore(%run_scoped3A : memref<!tpu.dma_semaphore, #tpu.memory_space<semaphore_mem>>)
      %dma_wait3A = arith.constant 0 : i32
      %dma_wait3A_29 = tpu.memref_slice %arg4[%mul3A_4, %dma_wait3A] : memref<2560x128xi32, #tpu.memory_space<hbm>> -> memref<80x128xi32, #tpu.memory_space<hbm>>
      %dma_wait3A_30 = arith.constant 0 : i32
      %dma_wait3A_31 = tpu.memref_slice %arg4[%mul3A_4, %dma_wait3A_30] : memref<2560x128xi32, #tpu.memory_space<hbm>> -> memref<80x128xi32, #tpu.memory_space<hbm>>
      tpu.wait_dma2 semaphore(%run_scoped3A : memref<!tpu.dma_semaphore, #tpu.memory_space<semaphore_mem>>) src(%dma_wait3A_31 : memref<80x128xi32, #tpu.memory_space<hbm>>) dst(%arg12 : memref<80x128xi32, #tpu.memory_space<vmem>>)
      tpu.yield
    }) : () -> ()
    %mul3A_5 = arith.constant 80 : i32
    %mul3A_6 = arith.muli %add3A, %mul3A_5 : i32
    "tpu.region"() ({
      %run_scoped3A = tpu.sem_alloc : memref<!tpu.dma_semaphore, #tpu.memory_space<semaphore_mem>>
      %dma_start3A = arith.constant 0 : i32
      %dma_start3A_26 = tpu.memref_slice %arg5[%mul3A_6, %dma_start3A] : memref<2560x128xf32, #tpu.memory_space<hbm>> -> memref<80x128xf32, #tpu.memory_space<hbm>>
      %dma_start3A_27 = arith.constant 0 : i32
      %dma_start3A_28 = tpu.memref_slice %arg5[%mul3A_6, %dma_start3A_27] : memref<2560x128xf32, #tpu.memory_space<hbm>> -> memref<80x128xf32, #tpu.memory_space<hbm>>
      tpu.enqueue_dma source(%dma_start3A_28 : memref<80x128xf32, #tpu.memory_space<hbm>>) target(%arg13 : memref<80x128xf32, #tpu.memory_space<vmem>>) target_semaphore(%run_scoped3A : memref<!tpu.dma_semaphore, #tpu.memory_space<semaphore_mem>>)
      %dma_wait3A = arith.constant 0 : i32
      %dma_wait3A_29 = tpu.memref_slice %arg5[%mul3A_6, %dma_wait3A] : memref<2560x128xf32, #tpu.memory_space<hbm>> -> memref<80x128xf32, #tpu.memory_space<hbm>>
      %dma_wait3A_30 = arith.constant 0 : i32
      %dma_wait3A_31 = tpu.memref_slice %arg5[%mul3A_6, %dma_wait3A_30] : memref<2560x128xf32, #tpu.memory_space<hbm>> -> memref<80x128xf32, #tpu.memory_space<hbm>>
      tpu.wait_dma2 semaphore(%run_scoped3A : memref<!tpu.dma_semaphore, #tpu.memory_space<semaphore_mem>>) src(%dma_wait3A_31 : memref<80x128xf32, #tpu.memory_space<hbm>>) dst(%arg13 : memref<80x128xf32, #tpu.memory_space<vmem>>)
      tpu.yield
    }) : () -> ()
    %barrier3A = arith.constant 0 : index
    tpu.barrier barrier_id(%barrier3A)
    %scan3A = arith.constant 0 : i32
    %scan3A_7 = arith.constant 80 : i32
    %scan3A_8 = arith.addi %scan3A, %scan3A_7 : i32
    %scan3A_9 = arith.constant 1 : i32
    scf.for %scan3A_26 = %scan3A to %scan3A_8 step %scan3A_9  : i32 {
      %mul3A_27 = arith.constant 1 : i32
      %mul3A_28 = arith.muli %scan3A_26, %mul3A_27 : i32
      %add3A_29 = arith.constant 0 : i32
      %add3A_30 = arith.addi %add3A_29, %mul3A_28 : i32
      %dma_start3A = arith.constant 0 : i32
      %dma_start3A_31 = tpu.memref_slice %arg13[%add3A_30, %dma_start3A] : memref<80x128xf32, #tpu.memory_space<vmem>> -> memref<1x128xf32, #tpu.memory_space<vmem>>
      %dma_start3A_32 = tpu.memref_squeeze %dma_start3A_31 : memref<1x128xf32, #tpu.memory_space<vmem>> -> memref<128xf32, #tpu.memory_space<vmem>>
      %dma_start3A_33 = arith.constant 0 : i32
      %dma_start3A_34 = tpu.memref_slice %arg12[%add3A_30, %dma_start3A_33] : memref<80x128xi32, #tpu.memory_space<vmem>> -> memref<1x128xi32, #tpu.memory_space<vmem>>
      %dma_start3A_35 = tpu.memref_squeeze %dma_start3A_34 : memref<1x128xi32, #tpu.memory_space<vmem>> -> memref<128xi32, #tpu.memory_space<vmem>>
      %dma_start3A_36 = arith.constant 0 : i32
      %dma_start3A_37 = tpu.memref_slice %arg9[%dma_start3A_36] : memref<10240xf32, #tpu.memory_space<vmem_shared>> -> memref<10240xf32, #tpu.memory_space<vmem_shared>>
      tpu.enqueue_indirect_dma source(%dma_start3A_32 : memref<128xf32, #tpu.memory_space<vmem>>) target(%dma_start3A_37 : memref<10240xf32, #tpu.memory_space<vmem_shared>>) offsets(%dma_start3A_35 : memref<128xi32, #tpu.memory_space<vmem>>) semaphore(%arg14 : memref<!tpu.dma_semaphore, #tpu.memory_space<semaphore_mem>>) {add = true}
    }
    %scan3A_10 = arith.constant 80 : i32
    %scan3A_11 = arith.constant 0 : i32
    %scan3A_12 = arith.constant 4 : i32
    %scan3A_13 = arith.addi %scan3A_11, %scan3A_12 : i32
    %scan3A_14 = arith.constant 1 : i32
    scf.for %scan3A_26 = %scan3A_11 to %scan3A_13 step %scan3A_14  : i32 {
      %mul3A_27 = arith.constant 1 : i32
      %mul3A_28 = arith.muli %scan3A_26, %mul3A_27 : i32
      %add3A_29 = arith.constant 0 : i32
      %add3A_30 = arith.addi %add3A_29, %mul3A_28 : i32
      %mul3A_31 = arith.constant 320 : i32
      %mul3A_32 = arith.muli %add3A, %mul3A_31 : i32
      %mul3A_33 = arith.constant 80 : i32
      %mul3A_34 = arith.muli %add3A_30, %mul3A_33 : i32
      %add3A_35 = arith.addi %mul3A_32, %mul3A_34 : i32
      %run_scoped3A = arith.constant 0 : i32
      "tpu.region"() ({
        %run_scoped3A_37 = tpu.sem_alloc : memref<!tpu.dma_semaphore, #tpu.memory_space<semaphore_mem>>
        %dma_start3A = arith.constant 0 : i32
        %dma_start3A_38 = tpu.memref_slice %arg11[%run_scoped3A, %dma_start3A] : memref<1x80xi32, #tpu.memory_space<vmem>> -> memref<1x80xi32, #tpu.memory_space<vmem>>
        %dma_start3A_39 = tpu.memref_squeeze %dma_start3A_38 : memref<1x80xi32, #tpu.memory_space<vmem>> -> memref<80xi32, #tpu.memory_space<vmem>>
        %dma_start3A_40 = tpu.memref_slice %arg3[%add3A_35] : memref<10240xi32, #tpu.memory_space<hbm>> -> memref<80xi32, #tpu.memory_space<hbm>>
        %dma_start3A_41 = arith.constant 0 : i32
        %dma_start3A_42 = tpu.memref_slice %arg11[%run_scoped3A, %dma_start3A_41] : memref<1x80xi32, #tpu.memory_space<vmem>> -> memref<1x80xi32, #tpu.memory_space<vmem>>
        %dma_start3A_43 = tpu.memref_squeeze %dma_start3A_42 : memref<1x80xi32, #tpu.memory_space<vmem>> -> memref<80xi32, #tpu.memory_space<vmem>>
        %dma_start3A_44 = tpu.memref_slice %arg3[%add3A_35] : memref<10240xi32, #tpu.memory_space<hbm>> -> memref<80xi32, #tpu.memory_space<hbm>>
        tpu.enqueue_dma source(%dma_start3A_44 : memref<80xi32, #tpu.memory_space<hbm>>) target(%dma_start3A_43 : memref<80xi32, #tpu.memory_space<vmem>>) target_semaphore(%run_scoped3A_37 : memref<!tpu.dma_semaphore, #tpu.memory_space<semaphore_mem>>)
        %dma_wait3A = arith.constant 0 : i32
        %dma_wait3A_45 = tpu.memref_slice %arg11[%run_scoped3A, %dma_wait3A] : memref<1x80xi32, #tpu.memory_space<vmem>> -> memref<1x80xi32, #tpu.memory_space<vmem>>
        %dma_wait3A_46 = tpu.memref_squeeze %dma_wait3A_45 : memref<1x80xi32, #tpu.memory_space<vmem>> -> memref<80xi32, #tpu.memory_space<vmem>>
        %dma_wait3A_47 = tpu.memref_slice %arg3[%add3A_35] : memref<10240xi32, #tpu.memory_space<hbm>> -> memref<80xi32, #tpu.memory_space<hbm>>
        %dma_wait3A_48 = arith.constant 0 : i32
        %dma_wait3A_49 = tpu.memref_slice %arg11[%run_scoped3A, %dma_wait3A_48] : memref<1x80xi32, #tpu.memory_space<vmem>> -> memref<1x80xi32, #tpu.memory_space<vmem>>
        %dma_wait3A_50 = tpu.memref_squeeze %dma_wait3A_49 : memref<1x80xi32, #tpu.memory_space<vmem>> -> memref<80xi32, #tpu.memory_space<vmem>>
        %dma_wait3A_51 = tpu.memref_slice %arg3[%add3A_35] : memref<10240xi32, #tpu.memory_space<hbm>> -> memref<80xi32, #tpu.memory_space<hbm>>
        tpu.wait_dma2 semaphore(%run_scoped3A_37 : memref<!tpu.dma_semaphore, #tpu.memory_space<semaphore_mem>>) src(%dma_wait3A_51 : memref<80xi32, #tpu.memory_space<hbm>>) dst(%dma_wait3A_50 : memref<80xi32, #tpu.memory_space<vmem>>)
        tpu.yield
      }) : () -> ()
      %run_scoped3A_36 = arith.constant 0 : i32
      "tpu.region"() ({
        %run_scoped3A_37 = tpu.sem_alloc : memref<!tpu.dma_semaphore, #tpu.memory_space<semaphore_mem>>
        %dma_start3A = arith.constant 0 : i32
        %dma_start3A_38 = tpu.memref_slice %arg11[%run_scoped3A_36, %dma_start3A] : memref<1x80xi32, #tpu.memory_space<vmem>> -> memref<1x80xi32, #tpu.memory_space<vmem>>
        %dma_start3A_39 = tpu.memref_squeeze %dma_start3A_38 : memref<1x80xi32, #tpu.memory_space<vmem>> -> memref<80xi32, #tpu.memory_space<vmem>>
        %dma_start3A_40 = arith.constant 0 : i32
        %dma_start3A_41 = arith.constant 0 : i32
        %dma_start3A_42 = tpu.memref_slice %arg2[%dma_start3A_40, %dma_start3A_41] : memref<100000x128xf32, #tpu.memory_space<hbm>> -> memref<100000x128xf32, #tpu.memory_space<hbm>>
        tpu.enqueue_indirect_dma source(%dma_start3A_42 : memref<100000x128xf32, #tpu.memory_space<hbm>>) target(%arg10 : memref<80x128xf32, #tpu.memory_space<vmem>>) offsets(%dma_start3A_39 : memref<80xi32, #tpu.memory_space<vmem>>) semaphore(%run_scoped3A_37 : memref<!tpu.dma_semaphore, #tpu.memory_space<semaphore_mem>>)
        %dma_wait3A = arith.constant 0 : i32
        %dma_wait3A_43 = tpu.memref_slice %arg11[%run_scoped3A_36, %dma_wait3A] : memref<1x80xi32, #tpu.memory_space<vmem>> -> memref<1x80xi32, #tpu.memory_space<vmem>>
        %dma_wait3A_44 = tpu.memref_squeeze %dma_wait3A_43 : memref<1x80xi32, #tpu.memory_space<vmem>> -> memref<80xi32, #tpu.memory_space<vmem>>
        %dma_wait3A_45 = arith.constant 0 : i32
        %dma_wait3A_46 = arith.constant 0 : i32
        %dma_wait3A_47 = tpu.memref_slice %arg2[%dma_wait3A_45, %dma_wait3A_46] : memref<100000x128xf32, #tpu.memory_space<hbm>> -> memref<100000x128xf32, #tpu.memory_space<hbm>>
        tpu.wait_indirect_dma semaphore(%run_scoped3A_37 : memref<!tpu.dma_semaphore, #tpu.memory_space<semaphore_mem>>) src(%dma_wait3A_47 : memref<100000x128xf32, #tpu.memory_space<hbm>>) dst(%arg10 : memref<80x128xf32, #tpu.memory_space<vmem>>)
        tpu.yield
      }) : () -> ()
      "tpu.region"() ({
        %run_scoped3A_37 = tpu.sem_alloc : memref<!tpu.dma_semaphore, #tpu.memory_space<semaphore_mem>>
        %dma_start3A = arith.constant 0 : i32
        %dma_start3A_38 = tpu.memref_slice %arg7[%add3A_35, %dma_start3A] : memref<10240x128xf32, #tpu.memory_space<hbm>> -> memref<80x128xf32, #tpu.memory_space<hbm>>
        %dma_start3A_39 = arith.constant 0 : i32
        %dma_start3A_40 = tpu.memref_slice %arg7[%add3A_35, %dma_start3A_39] : memref<10240x128xf32, #tpu.memory_space<hbm>> -> memref<80x128xf32, #tpu.memory_space<hbm>>
        tpu.enqueue_dma source(%arg10 : memref<80x128xf32, #tpu.memory_space<vmem>>) target(%dma_start3A_40 : memref<80x128xf32, #tpu.memory_space<hbm>>) target_semaphore(%run_scoped3A_37 : memref<!tpu.dma_semaphore, #tpu.memory_space<semaphore_mem>>)
        %dma_wait3A = arith.constant 0 : i32
        %dma_wait3A_41 = tpu.memref_slice %arg7[%add3A_35, %dma_wait3A] : memref<10240x128xf32, #tpu.memory_space<hbm>> -> memref<80x128xf32, #tpu.memory_space<hbm>>
        %dma_wait3A_42 = arith.constant 0 : i32
        %dma_wait3A_43 = tpu.memref_slice %arg7[%add3A_35, %dma_wait3A_42] : memref<10240x128xf32, #tpu.memory_space<hbm>> -> memref<80x128xf32, #tpu.memory_space<hbm>>
        tpu.wait_dma2 semaphore(%run_scoped3A_37 : memref<!tpu.dma_semaphore, #tpu.memory_space<semaphore_mem>>) src(%arg10 : memref<80x128xf32, #tpu.memory_space<vmem>>) dst(%dma_wait3A_43 : memref<80x128xf32, #tpu.memory_space<hbm>>)
        tpu.yield
      }) : () -> ()
    }
    %scan3A_15 = arith.constant 4 : i32
    %scan3A_16 = arith.constant 0 : i32
    %scan3A_17 = arith.constant 80 : i32
    %scan3A_18 = arith.addi %scan3A_16, %scan3A_17 : i32
    %scan3A_19 = arith.constant 1 : i32
    scf.for %scan3A_26 = %scan3A_16 to %scan3A_18 step %scan3A_19  : i32 {
      %mul3A_27 = arith.constant 1 : i32
      %mul3A_28 = arith.muli %scan3A_26, %mul3A_27 : i32
      %add3A_29 = arith.constant 0 : i32
      %add3A_30 = arith.addi %add3A_29, %mul3A_28 : i32
      %dma_wait3A = arith.constant 0 : i32
      %dma_wait3A_31 = tpu.memref_slice %arg13[%add3A_30, %dma_wait3A] : memref<80x128xf32, #tpu.memory_space<vmem>> -> memref<1x128xf32, #tpu.memory_space<vmem>>
      %dma_wait3A_32 = tpu.memref_squeeze %dma_wait3A_31 : memref<1x128xf32, #tpu.memory_space<vmem>> -> memref<128xf32, #tpu.memory_space<vmem>>
      %dma_wait3A_33 = arith.constant 0 : i32
      %dma_wait3A_34 = tpu.memref_slice %arg12[%add3A_30, %dma_wait3A_33] : memref<80x128xi32, #tpu.memory_space<vmem>> -> memref<1x128xi32, #tpu.memory_space<vmem>>
      %dma_wait3A_35 = tpu.memref_squeeze %dma_wait3A_34 : memref<1x128xi32, #tpu.memory_space<vmem>> -> memref<128xi32, #tpu.memory_space<vmem>>
      %dma_wait3A_36 = arith.constant 0 : i32
      %dma_wait3A_37 = tpu.memref_slice %arg9[%dma_wait3A_36] : memref<10240xf32, #tpu.memory_space<vmem_shared>> -> memref<10240xf32, #tpu.memory_space<vmem_shared>>
      tpu.wait_indirect_dma semaphore(%arg14 : memref<!tpu.dma_semaphore, #tpu.memory_space<semaphore_mem>>) src(%dma_wait3A_32 : memref<128xf32, #tpu.memory_space<vmem>>) dst(%dma_wait3A_37 : memref<10240xf32, #tpu.memory_space<vmem_shared>>)
    }
    %scan3A_20 = arith.constant 80 : i32
    %barrier3A_21 = arith.constant 0 : index
    tpu.barrier barrier_id(%barrier3A_21)
    %mul3A_22 = arith.constant 640 : i32
    %mul3A_23 = arith.muli %arg1, %mul3A_22 : i32
    %mul3A_24 = arith.constant 640 : i32
    %mul3A_25 = arith.muli %arg1, %mul3A_24 : i32
    "tpu.region"() ({
      %run_scoped3A = tpu.sem_alloc : memref<!tpu.dma_semaphore, #tpu.memory_space<semaphore_mem>>
      %dma_start3A = tpu.memref_slice %arg8[%arg0, %mul3A_25] : memref<2x10240xf32, #tpu.memory_space<hbm>> -> memref<1x640xf32, #tpu.memory_space<hbm>>
      %dma_start3A_26 = tpu.memref_squeeze %dma_start3A : memref<1x640xf32, #tpu.memory_space<hbm>> -> memref<640xf32, #tpu.memory_space<hbm>>
      %dma_start3A_27 = tpu.memref_slice %arg9[%mul3A_23] : memref<10240xf32, #tpu.memory_space<vmem_shared>> -> memref<640xf32, #tpu.memory_space<vmem_shared>>
      tpu.enqueue_dma source(%dma_start3A_27 : memref<640xf32, #tpu.memory_space<vmem_shared>>) target(%dma_start3A_26 : memref<640xf32, #tpu.memory_space<hbm>>) target_semaphore(%run_scoped3A : memref<!tpu.dma_semaphore, #tpu.memory_space<semaphore_mem>>)
      %dma_wait3A = tpu.memref_slice %arg8[%arg0, %mul3A_25] : memref<2x10240xf32, #tpu.memory_space<hbm>> -> memref<1x640xf32, #tpu.memory_space<hbm>>
      %dma_wait3A_28 = tpu.memref_squeeze %dma_wait3A : memref<1x640xf32, #tpu.memory_space<hbm>> -> memref<640xf32, #tpu.memory_space<hbm>>
      %dma_wait3A_29 = tpu.memref_slice %arg9[%mul3A_23] : memref<10240xf32, #tpu.memory_space<vmem_shared>> -> memref<640xf32, #tpu.memory_space<vmem_shared>>
      tpu.wait_dma2 semaphore(%run_scoped3A : memref<!tpu.dma_semaphore, #tpu.memory_space<semaphore_mem>>) src(%dma_wait3A_29 : memref<640xf32, #tpu.memory_space<vmem_shared>>) dst(%dma_wait3A_28 : memref<640xf32, #tpu.memory_space<hbm>>)
      tpu.yield
    }) : () -> ()
    return
  }
}

module attributes {stable_mosaic.version = 14 : i64} {
  func.func @body(%arg0: i32, %arg1: memref<512x128xf32, #tpu.memory_space<vmem>>, %arg2: memref<512x2xf32, #tpu.memory_space<vmem>>, %arg3: memref<128x128xf32, #tpu.memory_space<vmem>>, %arg4: memref<512x128xf32, #tpu.memory_space<vmem>>) attributes {dimension_semantics = [#tpu.dimension_semantics<arbitrary>], iteration_bounds = array<i64: 20>, scalar_prefetch = 0 : i64, scratch_operands = 0 : i64, tpu.core_type = #tpu.core_type<tc>, window_params = [{transform_indices = @transform_0, window_bounds = array<i64: 512, 128>}, {transform_indices = @transform_1, window_bounds = array<i64: 512, 2>}, {pipeline_mode = #tpu.pipeline_mode<synchronous>, transform_indices = @transform_2, window_bounds = array<i64: 128, 128>}, {transform_indices = @transform_3, window_bounds = array<i64: 512, 128>}]} {
    %get3A = arith.constant 0 : index
    %get3A_0 = arith.constant 0 : index
    %get3A_1 = vector.load %arg2[%get3A, %get3A_0] : memref<512x2xf32, #tpu.memory_space<vmem>>, vector<512x1xf32>
    %get3A_2 = arith.constant 0 : index
    %get3A_3 = arith.constant 1 : index
    %get3A_4 = vector.load %arg2[%get3A_2, %get3A_3] : memref<512x2xf32, #tpu.memory_space<vmem>>, vector<512x1xf32>
    %add3A = arith.addf %get3A_1, %get3A_4 : vector<512x1xf32>
    %add3A_5 = arith.constant 1.000000e+00 : f32
    %add3A_6 = vector.broadcast %add3A_5 : f32 to vector<512x1xf32>
    %add3A_7 = arith.addf %add3A, %add3A_6 : vector<512x1xf32>
    %rsqrt3A = math.rsqrt %add3A_7 : vector<512x1xf32>
    %get3A_8 = arith.constant 0 : index
    %get3A_9 = arith.constant 0 : index
    %get3A_10 = vector.load %arg1[%get3A_8, %get3A_9] : memref<512x128xf32, #tpu.memory_space<vmem>>, vector<512x128xf32>
    %get3A_11 = arith.constant 0 : index
    %get3A_12 = arith.constant 0 : index
    %get3A_13 = vector.load %arg3[%get3A_11, %get3A_12] : memref<128x128xf32, #tpu.memory_space<vmem>>, vector<128x128xf32>
    %dot_general3A = arith.constant dense<0.000000e+00> : vector<512x128xf32>
    %dot_general3A_14 = tpu.matmul %get3A_10, %get3A_13, %dot_general3A {dimension_numbers = #tpu.dot_dimension_numbers<[1], [0], [0], [1], [0, 0, 1, 1], [], []>, transpose_lhs_hint = false} : vector<512x128xf32>, vector<128x128xf32>, vector<512x128xf32> -> vector<512x128xf32>
    %mul3A = vector.broadcast %rsqrt3A : vector<512x1xf32> to vector<512x128xf32>
    %mul3A_15 = arith.mulf %dot_general3A_14, %mul3A : vector<512x128xf32>
    %swap3A = arith.constant 0 : index
    %swap3A_16 = arith.constant 0 : index
    %swap3A_17 = vector.load %arg4[%swap3A, %swap3A_16] : memref<512x128xf32, #tpu.memory_space<vmem>>, vector<512x128xf32>
    tpu.vector_store %arg4[%swap3A, %swap3A_16], %mul3A_15 {strides = array<i32>} : memref<512x128xf32, #tpu.memory_space<vmem>>, vector<512x128xf32>,
    return
  }
  func.func @transform_0(%arg0: i32) -> (i32, i32) {
    %c0_i32 = arith.constant 0 : i32
    %c0_i32_0 = arith.constant 0 : i32
    return %arg0, %c0_i32 : i32, i32
  }
  func.func @transform_1(%arg0: i32) -> (i32, i32) {
    %c0_i32 = arith.constant 0 : i32
    %c0_i32_0 = arith.constant 0 : i32
    return %arg0, %c0_i32 : i32, i32
  }
  func.func @transform_2(%arg0: i32) -> (i32, i32) {
    %c0_i32 = arith.constant 0 : i32
    %c0_i32_0 = arith.constant 0 : i32
    %c0_i32_1 = arith.constant 0 : i32
    return %c0_i32, %c0_i32_0 : i32, i32
  }
  func.func @transform_3(%arg0: i32) -> (i32, i32) {
    %c0_i32 = arith.constant 0 : i32
    %c0_i32_0 = arith.constant 0 : i32
    return %arg0, %c0_i32 : i32, i32
  }
}

module attributes {stable_mosaic.version = 14 : i64} {
  func.func @body(%arg0: i32, %arg1: memref<2x512x128xf32, #tpu.memory_space<vmem>>, %arg2: memref<512x128xf32, #tpu.memory_space<vmem>>, %arg3: memref<512x2xf32, #tpu.memory_space<vmem>>, %arg4: memref<1x128xf32, #tpu.memory_space<vmem>>, %arg5: memref<128x64xf32, #tpu.memory_space<vmem>>, %arg6: memref<512x128xf32, #tpu.memory_space<vmem>>) attributes {dimension_semantics = [#tpu.dimension_semantics<arbitrary>], iteration_bounds = array<i64: 20>, scalar_prefetch = 0 : i64, scratch_operands = 0 : i64, tpu.core_type = #tpu.core_type<tc>, window_params = [{transform_indices = @transform_0, window_bounds = array<i64: 2, 512, 128>}, {transform_indices = @transform_1, window_bounds = array<i64: 512, 128>}, {transform_indices = @transform_2, window_bounds = array<i64: 512, 2>}, {pipeline_mode = #tpu.pipeline_mode<synchronous>, transform_indices = @transform_3, window_bounds = array<i64: 1, 128>}, {pipeline_mode = #tpu.pipeline_mode<synchronous>, transform_indices = @transform_4, window_bounds = array<i64: 128, 64>}, {transform_indices = @transform_5, window_bounds = array<i64: 512, 128>}]} {
    %get3A = arith.constant 0 : index
    %get3A_0 = arith.constant 0 : index
    %get3A_1 = vector.load %arg3[%get3A, %get3A_0] : memref<512x2xf32, #tpu.memory_space<vmem>>, vector<512x1xf32>
    %get3A_2 = arith.constant 0 : index
    %get3A_3 = arith.constant 1 : index
    %get3A_4 = vector.load %arg3[%get3A_2, %get3A_3] : memref<512x2xf32, #tpu.memory_space<vmem>>, vector<512x1xf32>
    %add3A = arith.addf %get3A_1, %get3A_4 : vector<512x1xf32>
    %add3A_5 = arith.constant 1.000000e+00 : f32
    %add3A_6 = vector.broadcast %add3A_5 : f32 to vector<512x1xf32>
    %add3A_7 = arith.addf %add3A, %add3A_6 : vector<512x1xf32>
    %rsqrt3A = math.rsqrt %add3A_7 : vector<512x1xf32>
    %get3A_8 = arith.constant 0 : index
    %get3A_9 = arith.constant 0 : index
    %get3A_10 = arith.constant 0 : index
    %get3A_11 = vector.load %arg1[%get3A_8, %get3A_9, %get3A_10] : memref<2x512x128xf32, #tpu.memory_space<vmem>>, vector<1x512x128xf32>
    %get3A_12 = vector.shape_cast %get3A_11 : vector<1x512x128xf32> to vector<512x128xf32>
    %get3A_13 = arith.constant 1 : index
    %get3A_14 = arith.constant 0 : index
    %get3A_15 = arith.constant 0 : index
    %get3A_16 = vector.load %arg1[%get3A_13, %get3A_14, %get3A_15] : memref<2x512x128xf32, #tpu.memory_space<vmem>>, vector<1x512x128xf32>
    %get3A_17 = vector.shape_cast %get3A_16 : vector<1x512x128xf32> to vector<512x128xf32>
    %add3A_18 = arith.addf %get3A_12, %get3A_17 : vector<512x128xf32>
    %get3A_19 = arith.constant 0 : index
    %get3A_20 = arith.constant 0 : index
    %get3A_21 = vector.load %arg2[%get3A_19, %get3A_20] : memref<512x128xf32, #tpu.memory_space<vmem>>, vector<512x128xf32>
    %add3A_22 = arith.addf %add3A_18, %get3A_21 : vector<512x128xf32>
    %mul3A = vector.broadcast %rsqrt3A : vector<512x1xf32> to vector<512x128xf32>
    %mul3A_23 = arith.mulf %add3A_22, %mul3A : vector<512x128xf32>
    %get3A_24 = arith.constant 0 : index
    %get3A_25 = arith.constant 0 : index
    %get3A_26 = vector.load %arg4[%get3A_24, %get3A_25] : memref<1x128xf32, #tpu.memory_space<vmem>>, vector<1x128xf32>
    %add3A_27 = vector.broadcast %get3A_26 : vector<1x128xf32> to vector<512x128xf32>
    %add3A_28 = arith.addf %mul3A_23, %add3A_27 : vector<512x128xf32>
    %max3A = arith.constant 0.000000e+00 : f32
    %max3A_29 = vector.broadcast %max3A : f32 to vector<512x128xf32>
    %max3A_30 = arith.maximumf %add3A_28, %max3A_29 : vector<512x128xf32>
    %get3A_31 = arith.constant 0 : index
    %get3A_32 = arith.constant 0 : index
    %get3A_33 = vector.load %arg5[%get3A_31, %get3A_32] : memref<128x64xf32, #tpu.memory_space<vmem>>, vector<128x64xf32>
    %dot_general3A = arith.constant dense<0.000000e+00> : vector<512x64xf32>
    %dot_general3A_34 = tpu.matmul %max3A_30, %get3A_33, %dot_general3A {dimension_numbers = #tpu.dot_dimension_numbers<[1], [0], [0], [1], [0, 0, 1, 1], [], []>, transpose_lhs_hint = false} : vector<512x128xf32>, vector<128x64xf32>, vector<512x64xf32> -> vector<512x64xf32>
    %mul3A_35 = vector.broadcast %rsqrt3A : vector<512x1xf32> to vector<512x64xf32>
    %mul3A_36 = arith.mulf %dot_general3A_34, %mul3A_35 : vector<512x64xf32>
    %broadcast_in_dim3A = arith.constant 0.000000e+00 : f32
    %broadcast_in_dim3A_37 = vector.broadcast %broadcast_in_dim3A : f32 to vector<512x64xf32>
    %concatenate3A = tpu.concatenate %mul3A_36, %broadcast_in_dim3A_37 in 1 : vector<512x64xf32>, vector<512x64xf32> -> vector<512x128xf32>
    %swap3A = arith.constant 0 : index
    %swap3A_38 = arith.constant 0 : index
    %swap3A_39 = vector.load %arg6[%swap3A, %swap3A_38] : memref<512x128xf32, #tpu.memory_space<vmem>>, vector<512x128xf32>
    tpu.vector_store %arg6[%swap3A, %swap3A_38], %concatenate3A {strides = array<i32>} : memref<512x128xf32, #tpu.memory_space<vmem>>, vector<512x128xf32>,
    return
  }
  func.func @transform_0(%arg0: i32) -> (i32, i32, i32) {
    %c0_i32 = arith.constant 0 : i32
    %c0_i32_0 = arith.constant 0 : i32
    %c0_i32_1 = arith.constant 0 : i32
    return %c0_i32, %arg0, %c0_i32_0 : i32, i32, i32
  }
  func.func @transform_1(%arg0: i32) -> (i32, i32) {
    %c0_i32 = arith.constant 0 : i32
    %c0_i32_0 = arith.constant 0 : i32
    return %arg0, %c0_i32 : i32, i32
  }
  func.func @transform_2(%arg0: i32) -> (i32, i32) {
    %c0_i32 = arith.constant 0 : i32
    %c0_i32_0 = arith.constant 0 : i32
    return %arg0, %c0_i32 : i32, i32
  }
  func.func @transform_3(%arg0: i32) -> (i32, i32) {
    %c0_i32 = arith.constant 0 : i32
    %c0_i32_0 = arith.constant 0 : i32
    %c0_i32_1 = arith.constant 0 : i32
    return %c0_i32, %c0_i32_0 : i32, i32
  }
  func.func @transform_4(%arg0: i32) -> (i32, i32) {
    %c0_i32 = arith.constant 0 : i32
    %c0_i32_0 = arith.constant 0 : i32
    %c0_i32_1 = arith.constant 0 : i32
    return %c0_i32, %c0_i32_0 : i32, i32
  }
  func.func @transform_5(%arg0: i32) -> (i32, i32) {
    %c0_i32 = arith.constant 0 : i32
    %c0_i32_0 = arith.constant 0 : i32
    return %arg0, %c0_i32 : i32, i32
  }
}

module attributes {stable_mosaic.version = 14 : i64} {
  func.func @body(%arg0: i32, %arg1: memref<1024x128xf32, #tpu.memory_space<vmem>>, %arg2: memref<1024x128xf32, #tpu.memory_space<vmem>>, %arg3: memref<1024x1xf32, #tpu.memory_space<vmem>>) attributes {dimension_semantics = [#tpu.dimension_semantics<arbitrary>], iteration_bounds = array<i64: 4>, scalar_prefetch = 0 : i64, scratch_operands = 0 : i64, tpu.core_type = #tpu.core_type<tc>, window_params = [{transform_indices = @transform_0, window_bounds = array<i64: 1024, 128>}, {transform_indices = @transform_1, window_bounds = array<i64: 1024, 128>}, {transform_indices = @transform_2, window_bounds = array<i64: 1024, 1>}]} {
    %get3A = arith.constant 0 : index
    %get3A_0 = arith.constant 0 : index
    %get3A_1 = vector.load %arg1[%get3A, %get3A_0] : memref<1024x128xf32, #tpu.memory_space<vmem>>, vector<1024x64xf32>
    %get3A_2 = arith.constant 0 : index
    %get3A_3 = arith.constant 0 : index
    %get3A_4 = vector.load %arg2[%get3A_2, %get3A_3] : memref<1024x128xf32, #tpu.memory_space<vmem>>, vector<1024x64xf32>
    %mul3A = arith.mulf %get3A_1, %get3A_4 : vector<1024x64xf32>
    %reduce_sum3A = arith.constant dense<0.000000e+00> : vector<1024xf32>
    %reduce_sum3A_5 = vector.multi_reduction <add>, %mul3A, %reduce_sum3A [1] : vector<1024x64xf32> to vector<1024xf32>
    %broadcast_in_dim3A = vector.shape_cast %reduce_sum3A_5 : vector<1024xf32> to vector<1024x1xf32>
    %swap3A = arith.constant 0 : index
    %swap3A_6 = arith.constant 0 : index
    %swap3A_7 = vector.load %arg3[%swap3A, %swap3A_6] : memref<1024x1xf32, #tpu.memory_space<vmem>>, vector<1024x1xf32>
    tpu.vector_store %arg3[%swap3A, %swap3A_6], %broadcast_in_dim3A {strides = array<i32>} : memref<1024x1xf32, #tpu.memory_space<vmem>>, vector<1024x1xf32>,
    return
  }
  func.func @transform_0(%arg0: i32) -> (i32, i32) {
    %c0_i32 = arith.constant 0 : i32
    %c0_i32_0 = arith.constant 0 : i32
    return %arg0, %c0_i32 : i32, i32
  }
  func.func @transform_1(%arg0: i32) -> (i32, i32) {
    %c0_i32 = arith.constant 0 : i32
    %c0_i32_0 = arith.constant 0 : i32
    return %arg0, %c0_i32 : i32, i32
  }
  func.func @transform_2(%arg0: i32) -> (i32, i32) {
    %c0_i32 = arith.constant 0 : i32
    %c0_i32_0 = arith.constant 0 : i32
    return %arg0, %c0_i32 : i32, i32
  }
}

module attributes {stable_mosaic.version = 14 : i64} {
  func.func @body(%arg0: i32, %arg1: memref<2x512x128xf32, #tpu.memory_space<vmem>>, %arg2: memref<512x128xf32, #tpu.memory_space<vmem>>, %arg3: memref<512x2xf32, #tpu.memory_space<vmem>>, %arg4: memref<1x128xf32, #tpu.memory_space<vmem>>, %arg5: memref<512x128xf32, #tpu.memory_space<vmem>>) attributes {dimension_semantics = [#tpu.dimension_semantics<arbitrary>], iteration_bounds = array<i64: 20>, scalar_prefetch = 0 : i64, scratch_operands = 0 : i64, tpu.core_type = #tpu.core_type<tc>, window_params = [{transform_indices = @transform_0, window_bounds = array<i64: 2, 512, 128>}, {transform_indices = @transform_1, window_bounds = array<i64: 512, 128>}, {transform_indices = @transform_2, window_bounds = array<i64: 512, 2>}, {pipeline_mode = #tpu.pipeline_mode<synchronous>, transform_indices = @transform_3, window_bounds = array<i64: 1, 128>}, {transform_indices = @transform_4, window_bounds = array<i64: 512, 128>}]} {
    %get3A = arith.constant 0 : index
    %get3A_0 = arith.constant 0 : index
    %get3A_1 = vector.load %arg3[%get3A, %get3A_0] : memref<512x2xf32, #tpu.memory_space<vmem>>, vector<512x1xf32>
    %get3A_2 = arith.constant 0 : index
    %get3A_3 = arith.constant 1 : index
    %get3A_4 = vector.load %arg3[%get3A_2, %get3A_3] : memref<512x2xf32, #tpu.memory_space<vmem>>, vector<512x1xf32>
    %add3A = arith.addf %get3A_1, %get3A_4 : vector<512x1xf32>
    %add3A_5 = arith.constant 1.000000e+00 : f32
    %add3A_6 = vector.broadcast %add3A_5 : f32 to vector<512x1xf32>
    %add3A_7 = arith.addf %add3A, %add3A_6 : vector<512x1xf32>
    %rsqrt3A = math.rsqrt %add3A_7 : vector<512x1xf32>
    %get3A_8 = arith.constant 0 : index
    %get3A_9 = arith.constant 0 : index
    %get3A_10 = arith.constant 0 : index
    %get3A_11 = vector.load %arg1[%get3A_8, %get3A_9, %get3A_10] : memref<2x512x128xf32, #tpu.memory_space<vmem>>, vector<1x512x128xf32>
    %get3A_12 = vector.shape_cast %get3A_11 : vector<1x512x128xf32> to vector<512x128xf32>
    %get3A_13 = arith.constant 1 : index
    %get3A_14 = arith.constant 0 : index
    %get3A_15 = arith.constant 0 : index
    %get3A_16 = vector.load %arg1[%get3A_13, %get3A_14, %get3A_15] : memref<2x512x128xf32, #tpu.memory_space<vmem>>, vector<1x512x128xf32>
    %get3A_17 = vector.shape_cast %get3A_16 : vector<1x512x128xf32> to vector<512x128xf32>
    %add3A_18 = arith.addf %get3A_12, %get3A_17 : vector<512x128xf32>
    %get3A_19 = arith.constant 0 : index
    %get3A_20 = arith.constant 0 : index
    %get3A_21 = vector.load %arg2[%get3A_19, %get3A_20] : memref<512x128xf32, #tpu.memory_space<vmem>>, vector<512x128xf32>
    %add3A_22 = arith.addf %add3A_18, %get3A_21 : vector<512x128xf32>
    %mul3A = vector.broadcast %rsqrt3A : vector<512x1xf32> to vector<512x128xf32>
    %mul3A_23 = arith.mulf %add3A_22, %mul3A : vector<512x128xf32>
    %get3A_24 = arith.constant 0 : index
    %get3A_25 = arith.constant 0 : index
    %get3A_26 = vector.load %arg4[%get3A_24, %get3A_25] : memref<1x128xf32, #tpu.memory_space<vmem>>, vector<1x128xf32>
    %add3A_27 = vector.broadcast %get3A_26 : vector<1x128xf32> to vector<512x128xf32>
    %add3A_28 = arith.addf %mul3A_23, %add3A_27 : vector<512x128xf32>
    %swap3A = arith.constant 0 : index
    %swap3A_29 = arith.constant 0 : index
    %swap3A_30 = vector.load %arg5[%swap3A, %swap3A_29] : memref<512x128xf32, #tpu.memory_space<vmem>>, vector<512x128xf32>
    tpu.vector_store %arg5[%swap3A, %swap3A_29], %add3A_28 {strides = array<i32>} : memref<512x128xf32, #tpu.memory_space<vmem>>, vector<512x128xf32>,
    return
  }
  func.func @transform_0(%arg0: i32) -> (i32, i32, i32) {
    %c0_i32 = arith.constant 0 : i32
    %c0_i32_0 = arith.constant 0 : i32
    %c0_i32_1 = arith.constant 0 : i32
    return %c0_i32, %arg0, %c0_i32_0 : i32, i32, i32
  }
  func.func @transform_1(%arg0: i32) -> (i32, i32) {
    %c0_i32 = arith.constant 0 : i32
    %c0_i32_0 = arith.constant 0 : i32
    return %arg0, %c0_i32 : i32, i32
  }
  func.func @transform_2(%arg0: i32) -> (i32, i32) {
    %c0_i32 = arith.constant 0 : i32
    %c0_i32_0 = arith.constant 0 : i32
    return %arg0, %c0_i32 : i32, i32
  }
  func.func @transform_3(%arg0: i32) -> (i32, i32) {
    %c0_i32 = arith.constant 0 : i32
    %c0_i32_0 = arith.constant 0 : i32
    %c0_i32_1 = arith.constant 0 : i32
    return %c0_i32, %c0_i32_0 : i32, i32
  }
  func.func @transform_4(%arg0: i32) -> (i32, i32) {
    %c0_i32 = arith.constant 0 : i32
    %c0_i32_0 = arith.constant 0 : i32
    return %arg0, %c0_i32 : i32, i32
  }
}

</mosaic_0001>

<sc_bundles>
// kernel: kernel.10.cloned.1.call-start
scs
__scs_entry_jumppad:
0x0: {  	(pc) =	sbr.rel $0x88, $3  }
0x1: {  	(tag) =	ssettag $0x0;
	lr =	simm.s32 $0x1  }
0x2: {  	[smem:$0x3F98] =	sst lr;
	_ =	strace $0xD0000000  }
0x3: {  	_ = 	snop  }
0x4: {  	_ = 	snop  }
0x5: {  	_ = 	snop  }
0x6: {  	_ = 	snop  }
0x7: {  	_ = 	snop  }
__scs_overlays_trampoline_lowered:
0x8: {  	[smem:$0x3FA7] =	sst s0  }
0x9: {  	[smem:$0x3FA8] =	sst s1  }
0xa: {  	[smem:$0x3FA9] =	sst s2  }
0xb: {  	[smem:$0x3FAA] =	sst s3  }
0xc: {  	[smem:$0x3FAB] =	sst s4  }
0xd: {  	[smem:$0x3FAC] =	sst s5  }
0xe: {  	[smem:$0x3FAD] =	sst s6  }
0xf: {  	[smem:$0x3FAE] =	sst s7  }
0x10: {  	[smem:$0x3FAF] =	sst s8  }
0x11: {  	[smem:$0x3FB0] =	sst s9;
	s0 =	simm.s32 @!p0 $0x0  }
0x12: {  	s1 =	sld [smem:$0x3F96];
	s0 =	simm.s32 @p0 $0x1  }
0x13: {  	[smem:$0x3FB1] =	sst s0;
	s0 =	simm.s32 @!p1 $0x0  }
0x14: {  	s2 =	sld [smem:$0x3F95];
	s0 =	simm.s32 @p1 $0x1  }
0x15: {  	[smem:$0x3FB2] =	sst s0;
	s0 =	simm.s32 @!p2 $0x0  }
0x16: {  	s3 =	sld [smem:$0x3FDB];
	s0 =	simm.s32 @p2 $0x1  }
0x17: {  	s4 =	simm.s32 $0x1BF5;
	[smem:$0x3FB4] =	sst s0  }
0x18: {  	s0 =	sld [smem:$0x3F97];
	_ =	swait.ge [sflag:s4], $0x0  }
0x19: {  	s7 =	sld [smem:$0x3F98]  }
0x1a: {  	s8 =	sadd.s32 $0xFFFFE003, lr  }
0x1b: {  	s9 =	sadd.s32 $0xFFFFFEF7, lr;
	s5 =	simm.s32 $0xFFFFFFFF;
	p2 =	slt.u32 s8, $0xFFFFF086  }
0x1c: {  	p1 =	slt.u32 s9, $0xF7A;
	s5 =	simm.s32 @!p2 $0x0  }
0x1d: {  	s5 =	simm.s32 @p1 $0x1;
	p0 =	seq.s32 s7, s2  }
0x1e: {  	s7 =	smul.u32 @!p0 $0xF7A, s2;
	p2 =	seq.s32 @!p0 s5, $0x0  }
0x1f: {  	s9 =	smul.u32 $0xF7A, s1;
	s8 =	simm.s32 @!p0 $0x1BF5;
	p2 =	por !p2, p0  }
0x20: {  	[sflag:s8] =	ssyncset.s32 @!p0 $0xFFFFF086;
	s6 =	sadd.s32 @!p0 s3, s7;
	s7 =	simm.s32 @!p0 $0x108  }
0x21: {  	s3 =	sadd.s32 s3, s9;
	s6 =	sadd.s32 @!p0 $0x88, s6;
	s7 =	simm.s32 @p2 $0x1082  }
0x22: {  	[simem:s7], [sflag:s8] =	dma.local @!p0 [hbm:s6], $0xF7A  }
0x23: {  	s9 =	sor.u32 $0xD0000000, s2;
	s6 =	simm.s32 $0x108;
	_ =	swait.ge @!p0 [sflag:s8], $0x0  }
0x24: {  	s3 =	sadd.s32 $0x88, s3;
	s6 =	simm.s32 @!p1 $0x1082;
	[sflag:s4] =	ssyncset.s32 $0xFFFFF086  }
0x25: {  	[simem:s6], [sflag:s4] =	dma.local [hbm:s3], $0xF7A  }
0x26: {  	[smem:$0x3F98] =	sst s1;
	(tag) =	ssettag s2;
	_ =	strace s9  }
0x27: {  	s1 =	sld [smem:$0x3FA8]  }
0x28: {  	s2 =	sld [smem:$0x3FA9]  }
0x29: {  	s4 =	sld [smem:$0x3FAB]  }
0x2a: {  	p0 =	seq.s32 s5, $0x0;
	s5 =	sld [smem:$0x3FAC]  }
0x2b: {  	s6 =	sld [smem:$0x3FAD]  }
0x2c: {  	s7 =	sld [smem:$0x3FAE]  }
0x2d: {  	s3 =	simm.s32 $0x108;
	s8 =	sld [smem:$0x3FAF]  }
0x2e: {  	s3 =	simm.s32 @!p0 $0x1082;
	s9 =	sld [smem:$0x3FB0]  }
0x2f: {  	lr =	sadd.s32 s0, s3;
	s0 =	sld [smem:$0x3FA7]  }
0x30: {  	s3 =	sld [smem:$0x3FAA]  }
0x31: {  	[smem:$0x3FB3] =	sst s10  }
0x32: {  	s10 =	sld [smem:$0x3FB1];
	_ =	sdelay $0x3  }
0x33: {  	p0 =	seq.s32 s10, $0x1;
	s10 =	sld [smem:$0x3FB3];
	_ =	sdelay $0x3  }
0x34: {  	[smem:$0x3FB3] =	sst s10  }
0x35: {  	s10 =	sld [smem:$0x3FB2];
	_ =	sdelay $0x3  }
0x36: {  	p1 =	seq.s32 s10, $0x1;
	s10 =	sld [smem:$0x3FB3];
	_ =	sdelay $0x3  }
0x37: {  	[smem:$0x3FB3] =	sst s10  }
0x38: {  	s10 =	sld [smem:$0x3FB4]  }
0x39: {  	_ = 	snop;
	(pc) =	sbr.ind lr, $3  }
0x3a: {  	_ = 	snop  }
0x3b: {  	_ = 	snop  }
0x3c: {  	p2 =	seq.s32 s10, $0x1;
	s10 =	sld [smem:$0x3FB3]  }
0x3d: {  	_ =	shalt  }
0x3e: {  	_ =	shalt  }
0x3f: {  	_ =	shalt  }
0x40: {  	_ =	shalt  }
0x41: {  	_ =	shalt  }
0x42: {  	_ =	shalt  }
0x43: {  	_ =	shalt  }
0x44: {  	_ =	shalt  }
0x45: {  	_ =	shalt  }
0x46: {  	_ =	shalt  }
0x47: {  	_ =	shalt  }
0x48: {  	_ =	shalt  }
0x49: {  	_ =	shalt  }
0x4a: {  	_ =	shalt  }
0x4b: {  	_ =	shalt  }
0x4c: {  	_ =	shalt  }
0x4d: {  	_ =	shalt  }
0x4e: {  	_ =	shalt  }
0x4f: {  	_ =	shalt  }
0x50: {  	_ =	shalt  }
0x51: {  	_ =	shalt  }
0x52: {  	_ =	shalt  }
0x53: {  	_ =	shalt  }
0x54: {  	_ =	shalt  }
0x55: {  	_ =	shalt  }
0x56: {  	_ =	shalt  }
0x57: {  	_ =	shalt  }
0x58: {  	_ =	shalt  }
0x59: {  	_ =	shalt  }
0x5a: {  	_ =	shalt  }
0x5b: {  	_ =	shalt  }
0x5c: {  	_ =	shalt  }
0x5d: {  	_ =	shalt  }
0x5e: {  	_ =	shalt  }
0x5f: {  	_ =	shalt  }
0x60: {  	_ =	shalt  }
0x61: {  	_ =	shalt  }
0x62: {  	_ =	shalt  }
0x63: {  	_ =	shalt  }
0x64: {  	_ =	shalt  }
0x65: {  	_ =	shalt  }
0x66: {  	_ =	shalt  }
0x67: {  	_ =	shalt  }
0x68: {  	_ =	shalt  }
0x69: {  	_ =	shalt  }
0x6a: {  	_ =	shalt  }
0x6b: {  	_ =	shalt  }
0x6c: {  	_ =	shalt  }
0x6d: {  	_ =	shalt  }
0x6e: {  	_ =	shalt  }
0x6f: {  	_ =	shalt  }
0x70: {  	_ =	shalt  }
0x71: {  	_ =	shalt  }
0x72: {  	_ =	shalt  }
0x73: {  	_ =	shalt  }
0x74: {  	_ =	shalt  }
0x75: {  	_ =	shalt  }
0x76: {  	_ =	shalt  }
0x77: {  	_ =	shalt  }
0x78: {  	_ =	shalt  }
0x79: {  	_ =	shalt  }
0x7a: {  	_ =	shalt  }
0x7b: {  	_ =	shalt  }
0x7c: {  	_ =	shalt  }
0x7d: {  	_ =	shalt  }
0x7e: {  	_ =	shalt  }
0x7f: {  	_ =	shalt  }
0x80: {  	_ =	shalt  }
0x81: {  	_ =	shalt  }
0x82: {  	_ =	shalt  }
0x83: {  	_ =	shalt  }
0x84: {  	_ =	shalt  }
0x85: {  	_ =	shalt  }
0x86: {  	_ =	shalt  }
0x87: {  	_ =	shalt  }
.Lfunc_end0:
.L_simem_size_0:
called_computation_lowered:
.L_overlay_start_0:
0x88: {  	s2 =	sld [smem:$0x3FD9]  }
0x89: {  	s3 =	sld [smem:$0x3FFE];
	_ =	sdelay $0x1  }
0x8a: {  	s1 =	srdreg.scid  }
0x8b: {  	s0 =	sand.u32 $0x1, s1  }
0x8c: {  	s17 =	sshll.u32 s0, $0xA;
	s2 =	sadd.s32 s3, s2  }
0x8d: {  	s2 =	sadd.s32 s2, s17  }
0x8e: {  	[smem:$0x3FBF] =	sst s2  }
0x8f: {  	_ = 	snop  }
0x90: {  	s2 =	sld [smem:$0x3FC5]  }
0x91: {  	s18 =	sld [smem:$0x3FD0];
	(tm) =	ssettm $0x1  }
0x92: {  	s4 =	sld [smem:$0x3FFB];
	_ =	sdelay $0x3  }
0x93: {  	_ =	strace s4  }
0x94: {  	s4 =	sld [smem:$0x3FFC];
	_ =	sdelay $0x3  }
0x95: {  	_ =	strace s4  }
0x96: {  	s4 =	sld [smem:$0x3FFD];
	_ =	sdelay $0x3  }
0x97: {  	_ =	strace s4  }
0x98: {  	_ =	strace $0x8FFFFFFF  }
0x99: {  	s19 =	sld [smem:$0x3FDB];
	_ =	sdelay $0x1  }
0x9a: {  	s5 =	simm.s32 $_scs_section_size  }
0x9b: {  	s6 =	simm.s32 $_size__tile_overlayer_lowered;
	s7 =	simm.s32 $_tile_overlayer_lowered  }
0x9c: {  	s22 =	simm.s32 $0x1BFF;
	s21 =	sshll.u32 s7, $0x1;
	s4 =	sadd.s32 s5, s19  }
0x9d: {  	s8 =	simm.s32 $0x0;
	s20 =	sshll.u32 s6, $0x1;
	s6 =	sadd.s32 s21, s4  }
0x9e: {  	[timem:s8], [sflag:s22] =	dma.local [hbm:s6], s20  }
0x9f: {  	_ =	swait.ge [sflag:s22], s20  }
0xa0: {  	s5 =	ssub.s32 $0x0, s20;
	[sflag:s22] =	ssyncset.done $0x0  }
0xa1: {  	[sflag:s22] =	ssyncadd.s32 s5;
	_ =	sdelay $0x1  }
0xa2: {  	s23 =	simm.s32 $0x1B8B  }
0xa3: {  	_ =	swait.ge [sflag:s23], $0x1  }
0xa4: {  	[sflag:s23] =	ssyncset.done $0x0  }
0xa5: {  	s25 =	simm.s32 $0x1B8E;
	s24 =	sld [smem:$0x3FFE];
	[sflag:s23] =	ssyncadd.s32 $0xFFFFFFFF  }
0xa6: {  	s26 =	simm.s32 $execute0_lowered;
	[smem:$0x3FD2] =	sst s25  }
0xa7: {  	s6 =	sshll.u32 s26, $0x1;
	_ =	strace $0x80000046;
	[dreg:$0x1] =	wrdreg $0xFFFFFFFF  }
0xa8: {  	s28 =	simm.s32 $_size_execute0_lowered;
	s4 =	sadd.s32 s4, s6;
	[dreg:$0x0] =	wrdreg $0x0  }
0xa9: {  	s6 =	sshll.u32 s28, $0x1;
	[dreg:$0x2] =	wrdreg s4  }
0xaa: {  	[dreg:$0x3] =	wrdreg s6  }
0xab: {  	[dreg:$0x4] =	wrdreg $0xC0  }
0xac: {  	_ =	task [dreg:s8], $0x5FFFF  }
0xad: {  	[dreg:$0x1] =	wrdreg $0xFFFFFFFF  }
0xae: {  	[dreg:$0x0] =	wrdreg $0x60  }
0xaf: {  	[dreg:$0x2] =	wrdreg s2  }
0xb0: {  	[dreg:$0x3] =	wrdreg s24  }
0xb1: {  	[dreg:$0x4] =	wrdreg s18  }
0xb2: {  	[dreg:$0x5] =	wrdreg $0x0  }
0xb3: {  	[dreg:$0x6] =	wrdreg $0x9  }
0xb4: {  	_ =	task.clear_ibuf [dreg:s8], $0x7FFFF;
	_ =	strace $0x90000046  }
0xb5: {  	s29 =	simm.s32 $0x9;
	_ =	strace $0x80000048  }
0xb6: {  	_ =	swait.ge [sflag:s29], $0x1  }
0xb7: {  	[sflag:s29] =	ssyncadd.s32 $0xFFFFFFFF  }
0xb8: {  	_ =	strace $0x90000048  }
0xb9: {  	_ =	sfence  }
0xba: {  	s30 =	sld [smem:$0x0];
	_ =	sdelay $0x2  }
0xbb: {  	s31 =	sshll.u32 s1, $0xD;
	s1 =	sshrl.u32 s1, $0x2  }
0xbc: {  	s3 =	sand.u32 $0x4000, s31;
	s1 =	sadd.s32 s1, s30  }
0xbd: {  	s0 =	sor.u32 s3, s0;
	s1 =	sshll.u32 s1, $0x11  }
0xbe: {  	s0 =	sor.u32 s1, s0  }
0xbf: {  	s0 =	sadd.s32 $0x8F2B, s0  }
0xc0: {  	[sflag:s0] =	ssyncadd.remote.s32 $0x1  }
0xc1: {  	_ =	sfence.sel $0xFFFF  }
0xc2: {  	[dreg:$0x0] =	wrdreg $0xFFFFFFFF;
	(pc) =	sbr.abs _section_cstart, $3  }
0xc3: {  	[dreg:$0x1] =	wrdreg $0xFFFFFFFF  }
0xc4: {  	_ =	task.clear_ibuf [dreg:s8], $0x2FFFF;
	_ =	strace $0x9FFFFFFF  }
0xc5: {  	(tm) =	ssettm $0x7FFFFFFF  }
tec
execute0_lowered:
.L_overlay_start_1:
0x0: {  	(tag) =	ssettag $0x1  }
0x1: {  	s0 =	rddreg [dreg:$0x0]  }
0x2: {  	s1 =	srdreg.scid;
	s2 =	rddreg [dreg:$0x1]  }
0x3: {  	s10 =	stileid.u32;
	s4 =	rddreg [dreg:$0x3]  }
0x4: {  	s5 =	simm.s32 $0x0;
	s28 =	simm.s32 $0x20;
	s29 =	simm.s32 $0x10  }
0x5: {  	s30 =	simm.s32 $0x0;
	s1 =	sand.u32 $0x1, s1;
	s7 =	smul.u32 $0x500, s10  }
0x6: {  	[smem:$0x7FF] =	sst s5;
	s18 =	sadd.s32 $0x21200, s2;
	s14 =	smul.u32 $0xA00, s10  }
0x7: {  	s19 =	sadd.s32 $0x22200, s2;
	s17 =	sshll.u32 s10, $0x6;
	s3 =	sshll.u32 s1, $0x4  }
0x8: {  	_ =	strace $0x80000047;
	s8 =	sshll.u32 s1, $0x7;
	s3 =	sor.u32 s10, s3  }
0x9: {  	s1 =	ssub.s32 $0x2, s1;
	s13 =	sor.u32 s8, s7;
	s6 =	smul.u32 $0x500, s3  }
0xa: {  	s15 =	sshrl.u32 s1, $0x1;
	s7 =	sor.u32 $0x1C02, s17;
	s17 =	smul.u32 $0x140, s3  }
0xb: {  	s16 =	sshrl.u32 s14, $0x2;
	s1 =	ssub.s32 s1, s15;
	s3 =	smul.u32 $0x1400, s3  }
0xc: {  	s11 =	smax.u32 s1, $0x1;
	s9 =	sadd.s32 s6, s2;
	s6 =	sshrl.u32 s13, $0x3  }
0xd: {  	s20 =	sshrl.u32 s17, $0x3;
	s13 =	sadd.s32 s19, s3;
	s21 =	sadd.s32 $0x50, s17  }
0xe: {  	s23 =	sadd.s32 $0xA0, s17;
	s26 =	sadd.s32 $0xF0, s17;
	s2 =	sadd.s32 s6, s2  }
0xf: {  	s6 =	sadd.s32 s16, s4;
	s8 =	sadd.s32 $0x17200, s9;
	s9 =	sadd.s32 $0x3200, s9  }
0x10: {  	s12 =	sadd.s32 s18, s20;
	s22 =	sshrl.u32 s21, $0x3;
	s1 =	sshll.u32 s21, $0x4  }
0x11: {  	s24 =	sshrl.u32 s23, $0x3;
	s25 =	sshll.u32 s23, $0x4;
	s31 =	sshrl.u32 s26, $0x3  }
0x12: {  	s20 =	simm.s32 $0x2;
	s21 =	simm.s32 $0x2B00;
	s23 =	simm.s32 $0x80  }
0x13: {  	s10 =	sadd.s32 $0x21800, s2;
	s14 =	sadd.s32 s18, s22;
	s15 =	sadd.s32 s19, s1  }
0x14: {  	s16 =	sadd.s32 s18, s24;
	s17 =	sadd.s32 s19, s25;
	s2 =	sshll.u32 s26, $0x4  }
0x15: {  	s18 =	sadd.s32 s18, s31;
	s22 =	simm.s32 $0x5300;
	s24 =	simm.s32 $0x2A80  }
0x16: {  	s25 =	simm.s32 $0x280;
	s26 =	simm.s32 $0x1;
	s19 =	sadd.s32 s19, s2  }
.LBB2_1:
0x17: {  	s31 =	sshrl.u32 s6, $0x3;
	s1 =	rddreg [dreg:$0x2]  }
0x18: {  	[spmem:s31], [sflag:s7] =	dma.local [hbm:s1], $0x50  }
0x19: {  	_ =	swait.ge [sflag:s20], $0x50  }
0x1a: {  	[sflag:s20] =	ssyncset.done $0x0  }
0x1b: {  	[sflag:s20] =	ssyncadd.s32 $0xFFFFFFB0  }
0x1c: {  	[tilespmem:s21], [sflag:$0x2] =	stream.linear.gather [hbm4b:s8+s5], $0x2800, $0x38;
	[tilespmem:$0x7B00] =	vst v63  }
0x1d: {  	_ =	swait.ge [sflag:s20], $0x2800  }
0x1e: {  	[sflag:s20] =	ssyncset.done $0x0  }
0x1f: {  	[sflag:s20] =	ssyncadd.s32 $0xFFFFD800  }
0x20: {  	[tilespmem:s22], [sflag:$0x2] =	stream.linear.gather [hbm4b:s9+s5], $0x2800, $0x38;
	[tilespmem:$0x7B00] =	vst v63  }
0x21: {  	_ =	swait.ge [sflag:s20], $0x2800  }
0x22: {  	[sflag:s20] =	ssyncset.done $0x0  }
0x23: {  	s2 =	simm.s32 $0x200;
	[sflag:s20] =	ssyncadd.s32 $0xFFFFD800  }
0x24: {  	s3 =	simm.s32 $0x2B00;
	s1 =	simm.s32 $0x5300;
	[bflag:$0x0] =	sbarrier.arrive $0xFFFF  }
.LBB2_2:
0x25: {  	[spmem:s4] =	stream.indirect.scatter.add.f32 [tilespmem:s1], [sflag:$0x1], $0x1, s3, s23, $0xb8;
	[tilespmem:$0x7B00] =	vst v63  }
0x26: {  	s1 =	smov.u32 s2;
	p0 =	sne.s32 s2, $0x9E00  }
.Ltmp0:
0x27: {  	s2 =	sadd.s32 $0x200, s2;
	(pc) =	sbr.rel @p0 .LBB2_2-.Ltmp0, $3  }
0x28: {  	_ =	sdelay $0x1  }
0x29: {  	s3 =	sshra.s32 s1, $0x2  }
0x2a: {  	s1 =	sadd.s32 $0x5300, s3;
	s3 =	sadd.s32 $0x2B00, s3  }
0x2b: {  	[spmem:s4] =	stream.indirect.scatter.add.f32 [tilespmem:s1], [sflag:$0x1], $0x1, s3, s23, $0xb8;
	[tilespmem:$0x7B00] =	vst v63  }
0x2c: {  	_ = 	snop  }
0x2d: {  	[tilespmem:s24], [sflag:$0x2] =	stream.linear.gather [hbm4b:s12+s5], $0x50, $0x38;
	[tilespmem:$0x7B00] =	vst v63  }
0x2e: {  	_ =	swait.ge [sflag:s20], $0x50  }
0x2f: {  	[sflag:s20] =	ssyncset.done $0x0  }
0x30: {  	s3 =	simm.s32 $0x50;
	[sflag:s20] =	ssyncadd.s32 $0xFFFFFFB0  }
0x31: {  	[tilespmem:s25], [sflag:$0x2] =	stream.indirect.gather [hbm4b:s0+s3], $0x80, s24, s3, $0xb8;
	[tilespmem:$0x7B00] =	vst v63  }
0x32: {  	_ =	swait.ge [sflag:s20], $0x2800  }
0x33: {  	[sflag:s20] =	ssyncset.done $0x0  }
0x34: {  	[sflag:s20] =	ssyncadd.s32 $0xFFFFD800  }
0x35: {  	[hbm4b:s13+s5] =	stream.linear.scatter [tilespmem:s25], [sflag:$0x2], $0x2800, $0x38;
	[tilespmem:$0x7B00] =	vst v63  }
0x36: {  	_ =	swait.ge [sflag:s20], $0x2800  }
0x37: {  	[sflag:s20] =	ssyncset.done $0x0  }
0x38: {  	[sflag:s20] =	ssyncadd.s32 $0xFFFFD800  }
0x39: {  	[tilespmem:s24], [sflag:$0x2] =	stream.linear.gather [hbm4b:s14+s5], $0x50, $0x38;
	[tilespmem:$0x7B00] =	vst v63  }
0x3a: {  	_ =	swait.ge [sflag:s20], $0x50  }
0x3b: {  	[sflag:s20] =	ssyncset.done $0x0  }
0x3c: {  	[sflag:s20] =	ssyncadd.s32 $0xFFFFFFB0  }
0x3d: {  	[tilespmem:s25], [sflag:$0x2] =	stream.indirect.gather [hbm4b:s0+s3], $0x80, s24, s3, $0xb8;
	[tilespmem:$0x7B00] =	vst v63  }
0x3e: {  	_ =	swait.ge [sflag:s20], $0x2800  }
0x3f: {  	[sflag:s20] =	ssyncset.done $0x0  }
0x40: {  	[sflag:s20] =	ssyncadd.s32 $0xFFFFD800  }
0x41: {  	[hbm4b:s15+s5] =	stream.linear.scatter [tilespmem:s25], [sflag:$0x2], $0x2800, $0x38;
	[tilespmem:$0x7B00] =	vst v63  }
0x42: {  	_ =	swait.ge [sflag:s20], $0x2800  }
0x43: {  	[sflag:s20] =	ssyncset.done $0x0  }
0x44: {  	[sflag:s20] =	ssyncadd.s32 $0xFFFFD800  }
0x45: {  	[tilespmem:s24], [sflag:$0x2] =	stream.linear.gather [hbm4b:s16+s5], $0x50, $0x38;
	[tilespmem:$0x7B00] =	vst v63  }
0x46: {  	_ =	swait.ge [sflag:s20], $0x50  }
0x47: {  	[sflag:s20] =	ssyncset.done $0x0  }
0x48: {  	[sflag:s20] =	ssyncadd.s32 $0xFFFFFFB0  }
0x49: {  	[tilespmem:s25], [sflag:$0x2] =	stream.indirect.gather [hbm4b:s0+s3], $0x80, s24, s3, $0xb8;
	[tilespmem:$0x7B00] =	vst v63  }
0x4a: {  	_ =	swait.ge [sflag:s20], $0x2800  }
0x4b: {  	[sflag:s20] =	ssyncset.done $0x0  }
0x4c: {  	[sflag:s20] =	ssyncadd.s32 $0xFFFFD800  }
0x4d: {  	[hbm4b:s17+s5] =	stream.linear.scatter [tilespmem:s25], [sflag:$0x2], $0x2800, $0x38;
	[tilespmem:$0x7B00] =	vst v63  }
0x4e: {  	_ =	swait.ge [sflag:s20], $0x2800  }
0x4f: {  	[sflag:s20] =	ssyncset.done $0x0  }
0x50: {  	[sflag:s20] =	ssyncadd.s32 $0xFFFFD800  }
0x51: {  	[tilespmem:s24], [sflag:$0x2] =	stream.linear.gather [hbm4b:s18+s5], $0x50, $0x38;
	[tilespmem:$0x7B00] =	vst v63  }
0x52: {  	_ =	swait.ge [sflag:s20], $0x50  }
0x53: {  	[sflag:s20] =	ssyncset.done $0x0  }
0x54: {  	[sflag:s20] =	ssyncadd.s32 $0xFFFFFFB0  }
0x55: {  	[tilespmem:s25], [sflag:$0x2] =	stream.indirect.gather [hbm4b:s0+s3], $0x80, s24, s3, $0xb8;
	[tilespmem:$0x7B00] =	vst v63  }
0x56: {  	_ =	swait.ge [sflag:s20], $0x2800  }
0x57: {  	[sflag:s20] =	ssyncset.done $0x0  }
0x58: {  	[sflag:s20] =	ssyncadd.s32 $0xFFFFD800  }
0x59: {  	[hbm4b:s19+s5] =	stream.linear.scatter [tilespmem:s25], [sflag:$0x2], $0x2800, $0x38;
	[tilespmem:$0x7B00] =	vst v63  }
0x5a: {  	_ =	swait.ge [sflag:s20], $0x2800  }
0x5b: {  	[sflag:s20] =	ssyncset.done $0x0  }
0x5c: {  	[sflag:s20] =	ssyncadd.s32 $0xFFFFD800  }
0x5d: {  	_ =	swait.ge [sflag:s26], $0x80  }
0x5e: {  	s2 =	simm.s32 $0x4F;
	[sflag:s26] =	ssyncset.done $0x0  }
.LBB2_4:
0x5f: {  	p0 =	sne.s32 s2, $0x1;
	s2 =	sadd.s32 $0xFFFFFFFF, s2;
	[sflag:s26] =	ssyncadd.s32 $0xFFFFFF80  }
.Ltmp1:
0x60: {  	(pc) =	sbr.rel @p0 .LBB2_4-.Ltmp1, $3  }
0x61: {  	_ =	sdelay $0x1  }
0x62: {  	_ =	swait.ge [sflag:s26], $0x80  }
0x63: {  	[sflag:s26] =	ssyncset.done $0x0  }
0x64: {  	s30 =	sadd.s32 $0x1, s30  }
0x65: {  	[sflag:s26] =	ssyncadd.s32 $0xFFFFFF80;
	p0 =	sne.s32 s30, s11  }
.Ltmp2:
0x66: {  	[bflag:$0x0] =	sbarrier.arrive $0xFFFF;
	(pc) =	sbr.rel @p0 .LBB2_1-.Ltmp2, $4  }
0x67: {  	[hbm:s10@s28], [sflag:s7] =	dma.strided [spmem:s31@s29], $0x50, s26, $0x10   }
0x68: {  	_ =	swait.ge [sflag:s20], $0x50  }
0x69: {  	[sflag:s20] =	ssyncset.done $0x0  }
0x6a: {  	[sflag:s20] =	ssyncadd.s32 $0xFFFFFFB0  }
0x6b: {  	_ =	sfence.sel $0x180000  }
0x6c: {  	[bflag:$0x0] =	sbarrier.arrive $0xFFFF  }
0x6d: {  	_ =	strace $0x90000047  }
0x6e: {  	s0 =	stileid.u32;
	[bflag:$0x2] =	sbarrier.arrive $0xFFFF  }
0x6f: {  	p0 =	sne.s32 s0, $0x0;
	s0 =	rddreg [dreg:$0x4]  }
0x70: {  	s0 =	sadd.s32 @!p0 $0x100000, s0  }
0x71: {  	[sflag:s0] =	ssyncadd.tile.s32 @!p0 $0x1;
	_ =	shalt  }
.Lfunc_end2:
_tile_overlayer_lowered:
.L_overlay_start_2:
0x72: {  	(tag) =	ssettag $0x2  }
0x73: {  	s0 =	rddreg [dreg:$0x0];
	s2 =	stileid.u32  }
0x74: {  	s1 =	rddreg [dreg:$0x1];
	p0 =	sne.s32 s2, $0x0  }
0x75: {  	s3 =	rddreg [dreg:$0x2];
	[bflag:$0x3] =	sbarrier.arrive $0xFFFF;
	s2 =	simm.s32 @!p0 $0x1C02  }
0x76: {  	[timem:s3], [sflag:s2] =	dma.local @!p0 [hbm:s0], s1  }
0x77: {  	s0 =	simm.s32 @!p0 $0x2  }
0x78: {  	_ =	swait.ge @!p0 [sflag:s0], s1  }
0x79: {  	s1 =	ssub.s32 @!p0 $0x0, s1;
	[sflag:s0] =	ssyncset.done @!p0 $0x0  }
0x7a: {  	[sflag:s0] =	ssyncadd.s32 @!p0 s1  }
0x7b: {  	[bflag:$0x3] =	sbarrier.arrive $0xFFFF  }
0x7c: {  	_ =	shalt  }

// kernel: kernel.13.cloned.1.call-start
scs
__scs_entry_jumppad:
0x0: {  	(pc) =	sbr.rel $0x88, $3  }
0x1: {  	(tag) =	ssettag $0x0;
	lr =	simm.s32 $0x1  }
0x2: {  	[smem:$0x3F98] =	sst lr;
	_ =	strace $0xD0000000  }
0x3: {  	_ = 	snop  }
0x4: {  	_ = 	snop  }
0x5: {  	_ = 	snop  }
0x6: {  	_ = 	snop  }
0x7: {  	_ = 	snop  }
__scs_overlays_trampoline_lowered:
0x8: {  	[smem:$0x3FA7] =	sst s0  }
0x9: {  	[smem:$0x3FA8] =	sst s1  }
0xa: {  	[smem:$0x3FA9] =	sst s2  }
0xb: {  	[smem:$0x3FAA] =	sst s3  }
0xc: {  	[smem:$0x3FAB] =	sst s4  }
0xd: {  	[smem:$0x3FAC] =	sst s5  }
0xe: {  	[smem:$0x3FAD] =	sst s6  }
0xf: {  	[smem:$0x3FAE] =	sst s7  }
0x10: {  	[smem:$0x3FAF] =	sst s8  }
0x11: {  	[smem:$0x3FB0] =	sst s9;
	s0 =	simm.s32 @!p0 $0x0  }
0x12: {  	s1 =	sld [smem:$0x3F96];
	s0 =	simm.s32 @p0 $0x1  }
0x13: {  	[smem:$0x3FB1] =	sst s0;
	s0 =	simm.s32 @!p1 $0x0  }
0x14: {  	s2 =	sld [smem:$0x3F95];
	s0 =	simm.s32 @p1 $0x1  }
0x15: {  	[smem:$0x3FB2] =	sst s0;
	s0 =	simm.s32 @!p2 $0x0  }
0x16: {  	s3 =	sld [smem:$0x3FDB];
	s0 =	simm.s32 @p2 $0x1  }
0x17: {  	s4 =	simm.s32 $0x1BF5;
	[smem:$0x3FB4] =	sst s0  }
0x18: {  	s0 =	sld [smem:$0x3F97];
	_ =	swait.ge [sflag:s4], $0x0  }
0x19: {  	s7 =	sld [smem:$0x3F98]  }
0x1a: {  	s8 =	sadd.s32 $0xFFFFE003, lr  }
0x1b: {  	s9 =	sadd.s32 $0xFFFFFEF7, lr;
	s5 =	simm.s32 $0xFFFFFFFF;
	p2 =	slt.u32 s8, $0xFFFFF086  }
0x1c: {  	p1 =	slt.u32 s9, $0xF7A;
	s5 =	simm.s32 @!p2 $0x0  }
0x1d: {  	s5 =	simm.s32 @p1 $0x1;
	p0 =	seq.s32 s7, s2  }
0x1e: {  	s7 =	smul.u32 @!p0 $0xF7A, s2;
	p2 =	seq.s32 @!p0 s5, $0x0  }
0x1f: {  	s9 =	smul.u32 $0xF7A, s1;
	s8 =	simm.s32 @!p0 $0x1BF5;
	p2 =	por !p2, p0  }
0x20: {  	[sflag:s8] =	ssyncset.s32 @!p0 $0xFFFFF086;
	s6 =	sadd.s32 @!p0 s3, s7;
	s7 =	simm.s32 @!p0 $0x108  }
0x21: {  	s3 =	sadd.s32 s3, s9;
	s6 =	sadd.s32 @!p0 $0x88, s6;
	s7 =	simm.s32 @p2 $0x1082  }
0x22: {  	[simem:s7], [sflag:s8] =	dma.local @!p0 [hbm:s6], $0xF7A  }
0x23: {  	s9 =	sor.u32 $0xD0000000, s2;
	s6 =	simm.s32 $0x108;
	_ =	swait.ge @!p0 [sflag:s8], $0x0  }
0x24: {  	s3 =	sadd.s32 $0x88, s3;
	s6 =	simm.s32 @!p1 $0x1082;
	[sflag:s4] =	ssyncset.s32 $0xFFFFF086  }
0x25: {  	[simem:s6], [sflag:s4] =	dma.local [hbm:s3], $0xF7A  }
0x26: {  	[smem:$0x3F98] =	sst s1;
	(tag) =	ssettag s2;
	_ =	strace s9  }
0x27: {  	s1 =	sld [smem:$0x3FA8]  }
0x28: {  	s2 =	sld [smem:$0x3FA9]  }
0x29: {  	s4 =	sld [smem:$0x3FAB]  }
0x2a: {  	p0 =	seq.s32 s5, $0x0;
	s5 =	sld [smem:$0x3FAC]  }
0x2b: {  	s6 =	sld [smem:$0x3FAD]  }
0x2c: {  	s7 =	sld [smem:$0x3FAE]  }
0x2d: {  	s3 =	simm.s32 $0x108;
	s8 =	sld [smem:$0x3FAF]  }
0x2e: {  	s3 =	simm.s32 @!p0 $0x1082;
	s9 =	sld [smem:$0x3FB0]  }
0x2f: {  	lr =	sadd.s32 s0, s3;
	s0 =	sld [smem:$0x3FA7]  }
0x30: {  	s3 =	sld [smem:$0x3FAA]  }
0x31: {  	[smem:$0x3FB3] =	sst s10  }
0x32: {  	s10 =	sld [smem:$0x3FB1];
	_ =	sdelay $0x3  }
0x33: {  	p0 =	seq.s32 s10, $0x1;
	s10 =	sld [smem:$0x3FB3];
	_ =	sdelay $0x3  }
0x34: {  	[smem:$0x3FB3] =	sst s10  }
0x35: {  	s10 =	sld [smem:$0x3FB2];
	_ =	sdelay $0x3  }
0x36: {  	p1 =	seq.s32 s10, $0x1;
	s10 =	sld [smem:$0x3FB3];
	_ =	sdelay $0x3  }
0x37: {  	[smem:$0x3FB3] =	sst s10  }
0x38: {  	s10 =	sld [smem:$0x3FB4]  }
0x39: {  	_ = 	snop;
	(pc) =	sbr.ind lr, $3  }
0x3a: {  	_ = 	snop  }
0x3b: {  	_ = 	snop  }
0x3c: {  	p2 =	seq.s32 s10, $0x1;
	s10 =	sld [smem:$0x3FB3]  }
0x3d: {  	_ =	shalt  }
0x3e: {  	_ =	shalt  }
0x3f: {  	_ =	shalt  }
0x40: {  	_ =	shalt  }
0x41: {  	_ =	shalt  }
0x42: {  	_ =	shalt  }
0x43: {  	_ =	shalt  }
0x44: {  	_ =	shalt  }
0x45: {  	_ =	shalt  }
0x46: {  	_ =	shalt  }
0x47: {  	_ =	shalt  }
0x48: {  	_ =	shalt  }
0x49: {  	_ =	shalt  }
0x4a: {  	_ =	shalt  }
0x4b: {  	_ =	shalt  }
0x4c: {  	_ =	shalt  }
0x4d: {  	_ =	shalt  }
0x4e: {  	_ =	shalt  }
0x4f: {  	_ =	shalt  }
0x50: {  	_ =	shalt  }
0x51: {  	_ =	shalt  }
0x52: {  	_ =	shalt  }
0x53: {  	_ =	shalt  }
0x54: {  	_ =	shalt  }
0x55: {  	_ =	shalt  }
0x56: {  	_ =	shalt  }
0x57: {  	_ =	shalt  }
0x58: {  	_ =	shalt  }
0x59: {  	_ =	shalt  }
0x5a: {  	_ =	shalt  }
0x5b: {  	_ =	shalt  }
0x5c: {  	_ =	shalt  }
0x5d: {  	_ =	shalt  }
0x5e: {  	_ =	shalt  }
0x5f: {  	_ =	shalt  }
0x60: {  	_ =	shalt  }
0x61: {  	_ =	shalt  }
0x62: {  	_ =	shalt  }
0x63: {  	_ =	shalt  }
0x64: {  	_ =	shalt  }
0x65: {  	_ =	shalt  }
0x66: {  	_ =	shalt  }
0x67: {  	_ =	shalt  }
0x68: {  	_ =	shalt  }
0x69: {  	_ =	shalt  }
0x6a: {  	_ =	shalt  }
0x6b: {  	_ =	shalt  }
0x6c: {  	_ =	shalt  }
0x6d: {  	_ =	shalt  }
0x6e: {  	_ =	shalt  }
0x6f: {  	_ =	shalt  }
0x70: {  	_ =	shalt  }
0x71: {  	_ =	shalt  }
0x72: {  	_ =	shalt  }
0x73: {  	_ =	shalt  }
0x74: {  	_ =	shalt  }
0x75: {  	_ =	shalt  }
0x76: {  	_ =	shalt  }
0x77: {  	_ =	shalt  }
0x78: {  	_ =	shalt  }
0x79: {  	_ =	shalt  }
0x7a: {  	_ =	shalt  }
0x7b: {  	_ =	shalt  }
0x7c: {  	_ =	shalt  }
0x7d: {  	_ =	shalt  }
0x7e: {  	_ =	shalt  }
0x7f: {  	_ =	shalt  }
0x80: {  	_ =	shalt  }
0x81: {  	_ =	shalt  }
0x82: {  	_ =	shalt  }
0x83: {  	_ =	shalt  }
0x84: {  	_ =	shalt  }
0x85: {  	_ =	shalt  }
0x86: {  	_ =	shalt  }
0x87: {  	_ =	shalt  }
.Lfunc_end0:
.L_simem_size_0:
called_computation.1_lowered:
.L_overlay_start_0:
0x88: {  	s2 =	sld [smem:$0x3FD9]  }
0x89: {  	s3 =	sld [smem:$0x3FFE];
	_ =	sdelay $0x1  }
0x8a: {  	s1 =	srdreg.scid  }
0x8b: {  	s0 =	sand.u32 $0x1, s1  }
0x8c: {  	s16 =	sshll.u32 s0, $0xA;
	s2 =	sadd.s32 s3, s2  }
0x8d: {  	s2 =	sadd.s32 s2, s16  }
0x8e: {  	[smem:$0x3FBF] =	sst s2  }
0x8f: {  	_ = 	snop  }
0x90: {  	(tm) =	ssettm $0x1  }
0x91: {  	s17 =	sld [smem:$0x3FFB];
	_ =	sdelay $0x3  }
0x92: {  	_ =	strace s17  }
0x93: {  	s2 =	sld [smem:$0x3FFC];
	_ =	sdelay $0x3  }
0x94: {  	_ =	strace s2  }
0x95: {  	s2 =	sld [smem:$0x3FFD];
	_ =	sdelay $0x3  }
0x96: {  	_ =	strace s2  }
0x97: {  	_ =	strace $0x8FFFFFFF  }
0x98: {  	s18 =	sld [smem:$0x3FDB];
	_ =	sdelay $0x1  }
0x99: {  	s19 =	simm.s32 $_scs_section_size  }
0x9a: {  	s4 =	simm.s32 $_size__tile_overlayer_lowered;
	s5 =	simm.s32 $_tile_overlayer_lowered  }
0x9b: {  	s22 =	simm.s32 $0x1BFF;
	s21 =	sshll.u32 s5, $0x1;
	s2 =	sadd.s32 s19, s18  }
0x9c: {  	s6 =	simm.s32 $0x0;
	s20 =	sshll.u32 s4, $0x1;
	s4 =	sadd.s32 s21, s2  }
0x9d: {  	[timem:s6], [sflag:s22] =	dma.local [hbm:s4], s20  }
0x9e: {  	_ =	swait.ge [sflag:s22], s20  }
0x9f: {  	s3 =	ssub.s32 $0x0, s20;
	[sflag:s22] =	ssyncset.done $0x0  }
0xa0: {  	[sflag:s22] =	ssyncadd.s32 s3;
	_ =	sdelay $0x1  }
0xa1: {  	s23 =	simm.s32 $0x1B8B  }
0xa2: {  	_ =	swait.ge [sflag:s23], $0x1  }
0xa3: {  	[sflag:s23] =	ssyncset.done $0x0  }
0xa4: {  	s25 =	simm.s32 $0x1B8E;
	s24 =	sld [smem:$0x3FFE];
	[sflag:s23] =	ssyncadd.s32 $0xFFFFFFFF  }
0xa5: {  	s26 =	simm.s32 $execute0_lowered;
	[smem:$0x3FD2] =	sst s25  }
0xa6: {  	s4 =	sshll.u32 s26, $0x1;
	_ =	strace $0x80000049;
	[dreg:$0x1] =	wrdreg $0xFFFFFFFF  }
0xa7: {  	s28 =	simm.s32 $_size_execute0_lowered;
	s2 =	sadd.s32 s2, s4;
	[dreg:$0x0] =	wrdreg $0x0  }
0xa8: {  	s4 =	sshll.u32 s28, $0x1;
	[dreg:$0x2] =	wrdreg s2  }
0xa9: {  	[dreg:$0x3] =	wrdreg s4  }
0xaa: {  	[dreg:$0x4] =	wrdreg $0xC0  }
0xab: {  	_ =	task [dreg:s6], $0x5FFFF  }
0xac: {  	[dreg:$0x1] =	wrdreg $0xFFFFFFFF  }
0xad: {  	[dreg:$0x0] =	wrdreg $0x60  }
0xae: {  	[dreg:$0x2] =	wrdreg s24  }
0xaf: {  	[dreg:$0x3] =	wrdreg $0x0  }
0xb0: {  	[dreg:$0x4] =	wrdreg $0x9  }
0xb1: {  	_ =	task.clear_ibuf [dreg:s6], $0x5FFFF;
	_ =	strace $0x90000049  }
0xb2: {  	s29 =	simm.s32 $0x9;
	_ =	strace $0x8000004B  }
0xb3: {  	_ =	swait.ge [sflag:s29], $0x1  }
0xb4: {  	[sflag:s29] =	ssyncadd.s32 $0xFFFFFFFF  }
0xb5: {  	_ =	strace $0x9000004B  }
0xb6: {  	_ =	sfence  }
0xb7: {  	s30 =	sld [smem:$0x0];
	_ =	sdelay $0x2  }
0xb8: {  	s31 =	sshll.u32 s1, $0xD;
	s1 =	sshrl.u32 s1, $0x2  }
0xb9: {  	s3 =	sand.u32 $0x4000, s31;
	s1 =	sadd.s32 s1, s30  }
0xba: {  	s0 =	sor.u32 s3, s0;
	s1 =	sshll.u32 s1, $0x11  }
0xbb: {  	s0 =	sor.u32 s1, s0  }
0xbc: {  	s0 =	sadd.s32 $0x8F2B, s0  }
0xbd: {  	[sflag:s0] =	ssyncadd.remote.s32 $0x1  }
0xbe: {  	_ =	sfence.sel $0xFFFF  }
0xbf: {  	[dreg:$0x0] =	wrdreg $0xFFFFFFFF;
	(pc) =	sbr.abs _section_cstart, $3  }
0xc0: {  	[dreg:$0x1] =	wrdreg $0xFFFFFFFF  }
0xc1: {  	_ =	task.clear_ibuf [dreg:s6], $0x2FFFF;
	_ =	strace $0x9FFFFFFF  }
0xc2: {  	(tm) =	ssettm $0x7FFFFFFF  }
0xc3: {  	_ =	shalt  }
tec
execute0_lowered:
.L_overlay_start_1:
0x0: {  	(tag) =	ssettag $0x1  }
0x1: {  	s0 =	rddreg [dreg:$0x0]  }
0x2: {  	s1 =	rddreg [dreg:$0x1];
	s2 =	simm.s32 $0x0  }
0x3: {  	s3 =	srdreg.scid;
	s15 =	stileid.u32;
	s28 =	simm.s32 $0x16800  }
0x4: {  	s29 =	simm.s32 $0x80;
	s30 =	simm.s32 $0x17C00;
	s9 =	smul.u32 $0x50000, s15  }
0x5: {  	s31 =	simm.s32 $0x1BC00;
	[smem:$0x7FF] =	sst s2;
	s12 =	smul.u32 $0x14000, s15  }
0x6: {  	s3 =	sand.u32 $0x1, s3;
	s4 =	sadd.s32 $0x21200, s0;
	s14 =	smul.u32 $0x28, s15  }
0x7: {  	s5 =	sadd.s32 $0xD200, s0;
	s6 =	sadd.s32 $0x17200, s0;
	s18 =	smul.u32 $0x78, s15  }
0x8: {  	s7 =	sadd.s32 $0x3200, s0;
	s20 =	sshll.u32 s15, $0x6;
	s8 =	smul.u32 $0x14000, s3  }
0x9: {  	_ =	strace $0x8000004A;
	s10 =	ssub.s32 $0x2, s3;
	s25 =	smul.u32 $0x140000, s3  }
0xa: {  	p0 =	seq.s32 s3, $0x0;
	s11 =	sshrl.u32 s10, $0x1;
	s9 =	sshrl.u32 s9, $0x2  }
0xb: {  	s22 =	sadd.s32 $0x5000, s12;
	s23 =	sadd.s32 $0xA000, s12;
	s26 =	sadd.s32 $0xF000, s12  }
0xc: {  	s15 =	sadd.s32 $0x780, s14;
	s8 =	sshrl.u32 s8, $0x3;
	s9 =	sadd.s32 s9, s1  }
0xd: {  	s11 =	ssub.s32 s10, s11;
	s13 =	sadd.s32 s22, s1;
	[dreg:$0x3] =	wrdreg s9  }
0xe: {  	s10 =	sor.u32 $0x1C03, s20;
	s24 =	sadd.s32 s23, s1;
	[dreg:$0x5] =	wrdreg s13  }
0xf: {  	s19 =	sadd.s32 s26, s1;
	s8 =	sadd.s32 s8, s0;
	[dreg:$0x7] =	wrdreg s24  }
0x10: {  	s12 =	sadd.s32 s12, s25;
	[dreg:$0x9] =	wrdreg s19;
	s21 =	sadd.s32 $0x49200, s8  }
0x11: {  	s15 =	smov.u32 @p0 s18;
	s16 =	sadd.s32 $0x49C00, s8;
	[dreg:$0x4] =	wrdreg s21  }
0x12: {  	s0 =	sadd.s32 $0x4E200, s0;
	s17 =	sadd.s32 $0x4A600, s8;
	[dreg:$0x6] =	wrdreg s16  }
0x13: {  	s12 =	sshrl.u32 s12, $0x3;
	s8 =	sadd.s32 $0x4B000, s8;
	[dreg:$0x8] =	wrdreg s17  }
0x14: {  	p0 =	sne.s32 s3, $0x0;
	s20 =	sadd.s32 s0, s12;
	[dreg:$0xa] =	wrdreg s8  }
0x15: {  	s3 =	simm.s32 $0x2;
	[dreg:$0xb] =	wrdreg s20;
	s21 =	sadd.s32 s25, s22  }
0x16: {  	s22 =	sadd.s32 s25, s23;
	s23 =	sadd.s32 s25, s26;
	s26 =	smax.u32 s11, $0x1  }
0x17: {  	s16 =	simm.s32 $0x0;
	s8 =	sshrl.u32 s21, $0x3;
	s24 =	sshrl.u32 s22, $0x3  }
.Ltmp0:
0x18: {  	s25 =	sshrl.u32 s23, $0x3;
	[dreg:$0xf] =	wrdreg s26;
	(pc) =	sbr.rel .LBB2_1-.Ltmp0, $4  }
0x19: {  	s23 =	simm.s32 $0x3;
	s26 =	simm.s32 $0x15400;
	s8 =	sadd.s32 s0, s8  }
0x1a: {  	[dreg:$0xc] =	wrdreg s8;
	s8 =	sadd.s32 s0, s24;
	s0 =	sadd.s32 s0, s25  }
0x1b: {  	s24 =	simm.s32 $0x14000;
	s25 =	simm.s32 $0x5;
	[dreg:$0xd] =	wrdreg s8  }
0x1c: {  	[dreg:$0xe] =	wrdreg s0;
	s0 =	simm.s32 $0x1;
	s8 =	simm.s32 $0x4  }
.LBB2_10:
0x1d: {  	[bflag:$0x0] =	sbarrier.arrive $0xFFFF  }
0x1e: {  	s9 =	rddreg [dreg:$0xb]  }
0x1f: {  	s11 =	rddreg [dreg:$0x10]  }
0x20: {  	[hbm:s9], [sflag:s10] =	dma.local [spmem:s11], $0xA00  }
0x21: {  	s9 =	rddreg [dreg:$0xc]  }
0x22: {  	s11 =	rddreg [dreg:$0x11]  }
0x23: {  	[hbm:s9], [sflag:s10] =	dma.local [spmem:s11], $0xA00  }
0x24: {  	s9 =	rddreg [dreg:$0xd]  }
0x25: {  	s11 =	rddreg [dreg:$0x12]  }
0x26: {  	[hbm:s9], [sflag:s10] =	dma.local [spmem:s11], $0xA00  }
0x27: {  	s9 =	rddreg [dreg:$0xe]  }
0x28: {  	s11 =	rddreg [dreg:$0x13]  }
0x29: {  	[hbm:s9], [sflag:s10] =	dma.local [spmem:s11], $0xA00  }
0x2a: {  	_ =	swait.ge [sflag:s23], $0xA00  }
0x2b: {  	[sflag:s23] =	ssyncset.done $0x0  }
0x2c: {  	[sflag:s23] =	ssyncadd.s32 $0xFFFFF600  }
0x2d: {  	_ =	swait.ge [sflag:s23], $0xA00  }
0x2e: {  	[sflag:s23] =	ssyncset.done $0x0  }
0x2f: {  	[sflag:s23] =	ssyncadd.s32 $0xFFFFF600  }
0x30: {  	_ =	swait.ge [sflag:s23], $0xA00  }
0x31: {  	[sflag:s23] =	ssyncset.done $0x0  }
0x32: {  	[sflag:s23] =	ssyncadd.s32 $0xFFFFF600  }
0x33: {  	_ =	swait.ge [sflag:s23], $0xA00  }
0x34: {  	s2 =	sadd.s32 $0x1, s2;
	s22 =	rddreg [dreg:$0xf]  }
0x35: {  	p1 =	sne.s32 s2, s22  }
.Ltmp1:
0x36: {  	_ = 	snop;
	(pc) =	sbr.rel @!p1 .LBB2_11-.Ltmp1, $3  }
0x37: {  	_ =	sdelay $0x1  }
0x38: {  	[sflag:s23] =	ssyncset.done $0x0  }
0x39: {  	[sflag:s23] =	ssyncadd.s32 $0xFFFFF600  }
.LBB2_1:
0x3a: {  	s9 =	rddreg [dreg:$0x3]  }
0x3b: {  	s14 =	rddreg [dreg:$0x4];
	s11 =	sshrl.u32 s9, $0x3  }
0x3c: {  	[dreg:$0x10] =	wrdreg s11  }
0x3d: {  	[spmem:s11], [sflag:s10] =	dma.local [hbm:s14], $0xA00  }
0x3e: {  	s9 =	rddreg [dreg:$0x5]  }
0x3f: {  	s18 =	rddreg [dreg:$0x6];
	s17 =	sshrl.u32 s9, $0x3  }
0x40: {  	[dreg:$0x11] =	wrdreg s17  }
0x41: {  	[spmem:s17], [sflag:s10] =	dma.local [hbm:s18], $0xA00  }
0x42: {  	s9 =	rddreg [dreg:$0x7]  }
0x43: {  	s20 =	rddreg [dreg:$0x8];
	s19 =	sshrl.u32 s9, $0x3  }
0x44: {  	[dreg:$0x12] =	wrdreg s19  }
0x45: {  	[spmem:s19], [sflag:s10] =	dma.local [hbm:s20], $0xA00  }
0x46: {  	s9 =	rddreg [dreg:$0x9]  }
0x47: {  	s22 =	rddreg [dreg:$0xa];
	s21 =	sshrl.u32 s9, $0x3  }
0x48: {  	[dreg:$0x13] =	wrdreg s21  }
0x49: {  	[spmem:s21], [sflag:s10] =	dma.local [hbm:s22], $0xA00  }
0x4a: {  	_ =	swait.ge [sflag:s23], $0xA00  }
0x4b: {  	[sflag:s23] =	ssyncset.done $0x0  }
0x4c: {  	[sflag:s23] =	ssyncadd.s32 $0xFFFFF600  }
0x4d: {  	_ =	swait.ge [sflag:s23], $0xA00  }
0x4e: {  	[sflag:s23] =	ssyncset.done $0x0  }
0x4f: {  	[sflag:s23] =	ssyncadd.s32 $0xFFFFF600  }
0x50: {  	_ =	swait.ge [sflag:s23], $0xA00  }
0x51: {  	[sflag:s23] =	ssyncset.done $0x0  }
0x52: {  	[sflag:s23] =	ssyncadd.s32 $0xFFFFF600  }
.Ltmp2:
0x53: {  	_ =	swait.ge [sflag:s23], $0xA00;
	(pc) =	sbr.rel .LBB2_2-.Ltmp2, $4  }
0x54: {  	[sflag:s23] =	ssyncset.done $0x0  }
0x55: {  	[sflag:s23] =	ssyncadd.s32 $0xFFFFF600  }
0x56: {  	[bflag:$0x0] =	sbarrier.arrive $0xFFFF  }
0x57: {  	s14 =	simm.s32 $0x0  }
.LBB2_9:
0x58: {  	p1 =	slt.u32 @!p0 s14, $0x2  }
0x59: {  	p1 =	por p0, !p1  }
.Ltmp3:
0x5a: {  	_ = 	snop;
	(pc) =	sbr.rel @p1 .LBB2_10-.Ltmp3, $4  }
0x5b: {  	[spmem:s1] =	stream.indirect.scatter.add.f32 [tilespmem:s31], [sflag:$0x4], $0x80, s9, s29, $0xb8;
	[tilespmem:$0x1FC00] =	vst v63  }
0x5c: {  	_ =	swait.ge [sflag:s8], $0x4000  }
0x5d: {  	[sflag:s8] =	ssyncset.done $0x0  }
0x5e: {  	s14 =	sadd.s32 $0x1, s14;
	[sflag:s8] =	ssyncadd.s32 $0xFFFFC000  }
.LBB2_2:
0x5f: {  	s9 =	smul.u32 $0x28, s14;
	_ =	sdelay $0x1  }
0x60: {  	s9 =	sadd.s32 s15, s9  }
0x61: {  	s9 =	sshll.u32 s9, $0x4  }
0x62: {  	s11 =	sadd.s32 s5, s9  }
0x63: {  	[tilespmem:s24], [sflag:$0x5] =	stream.linear.gather [hbm4b:s11+s16], $0x1400, $0x38;
	[tilespmem:$0x1FC00] =	vst v63  }
0x64: {  	_ =	swait.ge [sflag:s25], $0x1400  }
0x65: {  	[sflag:s25] =	ssyncset.done $0x0  }
0x66: {  	s22 =	sadd.s32 s6, s9;
	[sflag:s25] =	ssyncadd.s32 $0xFFFFEC00  }
0x67: {  	[tilespmem:s26], [sflag:$0x5] =	stream.linear.gather [hbm4b:s22+s16], $0x1400, $0x38;
	[tilespmem:$0x1FC00] =	vst v63  }
0x68: {  	_ =	swait.ge [sflag:s25], $0x1400  }
0x69: {  	[sflag:s25] =	ssyncset.done $0x0  }
0x6a: {  	s9 =	sadd.s32 s7, s9;
	[sflag:s25] =	ssyncadd.s32 $0xFFFFEC00  }
0x6b: {  	[tilespmem:s28], [sflag:$0x5] =	stream.linear.gather [hbm4b:s9+s16], $0x1400, $0x38;
	[tilespmem:$0x1FC00] =	vst v63  }
0x6c: {  	_ =	swait.ge [sflag:s25], $0x1400  }
0x6d: {  	[sflag:s25] =	ssyncset.done $0x0  }
0x6e: {  	s17 =	simm.s32 $0x0;
	[sflag:s25] =	ssyncadd.s32 $0xFFFFEC00  }
0x6f: {  	[tilespmem:s30], [sflag:$0x1] =	stream.indirect.gather [hbm4b:s4+s29], $0x80, s24, s29, $0xb8;
	[tilespmem:$0x1FC00] =	vst v63  }
.LBB2_3:
0x70: {  	p1 =	seq.s32 s17, $0x0  }
0x71: {  	s11 =	simm.s32 @!p1 $0x4  }
0x72: {  	v0 =	vmov s16;
	_ =	swait.ge @!p1 [sflag:s11], $0x4000  }
0x73: {  	s9 =	sshll.u32 s17, $0x8;
	v0 =	vand.u32 $0xFFFFFFFC, v0;
	[sflag:s11] =	ssyncset.done @!p1 $0x0  }
0x74: {  	s13 =	sadd.s32 $0x14080, s9;
	v0 =	vbroadcast v0, $0x0;
	[sflag:s11] =	ssyncadd.s32 @!p1 $0xFFFFC000  }
0x75: {  	[tilespmem:s31], [sflag:$0x2] =	stream.indirect.gather [hbm4b:s4+s29], $0x80, s13, s29, $0xb8;
	[tilespmem:$0x1FC00] =	vst v63  }
0x76: {  	_ =	swait.ge [sflag:s0], $0x4000  }
0x77: {  	s18 =	sshll.u32 s17, $0xA;
	[sflag:s0] =	ssyncset.done $0x0  }
0x78: {  	s20 =	simm.s32 $0x17D00;
	s18 =	sshrl.u32 s18, $0x2;
	[sflag:s0] =	ssyncadd.s32 $0xFFFFC000  }
0x79: {  	s21 =	sadd.s32 $0x16800, s18;
	v1 =	vld [tilespmem:s20+$0xFFFFFF70]  }
0x7a: {  	v0 =	vld.idx.msk [tilespmem:v0+s21+$0x0], $0xffff  }
0x7b: {  	v2 =	vld [tilespmem:s20+$0xFFFFFF00]  }
0x7c: {  	v3 =	vld [tilespmem:s20+$0xFFFFFF20]  }
0x7d: {  	v4 =	vld [tilespmem:s20+$0xFFFFFF50]  }
0x7e: {  	v5 =	vld [tilespmem:s20+$0xFFFFFF40]  }
0x7f: {  	v6 =	vld [tilespmem:s20+$0xFFFFFF60];
	v1 =	vmul.f32 v1, v0  }
0x80: {  	s19 =	simm.s32 $0x1;
	v7 =	vld [tilespmem:s20+$0xFFFFFF30];
	v2 =	vmul.f32 v2, v0  }
0x81: {  	v8 =	vld [tilespmem:s20+$0xFFFFFF10];
	v3 =	vmul.f32 v3, v0;
	[tilespmem:s20+$0xFFFFFF70] =	vst v1;
	v1 =	vmov s19  }
0x82: {  	v4 =	vmul.f32 v4, v0;
	[tilespmem:s20+$0xFFFFFF00] =	vst v2;
	v1 =	vand.u32 $0xFFFFFFFD, v1  }
0x83: {  	v2 =	vmul.f32 v5, v0;
	[tilespmem:s20+$0xFFFFFF20] =	vst v3;
	v1 =	vbroadcast v1, $0x0  }
0x84: {  	v3 =	vmul.f32 v6, v0;
	[tilespmem:s20+$0xFFFFFF50] =	vst v4  }
0x85: {  	v4 =	vmul.f32 v7, v0;
	[tilespmem:s20+$0xFFFFFF40] =	vst v2  }
0x86: {  	v0 =	vmul.f32 v8, v0;
	[tilespmem:s20+$0xFFFFFF60] =	vst v3  }
0x87: {  	[tilespmem:s20+$0xFFFFFF30] =	vst v4  }
0x88: {  	[tilespmem:s20+$0xFFFFFF10] =	vst v0;
	v0 =	vld [tilespmem:s20+$0xFFFFFF90]  }
0x89: {  	v2 =	vld.idx.msk [tilespmem:v1+s21+$0x0], $0xffff  }
0x8a: {  	v1 =	vld [tilespmem:s20+$0xFFFFFFA0]  }
0x8b: {  	v3 =	vld [tilespmem:s20+$0xFFFFFF80]  }
0x8c: {  	v4 =	vld [tilespmem:s20+$0xFFFFFFB0]  }
0x8d: {  	v5 =	vld [tilespmem:s20+$0xFFFFFFC0]  }
0x8e: {  	v6 =	vld [tilespmem:s20+$0xFFFFFFD0];
	v0 =	vmul.f32 v0, v2  }
0x8f: {  	s22 =	simm.s32 $0x2;
	v7 =	vld [tilespmem:s20+$0xFFFFFFF0];
	v1 =	vmul.f32 v1, v2  }
0x90: {  	v8 =	vld [tilespmem:s20+$0xFFFFFFE0];
	v3 =	vmul.f32 v3, v2;
	[tilespmem:s20+$0xFFFFFF90] =	vst v0;
	v0 =	vmov s22  }
0x91: {  	v4 =	vmul.f32 v4, v2;
	[tilespmem:s20+$0xFFFFFFA0] =	vst v1;
	v0 =	vand.u32 $0xFFFFFFFE, v0  }
0x92: {  	v1 =	vmul.f32 v5, v2;
	[tilespmem:s20+$0xFFFFFF80] =	vst v3;
	v5 =	vld [tilespmem:s20+$0x60];
	v9 =	vbroadcast v0, $0x0  }
0x93: {  	v3 =	vmul.f32 v6, v2;
	[tilespmem:s20+$0xFFFFFFB0] =	vst v4;
	v6 =	vld [tilespmem:s20+$0x0]  }
0x94: {  	v4 =	vmul.f32 v7, v2;
	v0 =	vld [tilespmem:s20+$0x20];
	[tilespmem:s20+$0xFFFFFFC0] =	vst v1  }
0x95: {  	v2 =	vmul.f32 v8, v2;
	v1 =	vld [tilespmem:s20+$0x30];
	[tilespmem:s20+$0xFFFFFFD0] =	vst v3  }
0x96: {  	[tilespmem:s20+$0xFFFFFFF0] =	vst v4;
	v3 =	vld [tilespmem:s20+$0x40]  }
0x97: {  	s11 =	simm.s32 $0x17D00;
	[tilespmem:s20+$0xFFFFFFE0] =	vst v2;
	v4 =	vld [tilespmem:s20+$0x10]  }
0x98: {  	s19 =	sor.u32 $0x80, s9;
	s9 =	simm.s32 $0x4;
	s22 =	simm.s32 $0x0;
	v2 =	vld.idx.msk [tilespmem:v9+s21+$0x0], $0xffff  }
.LBB2_4:
0x99: {  	p1 =	sne.s32 s9, $0x7C  }
0x9a: {  	v7 =	vld [tilespmem:s20+$0x50];
	s11 =	sadd.s32 $0x200, s11;
	s12 =	smov.u32 s9;
	s9 =	sadd.s32 $0x4, s9  }
0x9b: {  	v8 =	vld [tilespmem:s20+$0x70];
	_ =	sdelay $0x1  }
0x9c: {  	v5 =	vmul.f32 v5, v2;
	v6 =	vmul.f32 v6, v2  }
0x9d: {  	v3 =	vmul.f32 v3, v2;
	v4 =	vmul.f32 v4, v2  }
0x9e: {  	v0 =	vmul.f32 v0, v2;
	v1 =	vmul.f32 v1, v2;
	[tilespmem:s20+$0x60] =	vst v5  }
0x9f: {  	[tilespmem:s20+$0x40] =	vst v3;
	v3 =	vmul.f32 v7, v2;
	v2 =	vmul.f32 v8, v2  }
0xa0: {  	s13 =	sadd.s32 $0x3, s22;
	s22 =	smov.u32 s12;
	[tilespmem:s20+$0x20] =	vst v0;
	v5 =	vld [tilespmem:s20+$0x80]  }
0xa1: {  	v0 =	vld [tilespmem:s11+$0x20];
	[tilespmem:s20+$0x0] =	vst v6;
	v6 =	vmov s13  }
0xa2: {  	[tilespmem:s20+$0x50] =	vst v3;
	v3 =	vld [tilespmem:s20+$0xE0]  }
0xa3: {  	[tilespmem:s20+$0x30] =	vst v1;
	v7 =	vld [tilespmem:s20+$0xC0]  }
0xa4: {  	v1 =	vld [tilespmem:s11+$0x30];
	[tilespmem:s20+$0x10] =	vst v4  }
0xa5: {  	[tilespmem:s20+$0x70] =	vst v2;
	v2 =	vld [tilespmem:s20+$0xA0]  }
0xa6: {  	v4 =	vld.idx.msk [tilespmem:v6+s21+$0x0], $0xffff  }
0xa7: {  	v6 =	vld [tilespmem:s20+$0x90]  }
0xa8: {  	v8 =	vld [tilespmem:s20+$0xB0]  }
0xa9: {  	v9 =	vld [tilespmem:s20+$0xD0]  }
0xaa: {  	v10 =	vld [tilespmem:s20+$0xF0];
	_ =	sdelay $0x1  }
0xab: {  	v5 =	vmul.f32 v5, v4;
	v6 =	vmul.f32 v6, v4  }
0xac: {  	v2 =	vmul.f32 v2, v4;
	v8 =	vmul.f32 v8, v4  }
0xad: {  	v11 =	vmov s22;
	[tilespmem:s20+$0x80] =	vst v5;
	v5 =	vmul.f32 v7, v4;
	v7 =	vmul.f32 v9, v4  }
0xae: {  	v9 =	vand.u32 $0xFFFFFFFC, v11;
	[tilespmem:s20+$0xA0] =	vst v2;
	v2 =	vmul.f32 v3, v4;
	v3 =	vmul.f32 v10, v4  }
0xaf: {  	v4 =	vbroadcast v9, $0x0;
	[tilespmem:s20+$0xC0] =	vst v5  }
0xb0: {  	[tilespmem:s20+$0xF0] =	vst v3  }
0xb1: {  	v3 =	vld [tilespmem:s11+$0xFFFFFF40];
	[tilespmem:s20+$0xE0] =	vst v2  }
0xb2: {  	v2 =	vld [tilespmem:s11+$0xFFFFFF50];
	[tilespmem:s20+$0x90] =	vst v6  }
0xb3: {  	v5 =	vld [tilespmem:s11+$0xFFFFFF60];
	[tilespmem:s20+$0xB0] =	vst v8  }
0xb4: {  	v6 =	vld [tilespmem:s11+$0xFFFFFF70];
	[tilespmem:s20+$0xD0] =	vst v7;
	s20 =	smov.u32 s11  }
0xb5: {  	v4 =	vld.idx.msk [tilespmem:v4+s21+$0x0], $0xffff  }
0xb6: {  	v7 =	vld [tilespmem:s11+$0xFFFFFF00]  }
0xb7: {  	v8 =	vld [tilespmem:s11+$0xFFFFFF20]  }
0xb8: {  	v9 =	vld [tilespmem:s11+$0xFFFFFF10]  }
0xb9: {  	v10 =	vld [tilespmem:s11+$0xFFFFFF30];
	_ =	sdelay $0x1  }
0xba: {  	v6 =	vmul.f32 v6, v4;
	v7 =	vmul.f32 v7, v4  }
0xbb: {  	s12 =	sadd.s32 $0x1, s22;
	v5 =	vmul.f32 v5, v4;
	v8 =	vmul.f32 v8, v4  }
0xbc: {  	v2 =	vmul.f32 v2, v4;
	v9 =	vmul.f32 v9, v4;
	[tilespmem:s11+$0xFFFFFF70] =	vst v6;
	v6 =	vmov s12  }
0xbd: {  	v3 =	vmul.f32 v3, v4;
	[tilespmem:s11+$0xFFFFFF00] =	vst v7;
	v7 =	vmul.f32 v10, v4;
	v4 =	vand.u32 $0xFFFFFFFD, v6  }
0xbe: {  	[tilespmem:s11+$0xFFFFFF20] =	vst v8;
	v4 =	vbroadcast v4, $0x0  }
0xbf: {  	[tilespmem:s11+$0xFFFFFF50] =	vst v2  }
0xc0: {  	[tilespmem:s11+$0xFFFFFF40] =	vst v3;
	v2 =	vld [tilespmem:s11+$0xFFFFFFF0]  }
0xc1: {  	[tilespmem:s11+$0xFFFFFF60] =	vst v5;
	v3 =	vld [tilespmem:s11+$0xFFFFFFC0]  }
0xc2: {  	[tilespmem:s11+$0xFFFFFF30] =	vst v7;
	v5 =	vld [tilespmem:s11+$0xFFFFFFD0]  }
0xc3: {  	[tilespmem:s11+$0xFFFFFF10] =	vst v9;
	v6 =	vld [tilespmem:s11+$0xFFFFFF90]  }
0xc4: {  	v4 =	vld.idx.msk [tilespmem:v4+s21+$0x0], $0xffff  }
0xc5: {  	v7 =	vld [tilespmem:s11+$0xFFFFFF80]  }
0xc6: {  	v8 =	vld [tilespmem:s11+$0xFFFFFFA0]  }
0xc7: {  	v9 =	vld [tilespmem:s11+$0xFFFFFFB0]  }
0xc8: {  	v10 =	vld [tilespmem:s11+$0xFFFFFFE0];
	_ =	sdelay $0x1  }
0xc9: {  	v6 =	vmul.f32 v6, v4;
	v7 =	vmul.f32 v7, v4  }
0xca: {  	s12 =	sadd.s32 $0x2, s22;
	v5 =	vmul.f32 v5, v4;
	v8 =	vmul.f32 v8, v4  }
0xcb: {  	v3 =	vmul.f32 v3, v4;
	[tilespmem:s11+$0xFFFFFF90] =	vst v6;
	v6 =	vmul.f32 v9, v4;
	v9 =	vmov s12  }
0xcc: {  	v2 =	vmul.f32 v2, v4;
	[tilespmem:s11+$0xFFFFFFA0] =	vst v8;
	v8 =	vmul.f32 v10, v4;
	v4 =	vand.u32 $0xFFFFFFFE, v9  }
0xcd: {  	[tilespmem:s11+$0xFFFFFF80] =	vst v7;
	v4 =	vbroadcast v4, $0x0  }
0xce: {  	[tilespmem:s11+$0xFFFFFFB0] =	vst v6  }
0xcf: {  	[tilespmem:s11+$0xFFFFFFC0] =	vst v3  }
0xd0: {  	[tilespmem:s11+$0xFFFFFFD0] =	vst v5  }
.Ltmp4:
0xd1: {  	[tilespmem:s11+$0xFFFFFFF0] =	vst v2;
	v3 =	vld [tilespmem:s11+$0x40];
	(pc) =	sbr.rel @p1 .LBB2_4-.Ltmp4, $4  }
0xd2: {  	[tilespmem:s11+$0xFFFFFFE0] =	vst v8;
	v5 =	vld [tilespmem:s11+$0x60]  }
0xd3: {  	v2 =	vld.idx.msk [tilespmem:v4+s21+$0x0], $0xffff  }
0xd4: {  	v6 =	vld [tilespmem:s11+$0x0]  }
0xd5: {  	v4 =	vld [tilespmem:s11+$0x10]  }
0xd6: {  	_ =	sdelay $0x1  }
0xd7: {  	v5 =	vmul.f32 v5, v2  }
0xd8: {  	v7 =	vld [tilespmem:s20+$0x50];
	v3 =	vmul.f32 v3, v2  }
0xd9: {  	v8 =	vld [tilespmem:s20+$0x70];
	v0 =	vmul.f32 v0, v2;
	[tilespmem:s20+$0x60] =	vst v5  }
0xda: {  	v5 =	vmul.f32 v6, v2;
	[tilespmem:s20+$0x40] =	vst v3  }
0xdb: {  	s9 =	sadd.s32 $0x3, s22;
	[tilespmem:s20+$0x20] =	vst v0;
	v0 =	vmul.f32 v1, v2  }
0xdc: {  	v4 =	vmul.f32 v4, v2;
	[tilespmem:s20+$0x0] =	vst v5;
	v5 =	vmov s9  }
0xdd: {  	v3 =	vmul.f32 v7, v2;
	[tilespmem:s20+$0x30] =	vst v0  }
0xde: {  	v2 =	vmul.f32 v8, v2;
	[tilespmem:s20+$0x10] =	vst v4  }
0xdf: {  	[tilespmem:s20+$0x50] =	vst v3  }
0xe0: {  	v1 =	vld [tilespmem:s20+$0x80];
	[tilespmem:s20+$0x70] =	vst v2  }
0xe1: {  	v0 =	vld.idx.msk [tilespmem:v5+s21+$0x0], $0xffff  }
0xe2: {  	v2 =	vld [tilespmem:s20+$0xA0]  }
0xe3: {  	v3 =	vld [tilespmem:s20+$0xC0]  }
0xe4: {  	v4 =	vld [tilespmem:s20+$0xF0]  }
0xe5: {  	v5 =	vld [tilespmem:s20+$0xE0]  }
0xe6: {  	v6 =	vld [tilespmem:s20+$0x90];
	v1 =	vmul.f32 v1, v0  }
0xe7: {  	v7 =	vld [tilespmem:s20+$0xB0];
	v2 =	vmul.f32 v2, v0  }
0xe8: {  	v8 =	vld [tilespmem:s20+$0xD0];
	[tilespmem:s20+$0x80] =	vst v1;
	v1 =	vmul.f32 v3, v0  }
0xe9: {  	[tilespmem:s20+$0xA0] =	vst v2;
	v2 =	vmul.f32 v4, v0  }
0xea: {  	v3 =	vmul.f32 v5, v0;
	[tilespmem:s20+$0xC0] =	vst v1  }
0xeb: {  	v1 =	vmul.f32 v6, v0;
	[tilespmem:s20+$0xF0] =	vst v2  }
0xec: {  	s21 =	simm.s32 $0x0;
	v2 =	vmul.f32 v7, v0;
	[tilespmem:s20+$0xE0] =	vst v3  }
0xed: {  	v0 =	vmul.f32 v8, v0;
	[tilespmem:s20+$0x90] =	vst v1;
	v1 =	vmov s21  }
0xee: {  	[tilespmem:s20+$0xB0] =	vst v2;
	v1 =	vand.u32 $0xFFFFFFFC, v1  }
0xef: {  	s11 =	sadd.s32 $0x15400, s18;
	[tilespmem:s20+$0xD0] =	vst v0;
	v0 =	vbroadcast v1, $0x0  }
0xf0: {  	[spmem:s1] =	stream.indirect.scatter.add.f32 [tilespmem:s30], [sflag:$0x3], $0x80, s11, s29, $0xb8;
	[tilespmem:$0x1FC00] =	vst v63  }
0xf1: {  	_ =	swait.ge [sflag:s3], $0x4000  }
0xf2: {  	[sflag:s3] =	ssyncset.done $0x0  }
0xf3: {  	s20 =	simm.s32 $0x1BD00;
	[sflag:s3] =	ssyncadd.s32 $0xFFFFC000  }
0xf4: {  	s22 =	sadd.s32 $0x16800, s19;
	v1 =	vld [tilespmem:s20+$0xFFFFFF70]  }
0xf5: {  	v0 =	vld.idx.msk [tilespmem:v0+s22+$0x0], $0xffff  }
0xf6: {  	v2 =	vld [tilespmem:s20+$0xFFFFFF00]  }
0xf7: {  	v3 =	vld [tilespmem:s20+$0xFFFFFF20]  }
0xf8: {  	v4 =	vld [tilespmem:s20+$0xFFFFFF50]  }
0xf9: {  	v5 =	vld [tilespmem:s20+$0xFFFFFF40]  }
0xfa: {  	v6 =	vld [tilespmem:s20+$0xFFFFFF60];
	v1 =	vmul.f32 v1, v0  }
0xfb: {  	s12 =	simm.s32 $0x1;
	v7 =	vld [tilespmem:s20+$0xFFFFFF30];
	v2 =	vmul.f32 v2, v0  }
0xfc: {  	v8 =	vld [tilespmem:s20+$0xFFFFFF10];
	v3 =	vmul.f32 v3, v0;
	[tilespmem:s20+$0xFFFFFF70] =	vst v1;
	v1 =	vmov s12  }
0xfd: {  	v4 =	vmul.f32 v4, v0;
	[tilespmem:s20+$0xFFFFFF00] =	vst v2;
	v1 =	vand.u32 $0xFFFFFFFD, v1  }
0xfe: {  	v2 =	vmul.f32 v5, v0;
	[tilespmem:s20+$0xFFFFFF20] =	vst v3;
	v1 =	vbroadcast v1, $0x0  }
0xff: {  	v3 =	vmul.f32 v6, v0;
	[tilespmem:s20+$0xFFFFFF50] =	vst v4  }
0x100: {  	v4 =	vmul.f32 v7, v0;
	[tilespmem:s20+$0xFFFFFF40] =	vst v2  }
0x101: {  	v0 =	vmul.f32 v8, v0;
	[tilespmem:s20+$0xFFFFFF60] =	vst v3  }
0x102: {  	[tilespmem:s20+$0xFFFFFF30] =	vst v4  }
0x103: {  	[tilespmem:s20+$0xFFFFFF10] =	vst v0;
	v0 =	vld [tilespmem:s20+$0xFFFFFF90]  }
0x104: {  	v2 =	vld.idx.msk [tilespmem:v1+s22+$0x0], $0xffff  }
0x105: {  	v1 =	vld [tilespmem:s20+$0xFFFFFFA0]  }
0x106: {  	v3 =	vld [tilespmem:s20+$0xFFFFFF80]  }
0x107: {  	v4 =	vld [tilespmem:s20+$0xFFFFFFB0]  }
0x108: {  	v5 =	vld [tilespmem:s20+$0xFFFFFFC0]  }
0x109: {  	v6 =	vld [tilespmem:s20+$0xFFFFFFD0];
	v0 =	vmul.f32 v0, v2  }
0x10a: {  	s13 =	simm.s32 $0x2;
	v7 =	vld [tilespmem:s20+$0xFFFFFFF0];
	v1 =	vmul.f32 v1, v2  }
0x10b: {  	v8 =	vld [tilespmem:s20+$0xFFFFFFE0];
	v3 =	vmul.f32 v3, v2;
	[tilespmem:s20+$0xFFFFFF90] =	vst v0;
	v0 =	vmov s13  }
0x10c: {  	v4 =	vmul.f32 v4, v2;
	[tilespmem:s20+$0xFFFFFFA0] =	vst v1;
	v0 =	vand.u32 $0xFFFFFFFE, v0  }
0x10d: {  	v1 =	vmul.f32 v5, v2;
	[tilespmem:s20+$0xFFFFFF80] =	vst v3;
	v5 =	vld [tilespmem:s20+$0x60];
	v9 =	vbroadcast v0, $0x0  }
0x10e: {  	v3 =	vmul.f32 v6, v2;
	[tilespmem:s20+$0xFFFFFFB0] =	vst v4;
	v6 =	vld [tilespmem:s20+$0x0]  }
0x10f: {  	v4 =	vmul.f32 v7, v2;
	v0 =	vld [tilespmem:s20+$0x20];
	[tilespmem:s20+$0xFFFFFFC0] =	vst v1  }
0x110: {  	v2 =	vmul.f32 v8, v2;
	v1 =	vld [tilespmem:s20+$0x30];
	[tilespmem:s20+$0xFFFFFFD0] =	vst v3  }
0x111: {  	[tilespmem:s20+$0xFFFFFFF0] =	vst v4;
	v3 =	vld [tilespmem:s20+$0x40]  }
0x112: {  	[tilespmem:s20+$0xFFFFFFE0] =	vst v2;
	v4 =	vld [tilespmem:s20+$0x10]  }
0x113: {  	s9 =	simm.s32 $0x4;
	s11 =	simm.s32 $0x1BD00;
	v2 =	vld.idx.msk [tilespmem:v9+s22+$0x0], $0xffff  }
.LBB2_6:
0x114: {  	p1 =	sne.s32 s9, $0x7C  }
0x115: {  	v7 =	vld [tilespmem:s20+$0x50];
	s11 =	sadd.s32 $0x200, s11;
	s12 =	smov.u32 s9;
	s9 =	sadd.s32 $0x4, s9  }
0x116: {  	v8 =	vld [tilespmem:s20+$0x70];
	_ =	sdelay $0x1  }
0x117: {  	v5 =	vmul.f32 v5, v2;
	v6 =	vmul.f32 v6, v2  }
0x118: {  	v3 =	vmul.f32 v3, v2;
	v4 =	vmul.f32 v4, v2  }
0x119: {  	v0 =	vmul.f32 v0, v2;
	v1 =	vmul.f32 v1, v2;
	[tilespmem:s20+$0x60] =	vst v5  }
0x11a: {  	[tilespmem:s20+$0x40] =	vst v3;
	v3 =	vmul.f32 v7, v2;
	v2 =	vmul.f32 v8, v2  }
0x11b: {  	s13 =	sadd.s32 $0x3, s21;
	s21 =	smov.u32 s12;
	[tilespmem:s20+$0x20] =	vst v0;
	v5 =	vld [tilespmem:s20+$0x80]  }
0x11c: {  	v0 =	vld [tilespmem:s11+$0x20];
	[tilespmem:s20+$0x0] =	vst v6;
	v6 =	vmov s13  }
0x11d: {  	[tilespmem:s20+$0x50] =	vst v3;
	v3 =	vld [tilespmem:s20+$0xE0]  }
0x11e: {  	[tilespmem:s20+$0x30] =	vst v1;
	v7 =	vld [tilespmem:s20+$0xC0]  }
0x11f: {  	v1 =	vld [tilespmem:s11+$0x30];
	[tilespmem:s20+$0x10] =	vst v4  }
0x120: {  	[tilespmem:s20+$0x70] =	vst v2;
	v2 =	vld [tilespmem:s20+$0xA0]  }
0x121: {  	v4 =	vld.idx.msk [tilespmem:v6+s22+$0x0], $0xffff  }
0x122: {  	v6 =	vld [tilespmem:s20+$0x90]  }
0x123: {  	v8 =	vld [tilespmem:s20+$0xB0]  }
0x124: {  	v9 =	vld [tilespmem:s20+$0xD0]  }
0x125: {  	v10 =	vld [tilespmem:s20+$0xF0];
	_ =	sdelay $0x1  }
0x126: {  	v5 =	vmul.f32 v5, v4;
	v6 =	vmul.f32 v6, v4  }
0x127: {  	v2 =	vmul.f32 v2, v4;
	v8 =	vmul.f32 v8, v4  }
0x128: {  	v11 =	vmov s21;
	[tilespmem:s20+$0x80] =	vst v5;
	v5 =	vmul.f32 v7, v4;
	v7 =	vmul.f32 v9, v4  }
0x129: {  	v9 =	vand.u32 $0xFFFFFFFC, v11;
	[tilespmem:s20+$0xA0] =	vst v2;
	v2 =	vmul.f32 v3, v4;
	v3 =	vmul.f32 v10, v4  }
0x12a: {  	v4 =	vbroadcast v9, $0x0;
	[tilespmem:s20+$0xC0] =	vst v5  }
0x12b: {  	[tilespmem:s20+$0xF0] =	vst v3  }
0x12c: {  	v3 =	vld [tilespmem:s11+$0xFFFFFF40];
	[tilespmem:s20+$0xE0] =	vst v2  }
0x12d: {  	v2 =	vld [tilespmem:s11+$0xFFFFFF50];
	[tilespmem:s20+$0x90] =	vst v6  }
0x12e: {  	v5 =	vld [tilespmem:s11+$0xFFFFFF60];
	[tilespmem:s20+$0xB0] =	vst v8  }
0x12f: {  	v6 =	vld [tilespmem:s11+$0xFFFFFF70];
	[tilespmem:s20+$0xD0] =	vst v7;
	s20 =	smov.u32 s11  }
0x130: {  	v4 =	vld.idx.msk [tilespmem:v4+s22+$0x0], $0xffff  }
0x131: {  	v7 =	vld [tilespmem:s11+$0xFFFFFF00]  }
0x132: {  	v8 =	vld [tilespmem:s11+$0xFFFFFF20]  }
0x133: {  	v9 =	vld [tilespmem:s11+$0xFFFFFF10]  }
0x134: {  	v10 =	vld [tilespmem:s11+$0xFFFFFF30];
	_ =	sdelay $0x1  }
0x135: {  	v6 =	vmul.f32 v6, v4;
	v7 =	vmul.f32 v7, v4  }
0x136: {  	s12 =	sadd.s32 $0x1, s21;
	v5 =	vmul.f32 v5, v4;
	v8 =	vmul.f32 v8, v4  }
0x137: {  	v2 =	vmul.f32 v2, v4;
	v9 =	vmul.f32 v9, v4;
	[tilespmem:s11+$0xFFFFFF70] =	vst v6;
	v6 =	vmov s12  }
0x138: {  	v3 =	vmul.f32 v3, v4;
	[tilespmem:s11+$0xFFFFFF00] =	vst v7;
	v7 =	vmul.f32 v10, v4;
	v4 =	vand.u32 $0xFFFFFFFD, v6  }
0x139: {  	[tilespmem:s11+$0xFFFFFF20] =	vst v8;
	v4 =	vbroadcast v4, $0x0  }
0x13a: {  	[tilespmem:s11+$0xFFFFFF50] =	vst v2  }
0x13b: {  	[tilespmem:s11+$0xFFFFFF40] =	vst v3;
	v2 =	vld [tilespmem:s11+$0xFFFFFFF0]  }
0x13c: {  	[tilespmem:s11+$0xFFFFFF60] =	vst v5;
	v3 =	vld [tilespmem:s11+$0xFFFFFFC0]  }
0x13d: {  	[tilespmem:s11+$0xFFFFFF30] =	vst v7;
	v5 =	vld [tilespmem:s11+$0xFFFFFFD0]  }
0x13e: {  	[tilespmem:s11+$0xFFFFFF10] =	vst v9;
	v6 =	vld [tilespmem:s11+$0xFFFFFF90]  }
0x13f: {  	v4 =	vld.idx.msk [tilespmem:v4+s22+$0x0], $0xffff  }
0x140: {  	v7 =	vld [tilespmem:s11+$0xFFFFFF80]  }
0x141: {  	v8 =	vld [tilespmem:s11+$0xFFFFFFA0]  }
0x142: {  	v9 =	vld [tilespmem:s11+$0xFFFFFFB0]  }
0x143: {  	v10 =	vld [tilespmem:s11+$0xFFFFFFE0];
	_ =	sdelay $0x1  }
0x144: {  	v6 =	vmul.f32 v6, v4;
	v7 =	vmul.f32 v7, v4  }
0x145: {  	s12 =	sadd.s32 $0x2, s21;
	v5 =	vmul.f32 v5, v4;
	v8 =	vmul.f32 v8, v4  }
0x146: {  	v3 =	vmul.f32 v3, v4;
	[tilespmem:s11+$0xFFFFFF90] =	vst v6;
	v6 =	vmul.f32 v9, v4;
	v9 =	vmov s12  }
0x147: {  	v2 =	vmul.f32 v2, v4;
	[tilespmem:s11+$0xFFFFFFA0] =	vst v8;
	v8 =	vmul.f32 v10, v4;
	v4 =	vand.u32 $0xFFFFFFFE, v9  }
0x148: {  	[tilespmem:s11+$0xFFFFFF80] =	vst v7;
	v4 =	vbroadcast v4, $0x0  }
0x149: {  	[tilespmem:s11+$0xFFFFFFB0] =	vst v6  }
0x14a: {  	[tilespmem:s11+$0xFFFFFFC0] =	vst v3  }
0x14b: {  	[tilespmem:s11+$0xFFFFFFD0] =	vst v5  }
.Ltmp5:
0x14c: {  	[tilespmem:s11+$0xFFFFFFF0] =	vst v2;
	v3 =	vld [tilespmem:s11+$0x40];
	(pc) =	sbr.rel @p1 .LBB2_6-.Ltmp5, $4  }
0x14d: {  	[tilespmem:s11+$0xFFFFFFE0] =	vst v8;
	v5 =	vld [tilespmem:s11+$0x60]  }
0x14e: {  	v2 =	vld.idx.msk [tilespmem:v4+s22+$0x0], $0xffff  }
0x14f: {  	v6 =	vld [tilespmem:s11+$0x0]  }
0x150: {  	v4 =	vld [tilespmem:s11+$0x10]  }
0x151: {  	_ =	sdelay $0x1  }
0x152: {  	v5 =	vmul.f32 v5, v2  }
0x153: {  	v7 =	vld [tilespmem:s20+$0x50];
	v3 =	vmul.f32 v3, v2  }
0x154: {  	v8 =	vld [tilespmem:s20+$0x70];
	v0 =	vmul.f32 v0, v2;
	[tilespmem:s20+$0x60] =	vst v5  }
0x155: {  	v48 =	vmul.f32 v1, v2;
	[tilespmem:s20+$0x40] =	vst v3  }
0x156: {  	s9 =	sadd.s32 $0x3, s21;
	v46 =	vmul.f32 v6, v2;
	[tilespmem:s20+$0x20] =	vst v0  }
0x157: {  	v50 =	vmov s9;
	v4 =	vmul.f32 v4, v2;
	[tilespmem:s20+$0x30] =	vst v48  }
0x158: {  	v47 =	vmul.f32 v7, v2;
	[tilespmem:s20+$0x0] =	vst v46  }
0x159: {  	v51 =	vmul.f32 v8, v2;
	[tilespmem:s20+$0x10] =	vst v4  }
0x15a: {  	[tilespmem:s20+$0x50] =	vst v47  }
0x15b: {  	v49 =	vld [tilespmem:s20+$0x80];
	[tilespmem:s20+$0x70] =	vst v51  }
0x15c: {  	v0 =	vld.idx.msk [tilespmem:v50+s22+$0x0], $0xffff  }
0x15d: {  	v52 =	vld [tilespmem:s20+$0xA0]  }
0x15e: {  	v53 =	vld [tilespmem:s20+$0xC0]  }
0x15f: {  	v54 =	vld [tilespmem:s20+$0xF0]  }
0x160: {  	v55 =	vld [tilespmem:s20+$0xE0]  }
0x161: {  	v56 =	vld [tilespmem:s20+$0x90];
	v1 =	vmul.f32 v49, v0  }
0x162: {  	v57 =	vld [tilespmem:s20+$0xB0];
	v2 =	vmul.f32 v52, v0  }
0x163: {  	v58 =	vld [tilespmem:s20+$0xD0];
	v59 =	vmul.f32 v53, v0;
	[tilespmem:s20+$0x80] =	vst v1  }
0x164: {  	v60 =	vmul.f32 v54, v0;
	[tilespmem:s20+$0xA0] =	vst v2  }
0x165: {  	v61 =	vmul.f32 v55, v0;
	[tilespmem:s20+$0xC0] =	vst v59  }
0x166: {  	v62 =	vmul.f32 v56, v0;
	[tilespmem:s20+$0xF0] =	vst v60  }
0x167: {  	v63 =	vmul.f32 v57, v0;
	[tilespmem:s20+$0xE0] =	vst v61  }
0x168: {  	p1 =	seq.s32 s17, $0x13;
	v0 =	vmul.f32 v58, v0;
	[tilespmem:s20+$0x90] =	vst v62  }
.Ltmp6:
0x169: {  	[tilespmem:s20+$0xB0] =	vst v63;
	(pc) =	sbr.rel @p1 .LBB2_9-.Ltmp6, $4  }
0x16a: {  	[tilespmem:s20+$0xD0] =	vst v0  }
0x16b: {  	_ =	swait.ge [sflag:s23], $0x4000  }
0x16c: {  	[sflag:s23] =	ssyncset.done $0x0  }
0x16d: {  	s9 =	sadd.s32 $0x15400, s19;
	[sflag:s23] =	ssyncadd.s32 $0xFFFFC000  }
.Ltmp7:
0x16e: {  	(pc) =	sbr.rel .LBB2_3-.Ltmp7, $4  }
0x16f: {  	s11 =	sadd.s32 $0x14100, s18  }
0x170: {  	[tilespmem:s30], [sflag:$0x1] =	stream.indirect.gather [hbm4b:s4+s29], $0x80, s11, s29, $0xb8;
	[tilespmem:$0x1FC00] =	vst v63  }
0x171: {  	s17 =	sadd.s32 $0x1, s17  }
0x172: {  	[spmem:s1] =	stream.indirect.scatter.add.f32 [tilespmem:s31], [sflag:$0x4], $0x80, s9, s29, $0xb8;
	[tilespmem:$0x1FC00] =	vst v63  }
.LBB2_11:
0x173: {  	_ =	sfence.sel $0x180000  }
0x174: {  	[bflag:$0x0] =	sbarrier.arrive $0xFFFF  }
0x175: {  	_ =	strace $0x9000004A  }
0x176: {  	s0 =	stileid.u32;
	[bflag:$0x2] =	sbarrier.arrive $0xFFFF  }
0x177: {  	p0 =	sne.s32 s0, $0x0;
	s0 =	rddreg [dreg:$0x2]  }
0x178: {  	s0 =	sadd.s32 @!p0 $0x100000, s0  }
0x179: {  	[sflag:s0] =	ssyncadd.tile.s32 @!p0 $0x1;
	_ =	shalt  }
.Lfunc_end2:
_tile_overlayer_lowered:
.L_overlay_start_2:
0x17a: {  	(tag) =	ssettag $0x2  }
0x17b: {  	s0 =	rddreg [dreg:$0x0];
	s2 =	stileid.u32  }
0x17c: {  	s1 =	rddreg [dreg:$0x1];
	p0 =	sne.s32 s2, $0x0  }
0x17d: {  	s3 =	rddreg [dreg:$0x2];
	[bflag:$0x3] =	sbarrier.arrive $0xFFFF;
	s2 =	simm.s32 @!p0 $0x1C05  }
0x17e: {  	[timem:s3], [sflag:s2] =	dma.local @!p0 [hbm:s0], s1  }
0x17f: {  	s0 =	simm.s32 @!p0 $0x5  }
0x180: {  	_ =	swait.ge @!p0 [sflag:s0], s1  }
0x181: {  	s1 =	ssub.s32 @!p0 $0x0, s1;
	[sflag:s0] =	ssyncset.done @!p0 $0x0  }
0x182: {  	[sflag:s0] =	ssyncadd.s32 @!p0 s1  }
0x183: {  	[bflag:$0x3] =	sbarrier.arrive $0xFFFF  }
0x184: {  	_ =	shalt  }

// kernel: kernel.16.cloned.1.call-start
scs
__scs_entry_jumppad:
0x0: {  	(pc) =	sbr.rel $0x88, $3  }
0x1: {  	(tag) =	ssettag $0x0;
	lr =	simm.s32 $0x1  }
0x2: {  	[smem:$0x3F98] =	sst lr;
	_ =	strace $0xD0000000  }
0x3: {  	_ = 	snop  }
0x4: {  	_ = 	snop  }
0x5: {  	_ = 	snop  }
0x6: {  	_ = 	snop  }
0x7: {  	_ = 	snop  }
__scs_overlays_trampoline_lowered:
0x8: {  	[smem:$0x3FA7] =	sst s0  }
0x9: {  	[smem:$0x3FA8] =	sst s1  }
0xa: {  	[smem:$0x3FA9] =	sst s2  }
0xb: {  	[smem:$0x3FAA] =	sst s3  }
0xc: {  	[smem:$0x3FAB] =	sst s4  }
0xd: {  	[smem:$0x3FAC] =	sst s5  }
0xe: {  	[smem:$0x3FAD] =	sst s6  }
0xf: {  	[smem:$0x3FAE] =	sst s7  }
0x10: {  	[smem:$0x3FAF] =	sst s8  }
0x11: {  	[smem:$0x3FB0] =	sst s9;
	s0 =	simm.s32 @!p0 $0x0  }
0x12: {  	s1 =	sld [smem:$0x3F96];
	s0 =	simm.s32 @p0 $0x1  }
0x13: {  	[smem:$0x3FB1] =	sst s0;
	s0 =	simm.s32 @!p1 $0x0  }
0x14: {  	s2 =	sld [smem:$0x3F95];
	s0 =	simm.s32 @p1 $0x1  }
0x15: {  	[smem:$0x3FB2] =	sst s0;
	s0 =	simm.s32 @!p2 $0x0  }
0x16: {  	s3 =	sld [smem:$0x3FDB];
	s0 =	simm.s32 @p2 $0x1  }
0x17: {  	s4 =	simm.s32 $0x1BF5;
	[smem:$0x3FB4] =	sst s0  }
0x18: {  	s0 =	sld [smem:$0x3F97];
	_ =	swait.ge [sflag:s4], $0x0  }
0x19: {  	s7 =	sld [smem:$0x3F98]  }
0x1a: {  	s8 =	sadd.s32 $0xFFFFE003, lr  }
0x1b: {  	s9 =	sadd.s32 $0xFFFFFEF7, lr;
	s5 =	simm.s32 $0xFFFFFFFF;
	p2 =	slt.u32 s8, $0xFFFFF086  }
0x1c: {  	p1 =	slt.u32 s9, $0xF7A;
	s5 =	simm.s32 @!p2 $0x0  }
0x1d: {  	s5 =	simm.s32 @p1 $0x1;
	p0 =	seq.s32 s7, s2  }
0x1e: {  	s7 =	smul.u32 @!p0 $0xF7A, s2;
	p2 =	seq.s32 @!p0 s5, $0x0  }
0x1f: {  	s9 =	smul.u32 $0xF7A, s1;
	s8 =	simm.s32 @!p0 $0x1BF5;
	p2 =	por !p2, p0  }
0x20: {  	[sflag:s8] =	ssyncset.s32 @!p0 $0xFFFFF086;
	s6 =	sadd.s32 @!p0 s3, s7;
	s7 =	simm.s32 @!p0 $0x108  }
0x21: {  	s3 =	sadd.s32 s3, s9;
	s6 =	sadd.s32 @!p0 $0x88, s6;
	s7 =	simm.s32 @p2 $0x1082  }
0x22: {  	[simem:s7], [sflag:s8] =	dma.local @!p0 [hbm:s6], $0xF7A  }
0x23: {  	s9 =	sor.u32 $0xD0000000, s2;
	s6 =	simm.s32 $0x108;
	_ =	swait.ge @!p0 [sflag:s8], $0x0  }
0x24: {  	s3 =	sadd.s32 $0x88, s3;
	s6 =	simm.s32 @!p1 $0x1082;
	[sflag:s4] =	ssyncset.s32 $0xFFFFF086  }
0x25: {  	[simem:s6], [sflag:s4] =	dma.local [hbm:s3], $0xF7A  }
0x26: {  	[smem:$0x3F98] =	sst s1;
	(tag) =	ssettag s2;
	_ =	strace s9  }
0x27: {  	s1 =	sld [smem:$0x3FA8]  }
0x28: {  	s2 =	sld [smem:$0x3FA9]  }
0x29: {  	s4 =	sld [smem:$0x3FAB]  }
0x2a: {  	p0 =	seq.s32 s5, $0x0;
	s5 =	sld [smem:$0x3FAC]  }
0x2b: {  	s6 =	sld [smem:$0x3FAD]  }
0x2c: {  	s7 =	sld [smem:$0x3FAE]  }
0x2d: {  	s3 =	simm.s32 $0x108;
	s8 =	sld [smem:$0x3FAF]  }
0x2e: {  	s3 =	simm.s32 @!p0 $0x1082;
	s9 =	sld [smem:$0x3FB0]  }
0x2f: {  	lr =	sadd.s32 s0, s3;
	s0 =	sld [smem:$0x3FA7]  }
0x30: {  	s3 =	sld [smem:$0x3FAA]  }
0x31: {  	[smem:$0x3FB3] =	sst s10  }
0x32: {  	s10 =	sld [smem:$0x3FB1];
	_ =	sdelay $0x3  }
0x33: {  	p0 =	seq.s32 s10, $0x1;
	s10 =	sld [smem:$0x3FB3];
	_ =	sdelay $0x3  }
0x34: {  	[smem:$0x3FB3] =	sst s10  }
0x35: {  	s10 =	sld [smem:$0x3FB2];
	_ =	sdelay $0x3  }
0x36: {  	p1 =	seq.s32 s10, $0x1;
	s10 =	sld [smem:$0x3FB3];
	_ =	sdelay $0x3  }
0x37: {  	[smem:$0x3FB3] =	sst s10  }
0x38: {  	s10 =	sld [smem:$0x3FB4]  }
0x39: {  	_ = 	snop;
	(pc) =	sbr.ind lr, $3  }
0x3a: {  	_ = 	snop  }
0x3b: {  	_ = 	snop  }
0x3c: {  	p2 =	seq.s32 s10, $0x1;
	s10 =	sld [smem:$0x3FB3]  }
0x3d: {  	_ =	shalt  }
0x3e: {  	_ =	shalt  }
0x3f: {  	_ =	shalt  }
0x40: {  	_ =	shalt  }
0x41: {  	_ =	shalt  }
0x42: {  	_ =	shalt  }
0x43: {  	_ =	shalt  }
0x44: {  	_ =	shalt  }
0x45: {  	_ =	shalt  }
0x46: {  	_ =	shalt  }
0x47: {  	_ =	shalt  }
0x48: {  	_ =	shalt  }
0x49: {  	_ =	shalt  }
0x4a: {  	_ =	shalt  }
0x4b: {  	_ =	shalt  }
0x4c: {  	_ =	shalt  }
0x4d: {  	_ =	shalt  }
0x4e: {  	_ =	shalt  }
0x4f: {  	_ =	shalt  }
0x50: {  	_ =	shalt  }
0x51: {  	_ =	shalt  }
0x52: {  	_ =	shalt  }
0x53: {  	_ =	shalt  }
0x54: {  	_ =	shalt  }
0x55: {  	_ =	shalt  }
0x56: {  	_ =	shalt  }
0x57: {  	_ =	shalt  }
0x58: {  	_ =	shalt  }
0x59: {  	_ =	shalt  }
0x5a: {  	_ =	shalt  }
0x5b: {  	_ =	shalt  }
0x5c: {  	_ =	shalt  }
0x5d: {  	_ =	shalt  }
0x5e: {  	_ =	shalt  }
0x5f: {  	_ =	shalt  }
0x60: {  	_ =	shalt  }
0x61: {  	_ =	shalt  }
0x62: {  	_ =	shalt  }
0x63: {  	_ =	shalt  }
0x64: {  	_ =	shalt  }
0x65: {  	_ =	shalt  }
0x66: {  	_ =	shalt  }
0x67: {  	_ =	shalt  }
0x68: {  	_ =	shalt  }
0x69: {  	_ =	shalt  }
0x6a: {  	_ =	shalt  }
0x6b: {  	_ =	shalt  }
0x6c: {  	_ =	shalt  }
0x6d: {  	_ =	shalt  }
0x6e: {  	_ =	shalt  }
0x6f: {  	_ =	shalt  }
0x70: {  	_ =	shalt  }
0x71: {  	_ =	shalt  }
0x72: {  	_ =	shalt  }
0x73: {  	_ =	shalt  }
0x74: {  	_ =	shalt  }
0x75: {  	_ =	shalt  }
0x76: {  	_ =	shalt  }
0x77: {  	_ =	shalt  }
0x78: {  	_ =	shalt  }
0x79: {  	_ =	shalt  }
0x7a: {  	_ =	shalt  }
0x7b: {  	_ =	shalt  }
0x7c: {  	_ =	shalt  }
0x7d: {  	_ =	shalt  }
0x7e: {  	_ =	shalt  }
0x7f: {  	_ =	shalt  }
0x80: {  	_ =	shalt  }
0x81: {  	_ =	shalt  }
0x82: {  	_ =	shalt  }
0x83: {  	_ =	shalt  }
0x84: {  	_ =	shalt  }
0x85: {  	_ =	shalt  }
0x86: {  	_ =	shalt  }
0x87: {  	_ =	shalt  }
.Lfunc_end0:
.L_simem_size_0:
called_computation.2_lowered:
.L_overlay_start_0:
0x88: {  	s2 =	sld [smem:$0x3FD9]  }
0x89: {  	s3 =	sld [smem:$0x3FFE];
	_ =	sdelay $0x1  }
0x8a: {  	s1 =	srdreg.scid  }
0x8b: {  	s0 =	sand.u32 $0x1, s1  }
0x8c: {  	s16 =	sshll.u32 s0, $0xA;
	s2 =	sadd.s32 s3, s2  }
0x8d: {  	s2 =	sadd.s32 s2, s16  }
0x8e: {  	[smem:$0x3FBF] =	sst s2  }
0x8f: {  	_ = 	snop  }
0x90: {  	(tm) =	ssettm $0x1  }
0x91: {  	s17 =	sld [smem:$0x3FFB];
	_ =	sdelay $0x3  }
0x92: {  	_ =	strace s17  }
0x93: {  	s2 =	sld [smem:$0x3FFC];
	_ =	sdelay $0x3  }
0x94: {  	_ =	strace s2  }
0x95: {  	s2 =	sld [smem:$0x3FFD];
	_ =	sdelay $0x3  }
0x96: {  	_ =	strace s2  }
0x97: {  	_ =	strace $0x8FFFFFFF  }
0x98: {  	s18 =	sld [smem:$0x3FDB];
	_ =	sdelay $0x1  }
0x99: {  	s19 =	simm.s32 $_scs_section_size  }
0x9a: {  	s4 =	simm.s32 $_size__tile_overlayer_lowered;
	s5 =	simm.s32 $_tile_overlayer_lowered  }
0x9b: {  	s22 =	simm.s32 $0x1BFF;
	s21 =	sshll.u32 s5, $0x1;
	s2 =	sadd.s32 s19, s18  }
0x9c: {  	s6 =	simm.s32 $0x0;
	s20 =	sshll.u32 s4, $0x1;
	s4 =	sadd.s32 s21, s2  }
0x9d: {  	[timem:s6], [sflag:s22] =	dma.local [hbm:s4], s20  }
0x9e: {  	_ =	swait.ge [sflag:s22], s20  }
0x9f: {  	s3 =	ssub.s32 $0x0, s20;
	[sflag:s22] =	ssyncset.done $0x0  }
0xa0: {  	[sflag:s22] =	ssyncadd.s32 s3;
	_ =	sdelay $0x1  }
0xa1: {  	s23 =	simm.s32 $0x1B8B  }
0xa2: {  	_ =	swait.ge [sflag:s23], $0x1  }
0xa3: {  	[sflag:s23] =	ssyncset.done $0x0  }
0xa4: {  	s25 =	simm.s32 $0x1B8E;
	s24 =	sld [smem:$0x3FFE];
	[sflag:s23] =	ssyncadd.s32 $0xFFFFFFFF  }
0xa5: {  	s26 =	simm.s32 $execute0_lowered;
	[smem:$0x3FD2] =	sst s25  }
0xa6: {  	s4 =	sshll.u32 s26, $0x1;
	_ =	strace $0x8000004C;
	[dreg:$0x1] =	wrdreg $0xFFFFFFFF  }
0xa7: {  	s28 =	simm.s32 $_size_execute0_lowered;
	s2 =	sadd.s32 s2, s4;
	[dreg:$0x0] =	wrdreg $0x0  }
0xa8: {  	s4 =	sshll.u32 s28, $0x1;
	[dreg:$0x2] =	wrdreg s2  }
0xa9: {  	[dreg:$0x3] =	wrdreg s4  }
0xaa: {  	[dreg:$0x4] =	wrdreg $0xC0  }
0xab: {  	_ =	task [dreg:s6], $0x5FFFF  }
0xac: {  	[dreg:$0x1] =	wrdreg $0xFFFFFFFF  }
0xad: {  	[dreg:$0x0] =	wrdreg $0x60  }
0xae: {  	[dreg:$0x2] =	wrdreg s24  }
0xaf: {  	[dreg:$0x3] =	wrdreg $0x0  }
0xb0: {  	[dreg:$0x4] =	wrdreg $0x9  }
0xb1: {  	_ =	task.clear_ibuf [dreg:s6], $0x5FFFF;
	_ =	strace $0x9000004C  }
0xb2: {  	s29 =	simm.s32 $0x9;
	_ =	strace $0x8000004E  }
0xb3: {  	_ =	swait.ge [sflag:s29], $0x1  }
0xb4: {  	[sflag:s29] =	ssyncadd.s32 $0xFFFFFFFF  }
0xb5: {  	_ =	strace $0x9000004E  }
0xb6: {  	_ =	sfence  }
0xb7: {  	s30 =	sld [smem:$0x0];
	_ =	sdelay $0x2  }
0xb8: {  	s31 =	sshll.u32 s1, $0xD;
	s1 =	sshrl.u32 s1, $0x2  }
0xb9: {  	s3 =	sand.u32 $0x4000, s31;
	s1 =	sadd.s32 s1, s30  }
0xba: {  	s0 =	sor.u32 s3, s0;
	s1 =	sshll.u32 s1, $0x11  }
0xbb: {  	s0 =	sor.u32 s1, s0  }
0xbc: {  	s0 =	sadd.s32 $0x8F2B, s0  }
0xbd: {  	[sflag:s0] =	ssyncadd.remote.s32 $0x1  }
0xbe: {  	_ =	sfence.sel $0xFFFF  }
0xbf: {  	[dreg:$0x0] =	wrdreg $0xFFFFFFFF;
	(pc) =	sbr.abs _section_cstart, $3  }
0xc0: {  	[dreg:$0x1] =	wrdreg $0xFFFFFFFF  }
0xc1: {  	_ =	task.clear_ibuf [dreg:s6], $0x2FFFF;
	_ =	strace $0x9FFFFFFF  }
0xc2: {  	(tm) =	ssettm $0x7FFFFFFF  }
0xc3: {  	_ =	shalt  }
tec
execute0_lowered:
.L_overlay_start_1:
0x0: {  	(tag) =	ssettag $0x1  }
0x1: {  	s0 =	rddreg [dreg:$0x0]  }
0x2: {  	s1 =	rddreg [dreg:$0x1];
	s2 =	simm.s32 $0x0  }
0x3: {  	s3 =	srdreg.scid;
	s15 =	stileid.u32;
	s28 =	simm.s32 $0x16800  }
0x4: {  	s29 =	simm.s32 $0x80;
	s30 =	simm.s32 $0x17C00;
	s9 =	smul.u32 $0x50000, s15  }
0x5: {  	s31 =	simm.s32 $0x1BC00;
	[smem:$0x7FF] =	sst s2;
	s12 =	smul.u32 $0x14000, s15  }
0x6: {  	s3 =	sand.u32 $0x1, s3;
	s4 =	sadd.s32 $0x21200, s0;
	s14 =	smul.u32 $0x28, s15  }
0x7: {  	s5 =	sadd.s32 $0xD200, s0;
	s6 =	sadd.s32 $0x17200, s0;
	s18 =	smul.u32 $0x78, s15  }
0x8: {  	s7 =	sadd.s32 $0x3200, s0;
	s20 =	sshll.u32 s15, $0x6;
	s8 =	smul.u32 $0x14000, s3  }
0x9: {  	_ =	strace $0x8000004D;
	s10 =	ssub.s32 $0x2, s3;
	s25 =	smul.u32 $0x140000, s3  }
0xa: {  	p0 =	seq.s32 s3, $0x0;
	s11 =	sshrl.u32 s10, $0x1;
	s9 =	sshrl.u32 s9, $0x2  }
0xb: {  	s22 =	sadd.s32 $0x5000, s12;
	s23 =	sadd.s32 $0xA000, s12;
	s26 =	sadd.s32 $0xF000, s12  }
0xc: {  	s15 =	sadd.s32 $0x780, s14;
	s8 =	sshrl.u32 s8, $0x3;
	s9 =	sadd.s32 s9, s1  }
0xd: {  	s11 =	ssub.s32 s10, s11;
	s13 =	sadd.s32 s22, s1;
	[dreg:$0x3] =	wrdreg s9  }
0xe: {  	s10 =	sor.u32 $0x1C03, s20;
	s24 =	sadd.s32 s23, s1;
	[dreg:$0x5] =	wrdreg s13  }
0xf: {  	s19 =	sadd.s32 s26, s1;
	s8 =	sadd.s32 s8, s0;
	[dreg:$0x7] =	wrdreg s24  }
0x10: {  	s12 =	sadd.s32 s12, s25;
	[dreg:$0x9] =	wrdreg s19;
	s21 =	sadd.s32 $0x49200, s8  }
0x11: {  	s15 =	smov.u32 @p0 s18;
	s16 =	sadd.s32 $0x49C00, s8;
	[dreg:$0x4] =	wrdreg s21  }
0x12: {  	s0 =	sadd.s32 $0x4E200, s0;
	s17 =	sadd.s32 $0x4A600, s8;
	[dreg:$0x6] =	wrdreg s16  }
0x13: {  	s12 =	sshrl.u32 s12, $0x3;
	s8 =	sadd.s32 $0x4B000, s8;
	[dreg:$0x8] =	wrdreg s17  }
0x14: {  	p0 =	sne.s32 s3, $0x0;
	s20 =	sadd.s32 s0, s12;
	[dreg:$0xa] =	wrdreg s8  }
0x15: {  	s3 =	simm.s32 $0x2;
	[dreg:$0xb] =	wrdreg s20;
	s21 =	sadd.s32 s25, s22  }
0x16: {  	s22 =	sadd.s32 s25, s23;
	s23 =	sadd.s32 s25, s26;
	s26 =	smax.u32 s11, $0x1  }
0x17: {  	s16 =	simm.s32 $0x0;
	s8 =	sshrl.u32 s21, $0x3;
	s24 =	sshrl.u32 s22, $0x3  }
.Ltmp0:
0x18: {  	s25 =	sshrl.u32 s23, $0x3;
	[dreg:$0xf] =	wrdreg s26;
	(pc) =	sbr.rel .LBB2_1-.Ltmp0, $4  }
0x19: {  	s23 =	simm.s32 $0x3;
	s26 =	simm.s32 $0x15400;
	s8 =	sadd.s32 s0, s8  }
0x1a: {  	[dreg:$0xc] =	wrdreg s8;
	s8 =	sadd.s32 s0, s24;
	s0 =	sadd.s32 s0, s25  }
0x1b: {  	s24 =	simm.s32 $0x14000;
	s25 =	simm.s32 $0x5;
	[dreg:$0xd] =	wrdreg s8  }
0x1c: {  	[dreg:$0xe] =	wrdreg s0;
	s0 =	simm.s32 $0x1;
	s8 =	simm.s32 $0x4  }
.LBB2_10:
0x1d: {  	[bflag:$0x0] =	sbarrier.arrive $0xFFFF  }
0x1e: {  	s9 =	rddreg [dreg:$0xb]  }
0x1f: {  	s11 =	rddreg [dreg:$0x10]  }
0x20: {  	[hbm:s9], [sflag:s10] =	dma.local [spmem:s11], $0xA00  }
0x21: {  	s9 =	rddreg [dreg:$0xc]  }
0x22: {  	s11 =	rddreg [dreg:$0x11]  }
0x23: {  	[hbm:s9], [sflag:s10] =	dma.local [spmem:s11], $0xA00  }
0x24: {  	s9 =	rddreg [dreg:$0xd]  }
0x25: {  	s11 =	rddreg [dreg:$0x12]  }
0x26: {  	[hbm:s9], [sflag:s10] =	dma.local [spmem:s11], $0xA00  }
0x27: {  	s9 =	rddreg [dreg:$0xe]  }
0x28: {  	s11 =	rddreg [dreg:$0x13]  }
0x29: {  	[hbm:s9], [sflag:s10] =	dma.local [spmem:s11], $0xA00  }
0x2a: {  	_ =	swait.ge [sflag:s23], $0xA00  }
0x2b: {  	[sflag:s23] =	ssyncset.done $0x0  }
0x2c: {  	[sflag:s23] =	ssyncadd.s32 $0xFFFFF600  }
0x2d: {  	_ =	swait.ge [sflag:s23], $0xA00  }
0x2e: {  	[sflag:s23] =	ssyncset.done $0x0  }
0x2f: {  	[sflag:s23] =	ssyncadd.s32 $0xFFFFF600  }
0x30: {  	_ =	swait.ge [sflag:s23], $0xA00  }
0x31: {  	[sflag:s23] =	ssyncset.done $0x0  }
0x32: {  	[sflag:s23] =	ssyncadd.s32 $0xFFFFF600  }
0x33: {  	_ =	swait.ge [sflag:s23], $0xA00  }
0x34: {  	s2 =	sadd.s32 $0x1, s2;
	s22 =	rddreg [dreg:$0xf]  }
0x35: {  	p1 =	sne.s32 s2, s22  }
.Ltmp1:
0x36: {  	_ = 	snop;
	(pc) =	sbr.rel @!p1 .LBB2_11-.Ltmp1, $3  }
0x37: {  	_ =	sdelay $0x1  }
0x38: {  	[sflag:s23] =	ssyncset.done $0x0  }
0x39: {  	[sflag:s23] =	ssyncadd.s32 $0xFFFFF600  }
.LBB2_1:
0x3a: {  	s9 =	rddreg [dreg:$0x3]  }
0x3b: {  	s14 =	rddreg [dreg:$0x4];
	s11 =	sshrl.u32 s9, $0x3  }
0x3c: {  	[dreg:$0x10] =	wrdreg s11  }
0x3d: {  	[spmem:s11], [sflag:s10] =	dma.local [hbm:s14], $0xA00  }
0x3e: {  	s9 =	rddreg [dreg:$0x5]  }
0x3f: {  	s18 =	rddreg [dreg:$0x6];
	s17 =	sshrl.u32 s9, $0x3  }
0x40: {  	[dreg:$0x11] =	wrdreg s17  }
0x41: {  	[spmem:s17], [sflag:s10] =	dma.local [hbm:s18], $0xA00  }
0x42: {  	s9 =	rddreg [dreg:$0x7]  }
0x43: {  	s20 =	rddreg [dreg:$0x8];
	s19 =	sshrl.u32 s9, $0x3  }
0x44: {  	[dreg:$0x12] =	wrdreg s19  }
0x45: {  	[spmem:s19], [sflag:s10] =	dma.local [hbm:s20], $0xA00  }
0x46: {  	s9 =	rddreg [dreg:$0x9]  }
0x47: {  	s22 =	rddreg [dreg:$0xa];
	s21 =	sshrl.u32 s9, $0x3  }
0x48: {  	[dreg:$0x13] =	wrdreg s21  }
0x49: {  	[spmem:s21], [sflag:s10] =	dma.local [hbm:s22], $0xA00  }
0x4a: {  	_ =	swait.ge [sflag:s23], $0xA00  }
0x4b: {  	[sflag:s23] =	ssyncset.done $0x0  }
0x4c: {  	[sflag:s23] =	ssyncadd.s32 $0xFFFFF600  }
0x4d: {  	_ =	swait.ge [sflag:s23], $0xA00  }
0x4e: {  	[sflag:s23] =	ssyncset.done $0x0  }
0x4f: {  	[sflag:s23] =	ssyncadd.s32 $0xFFFFF600  }
0x50: {  	_ =	swait.ge [sflag:s23], $0xA00  }
0x51: {  	[sflag:s23] =	ssyncset.done $0x0  }
0x52: {  	[sflag:s23] =	ssyncadd.s32 $0xFFFFF600  }
.Ltmp2:
0x53: {  	_ =	swait.ge [sflag:s23], $0xA00;
	(pc) =	sbr.rel .LBB2_2-.Ltmp2, $4  }
0x54: {  	[sflag:s23] =	ssyncset.done $0x0  }
0x55: {  	[sflag:s23] =	ssyncadd.s32 $0xFFFFF600  }
0x56: {  	[bflag:$0x0] =	sbarrier.arrive $0xFFFF  }
0x57: {  	s14 =	simm.s32 $0x0  }
.LBB2_9:
0x58: {  	p1 =	slt.u32 @!p0 s14, $0x2  }
0x59: {  	p1 =	por p0, !p1  }
.Ltmp3:
0x5a: {  	_ = 	snop;
	(pc) =	sbr.rel @p1 .LBB2_10-.Ltmp3, $4  }
0x5b: {  	[spmem:s1] =	stream.indirect.scatter.add.f32 [tilespmem:s31], [sflag:$0x4], $0x80, s9, s29, $0xb8;
	[tilespmem:$0x1FC00] =	vst v63  }
0x5c: {  	_ =	swait.ge [sflag:s8], $0x4000  }
0x5d: {  	[sflag:s8] =	ssyncset.done $0x0  }
0x5e: {  	s14 =	sadd.s32 $0x1, s14;
	[sflag:s8] =	ssyncadd.s32 $0xFFFFC000  }
.LBB2_2:
0x5f: {  	s9 =	smul.u32 $0x28, s14;
	_ =	sdelay $0x1  }
0x60: {  	s9 =	sadd.s32 s15, s9  }
0x61: {  	s9 =	sshll.u32 s9, $0x4  }
0x62: {  	s11 =	sadd.s32 s5, s9  }
0x63: {  	[tilespmem:s24], [sflag:$0x5] =	stream.linear.gather [hbm4b:s11+s16], $0x1400, $0x38;
	[tilespmem:$0x1FC00] =	vst v63  }
0x64: {  	_ =	swait.ge [sflag:s25], $0x1400  }
0x65: {  	[sflag:s25] =	ssyncset.done $0x0  }
0x66: {  	s22 =	sadd.s32 s6, s9;
	[sflag:s25] =	ssyncadd.s32 $0xFFFFEC00  }
0x67: {  	[tilespmem:s26], [sflag:$0x5] =	stream.linear.gather [hbm4b:s22+s16], $0x1400, $0x38;
	[tilespmem:$0x1FC00] =	vst v63  }
0x68: {  	_ =	swait.ge [sflag:s25], $0x1400  }
0x69: {  	[sflag:s25] =	ssyncset.done $0x0  }
0x6a: {  	s9 =	sadd.s32 s7, s9;
	[sflag:s25] =	ssyncadd.s32 $0xFFFFEC00  }
0x6b: {  	[tilespmem:s28], [sflag:$0x5] =	stream.linear.gather [hbm4b:s9+s16], $0x1400, $0x38;
	[tilespmem:$0x1FC00] =	vst v63  }
0x6c: {  	_ =	swait.ge [sflag:s25], $0x1400  }
0x6d: {  	[sflag:s25] =	ssyncset.done $0x0  }
0x6e: {  	s17 =	simm.s32 $0x0;
	[sflag:s25] =	ssyncadd.s32 $0xFFFFEC00  }
0x6f: {  	[tilespmem:s30], [sflag:$0x1] =	stream.indirect.gather [hbm4b:s4+s29], $0x80, s24, s29, $0xb8;
	[tilespmem:$0x1FC00] =	vst v63  }
.LBB2_3:
0x70: {  	p1 =	seq.s32 s17, $0x0  }
0x71: {  	v0 =	vmov s16;
	s9 =	simm.s32 @!p1 $0x4  }
0x72: {  	v0 =	vand.u32 $0xFFFFFFFC, v0;
	_ =	swait.ge @!p1 [sflag:s9], $0x4000  }
0x73: {  	s11 =	sshll.u32 s17, $0x8;
	v0 =	vbroadcast v0, $0x0;
	[sflag:s9] =	ssyncset.done @!p1 $0x0  }
0x74: {  	s18 =	sadd.s32 $0x14080, s11;
	[sflag:s9] =	ssyncadd.s32 @!p1 $0xFFFFC000  }
0x75: {  	[tilespmem:s31], [sflag:$0x2] =	stream.indirect.gather [hbm4b:s4+s29], $0x80, s18, s29, $0xb8;
	[tilespmem:$0x1FC00] =	vst v63  }
0x76: {  	s19 =	sshll.u32 s17, $0xA;
	_ =	swait.ge [sflag:s0], $0x4000  }
0x77: {  	s18 =	sshrl.u32 s19, $0x2;
	[sflag:s0] =	ssyncset.done $0x0  }
0x78: {  	s21 =	sadd.s32 $0x16800, s18;
	[sflag:s0] =	ssyncadd.s32 $0xFFFFC000  }
0x79: {  	s22 =	simm.s32 $0x17D00;
	v0 =	vld.idx.msk [tilespmem:v0+s21+$0x0], $0xffff  }
0x7a: {  	v1 =	vld [tilespmem:s22+$0xFFFFFF00]  }
0x7b: {  	v2 =	vld [tilespmem:s22+$0xFFFFFF20]  }
0x7c: {  	s20 =	simm.s32 $0x1;
	v3 =	vld [tilespmem:s22+$0xFFFFFF10]  }
0x7d: {  	v4 =	vmov s20;
	v5 =	vld [tilespmem:s22+$0xFFFFFF30]  }
0x7e: {  	v4 =	vand.u32 $0xFFFFFFFD, v4  }
0x7f: {  	v4 =	vbroadcast v4, $0x0;
	v1 =	vmul.f32 v1, v0  }
0x80: {  	v2 =	vmul.f32 v2, v0  }
0x81: {  	[tilespmem:s22+$0xFFFFFF00] =	vst v1;
	v1 =	vmul.f32 v3, v0  }
0x82: {  	s20 =	simm.s32 $0x17F00;
	[tilespmem:s22+$0xFFFFFF20] =	vst v2;
	v2 =	vmul.f32 v5, v0  }
0x83: {  	v0 =	vld [tilespmem:s20+$0xFFFFFF20];
	[tilespmem:s22+$0xFFFFFF10] =	vst v1  }
0x84: {  	[tilespmem:s22+$0xFFFFFF30] =	vst v2;
	v2 =	vld [tilespmem:s22+$0xFFFFFFB0]  }
0x85: {  	v1 =	vld.idx.msk [tilespmem:v4+s21+$0x0], $0xffff  }
0x86: {  	v3 =	vld [tilespmem:s22+$0xFFFFFF90]  }
0x87: {  	s12 =	simm.s32 $0x2;
	v4 =	vld [tilespmem:s22+$0xFFFFFF80]  }
0x88: {  	v6 =	vld [tilespmem:s22+$0xFFFFFFA0];
	v5 =	vmov s12  }
0x89: {  	v5 =	vand.u32 $0xFFFFFFFE, v5  }
0x8a: {  	v5 =	vbroadcast v5, $0x0;
	v2 =	vmul.f32 v2, v1  }
0x8b: {  	v3 =	vmul.f32 v3, v1  }
0x8c: {  	v4 =	vmul.f32 v4, v1;
	[tilespmem:s22+$0xFFFFFFB0] =	vst v2  }
0x8d: {  	v1 =	vmul.f32 v6, v1;
	[tilespmem:s22+$0xFFFFFF90] =	vst v3  }
0x8e: {  	[tilespmem:s22+$0xFFFFFF80] =	vst v4  }
0x8f: {  	v2 =	vld [tilespmem:s22+$0x0];
	[tilespmem:s22+$0xFFFFFFA0] =	vst v1  }
0x90: {  	v1 =	vld.idx.msk [tilespmem:v5+s21+$0x0], $0xffff  }
0x91: {  	v3 =	vld [tilespmem:s22+$0x10]  }
0x92: {  	v4 =	vld [tilespmem:s22+$0x30]  }
0x93: {  	v5 =	vld [tilespmem:s22+$0x20];
	_ =	sdelay $0x1  }
0x94: {  	s13 =	simm.s32 $0x3;
	v2 =	vmul.f32 v2, v1  }
0x95: {  	v6 =	vmov s13;
	v3 =	vmul.f32 v3, v1  }
0x96: {  	v4 =	vmul.f32 v4, v1;
	[tilespmem:s22+$0x0] =	vst v2  }
0x97: {  	v1 =	vmul.f32 v5, v1;
	[tilespmem:s22+$0x10] =	vst v3  }
0x98: {  	[tilespmem:s22+$0x30] =	vst v4;
	v2 =	vld [tilespmem:s22+$0x80]  }
0x99: {  	[tilespmem:s22+$0x20] =	vst v1;
	v1 =	vld [tilespmem:s22+$0x90]  }
0x9a: {  	v5 =	vld.idx.msk [tilespmem:v6+s21+$0x0], $0xffff  }
0x9b: {  	v3 =	vld [tilespmem:s22+$0xB0];
	_ =	sdelay $0x1  }
0x9c: {  	s9 =	simm.s32 $0x4;
	v6 =	vld [tilespmem:s22+$0xA0]  }
0x9d: {  	v4 =	vmov s9  }
0x9e: {  	s12 =	simm.s32 $0x5;
	v4 =	vand.u32 $0xFFFFFFFC, v4;
	v2 =	vmul.f32 v2, v5;
	v8 =	vmul.f32 v1, v5  }
0x9f: {  	s19 =	simm.s32 $0x6;
	v7 =	vmov s12;
	v9 =	vmul.f32 v3, v5;
	v3 =	vbroadcast v4, $0x0  }
0xa0: {  	v1 =	vand.u32 $0xFFFFFFFD, v7;
	v7 =	vmov s19;
	[tilespmem:s22+$0x80] =	vst v2  }
0xa1: {  	v5 =	vmul.f32 v6, v5;
	v2 =	vand.u32 $0xFFFFFFFE, v7;
	[tilespmem:s22+$0x90] =	vst v8  }
0xa2: {  	s19 =	sor.u32 $0x80, s11;
	s11 =	simm.s32 $0x8;
	v4 =	vld [tilespmem:s20+$0xFFFFFF10];
	v1 =	vbroadcast v1, $0x0;
	[tilespmem:s22+$0xB0] =	vst v9;
	v2 =	vbroadcast v2, $0x0  }
.LBB2_4:
0xa3: {  	p1 =	sne.s32 s11, $0x7C;
	s12 =	smov.u32 s11  }
0xa4: {  	[tilespmem:s22+$0xA0] =	vst v5;
	s11 =	sadd.s32 $0x4, s11;
	s22 =	smov.u32 s20;
	s20 =	sadd.s32 $0x200, s20  }
0xa5: {  	v5 =	vld.idx.msk [tilespmem:v3+s21+$0x0], $0xffff  }
0xa6: {  	v6 =	vld [tilespmem:s22+$0xFFFFFF00];
	_ =	sdelay $0x1  }
0xa7: {  	v7 =	vld [tilespmem:s22+$0xFFFFFF30]  }
0xa8: {  	v3 =	vmov s12  }
0xa9: {  	v3 =	vand.u32 $0xFFFFFFFC, v3  }
0xaa: {  	v3 =	vbroadcast v3, $0x0;
	v6 =	vmul.f32 v6, v5  }
0xab: {  	v4 =	vmul.f32 v4, v5;
	v0 =	vmul.f32 v0, v5  }
0xac: {  	[tilespmem:s22+$0xFFFFFF00] =	vst v6;
	v5 =	vmul.f32 v7, v5  }
0xad: {  	[tilespmem:s22+$0xFFFFFF20] =	vst v0;
	v6 =	vld [tilespmem:s22+$0xFFFFFF80]  }
0xae: {  	v0 =	vld [tilespmem:s20+$0xFFFFFF20];
	[tilespmem:s22+$0xFFFFFF10] =	vst v4  }
0xaf: {  	[tilespmem:s22+$0xFFFFFF30] =	vst v5;
	v5 =	vld [tilespmem:s22+$0xFFFFFF90]  }
0xb0: {  	v7 =	vld.idx.msk [tilespmem:v1+s21+$0x0], $0xffff  }
0xb1: {  	v8 =	vld [tilespmem:s22+$0xFFFFFFB0]  }
0xb2: {  	v9 =	vld [tilespmem:s22+$0xFFFFFFA0]  }
0xb3: {  	s13 =	sadd.s32 $0x1, s12;
	v4 =	vld [tilespmem:s20+$0xFFFFFF10]  }
0xb4: {  	v1 =	vmov s13  }
0xb5: {  	v1 =	vand.u32 $0xFFFFFFFD, v1  }
0xb6: {  	v1 =	vbroadcast v1, $0x0;
	v8 =	vmul.f32 v8, v7  }
0xb7: {  	v5 =	vmul.f32 v5, v7;
	v9 =	vmul.f32 v9, v7  }
0xb8: {  	v6 =	vmul.f32 v6, v7;
	[tilespmem:s22+$0xFFFFFFB0] =	vst v8  }
0xb9: {  	[tilespmem:s22+$0xFFFFFF90] =	vst v5  }
0xba: {  	[tilespmem:s22+$0xFFFFFF80] =	vst v6;
	v5 =	vld [tilespmem:s22+$0x0]  }
0xbb: {  	[tilespmem:s22+$0xFFFFFFA0] =	vst v9;
	v6 =	vld [tilespmem:s22+$0x30]  }
0xbc: {  	v2 =	vld.idx.msk [tilespmem:v2+s21+$0x0], $0xffff  }
0xbd: {  	v7 =	vld [tilespmem:s22+$0x10]  }
0xbe: {  	v8 =	vld [tilespmem:s22+$0x20];
	_ =	sdelay $0x3  }
0xbf: {  	s13 =	sadd.s32 $0x3, s9;
	s9 =	smov.u32 s12;
	v5 =	vmul.f32 v5, v2;
	v7 =	vmul.f32 v7, v2  }
0xc0: {  	s12 =	sadd.s32 $0x2, s9;
	v8 =	vmul.f32 v8, v2;
	v2 =	vmul.f32 v6, v2;
	v6 =	vmov s13  }
0xc1: {  	v9 =	vmov s12;
	[tilespmem:s22+$0x0] =	vst v5  }
0xc2: {  	v5 =	vand.u32 $0xFFFFFFFE, v9;
	[tilespmem:s22+$0x10] =	vst v7  }
0xc3: {  	[tilespmem:s22+$0x30] =	vst v2;
	v7 =	vld [tilespmem:s22+$0x80]  }
0xc4: {  	v2 =	vbroadcast v5, $0x0;
	[tilespmem:s22+$0x20] =	vst v8;
	v8 =	vld [tilespmem:s22+$0xB0]  }
0xc5: {  	v6 =	vld.idx.msk [tilespmem:v6+s21+$0x0], $0xffff  }
0xc6: {  	v5 =	vld [tilespmem:s22+$0x90]  }
0xc7: {  	v9 =	vld [tilespmem:s22+$0xA0];
	_ =	sdelay $0x3  }
.Ltmp4:
0xc8: {  	v7 =	vmul.f32 v7, v6;
	v10 =	vmul.f32 v5, v6;
	(pc) =	sbr.rel @p1 .LBB2_4-.Ltmp4, $4  }
0xc9: {  	v5 =	vmul.f32 v9, v6;
	v6 =	vmul.f32 v8, v6  }
0xca: {  	[tilespmem:s22+$0x80] =	vst v7  }
0xcb: {  	[tilespmem:s22+$0x90] =	vst v10  }
0xcc: {  	[tilespmem:s22+$0xB0] =	vst v6  }
0xcd: {  	_ =	sdelay $0x2  }
0xce: {  	[tilespmem:s22+$0xA0] =	vst v5;
	v5 =	vld [tilespmem:s20+$0xFFFFFF00]  }
0xcf: {  	v3 =	vld.idx.msk [tilespmem:v3+s21+$0x0], $0xffff;
	_ =	sdelay $0x2  }
0xd0: {  	v6 =	vld [tilespmem:s20+$0xFFFFFF30];
	_ =	sdelay $0x1  }
0xd1: {  	v5 =	vmul.f32 v5, v3  }
0xd2: {  	v0 =	vmul.f32 v0, v3  }
0xd3: {  	v4 =	vmul.f32 v4, v3;
	[tilespmem:s20+$0xFFFFFF00] =	vst v5  }
0xd4: {  	v3 =	vmul.f32 v6, v3;
	[tilespmem:s20+$0xFFFFFF20] =	vst v0  }
0xd5: {  	[tilespmem:s20+$0xFFFFFF10] =	vst v4  }
0xd6: {  	[tilespmem:s20+$0xFFFFFF30] =	vst v3  }
0xd7: {  	v0 =	vld.idx.msk [tilespmem:v1+s21+$0x0], $0xffff  }
0xd8: {  	v1 =	vld [tilespmem:s20+$0xFFFFFFB0]  }
0xd9: {  	v3 =	vld [tilespmem:s20+$0xFFFFFF90]  }
0xda: {  	v4 =	vld [tilespmem:s20+$0xFFFFFF80]  }
0xdb: {  	v5 =	vld [tilespmem:s20+$0xFFFFFFA0];
	_ =	sdelay $0x1  }
0xdc: {  	v1 =	vmul.f32 v1, v0  }
0xdd: {  	v3 =	vmul.f32 v3, v0  }
0xde: {  	v4 =	vmul.f32 v4, v0;
	[tilespmem:s20+$0xFFFFFFB0] =	vst v1  }
0xdf: {  	v0 =	vmul.f32 v5, v0;
	[tilespmem:s20+$0xFFFFFF90] =	vst v3  }
0xe0: {  	[tilespmem:s20+$0xFFFFFF80] =	vst v4  }
0xe1: {  	v1 =	vld [tilespmem:s20+$0x0];
	[tilespmem:s20+$0xFFFFFFA0] =	vst v0  }
0xe2: {  	v0 =	vld.idx.msk [tilespmem:v2+s21+$0x0], $0xffff  }
0xe3: {  	v2 =	vld [tilespmem:s20+$0x10]  }
0xe4: {  	v3 =	vld [tilespmem:s20+$0x30]  }
0xe5: {  	v4 =	vld [tilespmem:s20+$0x20];
	_ =	sdelay $0x1  }
0xe6: {  	s9 =	sadd.s32 $0x3, s9;
	v1 =	vmul.f32 v1, v0  }
0xe7: {  	v5 =	vmov s9;
	v2 =	vmul.f32 v2, v0  }
0xe8: {  	v3 =	vmul.f32 v3, v0;
	[tilespmem:s20+$0x0] =	vst v1  }
0xe9: {  	v0 =	vmul.f32 v4, v0;
	[tilespmem:s20+$0x10] =	vst v2  }
0xea: {  	[tilespmem:s20+$0x30] =	vst v3  }
0xeb: {  	v1 =	vld [tilespmem:s20+$0x80];
	[tilespmem:s20+$0x20] =	vst v0  }
0xec: {  	v0 =	vld.idx.msk [tilespmem:v5+s21+$0x0], $0xffff  }
0xed: {  	v2 =	vld [tilespmem:s20+$0x90]  }
0xee: {  	v3 =	vld [tilespmem:s20+$0xB0]  }
0xef: {  	v4 =	vld [tilespmem:s20+$0xA0];
	_ =	sdelay $0x1  }
0xf0: {  	v1 =	vmul.f32 v1, v0  }
0xf1: {  	s13 =	simm.s32 $0x0;
	v2 =	vmul.f32 v2, v0  }
0xf2: {  	v3 =	vmul.f32 v3, v0;
	[tilespmem:s20+$0x80] =	vst v1;
	v1 =	vmov s13  }
0xf3: {  	v0 =	vmul.f32 v4, v0;
	[tilespmem:s20+$0x90] =	vst v2;
	v1 =	vand.u32 $0xFFFFFFFC, v1  }
0xf4: {  	[tilespmem:s20+$0xB0] =	vst v3;
	v1 =	vbroadcast v1, $0x0  }
0xf5: {  	[tilespmem:s20+$0xA0] =	vst v0;
	s20 =	sadd.s32 $0x15400, s18  }
0xf6: {  	[spmem:s1] =	stream.indirect.scatter.add.f32 [tilespmem:s30], [sflag:$0x3], $0x80, s20, s29, $0xb8;
	[tilespmem:$0x1FC00] =	vst v63  }
0xf7: {  	_ =	swait.ge [sflag:s3], $0x4000  }
0xf8: {  	[sflag:s3] =	ssyncset.done $0x0  }
0xf9: {  	s20 =	sadd.s32 $0x16800, s19;
	[sflag:s3] =	ssyncadd.s32 $0xFFFFC000  }
0xfa: {  	s22 =	simm.s32 $0x1BD00;
	v0 =	vld.idx.msk [tilespmem:v1+s20+$0x0], $0xffff  }
0xfb: {  	v1 =	vld [tilespmem:s22+$0xFFFFFF00]  }
0xfc: {  	v2 =	vld [tilespmem:s22+$0xFFFFFF20]  }
0xfd: {  	s21 =	simm.s32 $0x1;
	v3 =	vld [tilespmem:s22+$0xFFFFFF10]  }
0xfe: {  	v4 =	vmov s21;
	v5 =	vld [tilespmem:s22+$0xFFFFFF30]  }
0xff: {  	v4 =	vand.u32 $0xFFFFFFFD, v4  }
0x100: {  	v4 =	vbroadcast v4, $0x0;
	v1 =	vmul.f32 v1, v0  }
0x101: {  	v2 =	vmul.f32 v2, v0  }
0x102: {  	[tilespmem:s22+$0xFFFFFF00] =	vst v1;
	v1 =	vmul.f32 v3, v0  }
0x103: {  	s21 =	simm.s32 $0x1BF00;
	[tilespmem:s22+$0xFFFFFF20] =	vst v2;
	v2 =	vmul.f32 v5, v0  }
0x104: {  	v0 =	vld [tilespmem:s21+$0xFFFFFF20];
	[tilespmem:s22+$0xFFFFFF10] =	vst v1  }
0x105: {  	[tilespmem:s22+$0xFFFFFF30] =	vst v2;
	v2 =	vld [tilespmem:s22+$0xFFFFFFB0]  }
0x106: {  	v1 =	vld.idx.msk [tilespmem:v4+s20+$0x0], $0xffff  }
0x107: {  	v3 =	vld [tilespmem:s22+$0xFFFFFF90]  }
0x108: {  	s11 =	simm.s32 $0x2;
	v4 =	vld [tilespmem:s22+$0xFFFFFF80]  }
0x109: {  	v6 =	vld [tilespmem:s22+$0xFFFFFFA0];
	v5 =	vmov s11  }
0x10a: {  	v5 =	vand.u32 $0xFFFFFFFE, v5  }
0x10b: {  	v5 =	vbroadcast v5, $0x0;
	v2 =	vmul.f32 v2, v1  }
0x10c: {  	v3 =	vmul.f32 v3, v1  }
0x10d: {  	v4 =	vmul.f32 v4, v1;
	[tilespmem:s22+$0xFFFFFFB0] =	vst v2  }
0x10e: {  	v1 =	vmul.f32 v6, v1;
	[tilespmem:s22+$0xFFFFFF90] =	vst v3  }
0x10f: {  	[tilespmem:s22+$0xFFFFFF80] =	vst v4  }
0x110: {  	v2 =	vld [tilespmem:s22+$0x0];
	[tilespmem:s22+$0xFFFFFFA0] =	vst v1  }
0x111: {  	v1 =	vld.idx.msk [tilespmem:v5+s20+$0x0], $0xffff  }
0x112: {  	v3 =	vld [tilespmem:s22+$0x10]  }
0x113: {  	v4 =	vld [tilespmem:s22+$0x30]  }
0x114: {  	v5 =	vld [tilespmem:s22+$0x20];
	_ =	sdelay $0x1  }
0x115: {  	s12 =	simm.s32 $0x3;
	v2 =	vmul.f32 v2, v1  }
0x116: {  	v6 =	vmov s12;
	v3 =	vmul.f32 v3, v1  }
0x117: {  	v4 =	vmul.f32 v4, v1;
	[tilespmem:s22+$0x0] =	vst v2  }
0x118: {  	v1 =	vmul.f32 v5, v1;
	[tilespmem:s22+$0x10] =	vst v3  }
0x119: {  	[tilespmem:s22+$0x30] =	vst v4;
	v2 =	vld [tilespmem:s22+$0x80]  }
0x11a: {  	[tilespmem:s22+$0x20] =	vst v1;
	v1 =	vld [tilespmem:s22+$0x90]  }
0x11b: {  	v5 =	vld.idx.msk [tilespmem:v6+s20+$0x0], $0xffff  }
0x11c: {  	v3 =	vld [tilespmem:s22+$0xB0];
	_ =	sdelay $0x1  }
0x11d: {  	s9 =	simm.s32 $0x4;
	v6 =	vld [tilespmem:s22+$0xA0]  }
0x11e: {  	v4 =	vmov s9  }
0x11f: {  	s11 =	simm.s32 $0x5;
	v4 =	vand.u32 $0xFFFFFFFC, v4;
	v2 =	vmul.f32 v2, v5;
	v8 =	vmul.f32 v1, v5  }
0x120: {  	s13 =	simm.s32 $0x6;
	v7 =	vmov s11;
	v9 =	vmul.f32 v3, v5;
	v3 =	vbroadcast v4, $0x0  }
0x121: {  	v1 =	vand.u32 $0xFFFFFFFD, v7;
	v7 =	vmov s13;
	[tilespmem:s22+$0x80] =	vst v2  }
0x122: {  	v5 =	vmul.f32 v6, v5;
	v2 =	vand.u32 $0xFFFFFFFE, v7;
	[tilespmem:s22+$0x90] =	vst v8  }
0x123: {  	s11 =	simm.s32 $0x8;
	v4 =	vld [tilespmem:s21+$0xFFFFFF10];
	v1 =	vbroadcast v1, $0x0;
	[tilespmem:s22+$0xB0] =	vst v9;
	v2 =	vbroadcast v2, $0x0  }
.LBB2_6:
0x124: {  	p1 =	sne.s32 s11, $0x7C;
	s12 =	smov.u32 s11  }
0x125: {  	[tilespmem:s22+$0xA0] =	vst v5;
	s11 =	sadd.s32 $0x4, s11;
	s22 =	smov.u32 s21;
	s21 =	sadd.s32 $0x200, s21  }
0x126: {  	v5 =	vld.idx.msk [tilespmem:v3+s20+$0x0], $0xffff  }
0x127: {  	v6 =	vld [tilespmem:s22+$0xFFFFFF00];
	_ =	sdelay $0x1  }
0x128: {  	v7 =	vld [tilespmem:s22+$0xFFFFFF30]  }
0x129: {  	v3 =	vmov s12  }
0x12a: {  	v3 =	vand.u32 $0xFFFFFFFC, v3  }
0x12b: {  	v3 =	vbroadcast v3, $0x0;
	v6 =	vmul.f32 v6, v5  }
0x12c: {  	v4 =	vmul.f32 v4, v5;
	v0 =	vmul.f32 v0, v5  }
0x12d: {  	[tilespmem:s22+$0xFFFFFF00] =	vst v6;
	v5 =	vmul.f32 v7, v5  }
0x12e: {  	[tilespmem:s22+$0xFFFFFF20] =	vst v0;
	v6 =	vld [tilespmem:s22+$0xFFFFFF80]  }
0x12f: {  	v0 =	vld [tilespmem:s21+$0xFFFFFF20];
	[tilespmem:s22+$0xFFFFFF10] =	vst v4  }
0x130: {  	[tilespmem:s22+$0xFFFFFF30] =	vst v5;
	v5 =	vld [tilespmem:s22+$0xFFFFFF90]  }
0x131: {  	v7 =	vld.idx.msk [tilespmem:v1+s20+$0x0], $0xffff  }
0x132: {  	v8 =	vld [tilespmem:s22+$0xFFFFFFB0]  }
0x133: {  	v9 =	vld [tilespmem:s22+$0xFFFFFFA0]  }
0x134: {  	s13 =	sadd.s32 $0x1, s12;
	v4 =	vld [tilespmem:s21+$0xFFFFFF10]  }
0x135: {  	v1 =	vmov s13  }
0x136: {  	v1 =	vand.u32 $0xFFFFFFFD, v1  }
0x137: {  	v1 =	vbroadcast v1, $0x0;
	v8 =	vmul.f32 v8, v7  }
0x138: {  	v5 =	vmul.f32 v5, v7;
	v9 =	vmul.f32 v9, v7  }
0x139: {  	v6 =	vmul.f32 v6, v7;
	[tilespmem:s22+$0xFFFFFFB0] =	vst v8  }
0x13a: {  	[tilespmem:s22+$0xFFFFFF90] =	vst v5  }
0x13b: {  	[tilespmem:s22+$0xFFFFFF80] =	vst v6;
	v5 =	vld [tilespmem:s22+$0x0]  }
0x13c: {  	[tilespmem:s22+$0xFFFFFFA0] =	vst v9;
	v6 =	vld [tilespmem:s22+$0x30]  }
0x13d: {  	v2 =	vld.idx.msk [tilespmem:v2+s20+$0x0], $0xffff  }
0x13e: {  	v7 =	vld [tilespmem:s22+$0x10]  }
0x13f: {  	v8 =	vld [tilespmem:s22+$0x20];
	_ =	sdelay $0x3  }
0x140: {  	s13 =	sadd.s32 $0x3, s9;
	s9 =	smov.u32 s12;
	v5 =	vmul.f32 v5, v2;
	v7 =	vmul.f32 v7, v2  }
0x141: {  	s12 =	sadd.s32 $0x2, s9;
	v8 =	vmul.f32 v8, v2;
	v2 =	vmul.f32 v6, v2;
	v6 =	vmov s13  }
0x142: {  	v9 =	vmov s12;
	[tilespmem:s22+$0x0] =	vst v5  }
0x143: {  	v5 =	vand.u32 $0xFFFFFFFE, v9;
	[tilespmem:s22+$0x10] =	vst v7  }
0x144: {  	[tilespmem:s22+$0x30] =	vst v2;
	v7 =	vld [tilespmem:s22+$0x80]  }
0x145: {  	v2 =	vbroadcast v5, $0x0;
	[tilespmem:s22+$0x20] =	vst v8;
	v8 =	vld [tilespmem:s22+$0xB0]  }
0x146: {  	v6 =	vld.idx.msk [tilespmem:v6+s20+$0x0], $0xffff  }
0x147: {  	v5 =	vld [tilespmem:s22+$0x90]  }
0x148: {  	v9 =	vld [tilespmem:s22+$0xA0];
	_ =	sdelay $0x3  }
.Ltmp5:
0x149: {  	v7 =	vmul.f32 v7, v6;
	v10 =	vmul.f32 v5, v6;
	(pc) =	sbr.rel @p1 .LBB2_6-.Ltmp5, $4  }
0x14a: {  	v5 =	vmul.f32 v9, v6;
	v6 =	vmul.f32 v8, v6  }
0x14b: {  	[tilespmem:s22+$0x80] =	vst v7  }
0x14c: {  	[tilespmem:s22+$0x90] =	vst v10  }
0x14d: {  	[tilespmem:s22+$0xB0] =	vst v6  }
0x14e: {  	_ =	sdelay $0x2  }
0x14f: {  	[tilespmem:s22+$0xA0] =	vst v5;
	v50 =	vld [tilespmem:s21+$0xFFFFFF00]  }
0x150: {  	v3 =	vld.idx.msk [tilespmem:v3+s20+$0x0], $0xffff;
	_ =	sdelay $0x2  }
0x151: {  	v6 =	vld [tilespmem:s21+$0xFFFFFF30];
	_ =	sdelay $0x1  }
0x152: {  	v5 =	vmul.f32 v50, v3  }
0x153: {  	v0 =	vmul.f32 v0, v3  }
0x154: {  	v4 =	vmul.f32 v4, v3;
	[tilespmem:s21+$0xFFFFFF00] =	vst v5  }
0x155: {  	v3 =	vmul.f32 v6, v3;
	[tilespmem:s21+$0xFFFFFF20] =	vst v0  }
0x156: {  	[tilespmem:s21+$0xFFFFFF10] =	vst v4  }
0x157: {  	v51 =	vld [tilespmem:s21+$0xFFFFFFB0];
	[tilespmem:s21+$0xFFFFFF30] =	vst v3  }
0x158: {  	v0 =	vld.idx.msk [tilespmem:v1+s20+$0x0], $0xffff  }
0x159: {  	v52 =	vld [tilespmem:s21+$0xFFFFFF90]  }
0x15a: {  	v53 =	vld [tilespmem:s21+$0xFFFFFF80]  }
0x15b: {  	v54 =	vld [tilespmem:s21+$0xFFFFFFA0];
	_ =	sdelay $0x1  }
0x15c: {  	v1 =	vmul.f32 v51, v0  }
0x15d: {  	v3 =	vmul.f32 v52, v0  }
0x15e: {  	v4 =	vmul.f32 v53, v0;
	[tilespmem:s21+$0xFFFFFFB0] =	vst v1  }
0x15f: {  	v0 =	vmul.f32 v54, v0;
	[tilespmem:s21+$0xFFFFFF90] =	vst v3  }
0x160: {  	[tilespmem:s21+$0xFFFFFF80] =	vst v4  }
0x161: {  	v55 =	vld [tilespmem:s21+$0x0];
	[tilespmem:s21+$0xFFFFFFA0] =	vst v0  }
0x162: {  	v0 =	vld.idx.msk [tilespmem:v2+s20+$0x0], $0xffff  }
0x163: {  	v56 =	vld [tilespmem:s21+$0x10]  }
0x164: {  	v57 =	vld [tilespmem:s21+$0x30]  }
0x165: {  	v58 =	vld [tilespmem:s21+$0x20];
	_ =	sdelay $0x1  }
0x166: {  	s9 =	sadd.s32 $0x3, s9;
	v1 =	vmul.f32 v55, v0  }
0x167: {  	v59 =	vmov s9;
	v2 =	vmul.f32 v56, v0  }
0x168: {  	v3 =	vmul.f32 v57, v0;
	[tilespmem:s21+$0x0] =	vst v1  }
0x169: {  	v0 =	vmul.f32 v58, v0;
	[tilespmem:s21+$0x10] =	vst v2  }
0x16a: {  	[tilespmem:s21+$0x30] =	vst v3  }
0x16b: {  	v60 =	vld [tilespmem:s21+$0x80];
	[tilespmem:s21+$0x20] =	vst v0  }
0x16c: {  	v0 =	vld.idx.msk [tilespmem:v59+s20+$0x0], $0xffff  }
0x16d: {  	v61 =	vld [tilespmem:s21+$0x90]  }
0x16e: {  	v62 =	vld [tilespmem:s21+$0xB0]  }
0x16f: {  	v63 =	vld [tilespmem:s21+$0xA0];
	_ =	sdelay $0x1  }
0x170: {  	v1 =	vmul.f32 v60, v0  }
0x171: {  	v2 =	vmul.f32 v61, v0  }
0x172: {  	v3 =	vmul.f32 v62, v0;
	[tilespmem:s21+$0x80] =	vst v1  }
0x173: {  	p1 =	seq.s32 s17, $0x13;
	v0 =	vmul.f32 v63, v0;
	[tilespmem:s21+$0x90] =	vst v2  }
.Ltmp6:
0x174: {  	[tilespmem:s21+$0xB0] =	vst v3;
	(pc) =	sbr.rel @p1 .LBB2_9-.Ltmp6, $4  }
0x175: {  	[tilespmem:s21+$0xA0] =	vst v0  }
0x176: {  	_ =	swait.ge [sflag:s23], $0x4000  }
0x177: {  	[sflag:s23] =	ssyncset.done $0x0  }
0x178: {  	s9 =	sadd.s32 $0x15400, s19;
	[sflag:s23] =	ssyncadd.s32 $0xFFFFC000  }
.Ltmp7:
0x179: {  	(pc) =	sbr.rel .LBB2_3-.Ltmp7, $4  }
0x17a: {  	s11 =	sadd.s32 $0x14100, s18  }
0x17b: {  	[tilespmem:s30], [sflag:$0x1] =	stream.indirect.gather [hbm4b:s4+s29], $0x80, s11, s29, $0xb8;
	[tilespmem:$0x1FC00] =	vst v63  }
0x17c: {  	s17 =	sadd.s32 $0x1, s17  }
0x17d: {  	[spmem:s1] =	stream.indirect.scatter.add.f32 [tilespmem:s31], [sflag:$0x4], $0x80, s9, s29, $0xb8;
	[tilespmem:$0x1FC00] =	vst v63  }
.LBB2_11:
0x17e: {  	_ =	sfence.sel $0x180000  }
0x17f: {  	[bflag:$0x0] =	sbarrier.arrive $0xFFFF  }
0x180: {  	_ =	strace $0x9000004D  }
0x181: {  	s0 =	stileid.u32;
	[bflag:$0x2] =	sbarrier.arrive $0xFFFF  }
0x182: {  	p0 =	sne.s32 s0, $0x0;
	s0 =	rddreg [dreg:$0x2]  }
0x183: {  	s0 =	sadd.s32 @!p0 $0x100000, s0  }
0x184: {  	[sflag:s0] =	ssyncadd.tile.s32 @!p0 $0x1;
	_ =	shalt  }
.Lfunc_end2:
_tile_overlayer_lowered:
.L_overlay_start_2:
0x185: {  	(tag) =	ssettag $0x2  }
0x186: {  	s0 =	rddreg [dreg:$0x0];
	s2 =	stileid.u32  }
0x187: {  	s1 =	rddreg [dreg:$0x1];
	p0 =	sne.s32 s2, $0x0  }
0x188: {  	s3 =	rddreg [dreg:$0x2];
	[bflag:$0x3] =	sbarrier.arrive $0xFFFF;
	s2 =	simm.s32 @!p0 $0x1C05  }
0x189: {  	[timem:s3], [sflag:s2] =	dma.local @!p0 [hbm:s0], s1  }
0x18a: {  	s0 =	simm.s32 @!p0 $0x5  }
0x18b: {  	_ =	swait.ge @!p0 [sflag:s0], s1  }
0x18c: {  	s1 =	ssub.s32 @!p0 $0x0, s1;
	[sflag:s0] =	ssyncset.done @!p0 $0x0  }
0x18d: {  	[sflag:s0] =	ssyncadd.s32 @!p0 s1  }
0x18e: {  	[bflag:$0x3] =	sbarrier.arrive $0xFFFF  }
0x18f: {  	_ =	shalt  }

// kernel: kernel.19.cloned.1.call-start
scs
__scs_entry_jumppad:
0x0: {  	(pc) =	sbr.rel $0x88, $3  }
0x1: {  	(tag) =	ssettag $0x0;
	lr =	simm.s32 $0x1  }
0x2: {  	[smem:$0x3F98] =	sst lr;
	_ =	strace $0xD0000000  }
0x3: {  	_ = 	snop  }
0x4: {  	_ = 	snop  }
0x5: {  	_ = 	snop  }
0x6: {  	_ = 	snop  }
0x7: {  	_ = 	snop  }
__scs_overlays_trampoline_lowered:
0x8: {  	[smem:$0x3FA7] =	sst s0  }
0x9: {  	[smem:$0x3FA8] =	sst s1  }
0xa: {  	[smem:$0x3FA9] =	sst s2  }
0xb: {  	[smem:$0x3FAA] =	sst s3  }
0xc: {  	[smem:$0x3FAB] =	sst s4  }
0xd: {  	[smem:$0x3FAC] =	sst s5  }
0xe: {  	[smem:$0x3FAD] =	sst s6  }
0xf: {  	[smem:$0x3FAE] =	sst s7  }
0x10: {  	[smem:$0x3FAF] =	sst s8  }
0x11: {  	[smem:$0x3FB0] =	sst s9;
	s0 =	simm.s32 @!p0 $0x0  }
0x12: {  	s1 =	sld [smem:$0x3F96];
	s0 =	simm.s32 @p0 $0x1  }
0x13: {  	[smem:$0x3FB1] =	sst s0;
	s0 =	simm.s32 @!p1 $0x0  }
0x14: {  	s2 =	sld [smem:$0x3F95];
	s0 =	simm.s32 @p1 $0x1  }
0x15: {  	[smem:$0x3FB2] =	sst s0;
	s0 =	simm.s32 @!p2 $0x0  }
0x16: {  	s3 =	sld [smem:$0x3FDB];
	s0 =	simm.s32 @p2 $0x1  }
0x17: {  	s4 =	simm.s32 $0x1BF5;
	[smem:$0x3FB4] =	sst s0  }
0x18: {  	s0 =	sld [smem:$0x3F97];
	_ =	swait.ge [sflag:s4], $0x0  }
0x19: {  	s7 =	sld [smem:$0x3F98]  }
0x1a: {  	s8 =	sadd.s32 $0xFFFFE003, lr  }
0x1b: {  	s9 =	sadd.s32 $0xFFFFFEF7, lr;
	s5 =	simm.s32 $0xFFFFFFFF;
	p2 =	slt.u32 s8, $0xFFFFF086  }
0x1c: {  	p1 =	slt.u32 s9, $0xF7A;
	s5 =	simm.s32 @!p2 $0x0  }
0x1d: {  	s5 =	simm.s32 @p1 $0x1;
	p0 =	seq.s32 s7, s2  }
0x1e: {  	s7 =	smul.u32 @!p0 $0xF7A, s2;
	p2 =	seq.s32 @!p0 s5, $0x0  }
0x1f: {  	s9 =	smul.u32 $0xF7A, s1;
	s8 =	simm.s32 @!p0 $0x1BF5;
	p2 =	por !p2, p0  }
0x20: {  	[sflag:s8] =	ssyncset.s32 @!p0 $0xFFFFF086;
	s6 =	sadd.s32 @!p0 s3, s7;
	s7 =	simm.s32 @!p0 $0x108  }
0x21: {  	s3 =	sadd.s32 s3, s9;
	s6 =	sadd.s32 @!p0 $0x88, s6;
	s7 =	simm.s32 @p2 $0x1082  }
0x22: {  	[simem:s7], [sflag:s8] =	dma.local @!p0 [hbm:s6], $0xF7A  }
0x23: {  	s9 =	sor.u32 $0xD0000000, s2;
	s6 =	simm.s32 $0x108;
	_ =	swait.ge @!p0 [sflag:s8], $0x0  }
0x24: {  	s3 =	sadd.s32 $0x88, s3;
	s6 =	simm.s32 @!p1 $0x1082;
	[sflag:s4] =	ssyncset.s32 $0xFFFFF086  }
0x25: {  	[simem:s6], [sflag:s4] =	dma.local [hbm:s3], $0xF7A  }
0x26: {  	[smem:$0x3F98] =	sst s1;
	(tag) =	ssettag s2;
	_ =	strace s9  }
0x27: {  	s1 =	sld [smem:$0x3FA8]  }
0x28: {  	s2 =	sld [smem:$0x3FA9]  }
0x29: {  	s4 =	sld [smem:$0x3FAB]  }
0x2a: {  	p0 =	seq.s32 s5, $0x0;
	s5 =	sld [smem:$0x3FAC]  }
0x2b: {  	s6 =	sld [smem:$0x3FAD]  }
0x2c: {  	s7 =	sld [smem:$0x3FAE]  }
0x2d: {  	s3 =	simm.s32 $0x108;
	s8 =	sld [smem:$0x3FAF]  }
0x2e: {  	s3 =	simm.s32 @!p0 $0x1082;
	s9 =	sld [smem:$0x3FB0]  }
0x2f: {  	lr =	sadd.s32 s0, s3;
	s0 =	sld [smem:$0x3FA7]  }
0x30: {  	s3 =	sld [smem:$0x3FAA]  }
0x31: {  	[smem:$0x3FB3] =	sst s10  }
0x32: {  	s10 =	sld [smem:$0x3FB1];
	_ =	sdelay $0x3  }
0x33: {  	p0 =	seq.s32 s10, $0x1;
	s10 =	sld [smem:$0x3FB3];
	_ =	sdelay $0x3  }
0x34: {  	[smem:$0x3FB3] =	sst s10  }
0x35: {  	s10 =	sld [smem:$0x3FB2];
	_ =	sdelay $0x3  }
0x36: {  	p1 =	seq.s32 s10, $0x1;
	s10 =	sld [smem:$0x3FB3];
	_ =	sdelay $0x3  }
0x37: {  	[smem:$0x3FB3] =	sst s10  }
0x38: {  	s10 =	sld [smem:$0x3FB4]  }
0x39: {  	_ = 	snop;
	(pc) =	sbr.ind lr, $3  }
0x3a: {  	_ = 	snop  }
0x3b: {  	_ = 	snop  }
0x3c: {  	p2 =	seq.s32 s10, $0x1;
	s10 =	sld [smem:$0x3FB3]  }
0x3d: {  	_ =	shalt  }
0x3e: {  	_ =	shalt  }
0x3f: {  	_ =	shalt  }
0x40: {  	_ =	shalt  }
0x41: {  	_ =	shalt  }
0x42: {  	_ =	shalt  }
0x43: {  	_ =	shalt  }
0x44: {  	_ =	shalt  }
0x45: {  	_ =	shalt  }
0x46: {  	_ =	shalt  }
0x47: {  	_ =	shalt  }
0x48: {  	_ =	shalt  }
0x49: {  	_ =	shalt  }
0x4a: {  	_ =	shalt  }
0x4b: {  	_ =	shalt  }
0x4c: {  	_ =	shalt  }
0x4d: {  	_ =	shalt  }
0x4e: {  	_ =	shalt  }
0x4f: {  	_ =	shalt  }
0x50: {  	_ =	shalt  }
0x51: {  	_ =	shalt  }
0x52: {  	_ =	shalt  }
0x53: {  	_ =	shalt  }
0x54: {  	_ =	shalt  }
0x55: {  	_ =	shalt  }
0x56: {  	_ =	shalt  }
0x57: {  	_ =	shalt  }
0x58: {  	_ =	shalt  }
0x59: {  	_ =	shalt  }
0x5a: {  	_ =	shalt  }
0x5b: {  	_ =	shalt  }
0x5c: {  	_ =	shalt  }
0x5d: {  	_ =	shalt  }
0x5e: {  	_ =	shalt  }
0x5f: {  	_ =	shalt  }
0x60: {  	_ =	shalt  }
0x61: {  	_ =	shalt  }
0x62: {  	_ =	shalt  }
0x63: {  	_ =	shalt  }
0x64: {  	_ =	shalt  }
0x65: {  	_ =	shalt  }
0x66: {  	_ =	shalt  }
0x67: {  	_ =	shalt  }
0x68: {  	_ =	shalt  }
0x69: {  	_ =	shalt  }
0x6a: {  	_ =	shalt  }
0x6b: {  	_ =	shalt  }
0x6c: {  	_ =	shalt  }
0x6d: {  	_ =	shalt  }
0x6e: {  	_ =	shalt  }
0x6f: {  	_ =	shalt  }
0x70: {  	_ =	shalt  }
0x71: {  	_ =	shalt  }
0x72: {  	_ =	shalt  }
0x73: {  	_ =	shalt  }
0x74: {  	_ =	shalt  }
0x75: {  	_ =	shalt  }
0x76: {  	_ =	shalt  }
0x77: {  	_ =	shalt  }
0x78: {  	_ =	shalt  }
0x79: {  	_ =	shalt  }
0x7a: {  	_ =	shalt  }
0x7b: {  	_ =	shalt  }
0x7c: {  	_ =	shalt  }
0x7d: {  	_ =	shalt  }
0x7e: {  	_ =	shalt  }
0x7f: {  	_ =	shalt  }
0x80: {  	_ =	shalt  }
0x81: {  	_ =	shalt  }
0x82: {  	_ =	shalt  }
0x83: {  	_ =	shalt  }
0x84: {  	_ =	shalt  }
0x85: {  	_ =	shalt  }
0x86: {  	_ =	shalt  }
0x87: {  	_ =	shalt  }
.Lfunc_end0:
.L_simem_size_0:
called_computation.3_lowered:
.L_overlay_start_0:
0x88: {  	s2 =	sld [smem:$0x3FD9]  }
0x89: {  	s3 =	sld [smem:$0x3FFE];
	_ =	sdelay $0x1  }
0x8a: {  	s1 =	srdreg.scid  }
0x8b: {  	s0 =	sand.u32 $0x1, s1  }
0x8c: {  	s17 =	sshll.u32 s0, $0xA;
	s2 =	sadd.s32 s3, s2  }
0x8d: {  	s2 =	sadd.s32 s2, s17  }
0x8e: {  	[smem:$0x3FBF] =	sst s2  }
0x8f: {  	_ = 	snop  }
0x90: {  	s2 =	sld [smem:$0x3FD0];
	(tm) =	ssettm $0x1  }
0x91: {  	s18 =	sld [smem:$0x3FFB];
	_ =	sdelay $0x3  }
0x92: {  	_ =	strace s18  }
0x93: {  	s3 =	sld [smem:$0x3FFC];
	_ =	sdelay $0x3  }
0x94: {  	_ =	strace s3  }
0x95: {  	s3 =	sld [smem:$0x3FFD];
	_ =	sdelay $0x3  }
0x96: {  	_ =	strace s3  }
0x97: {  	_ =	strace $0x8FFFFFFF  }
0x98: {  	s19 =	sld [smem:$0x3FDB];
	_ =	sdelay $0x1  }
0x99: {  	s4 =	simm.s32 $_scs_section_size  }
0x9a: {  	s5 =	simm.s32 $_size__tile_overlayer_lowered;
	s6 =	simm.s32 $_tile_overlayer_lowered  }
0x9b: {  	s22 =	simm.s32 $0x1BFF;
	s21 =	sshll.u32 s6, $0x1;
	s3 =	sadd.s32 s4, s19  }
0x9c: {  	s7 =	simm.s32 $0x0;
	s20 =	sshll.u32 s5, $0x1;
	s5 =	sadd.s32 s21, s3  }
0x9d: {  	[timem:s7], [sflag:s22] =	dma.local [hbm:s5], s20  }
0x9e: {  	_ =	swait.ge [sflag:s22], s20  }
0x9f: {  	s4 =	ssub.s32 $0x0, s20;
	[sflag:s22] =	ssyncset.done $0x0  }
0xa0: {  	[sflag:s22] =	ssyncadd.s32 s4;
	_ =	sdelay $0x1  }
0xa1: {  	s23 =	simm.s32 $0x1B8B  }
0xa2: {  	_ =	swait.ge [sflag:s23], $0x1  }
0xa3: {  	[sflag:s23] =	ssyncset.done $0x0  }
0xa4: {  	s25 =	simm.s32 $0x1B8E;
	s24 =	sld [smem:$0x3FFE];
	[sflag:s23] =	ssyncadd.s32 $0xFFFFFFFF  }
0xa5: {  	s26 =	simm.s32 $execute0_lowered;
	[smem:$0x3FD2] =	sst s25  }
0xa6: {  	s5 =	sshll.u32 s26, $0x1;
	_ =	strace $0x8000004F;
	[dreg:$0x1] =	wrdreg $0xFFFFFFFF  }
0xa7: {  	s28 =	simm.s32 $_size_execute0_lowered;
	s3 =	sadd.s32 s3, s5;
	[dreg:$0x0] =	wrdreg $0x0  }
0xa8: {  	s5 =	sshll.u32 s28, $0x1;
	[dreg:$0x2] =	wrdreg s3  }
0xa9: {  	[dreg:$0x3] =	wrdreg s5  }
0xaa: {  	[dreg:$0x4] =	wrdreg $0xC0  }
0xab: {  	_ =	task [dreg:s7], $0x5FFFF  }
0xac: {  	[dreg:$0x1] =	wrdreg $0xFFFFFFFF  }
0xad: {  	[dreg:$0x0] =	wrdreg $0x60  }
0xae: {  	[dreg:$0x2] =	wrdreg s24  }
0xaf: {  	[dreg:$0x3] =	wrdreg s2  }
0xb0: {  	[dreg:$0x4] =	wrdreg $0x9  }
0xb1: {  	_ =	task.clear_ibuf [dreg:s7], $0x5FFFF;
	_ =	strace $0x9000004F  }
0xb2: {  	s29 =	simm.s32 $0x9;
	_ =	strace $0x80000051  }
0xb3: {  	_ =	swait.ge [sflag:s29], $0x1  }
0xb4: {  	[sflag:s29] =	ssyncadd.s32 $0xFFFFFFFF  }
0xb5: {  	_ =	strace $0x90000051  }
0xb6: {  	_ =	sfence  }
0xb7: {  	s30 =	sld [smem:$0x0];
	_ =	sdelay $0x2  }
0xb8: {  	s31 =	sshll.u32 s1, $0xD;
	s1 =	sshrl.u32 s1, $0x2  }
0xb9: {  	s3 =	sand.u32 $0x4000, s31;
	s1 =	sadd.s32 s1, s30  }
0xba: {  	s0 =	sor.u32 s3, s0;
	s1 =	sshll.u32 s1, $0x11  }
0xbb: {  	s0 =	sor.u32 s1, s0  }
0xbc: {  	s0 =	sadd.s32 $0x8F2B, s0  }
0xbd: {  	[sflag:s0] =	ssyncadd.remote.s32 $0x1  }
0xbe: {  	_ =	sfence.sel $0xFFFF  }
0xbf: {  	[dreg:$0x0] =	wrdreg $0xFFFFFFFF;
	(pc) =	sbr.abs _section_cstart, $3  }
0xc0: {  	[dreg:$0x1] =	wrdreg $0xFFFFFFFF  }
0xc1: {  	_ =	task.clear_ibuf [dreg:s7], $0x2FFFF;
	_ =	strace $0x9FFFFFFF  }
0xc2: {  	(tm) =	ssettm $0x7FFFFFFF  }
0xc3: {  	_ =	shalt  }
tec
execute0_lowered:
.L_overlay_start_1:
0x0: {  	(tag) =	ssettag $0x1  }
0x1: {  	s1 =	srdreg.scid  }
0x2: {  	s0 =	stileid.u32;
	s10 =	sand.u32 $0x1, s1  }
0x3: {  	s8 =	rddreg [dreg:$0x0];
	s4 =	sshll.u32 s0, $0x7;
	s3 =	sshll.u32 s10, $0xB  }
0x4: {  	s9 =	rddreg [dreg:$0x1];
	s11 =	sor.u32 s4, s3  }
0x5: {  	s2 =	simm.s32 $0x0;
	s1 =	rddreg [dreg:$0x2];
	s12 =	sshrl.u32 s11, $0x3  }
0x6: {  	s5 =	simm.s32 $0x4000;
	[smem:$0x7FF] =	sst s2;
	s29 =	sadd.s32 s12, s8  }
0x7: {  	_ =	strace $0x80000050;
	s4 =	simm.s32 $0x1;
	s3 =	sadd.s32 $0x9E200, s29  }
0x8: {  	[tilespmem:s5], [sflag:$0x1] =	stream.linear.gather [hbm4b:s3+s2], $0x80, $0x38;
	[tilespmem:$0x4080] =	vst v63  }
0x9: {  	_ =	swait.ge [sflag:s4], $0x80  }
0xa: {  	[sflag:s4] =	ssyncset.done $0x0  }
0xb: {  	s7 =	simm.s32 $0x80;
	s6 =	sadd.s32 $0x3200, s8;
	[sflag:s4] =	ssyncadd.s32 $0xFFFFFF80  }
0xc: {  	[tilespmem:s2], [sflag:$0x1] =	stream.indirect.gather [hbm4b:s6+s7], $0x80, s5, s7, $0xb8;
	[tilespmem:$0x4080] =	vst v63  }
0xd: {  	s11 =	sshll.u32 s11, $0x4;
	_ =	swait.ge [sflag:s4], $0x4000  }
0xe: {  	s11 =	sadd.s32 s11, s8;
	[sflag:s4] =	ssyncset.done $0x0  }
0xf: {  	s8 =	sadd.s32 $0x2B200, s11;
	[sflag:s4] =	ssyncadd.s32 $0xFFFFC000  }
0x10: {  	[hbm4b:s8+s2] =	stream.linear.scatter [tilespmem:s2], [sflag:$0x1], $0x4000, $0x38;
	[tilespmem:$0x4080] =	vst v63  }
0x11: {  	_ =	swait.ge [sflag:s4], $0x4000  }
0x12: {  	[sflag:s4] =	ssyncset.done $0x0  }
0x13: {  	s10 =	ssub.s32 $0x2, s10;
	s9 =	sadd.s32 s9, s12;
	[sflag:s4] =	ssyncadd.s32 $0xFFFFC000  }
0x14: {  	[tilespmem:s5], [sflag:$0x1] =	stream.linear.gather [hbm4b:s9+s2], $0x80, $0x38;
	[tilespmem:$0x4080] =	vst v63  }
0x15: {  	s30 =	sshrl.u32 s10, $0x1;
	_ =	swait.ge [sflag:s4], $0x80  }
0x16: {  	s12 =	ssub.s32 s10, s30;
	[sflag:s4] =	ssyncset.done $0x0  }
0x17: {  	s31 =	smax.u32 s12, $0x1;
	[sflag:s4] =	ssyncadd.s32 $0xFFFFFF80  }
0x18: {  	[tilespmem:s2], [sflag:$0x1] =	stream.indirect.gather [hbm4b:s6+s7], $0x80, s5, s7, $0xb8;
	[tilespmem:$0x4080] =	vst v63  }
0x19: {  	p0 =	sne.s32 s31, $0x1;
	_ =	swait.ge [sflag:s4], $0x4000  }
.Ltmp0:
0x1a: {  	[sflag:s4] =	ssyncset.done $0x0;
	(pc) =	sbr.rel @!p0 .LBB2_2-.Ltmp0, $4  }
0x1b: {  	s10 =	sadd.s32 $0x3B200, s11;
	[sflag:s4] =	ssyncadd.s32 $0xFFFFC000  }
0x1c: {  	[hbm4b:s10+s2] =	stream.linear.scatter [tilespmem:s2], [sflag:$0x1], $0x4000, $0x38;
	[tilespmem:$0x4080] =	vst v63  }
0x1d: {  	_ =	swait.ge [sflag:s4], $0x4000  }
0x1e: {  	s11 =	sadd.s32 $0xFFFFFFFF, s31;
	[sflag:s4] =	ssyncset.done $0x0  }
.LBB2_1:
0x1f: {  	p0 =	sne.s32 s11, $0x1;
	s11 =	sadd.s32 $0xFFFFFFFF, s11;
	[sflag:s4] =	ssyncadd.s32 $0xFFFFC000  }
0x20: {  	[tilespmem:s5], [sflag:$0x1] =	stream.linear.gather [hbm4b:s3+s2], $0x80, $0x38;
	[tilespmem:$0x4080] =	vst v63  }
0x21: {  	_ =	swait.ge [sflag:s4], $0x80  }
0x22: {  	[sflag:s4] =	ssyncset.done $0x0  }
0x23: {  	[sflag:s4] =	ssyncadd.s32 $0xFFFFFF80  }
0x24: {  	[tilespmem:s2], [sflag:$0x1] =	stream.indirect.gather [hbm4b:s6+s7], $0x80, s5, s7, $0xb8;
	[tilespmem:$0x4080] =	vst v63  }
0x25: {  	_ =	swait.ge [sflag:s4], $0x4000  }
0x26: {  	[sflag:s4] =	ssyncset.done $0x0  }
0x27: {  	[sflag:s4] =	ssyncadd.s32 $0xFFFFC000  }
0x28: {  	[hbm4b:s8+s2] =	stream.linear.scatter [tilespmem:s2], [sflag:$0x1], $0x4000, $0x38;
	[tilespmem:$0x4080] =	vst v63  }
0x29: {  	_ =	swait.ge [sflag:s4], $0x4000  }
0x2a: {  	[sflag:s4] =	ssyncset.done $0x0  }
0x2b: {  	[sflag:s4] =	ssyncadd.s32 $0xFFFFC000  }
0x2c: {  	[tilespmem:s5], [sflag:$0x1] =	stream.linear.gather [hbm4b:s9+s2], $0x80, $0x38;
	[tilespmem:$0x4080] =	vst v63  }
0x2d: {  	_ =	swait.ge [sflag:s4], $0x80  }
0x2e: {  	[sflag:s4] =	ssyncset.done $0x0  }
0x2f: {  	[sflag:s4] =	ssyncadd.s32 $0xFFFFFF80  }
0x30: {  	[tilespmem:s2], [sflag:$0x1] =	stream.indirect.gather [hbm4b:s6+s7], $0x80, s5, s7, $0xb8;
	[tilespmem:$0x4080] =	vst v63  }
0x31: {  	_ =	swait.ge [sflag:s4], $0x4000  }
.Ltmp1:
0x32: {  	[sflag:s4] =	ssyncset.done $0x0;
	(pc) =	sbr.rel @p0 .LBB2_1-.Ltmp1, $4  }
0x33: {  	[sflag:s4] =	ssyncadd.s32 $0xFFFFC000  }
0x34: {  	[hbm4b:s10+s2] =	stream.linear.scatter [tilespmem:s2], [sflag:$0x1], $0x4000, $0x38;
	[tilespmem:$0x4080] =	vst v63  }
0x35: {  	_ =	swait.ge [sflag:s4], $0x4000  }
0x36: {  	[sflag:s4] =	ssyncset.done $0x0  }
.LBB2_2:
0x37: {  	[sflag:s4] =	ssyncadd.s32 $0xFFFFC000  }
0x38: {  	_ =	sfence.sel $0x180000  }
0x39: {  	[bflag:$0x0] =	sbarrier.arrive $0xFFFF  }
0x3a: {  	p0 =	sne.s32 s0, $0x0;
	_ =	strace $0x90000050  }
0x3b: {  	s0 =	sadd.s32 @!p0 $0x100000, s1;
	[bflag:$0x2] =	sbarrier.arrive $0xFFFF  }
0x3c: {  	[sflag:s0] =	ssyncadd.tile.s32 @!p0 $0x1;
	_ =	shalt  }
.Lfunc_end2:
_tile_overlayer_lowered:
.L_overlay_start_2:
0x3d: {  	(tag) =	ssettag $0x2  }
0x3e: {  	s0 =	rddreg [dreg:$0x0];
	s2 =	stileid.u32  }
0x3f: {  	s1 =	rddreg [dreg:$0x1];
	p0 =	sne.s32 s2, $0x0  }
0x40: {  	s3 =	rddreg [dreg:$0x2];
	[bflag:$0x3] =	sbarrier.arrive $0xFFFF;
	s2 =	simm.s32 @!p0 $0x1C01  }
0x41: {  	[timem:s3], [sflag:s2] =	dma.local @!p0 [hbm:s0], s1  }
0x42: {  	s0 =	simm.s32 @!p0 $0x1  }
0x43: {  	_ =	swait.ge @!p0 [sflag:s0], s1  }
0x44: {  	s1 =	ssub.s32 @!p0 $0x0, s1;
	[sflag:s0] =	ssyncset.done @!p0 $0x0  }
0x45: {  	[sflag:s0] =	ssyncadd.s32 @!p0 s1  }
0x46: {  	[bflag:$0x3] =	sbarrier.arrive $0xFFFF  }
0x47: {  	_ =	shalt  }

</sc_bundles>
